<compile_context>
chip_gen: v7x
topology: tpu7x:2x2x1
jax: 0.10.2.dev20260603
libtpu: 0.0.44.dev20260713+nightly
codegen_flags: <defaults>
</compile_context>

<pallas_src>
import functools

import jax
import jax.numpy as jnp
from jax import lax
from jax.experimental import pallas as pl
from jax.experimental.pallas import tpu as pltpu
from jax.experimental.pallas import tpu_sc as plsc

N = 10000
E = 320000
D = 128

NC = 2
NS = 16
NW = NC * NS
EPW = E // NW
K = 40
NCHUNK = EPW // K
NSET = 3
RPT = 624
TAIL = N - NS * RPT

BM = 1000
GRID = N // BM


def _dot_nt(x, w):
    return lax.dot_general(x, w, (((1,), (1,)), ((), ())),
                           preferred_element_type=jnp.float32)


def _pre_body(x_ref, wes_ref, wed_ref, be_ref, w1_ref, b1_ref,
              a_ref, b_ref, t0_ref):
    x = x_ref[...]
    a_ref[...] = _dot_nt(x, wes_ref[...])
    b_ref[...] = _dot_nt(x, wed_ref[...]) + be_ref[...]
    t0_ref[...] = _dot_nt(x, w1_ref[...]) + b1_ref[...]


def _pre(x, we, be, w1, b1):
    row = pl.BlockSpec((BM, D), lambda i: (i, 0))
    wspec = pl.BlockSpec((D, D), lambda i: (0, 0))
    bspec = pl.BlockSpec((1, D), lambda i: (0, 0))
    wes = pl.BlockSpec((D, D), lambda i: (0, 0))
    wed = pl.BlockSpec((D, D), lambda i: (0, 1))
    return pl.pallas_call(
        _pre_body,
        grid=(GRID,),
        in_specs=[row, wes, wed, bspec, wspec, bspec],
        out_specs=[row, row, row],
        out_shape=[jax.ShapeDtypeStruct((N, D), jnp.float32)] * 3,
    )(x, we, we, be.reshape(1, D), w1, b1.reshape(1, D))


def _edge_agg(src, dst, a_tab, b_tab):
    mesh = plsc.VectorSubcoreMesh(core_axis_name="c", subcore_axis_name="s")

    @functools.partial(
        pl.kernel,
        mesh=mesh,
        out_type=jax.ShapeDtypeStruct((NC, N, D), jnp.float32),
        scratch_types=(
            [pltpu.VMEM((K,), jnp.int32)] * (3 * NSET)
            + [pltpu.VMEM((K, D), jnp.float32)] * (3 * NSET)
            + [pltpu.VMEM_SHARED((N, D), jnp.float32)]
            + [pltpu.SemaphoreType.DMA] * (3 * NSET)
        ),
    )
    def k(src_hbm, dst_hbm, a_hbm, b_hbm, out_hbm,
          si0, si1, si2, di0, di1, di2, sd0, sd1, sd2,
          a0, a1, a2, b0, b1, b2, m0, m1, m2, agg_sh,
          gsem0, gsem1, gsem2, isem0, isem1, isem2,
          ssem0, ssem1, ssem2):
        cid = lax.axis_index("c")
        sid = lax.axis_index("s")
        wid = cid * NS + sid
        sibuf = (si0, si1, si2)
        dibuf = (di0, di1, di2)
        sdbuf = (sd0, sd1, sd2)
        abuf = (a0, a1, a2)
        bbuf = (b0, b1, b2)
        mbuf = (m0, m1, m2)
        gsem = (gsem0, gsem1, gsem2)
        isem = (isem0, isem1, isem2)
        ssem = (ssem0, ssem1, ssem2)
        ebase = wid * EPW

        def fetch_idx(c, s):
            off = ebase + c * K
            pltpu.async_copy(src_hbm.at[pl.ds(off, K)], sibuf[s], isem[s])
            pltpu.async_copy(dst_hbm.at[pl.ds(off, K)], dibuf[s], isem[s])

        def wait_idx(s):
            pltpu.make_async_copy(src_hbm.at[pl.ds(0, K)], sibuf[s],
                                  isem[s]).wait()
            pltpu.make_async_copy(dst_hbm.at[pl.ds(0, K)], dibuf[s],
                                  isem[s]).wait()

        def gathers(s):
            pltpu.async_copy(a_hbm.at[sibuf[s]], abuf[s], gsem[s])
            pltpu.async_copy(b_hbm.at[dibuf[s]], bbuf[s], gsem[s])

        def wait_gathers(s):
            pltpu.make_async_copy(a_hbm.at[sibuf[s]], abuf[s],
                                  gsem[s]).wait()
            pltpu.make_async_copy(b_hbm.at[dibuf[s]], bbuf[s],
                                  gsem[s]).wait()

        def compute(s):
            a_v, b_v, m_v = abuf[s], bbuf[s], mbuf[s]

            @plsc.parallel_loop(0, K, 1, unroll=4)
            def _row(j):
                for r in range(8):
                    sl = pl.ds(r * 16, 16)
                    m_v[j, sl] = jnp.maximum(a_v[j, sl] + b_v[j, sl], 0.0)
            offs = list(range(0, K - 15, 16))
            if K % 16:
                offs.append(K - 16)
            for off in offs:
                sl = pl.ds(off, 16)
                sdbuf[s][sl] = dibuf[s][sl]

        def scatter(s):
            pltpu.async_copy(mbuf[s], agg_sh.at[sdbuf[s]], ssem[s],
                             add=True)

        def wait_scatter(s):
            pltpu.make_async_copy(mbuf[s], agg_sh.at[sdbuf[s]],
                                  ssem[s]).wait()

        fetch_idx(0, 0)
        fetch_idx(1, 1)
        fetch_idx(2, 2)
        wait_idx(0)
        gathers(0)
        wait_idx(1)
        gathers(1)

        zero = jnp.zeros((16,), jnp.float32)

        def zrow(j, carry):
            for r in range(8):
                m0[j, pl.ds(r * 16, 16)] = zero
            return carry

        lax.fori_loop(0, K, zrow, 0)

        base_row = sid * RPT
        for r in range(RPT // K):
            pltpu.sync_copy(m0, agg_sh.at[pl.ds(base_row + r * K, K)])
        if RPT % K:
            pltpu.sync_copy(
                m0.at[pl.ds(0, RPT % K)],
                agg_sh.at[pl.ds(base_row + (RPT // K) * K, RPT % K)])

        @pl.when(sid == NS - 1)
        def _():
            pltpu.sync_copy(m0.at[pl.ds(0, TAIL)],
                            agg_sh.at[pl.ds(NS * RPT, TAIL)])

        plsc.subcore_barrier()

        def step(i, cc, s):
            s2 = (s + 2) % NSET

            @pl.when(cc + 2 < NCHUNK)
            def _():
                wait_idx(s2)
                gathers(s2)

            wait_gathers(s)

            @pl.when(i > 0)
            def _():
                wait_scatter(s)

            compute(s)
            scatter(s)

            @pl.when(cc + NSET < NCHUNK)
            def _():
                fetch_idx(cc + NSET, s)

        def triple(i, carry):
            c = NSET * i
            for t in range(NSET):
                step(i, c + t, t)
            return carry

        lax.fori_loop(0, NCHUNK // NSET, triple, 0)
        wait_gathers(0)
        wait_scatter(0)
        compute(0)
        scatter(0)
        wait_scatter(1)
        wait_scatter(2)
        wait_scatter(0)
        plsc.subcore_barrier()
        pltpu.sync_copy(agg_sh.at[pl.ds(base_row, RPT)],
                        out_hbm.at[cid, pl.ds(base_row, RPT)])

        @pl.when(sid == NS - 1)
        def _():
            pltpu.sync_copy(agg_sh.at[pl.ds(NS * RPT, TAIL)],
                            out_hbm.at[cid, pl.ds(NS * RPT, TAIL)])

    return k(src, dst, a_tab, b_tab)


def _tail_body(agg_ref, t0_ref, wn_ref, bn_ref, w2_ref, b2_ref,
               wl_ref, bl_ref, rm_ref, rv_ref, g_ref, bb_ref,
               w4_ref, b4_ref, out_ref):
    agg = agg_ref[0] + agg_ref[1]
    h = jnp.maximum(_dot_nt(agg, wn_ref[...]) + bn_ref[...], 0.0)
    t = t0_ref[...] + _dot_nt(h, w2_ref[...]) + b2_ref[...]
    for j in range(4):
        z = _dot_nt(t, wl_ref[j]) + bl_ref[j]
        scale = jax.lax.rsqrt(rv_ref[j] + 1e-5) * g_ref[j]
        t = jnp.maximum((z - rm_ref[j]) * scale + bb_ref[j], 0.0)
    out_ref[...] = _dot_nt(t, w4_ref[...]) + b4_ref[...]


def _tail(aggp, t0, wn_t, bn, w2_t, b2, wl_t, bl, rm, rv, g, bb, w4_t, b4):
    row = pl.BlockSpec((BM, D), lambda i: (i, 0))
    aggspec = pl.BlockSpec((NC, BM, D), lambda i: (0, i, 0))
    wspec = pl.BlockSpec((D, D), lambda i: (0, 0))
    bspec = pl.BlockSpec((1, D), lambda i: (0, 0))
    wlspec = pl.BlockSpec((4, D, D), lambda i: (0, 0, 0))
    blspec = pl.BlockSpec((4, 1, D), lambda i: (0, 0, 0))
    return pl.pallas_call(
        _tail_body,
        grid=(GRID,),
        in_specs=[aggspec, row, wspec, bspec, wspec, bspec,
                  wlspec, blspec, blspec, blspec, blspec, blspec,
                  wspec, bspec],
        out_specs=row,
        out_shape=jax.ShapeDtypeStruct((N, D), jnp.float32),
    )(aggp, t0, wn_t, bn.reshape(1, D), w2_t, b2.reshape(1, D),
      wl_t, bl.reshape(4, 1, D), rm.reshape(4, 1, D), rv.reshape(4, 1, D),
      g.reshape(4, 1, D), bb.reshape(4, 1, D), w4_t, b4.reshape(1, D))


def kernel(L_x_, L_edge_index_, L_self_modules_edge_lin_parameters_weight_, L_self_modules_edge_lin_parameters_bias_, L_self_modules_cat_lin1_parameters_weight_, L_self_modules_cat_lin1_parameters_bias_, L_self_modules_cat_lin2_parameters_weight_, L_self_modules_cat_lin2_parameters_bias_, L_self_modules_node_mlp_modules_lins_modules_0_parameters_weight_, L_self_modules_node_mlp_modules_lins_modules_0_parameters_bias_, L_self_modules_final_mlp_modules_lins_modules_0_parameters_weight_, L_self_modules_final_mlp_modules_lins_modules_0_parameters_bias_, L_self_modules_final_mlp_modules_lins_modules_1_parameters_weight_, L_self_modules_final_mlp_modules_lins_modules_1_parameters_bias_, L_self_modules_final_mlp_modules_lins_modules_2_parameters_weight_, L_self_modules_final_mlp_modules_lins_modules_2_parameters_bias_, L_self_modules_final_mlp_modules_lins_modules_3_parameters_weight_, L_self_modules_final_mlp_modules_lins_modules_3_parameters_bias_, L_self_modules_final_mlp_modules_lins_modules_4_parameters_weight_, L_self_modules_final_mlp_modules_lins_modules_4_parameters_bias_, L_self_modules_final_mlp_modules_norms_modules_0_modules_module_buffers_running_mean_, L_self_modules_final_mlp_modules_norms_modules_0_modules_module_buffers_running_var_, L_self_modules_final_mlp_modules_norms_modules_0_modules_module_parameters_weight_, L_self_modules_final_mlp_modules_norms_modules_0_modules_module_parameters_bias_, L_self_modules_final_mlp_modules_norms_modules_1_modules_module_buffers_running_mean_, L_self_modules_final_mlp_modules_norms_modules_1_modules_module_buffers_running_var_, L_self_modules_final_mlp_modules_norms_modules_1_modules_module_parameters_weight_, L_self_modules_final_mlp_modules_norms_modules_1_modules_module_parameters_bias_, L_self_modules_final_mlp_modules_norms_modules_2_modules_module_buffers_running_mean_, L_self_modules_final_mlp_modules_norms_modules_2_modules_module_buffers_running_var_, L_self_modules_final_mlp_modules_norms_modules_2_modules_module_parameters_weight_, L_self_modules_final_mlp_modules_norms_modules_2_modules_module_parameters_bias_, L_self_modules_final_mlp_modules_norms_modules_3_modules_module_buffers_running_mean_, L_self_modules_final_mlp_modules_norms_modules_3_modules_module_buffers_running_var_, L_self_modules_final_mlp_modules_norms_modules_3_modules_module_parameters_weight_, L_self_modules_final_mlp_modules_norms_modules_3_modules_module_parameters_bias_):
    x = L_x_
    ei = L_edge_index_
    src = ei[0].astype(jnp.int32)
    dst = ei[1].astype(jnp.int32)
    we = L_self_modules_edge_lin_parameters_weight_
    be = L_self_modules_edge_lin_parameters_bias_

    a_tab, b_tab, t0 = _pre(
        x, we, be,
        L_self_modules_cat_lin1_parameters_weight_,
        L_self_modules_cat_lin1_parameters_bias_)

    aggp = _edge_agg(src, dst, a_tab, b_tab)

    wl_t = jnp.stack([
        L_self_modules_final_mlp_modules_lins_modules_0_parameters_weight_,
        L_self_modules_final_mlp_modules_lins_modules_1_parameters_weight_,
        L_self_modules_final_mlp_modules_lins_modules_2_parameters_weight_,
        L_self_modules_final_mlp_modules_lins_modules_3_parameters_weight_,
    ])
    bl = jnp.stack([
        L_self_modules_final_mlp_modules_lins_modules_0_parameters_bias_,
        L_self_modules_final_mlp_modules_lins_modules_1_parameters_bias_,
        L_self_modules_final_mlp_modules_lins_modules_2_parameters_bias_,
        L_self_modules_final_mlp_modules_lins_modules_3_parameters_bias_,
    ])
    rm = jnp.stack([
        L_self_modules_final_mlp_modules_norms_modules_0_modules_module_buffers_running_mean_,
        L_self_modules_final_mlp_modules_norms_modules_1_modules_module_buffers_running_mean_,
        L_self_modules_final_mlp_modules_norms_modules_2_modules_module_buffers_running_mean_,
        L_self_modules_final_mlp_modules_norms_modules_3_modules_module_buffers_running_mean_,
    ])
    rv = jnp.stack([
        L_self_modules_final_mlp_modules_norms_modules_0_modules_module_buffers_running_var_,
        L_self_modules_final_mlp_modules_norms_modules_1_modules_module_buffers_running_var_,
        L_self_modules_final_mlp_modules_norms_modules_2_modules_module_buffers_running_var_,
        L_self_modules_final_mlp_modules_norms_modules_3_modules_module_buffers_running_var_,
    ])
    g = jnp.stack([
        L_self_modules_final_mlp_modules_norms_modules_0_modules_module_parameters_weight_,
        L_self_modules_final_mlp_modules_norms_modules_1_modules_module_parameters_weight_,
        L_self_modules_final_mlp_modules_norms_modules_2_modules_module_parameters_weight_,
        L_self_modules_final_mlp_modules_norms_modules_3_modules_module_parameters_weight_,
    ])
    bb = jnp.stack([
        L_self_modules_final_mlp_modules_norms_modules_0_modules_module_parameters_bias_,
        L_self_modules_final_mlp_modules_norms_modules_1_modules_module_parameters_bias_,
        L_self_modules_final_mlp_modules_norms_modules_2_modules_module_parameters_bias_,
        L_self_modules_final_mlp_modules_norms_modules_3_modules_module_parameters_bias_,
    ])

    return _tail(
        aggp, t0,
        L_self_modules_node_mlp_modules_lins_modules_0_parameters_weight_,
        L_self_modules_node_mlp_modules_lins_modules_0_parameters_bias_,
        L_self_modules_cat_lin2_parameters_weight_,
        L_self_modules_cat_lin2_parameters_bias_,
        wl_t, bl, rm, rv, g, bb,
        L_self_modules_final_mlp_modules_lins_modules_4_parameters_weight_,
        L_self_modules_final_mlp_modules_lins_modules_4_parameters_bias_)

# --- scband reference (transcript-rebuilt; emitter-appended) ---
"""Pipeline reference for scband-graph-module-59012850647679 (READ-ONLY COPY).

The authoritative reference and input builder live on the scoring server;
editing this copy changes nothing except your own understanding.
"""

import jax, jax.numpy as jnp
import numpy as np

N = 10000
E = 320000
D = 128

def _forward(d):
    x = d['L_x_']
    ei = d['L_edge_index_']
    src = ei[0]
    dst = ei[1]
    We = d['L_self_modules_edge_lin_parameters_weight_']
    be = d['L_self_modules_edge_lin_parameters_bias_']
    m = jax.nn.relu(jnp.concatenate([x[src], x[dst]], axis=-1) @ We.T + be)
    agg = jax.ops.segment_sum(m, dst, num_segments=N)
    Wn = d['L_self_modules_node_mlp_modules_lins_modules_0_parameters_weight_']
    bn = d['L_self_modules_node_mlp_modules_lins_modules_0_parameters_bias_']
    h = jax.nn.relu(agg @ Wn.T + bn)
    W1 = d['L_self_modules_cat_lin1_parameters_weight_']
    b1 = d['L_self_modules_cat_lin1_parameters_bias_']
    W2 = d['L_self_modules_cat_lin2_parameters_weight_']
    b2 = d['L_self_modules_cat_lin2_parameters_bias_']
    t = x @ W1.T + b1 + h @ W2.T + b2
    for j in range(4):
        w = d['L_self_modules_final_mlp_modules_lins_modules_%d_parameters_weight_' % j]
        b = d['L_self_modules_final_mlp_modules_lins_modules_%d_parameters_bias_' % j]
        p = 'L_self_modules_final_mlp_modules_norms_modules_%d_modules_module_' % j
        rm = d[p + 'buffers_running_mean_']
        rv = d[p + 'buffers_running_var_']
        g = d[p + 'parameters_weight_']
        bb = d[p + 'parameters_bias_']
        t = t @ w.T + b
        t = (t - rm) * jax.lax.rsqrt(rv + 1e-05) * g + bb
        t = jax.nn.relu(t)
    w4 = d['L_self_modules_final_mlp_modules_lins_modules_4_parameters_weight_']
    b4 = d['L_self_modules_final_mlp_modules_lins_modules_4_parameters_bias_']
    return t @ w4.T + b4

def setup_inputs(seed: int = 0):
    key = jax.random.key(seed)
    c = [0]
    def nk():
        c[0] += 1
        return jax.random.fold_in(key, c[0])
    d = {}
    d['L_x_'] = jax.random.normal(nk(), (N, D), dtype=jnp.float32)
    d['L_edge_index_'] = jax.random.randint(nk(), (2, E), 0, N)
    d['L_self_modules_edge_lin_parameters_weight_'] = jax.random.normal(nk(), (D, 2 * D), dtype=jnp.float32) * 0.05
    d['L_self_modules_edge_lin_parameters_bias_'] = jax.random.normal(nk(), (D,), dtype=jnp.float32) * 0.05
    for nm in ['cat_lin1', 'cat_lin2']:
        d['L_self_modules_' + nm + '_parameters_weight_'] = jax.random.normal(nk(), (D, D), dtype=jnp.float32) * 0.05
        d['L_self_modules_' + nm + '_parameters_bias_'] = jax.random.normal(nk(), (D,), dtype=jnp.float32) * 0.05
    d['L_self_modules_node_mlp_modules_lins_modules_0_parameters_weight_'] = jax.random.normal(nk(), (D, D), dtype=jnp.float32) * 0.05
    d['L_self_modules_node_mlp_modules_lins_modules_0_parameters_bias_'] = jax.random.normal(nk(), (D,), dtype=jnp.float32) * 0.05
    for j in range(5):
        d['L_self_modules_final_mlp_modules_lins_modules_%d_parameters_weight_' % j] = jax.random.normal(nk(), (D, D), dtype=jnp.float32) * 0.05
        d['L_self_modules_final_mlp_modules_lins_modules_%d_parameters_bias_' % j] = jax.random.normal(nk(), (D,), dtype=jnp.float32) * 0.05
    for j in range(4):
        p = 'L_self_modules_final_mlp_modules_norms_modules_%d_modules_module_' % j
        d[p + 'buffers_running_mean_'] = jnp.zeros((D,), jnp.float32)
        d[p + 'buffers_running_var_'] = jnp.ones((D,), jnp.float32)
        d[p + 'parameters_weight_'] = jnp.ones((D,), jnp.float32)
        d[p + 'parameters_bias_'] = jnp.zeros((D,), jnp.float32)
    return d

def reference(
    L_x_,
    L_edge_index_,
    L_self_modules_edge_lin_parameters_weight_,
    L_self_modules_edge_lin_parameters_bias_,
    L_self_modules_cat_lin1_parameters_weight_,
    L_self_modules_cat_lin1_parameters_bias_,
    L_self_modules_cat_lin2_parameters_weight_,
    L_self_modules_cat_lin2_parameters_bias_,
    L_self_modules_node_mlp_modules_lins_modules_0_parameters_weight_,
    L_self_modules_node_mlp_modules_lins_modules_0_parameters_bias_,
    L_self_modules_final_mlp_modules_lins_modules_0_parameters_weight_,
    L_self_modules_final_mlp_modules_lins_modules_0_parameters_bias_,
    L_self_modules_final_mlp_modules_lins_modules_1_parameters_weight_,
    L_self_modules_final_mlp_modules_lins_modules_1_parameters_bias_,
    L_self_modules_final_mlp_modules_lins_modules_2_parameters_weight_,
    L_self_modules_final_mlp_modules_lins_modules_2_parameters_bias_,
    L_self_modules_final_mlp_modules_lins_modules_3_parameters_weight_,
    L_self_modules_final_mlp_modules_lins_modules_3_parameters_bias_,
    L_self_modules_final_mlp_modules_lins_modules_4_parameters_weight_,
    L_self_modules_final_mlp_modules_lins_modules_4_parameters_bias_,
    L_self_modules_final_mlp_modules_norms_modules_0_modules_module_buffers_running_mean_,
    L_self_modules_final_mlp_modules_norms_modules_0_modules_module_buffers_running_var_,
    L_self_modules_final_mlp_modules_norms_modules_0_modules_module_parameters_weight_,
    L_self_modules_final_mlp_modules_norms_modules_0_modules_module_parameters_bias_,
    L_self_modules_final_mlp_modules_norms_modules_1_modules_module_buffers_running_mean_,
    L_self_modules_final_mlp_modules_norms_modules_1_modules_module_buffers_running_var_,
    L_self_modules_final_mlp_modules_norms_modules_1_modules_module_parameters_weight_,
    L_self_modules_final_mlp_modules_norms_modules_1_modules_module_parameters_bias_,
    L_self_modules_final_mlp_modules_norms_modules_2_modules_module_buffers_running_mean_,
    L_self_modules_final_mlp_modules_norms_modules_2_modules_module_buffers_running_var_,
    L_self_modules_final_mlp_modules_norms_modules_2_modules_module_parameters_weight_,
    L_self_modules_final_mlp_modules_norms_modules_2_modules_module_parameters_bias_,
    L_self_modules_final_mlp_modules_norms_modules_3_modules_module_buffers_running_mean_,
    L_self_modules_final_mlp_modules_norms_modules_3_modules_module_buffers_running_var_,
    L_self_modules_final_mlp_modules_norms_modules_3_modules_module_parameters_weight_,
    L_self_modules_final_mlp_modules_norms_modules_3_modules_module_parameters_bias_,
):
    return _forward(dict(locals()))

if __name__ == "__main__":
    import jax
    _d = setup_inputs()
    print(jax.jit(kernel)(*tuple(_d.values())))

</pallas_src>

<mosaic_0001>
#map = affine_map<(d0, d1) -> (0)>
#map1 = affine_map<(d0, d1) -> (0, 0)>
#map2 = affine_map<(d0, d1) -> (0, 0, 0)>
module attributes {stable_mosaic.version = 14 : i64} {
  func.func @k(%arg0: i32, %arg1: i32, %arg2: memref<320000xi32, #tpu.memory_space<hbm>>, %arg3: memref<320000xi32, #tpu.memory_space<hbm>>, %arg4: memref<10000x128xf32, #tpu.memory_space<hbm>>, %arg5: memref<10000x128xf32, #tpu.memory_space<hbm>>, %arg6: memref<2x10000x128xf32, #tpu.memory_space<hbm>>, %arg7: memref<40xi32, #tpu.memory_space<vmem>>, %arg8: memref<40xi32, #tpu.memory_space<vmem>>, %arg9: memref<40xi32, #tpu.memory_space<vmem>>, %arg10: memref<40xi32, #tpu.memory_space<vmem>>, %arg11: memref<40xi32, #tpu.memory_space<vmem>>, %arg12: memref<40xi32, #tpu.memory_space<vmem>>, %arg13: memref<40xi32, #tpu.memory_space<vmem>>, %arg14: memref<40xi32, #tpu.memory_space<vmem>>, %arg15: memref<40xi32, #tpu.memory_space<vmem>>, %arg16: memref<40x128xf32, #tpu.memory_space<vmem>>, %arg17: memref<40x128xf32, #tpu.memory_space<vmem>>, %arg18: memref<40x128xf32, #tpu.memory_space<vmem>>, %arg19: memref<40x128xf32, #tpu.memory_space<vmem>>, %arg20: memref<40x128xf32, #tpu.memory_space<vmem>>, %arg21: memref<40x128xf32, #tpu.memory_space<vmem>>, %arg22: memref<40x128xf32, #tpu.memory_space<vmem>>, %arg23: memref<40x128xf32, #tpu.memory_space<vmem>>, %arg24: memref<40x128xf32, #tpu.memory_space<vmem>>, %arg25: memref<10000x128xf32, #tpu.memory_space<vmem_shared>>, %arg26: memref<!tpu.dma_semaphore, #tpu.memory_space<semaphore_mem>>, %arg27: memref<!tpu.dma_semaphore, #tpu.memory_space<semaphore_mem>>, %arg28: memref<!tpu.dma_semaphore, #tpu.memory_space<semaphore_mem>>, %arg29: memref<!tpu.dma_semaphore, #tpu.memory_space<semaphore_mem>>, %arg30: memref<!tpu.dma_semaphore, #tpu.memory_space<semaphore_mem>>, %arg31: memref<!tpu.dma_semaphore, #tpu.memory_space<semaphore_mem>>, %arg32: memref<!tpu.dma_semaphore, #tpu.memory_space<semaphore_mem>>, %arg33: memref<!tpu.dma_semaphore, #tpu.memory_space<semaphore_mem>>, %arg34: memref<!tpu.dma_semaphore, #tpu.memory_space<semaphore_mem>>) attributes {dimension_semantics = [#tpu.dimension_semantics<core_parallel>, #tpu.dimension_semantics<subcore_parallel>], iteration_bounds = array<i64: 2, 16>, scalar_prefetch = 0 : i64, scratch_operands = 28 : i64, tpu.core_type = #tpu.core_type<sc_vector_subcore>, window_params = [{transform_indices = #map}, {transform_indices = #map}, {transform_indices = #map1}, {transform_indices = #map1}, {transform_indices = #map2}]} {
    %mul3A = arith.constant 16 : i32
    %mul3A_0 = arith.muli %arg0, %mul3A : i32
    %add3A = arith.addi %mul3A_0, %arg1 : i32
    %mul3A_1 = arith.constant 10000 : i32
    %mul3A_2 = arith.muli %add3A, %mul3A_1 : i32
    %add3A_3 = arith.constant 0 : i32
    %add3A_4 = arith.addi %mul3A_2, %add3A_3 : i32
    %dma_start3A = tpu.memref_slice %arg2[%add3A_4] : memref<320000xi32, #tpu.memory_space<hbm>> -> memref<40xi32, #tpu.memory_space<hbm>>
    %dma_start3A_5 = tpu.memref_slice %arg2[%add3A_4] : memref<320000xi32, #tpu.memory_space<hbm>> -> memref<40xi32, #tpu.memory_space<hbm>>
    tpu.enqueue_dma source(%dma_start3A_5 : memref<40xi32, #tpu.memory_space<hbm>>) target(%arg7 : memref<40xi32, #tpu.memory_space<vmem>>) target_semaphore(%arg29 : memref<!tpu.dma_semaphore, #tpu.memory_space<semaphore_mem>>)
    %dma_start3A_6 = tpu.memref_slice %arg3[%add3A_4] : memref<320000xi32, #tpu.memory_space<hbm>> -> memref<40xi32, #tpu.memory_space<hbm>>
    %dma_start3A_7 = tpu.memref_slice %arg3[%add3A_4] : memref<320000xi32, #tpu.memory_space<hbm>> -> memref<40xi32, #tpu.memory_space<hbm>>
    tpu.enqueue_dma source(%dma_start3A_7 : memref<40xi32, #tpu.memory_space<hbm>>) target(%arg10 : memref<40xi32, #tpu.memory_space<vmem>>) target_semaphore(%arg29 : memref<!tpu.dma_semaphore, #tpu.memory_space<semaphore_mem>>)
    %add3A_8 = arith.constant 40 : i32
    %add3A_9 = arith.addi %mul3A_2, %add3A_8 : i32
    %dma_start3A_10 = tpu.memref_slice %arg2[%add3A_9] : memref<320000xi32, #tpu.memory_space<hbm>> -> memref<40xi32, #tpu.memory_space<hbm>>
    %dma_start3A_11 = tpu.memref_slice %arg2[%add3A_9] : memref<320000xi32, #tpu.memory_space<hbm>> -> memref<40xi32, #tpu.memory_space<hbm>>
    tpu.enqueue_dma source(%dma_start3A_11 : memref<40xi32, #tpu.memory_space<hbm>>) target(%arg8 : memref<40xi32, #tpu.memory_space<vmem>>) target_semaphore(%arg30 : memref<!tpu.dma_semaphore, #tpu.memory_space<semaphore_mem>>)
    %dma_start3A_12 = tpu.memref_slice %arg3[%add3A_9] : memref<320000xi32, #tpu.memory_space<hbm>> -> memref<40xi32, #tpu.memory_space<hbm>>
    %dma_start3A_13 = tpu.memref_slice %arg3[%add3A_9] : memref<320000xi32, #tpu.memory_space<hbm>> -> memref<40xi32, #tpu.memory_space<hbm>>
    tpu.enqueue_dma source(%dma_start3A_13 : memref<40xi32, #tpu.memory_space<hbm>>) target(%arg11 : memref<40xi32, #tpu.memory_space<vmem>>) target_semaphore(%arg30 : memref<!tpu.dma_semaphore, #tpu.memory_space<semaphore_mem>>)
    %add3A_14 = arith.constant 80 : i32
    %add3A_15 = arith.addi %mul3A_2, %add3A_14 : i32
    %dma_start3A_16 = tpu.memref_slice %arg2[%add3A_15] : memref<320000xi32, #tpu.memory_space<hbm>> -> memref<40xi32, #tpu.memory_space<hbm>>
    %dma_start3A_17 = tpu.memref_slice %arg2[%add3A_15] : memref<320000xi32, #tpu.memory_space<hbm>> -> memref<40xi32, #tpu.memory_space<hbm>>
    tpu.enqueue_dma source(%dma_start3A_17 : memref<40xi32, #tpu.memory_space<hbm>>) target(%arg9 : memref<40xi32, #tpu.memory_space<vmem>>) target_semaphore(%arg31 : memref<!tpu.dma_semaphore, #tpu.memory_space<semaphore_mem>>)
    %dma_start3A_18 = tpu.memref_slice %arg3[%add3A_15] : memref<320000xi32, #tpu.memory_space<hbm>> -> memref<40xi32, #tpu.memory_space<hbm>>
    %dma_start3A_19 = tpu.memref_slice %arg3[%add3A_15] : memref<320000xi32, #tpu.memory_space<hbm>> -> memref<40xi32, #tpu.memory_space<hbm>>
    tpu.enqueue_dma source(%dma_start3A_19 : memref<40xi32, #tpu.memory_space<hbm>>) target(%arg12 : memref<40xi32, #tpu.memory_space<vmem>>) target_semaphore(%arg31 : memref<!tpu.dma_semaphore, #tpu.memory_space<semaphore_mem>>)
    %dma_wait3A = arith.constant 0 : i32
    %dma_wait3A_20 = tpu.memref_slice %arg2[%dma_wait3A] : memref<320000xi32, #tpu.memory_space<hbm>> -> memref<40xi32, #tpu.memory_space<hbm>>
    %dma_wait3A_21 = arith.constant 0 : i32
    %dma_wait3A_22 = tpu.memref_slice %arg2[%dma_wait3A_21] : memref<320000xi32, #tpu.memory_space<hbm>> -> memref<40xi32, #tpu.memory_space<hbm>>
    tpu.wait_dma2 semaphore(%arg29 : memref<!tpu.dma_semaphore, #tpu.memory_space<semaphore_mem>>) src(%dma_wait3A_22 : memref<40xi32, #tpu.memory_space<hbm>>) dst(%arg7 : memref<40xi32, #tpu.memory_space<vmem>>)
    %dma_wait3A_23 = arith.constant 0 : i32
    %dma_wait3A_24 = tpu.memref_slice %arg3[%dma_wait3A_23] : memref<320000xi32, #tpu.memory_space<hbm>> -> memref<40xi32, #tpu.memory_space<hbm>>
    %dma_wait3A_25 = arith.constant 0 : i32
    %dma_wait3A_26 = tpu.memref_slice %arg3[%dma_wait3A_25] : memref<320000xi32, #tpu.memory_space<hbm>> -> memref<40xi32, #tpu.memory_space<hbm>>
    tpu.wait_dma2 semaphore(%arg29 : memref<!tpu.dma_semaphore, #tpu.memory_space<semaphore_mem>>) src(%dma_wait3A_26 : memref<40xi32, #tpu.memory_space<hbm>>) dst(%arg10 : memref<40xi32, #tpu.memory_space<vmem>>)
    %dma_start3A_27 = arith.constant 0 : i32
    %dma_start3A_28 = arith.constant 0 : i32
    %dma_start3A_29 = tpu.memref_slice %arg4[%dma_start3A_27, %dma_start3A_28] : memref<10000x128xf32, #tpu.memory_space<hbm>> -> memref<10000x128xf32, #tpu.memory_space<hbm>>
    tpu.enqueue_indirect_dma source(%dma_start3A_29 : memref<10000x128xf32, #tpu.memory_space<hbm>>) target(%arg16 : memref<40x128xf32, #tpu.memory_space<vmem>>) offsets(%arg7 : memref<40xi32, #tpu.memory_space<vmem>>) semaphore(%arg26 : memref<!tpu.dma_semaphore, #tpu.memory_space<semaphore_mem>>)
    %dma_start3A_30 = arith.constant 0 : i32
    %dma_start3A_31 = arith.constant 0 : i32
    %dma_start3A_32 = tpu.memref_slice %arg5[%dma_start3A_30, %dma_start3A_31] : memref<10000x128xf32, #tpu.memory_space<hbm>> -> memref<10000x128xf32, #tpu.memory_space<hbm>>
    tpu.enqueue_indirect_dma source(%dma_start3A_32 : memref<10000x128xf32, #tpu.memory_space<hbm>>) target(%arg19 : memref<40x128xf32, #tpu.memory_space<vmem>>) offsets(%arg10 : memref<40xi32, #tpu.memory_space<vmem>>) semaphore(%arg26 : memref<!tpu.dma_semaphore, #tpu.memory_space<semaphore_mem>>)
    %dma_wait3A_33 = arith.constant 0 : i32
    %dma_wait3A_34 = tpu.memref_slice %arg2[%dma_wait3A_33] : memref<320000xi32, #tpu.memory_space<hbm>> -> memref<40xi32, #tpu.memory_space<hbm>>
    %dma_wait3A_35 = arith.constant 0 : i32
    %dma_wait3A_36 = tpu.memref_slice %arg2[%dma_wait3A_35] : memref<320000xi32, #tpu.memory_space<hbm>> -> memref<40xi32, #tpu.memory_space<hbm>>
    tpu.wait_dma2 semaphore(%arg30 : memref<!tpu.dma_semaphore, #tpu.memory_space<semaphore_mem>>) src(%dma_wait3A_36 : memref<40xi32, #tpu.memory_space<hbm>>) dst(%arg8 : memref<40xi32, #tpu.memory_space<vmem>>)
    %dma_wait3A_37 = arith.constant 0 : i32
    %dma_wait3A_38 = tpu.memref_slice %arg3[%dma_wait3A_37] : memref<320000xi32, #tpu.memory_space<hbm>> -> memref<40xi32, #tpu.memory_space<hbm>>
    %dma_wait3A_39 = arith.constant 0 : i32
    %dma_wait3A_40 = tpu.memref_slice %arg3[%dma_wait3A_39] : memref<320000xi32, #tpu.memory_space<hbm>> -> memref<40xi32, #tpu.memory_space<hbm>>
    tpu.wait_dma2 semaphore(%arg30 : memref<!tpu.dma_semaphore, #tpu.memory_space<semaphore_mem>>) src(%dma_wait3A_40 : memref<40xi32, #tpu.memory_space<hbm>>) dst(%arg11 : memref<40xi32, #tpu.memory_space<vmem>>)
    %dma_start3A_41 = arith.constant 0 : i32
    %dma_start3A_42 = arith.constant 0 : i32
    %dma_start3A_43 = tpu.memref_slice %arg4[%dma_start3A_41, %dma_start3A_42] : memref<10000x128xf32, #tpu.memory_space<hbm>> -> memref<10000x128xf32, #tpu.memory_space<hbm>>
    tpu.enqueue_indirect_dma source(%dma_start3A_43 : memref<10000x128xf32, #tpu.memory_space<hbm>>) target(%arg17 : memref<40x128xf32, #tpu.memory_space<vmem>>) offsets(%arg8 : memref<40xi32, #tpu.memory_space<vmem>>) semaphore(%arg27 : memref<!tpu.dma_semaphore, #tpu.memory_space<semaphore_mem>>)
    %dma_start3A_44 = arith.constant 0 : i32
    %dma_start3A_45 = arith.constant 0 : i32
    %dma_start3A_46 = tpu.memref_slice %arg5[%dma_start3A_44, %dma_start3A_45] : memref<10000x128xf32, #tpu.memory_space<hbm>> -> memref<10000x128xf32, #tpu.memory_space<hbm>>
    tpu.enqueue_indirect_dma source(%dma_start3A_46 : memref<10000x128xf32, #tpu.memory_space<hbm>>) target(%arg20 : memref<40x128xf32, #tpu.memory_space<vmem>>) offsets(%arg11 : memref<40xi32, #tpu.memory_space<vmem>>) semaphore(%arg27 : memref<!tpu.dma_semaphore, #tpu.memory_space<semaphore_mem>>)
    %broadcast_in_dim3A = arith.constant 0.000000e+00 : f32
    %broadcast_in_dim3A_47 = vector.broadcast %broadcast_in_dim3A : f32 to vector<16xf32>
    %scan3A = arith.constant 0 : i32
    %scan3A_48 = arith.constant 0 : i32
    %scan3A_49 = arith.constant 40 : i32
    %scan3A_50 = arith.addi %scan3A_48, %scan3A_49 : i32
    %scan3A_51 = arith.constant 1 : i32
    scf.for %scan3A_143 = %scan3A_48 to %scan3A_50 step %scan3A_51  : i32 {
      %swap3A_144 = arith.index_cast %scan3A_143 : i32 to index
      %swap3A_145 = arith.constant 0 : index
      %swap3A_146 = tpu.vector_load %arg22[%swap3A_144, %swap3A_145] {strides = array<i32>} : memref<40x128xf32, #tpu.memory_space<vmem>>, vector<1x16xf32>,
      %swap3A_147 = vector.shape_cast %swap3A_146 : vector<1x16xf32> to vector<16xf32>
      %swap3A_148 = vector.shape_cast %broadcast_in_dim3A_47 : vector<16xf32> to vector<1x16xf32>
      tpu.vector_store %arg22[%swap3A_144, %swap3A_145], %swap3A_148 {strides = array<i32>} : memref<40x128xf32, #tpu.memory_space<vmem>>, vector<1x16xf32>,
      %swap3A_149 = arith.index_cast %scan3A_143 : i32 to index
      %swap3A_150 = arith.constant 16 : index
      %swap3A_151 = tpu.vector_load %arg22[%swap3A_149, %swap3A_150] {strides = array<i32>} : memref<40x128xf32, #tpu.memory_space<vmem>>, vector<1x16xf32>,
      %swap3A_152 = vector.shape_cast %swap3A_151 : vector<1x16xf32> to vector<16xf32>
      %swap3A_153 = vector.shape_cast %broadcast_in_dim3A_47 : vector<16xf32> to vector<1x16xf32>
      tpu.vector_store %arg22[%swap3A_149, %swap3A_150], %swap3A_153 {strides = array<i32>} : memref<40x128xf32, #tpu.memory_space<vmem>>, vector<1x16xf32>,
      %swap3A_154 = arith.index_cast %scan3A_143 : i32 to index
      %swap3A_155 = arith.constant 32 : index
      %swap3A_156 = tpu.vector_load %arg22[%swap3A_154, %swap3A_155] {strides = array<i32>} : memref<40x128xf32, #tpu.memory_space<vmem>>, vector<1x16xf32>,
      %swap3A_157 = vector.shape_cast %swap3A_156 : vector<1x16xf32> to vector<16xf32>
      %swap3A_158 = vector.shape_cast %broadcast_in_dim3A_47 : vector<16xf32> to vector<1x16xf32>
      tpu.vector_store %arg22[%swap3A_154, %swap3A_155], %swap3A_158 {strides = array<i32>} : memref<40x128xf32, #tpu.memory_space<vmem>>, vector<1x16xf32>,
      %swap3A_159 = arith.index_cast %scan3A_143 : i32 to index
      %swap3A_160 = arith.constant 48 : index
      %swap3A_161 = tpu.vector_load %arg22[%swap3A_159, %swap3A_160] {strides = array<i32>} : memref<40x128xf32, #tpu.memory_space<vmem>>, vector<1x16xf32>,
      %swap3A_162 = vector.shape_cast %swap3A_161 : vector<1x16xf32> to vector<16xf32>
      %swap3A_163 = vector.shape_cast %broadcast_in_dim3A_47 : vector<16xf32> to vector<1x16xf32>
      tpu.vector_store %arg22[%swap3A_159, %swap3A_160], %swap3A_163 {strides = array<i32>} : memref<40x128xf32, #tpu.memory_space<vmem>>, vector<1x16xf32>,
      %swap3A_164 = arith.index_cast %scan3A_143 : i32 to index
      %swap3A_165 = arith.constant 64 : index
      %swap3A_166 = tpu.vector_load %arg22[%swap3A_164, %swap3A_165] {strides = array<i32>} : memref<40x128xf32, #tpu.memory_space<vmem>>, vector<1x16xf32>,
      %swap3A_167 = vector.shape_cast %swap3A_166 : vector<1x16xf32> to vector<16xf32>
      %swap3A_168 = vector.shape_cast %broadcast_in_dim3A_47 : vector<16xf32> to vector<1x16xf32>
      tpu.vector_store %arg22[%swap3A_164, %swap3A_165], %swap3A_168 {strides = array<i32>} : memref<40x128xf32, #tpu.memory_space<vmem>>, vector<1x16xf32>,
      %swap3A_169 = arith.index_cast %scan3A_143 : i32 to index
      %swap3A_170 = arith.constant 80 : index
      %swap3A_171 = tpu.vector_load %arg22[%swap3A_169, %swap3A_170] {strides = array<i32>} : memref<40x128xf32, #tpu.memory_space<vmem>>, vector<1x16xf32>,
      %swap3A_172 = vector.shape_cast %swap3A_171 : vector<1x16xf32> to vector<16xf32>
      %swap3A_173 = vector.shape_cast %broadcast_in_dim3A_47 : vector<16xf32> to vector<1x16xf32>
      tpu.vector_store %arg22[%swap3A_169, %swap3A_170], %swap3A_173 {strides = array<i32>} : memref<40x128xf32, #tpu.memory_space<vmem>>, vector<1x16xf32>,
      %swap3A_174 = arith.index_cast %scan3A_143 : i32 to index
      %swap3A_175 = arith.constant 96 : index
      %swap3A_176 = tpu.vector_load %arg22[%swap3A_174, %swap3A_175] {strides = array<i32>} : memref<40x128xf32, #tpu.memory_space<vmem>>, vector<1x16xf32>,
      %swap3A_177 = vector.shape_cast %swap3A_176 : vector<1x16xf32> to vector<16xf32>
      %swap3A_178 = vector.shape_cast %broadcast_in_dim3A_47 : vector<16xf32> to vector<1x16xf32>
      tpu.vector_store %arg22[%swap3A_174, %swap3A_175], %swap3A_178 {strides = array<i32>} : memref<40x128xf32, #tpu.memory_space<vmem>>, vector<1x16xf32>,
      %swap3A_179 = arith.index_cast %scan3A_143 : i32 to index
      %swap3A_180 = arith.constant 112 : index
      %swap3A_181 = tpu.vector_load %arg22[%swap3A_179, %swap3A_180] {strides = array<i32>} : memref<40x128xf32, #tpu.memory_space<vmem>>, vector<1x16xf32>,
      %swap3A_182 = vector.shape_cast %swap3A_181 : vector<1x16xf32> to vector<16xf32>
      %swap3A_183 = vector.shape_cast %broadcast_in_dim3A_47 : vector<16xf32> to vector<1x16xf32>
      tpu.vector_store %arg22[%swap3A_179, %swap3A_180], %swap3A_183 {strides = array<i32>} : memref<40x128xf32, #tpu.memory_space<vmem>>, vector<1x16xf32>,
    }
    %scan3A_52 = arith.constant 40 : i32
    %mul3A_53 = arith.constant 624 : i32
    %mul3A_54 = arith.muli %arg1, %mul3A_53 : i32
    %add3A_55 = arith.constant 0 : i32
    %add3A_56 = arith.addi %mul3A_54, %add3A_55 : i32
    "tpu.region"() ({
      %run_scoped3A = tpu.sem_alloc : memref<!tpu.dma_semaphore, #tpu.memory_space<semaphore_mem>>
      %dma_start3A_143 = arith.constant 0 : i32
      %dma_start3A_144 = tpu.memref_slice %arg25[%add3A_56, %dma_start3A_143] : memref<10000x128xf32, #tpu.memory_space<vmem_shared>> -> memref<40x128xf32, #tpu.memory_space<vmem_shared>>
      %dma_start3A_145 = arith.constant 0 : i32
      %dma_start3A_146 = tpu.memref_slice %arg25[%add3A_56, %dma_start3A_145] : memref<10000x128xf32, #tpu.memory_space<vmem_shared>> -> memref<40x128xf32, #tpu.memory_space<vmem_shared>>
      tpu.enqueue_dma source(%arg22 : memref<40x128xf32, #tpu.memory_space<vmem>>) target(%dma_start3A_146 : memref<40x128xf32, #tpu.memory_space<vmem_shared>>) target_semaphore(%run_scoped3A : memref<!tpu.dma_semaphore, #tpu.memory_space<semaphore_mem>>)
      %dma_wait3A_147 = arith.constant 0 : i32
      %dma_wait3A_148 = tpu.memref_slice %arg25[%add3A_56, %dma_wait3A_147] : memref<10000x128xf32, #tpu.memory_space<vmem_shared>> -> memref<40x128xf32, #tpu.memory_space<vmem_shared>>
      %dma_wait3A_149 = arith.constant 0 : i32
      %dma_wait3A_150 = tpu.memref_slice %arg25[%add3A_56, %dma_wait3A_149] : memref<10000x128xf32, #tpu.memory_space<vmem_shared>> -> memref<40x128xf32, #tpu.memory_space<vmem_shared>>
      tpu.wait_dma2 semaphore(%run_scoped3A : memref<!tpu.dma_semaphore, #tpu.memory_space<semaphore_mem>>) src(%arg22 : memref<40x128xf32, #tpu.memory_space<vmem>>) dst(%dma_wait3A_150 : memref<40x128xf32, #tpu.memory_space<vmem_shared>>)
      tpu.yield
    }) : () -> ()
    %add3A_57 = arith.constant 40 : i32
    %add3A_58 = arith.addi %mul3A_54, %add3A_57 : i32
    "tpu.region"() ({
      %run_scoped3A = tpu.sem_alloc : memref<!tpu.dma_semaphore, #tpu.memory_space<semaphore_mem>>
      %dma_start3A_143 = arith.constant 0 : i32
      %dma_start3A_144 = tpu.memref_slice %arg25[%add3A_58, %dma_start3A_143] : memref<10000x128xf32, #tpu.memory_space<vmem_shared>> -> memref<40x128xf32, #tpu.memory_space<vmem_shared>>
      %dma_start3A_145 = arith.constant 0 : i32
      %dma_start3A_146 = tpu.memref_slice %arg25[%add3A_58, %dma_start3A_145] : memref<10000x128xf32, #tpu.memory_space<vmem_shared>> -> memref<40x128xf32, #tpu.memory_space<vmem_shared>>
      tpu.enqueue_dma source(%arg22 : memref<40x128xf32, #tpu.memory_space<vmem>>) target(%dma_start3A_146 : memref<40x128xf32, #tpu.memory_space<vmem_shared>>) target_semaphore(%run_scoped3A : memref<!tpu.dma_semaphore, #tpu.memory_space<semaphore_mem>>)
      %dma_wait3A_147 = arith.constant 0 : i32
      %dma_wait3A_148 = tpu.memref_slice %arg25[%add3A_58, %dma_wait3A_147] : memref<10000x128xf32, #tpu.memory_space<vmem_shared>> -> memref<40x128xf32, #tpu.memory_space<vmem_shared>>
      %dma_wait3A_149 = arith.constant 0 : i32
      %dma_wait3A_150 = tpu.memref_slice %arg25[%add3A_58, %dma_wait3A_149] : memref<10000x128xf32, #tpu.memory_space<vmem_shared>> -> memref<40x128xf32, #tpu.memory_space<vmem_shared>>
      tpu.wait_dma2 semaphore(%run_scoped3A : memref<!tpu.dma_semaphore, #tpu.memory_space<semaphore_mem>>) src(%arg22 : memref<40x128xf32, #tpu.memory_space<vmem>>) dst(%dma_wait3A_150 : memref<40x128xf32, #tpu.memory_space<vmem_shared>>)
      tpu.yield
    }) : () -> ()
    %add3A_59 = arith.constant 80 : i32
    %add3A_60 = arith.addi %mul3A_54, %add3A_59 : i32
    "tpu.region"() ({
      %run_scoped3A = tpu.sem_alloc : memref<!tpu.dma_semaphore, #tpu.memory_space<semaphore_mem>>
      %dma_start3A_143 = arith.constant 0 : i32
      %dma_start3A_144 = tpu.memref_slice %arg25[%add3A_60, %dma_start3A_143] : memref<10000x128xf32, #tpu.memory_space<vmem_shared>> -> memref<40x128xf32, #tpu.memory_space<vmem_shared>>
      %dma_start3A_145 = arith.constant 0 : i32
      %dma_start3A_146 = tpu.memref_slice %arg25[%add3A_60, %dma_start3A_145] : memref<10000x128xf32, #tpu.memory_space<vmem_shared>> -> memref<40x128xf32, #tpu.memory_space<vmem_shared>>
      tpu.enqueue_dma source(%arg22 : memref<40x128xf32, #tpu.memory_space<vmem>>) target(%dma_start3A_146 : memref<40x128xf32, #tpu.memory_space<vmem_shared>>) target_semaphore(%run_scoped3A : memref<!tpu.dma_semaphore, #tpu.memory_space<semaphore_mem>>)
      %dma_wait3A_147 = arith.constant 0 : i32
      %dma_wait3A_148 = tpu.memref_slice %arg25[%add3A_60, %dma_wait3A_147] : memref<10000x128xf32, #tpu.memory_space<vmem_shared>> -> memref<40x128xf32, #tpu.memory_space<vmem_shared>>
      %dma_wait3A_149 = arith.constant 0 : i32
      %dma_wait3A_150 = tpu.memref_slice %arg25[%add3A_60, %dma_wait3A_149] : memref<10000x128xf32, #tpu.memory_space<vmem_shared>> -> memref<40x128xf32, #tpu.memory_space<vmem_shared>>
      tpu.wait_dma2 semaphore(%run_scoped3A : memref<!tpu.dma_semaphore, #tpu.memory_space<semaphore_mem>>) src(%arg22 : memref<40x128xf32, #tpu.memory_space<vmem>>) dst(%dma_wait3A_150 : memref<40x128xf32, #tpu.memory_space<vmem_shared>>)
      tpu.yield
    }) : () -> ()
    %add3A_61 = arith.constant 120 : i32
    %add3A_62 = arith.addi %mul3A_54, %add3A_61 : i32
    "tpu.region"() ({
      %run_scoped3A = tpu.sem_alloc : memref<!tpu.dma_semaphore, #tpu.memory_space<semaphore_mem>>
      %dma_start3A_143 = arith.constant 0 : i32
      %dma_start3A_144 = tpu.memref_slice %arg25[%add3A_62, %dma_start3A_143] : memref<10000x128xf32, #tpu.memory_space<vmem_shared>> -> memref<40x128xf32, #tpu.memory_space<vmem_shared>>
      %dma_start3A_145 = arith.constant 0 : i32
      %dma_start3A_146 = tpu.memref_slice %arg25[%add3A_62, %dma_start3A_145] : memref<10000x128xf32, #tpu.memory_space<vmem_shared>> -> memref<40x128xf32, #tpu.memory_space<vmem_shared>>
      tpu.enqueue_dma source(%arg22 : memref<40x128xf32, #tpu.memory_space<vmem>>) target(%dma_start3A_146 : memref<40x128xf32, #tpu.memory_space<vmem_shared>>) target_semaphore(%run_scoped3A : memref<!tpu.dma_semaphore, #tpu.memory_space<semaphore_mem>>)
      %dma_wait3A_147 = arith.constant 0 : i32
      %dma_wait3A_148 = tpu.memref_slice %arg25[%add3A_62, %dma_wait3A_147] : memref<10000x128xf32, #tpu.memory_space<vmem_shared>> -> memref<40x128xf32, #tpu.memory_space<vmem_shared>>
      %dma_wait3A_149 = arith.constant 0 : i32
      %dma_wait3A_150 = tpu.memref_slice %arg25[%add3A_62, %dma_wait3A_149] : memref<10000x128xf32, #tpu.memory_space<vmem_shared>> -> memref<40x128xf32, #tpu.memory_space<vmem_shared>>
      tpu.wait_dma2 semaphore(%run_scoped3A : memref<!tpu.dma_semaphore, #tpu.memory_space<semaphore_mem>>) src(%arg22 : memref<40x128xf32, #tpu.memory_space<vmem>>) dst(%dma_wait3A_150 : memref<40x128xf32, #tpu.memory_space<vmem_shared>>)
      tpu.yield
    }) : () -> ()
    %add3A_63 = arith.constant 160 : i32
    %add3A_64 = arith.addi %mul3A_54, %add3A_63 : i32
    "tpu.region"() ({
      %run_scoped3A = tpu.sem_alloc : memref<!tpu.dma_semaphore, #tpu.memory_space<semaphore_mem>>
      %dma_start3A_143 = arith.constant 0 : i32
      %dma_start3A_144 = tpu.memref_slice %arg25[%add3A_64, %dma_start3A_143] : memref<10000x128xf32, #tpu.memory_space<vmem_shared>> -> memref<40x128xf32, #tpu.memory_space<vmem_shared>>
      %dma_start3A_145 = arith.constant 0 : i32
      %dma_start3A_146 = tpu.memref_slice %arg25[%add3A_64, %dma_start3A_145] : memref<10000x128xf32, #tpu.memory_space<vmem_shared>> -> memref<40x128xf32, #tpu.memory_space<vmem_shared>>
      tpu.enqueue_dma source(%arg22 : memref<40x128xf32, #tpu.memory_space<vmem>>) target(%dma_start3A_146 : memref<40x128xf32, #tpu.memory_space<vmem_shared>>) target_semaphore(%run_scoped3A : memref<!tpu.dma_semaphore, #tpu.memory_space<semaphore_mem>>)
      %dma_wait3A_147 = arith.constant 0 : i32
      %dma_wait3A_148 = tpu.memref_slice %arg25[%add3A_64, %dma_wait3A_147] : memref<10000x128xf32, #tpu.memory_space<vmem_shared>> -> memref<40x128xf32, #tpu.memory_space<vmem_shared>>
      %dma_wait3A_149 = arith.constant 0 : i32
      %dma_wait3A_150 = tpu.memref_slice %arg25[%add3A_64, %dma_wait3A_149] : memref<10000x128xf32, #tpu.memory_space<vmem_shared>> -> memref<40x128xf32, #tpu.memory_space<vmem_shared>>
      tpu.wait_dma2 semaphore(%run_scoped3A : memref<!tpu.dma_semaphore, #tpu.memory_space<semaphore_mem>>) src(%arg22 : memref<40x128xf32, #tpu.memory_space<vmem>>) dst(%dma_wait3A_150 : memref<40x128xf32, #tpu.memory_space<vmem_shared>>)
      tpu.yield
    }) : () -> ()
    %add3A_65 = arith.constant 200 : i32
    %add3A_66 = arith.addi %mul3A_54, %add3A_65 : i32
    "tpu.region"() ({
      %run_scoped3A = tpu.sem_alloc : memref<!tpu.dma_semaphore, #tpu.memory_space<semaphore_mem>>
      %dma_start3A_143 = arith.constant 0 : i32
      %dma_start3A_144 = tpu.memref_slice %arg25[%add3A_66, %dma_start3A_143] : memref<10000x128xf32, #tpu.memory_space<vmem_shared>> -> memref<40x128xf32, #tpu.memory_space<vmem_shared>>
      %dma_start3A_145 = arith.constant 0 : i32
      %dma_start3A_146 = tpu.memref_slice %arg25[%add3A_66, %dma_start3A_145] : memref<10000x128xf32, #tpu.memory_space<vmem_shared>> -> memref<40x128xf32, #tpu.memory_space<vmem_shared>>
      tpu.enqueue_dma source(%arg22 : memref<40x128xf32, #tpu.memory_space<vmem>>) target(%dma_start3A_146 : memref<40x128xf32, #tpu.memory_space<vmem_shared>>) target_semaphore(%run_scoped3A : memref<!tpu.dma_semaphore, #tpu.memory_space<semaphore_mem>>)
      %dma_wait3A_147 = arith.constant 0 : i32
      %dma_wait3A_148 = tpu.memref_slice %arg25[%add3A_66, %dma_wait3A_147] : memref<10000x128xf32, #tpu.memory_space<vmem_shared>> -> memref<40x128xf32, #tpu.memory_space<vmem_shared>>
      %dma_wait3A_149 = arith.constant 0 : i32
      %dma_wait3A_150 = tpu.memref_slice %arg25[%add3A_66, %dma_wait3A_149] : memref<10000x128xf32, #tpu.memory_space<vmem_shared>> -> memref<40x128xf32, #tpu.memory_space<vmem_shared>>
      tpu.wait_dma2 semaphore(%run_scoped3A : memref<!tpu.dma_semaphore, #tpu.memory_space<semaphore_mem>>) src(%arg22 : memref<40x128xf32, #tpu.memory_space<vmem>>) dst(%dma_wait3A_150 : memref<40x128xf32, #tpu.memory_space<vmem_shared>>)
      tpu.yield
    }) : () -> ()
    %add3A_67 = arith.constant 240 : i32
    %add3A_68 = arith.addi %mul3A_54, %add3A_67 : i32
    "tpu.region"() ({
      %run_scoped3A = tpu.sem_alloc : memref<!tpu.dma_semaphore, #tpu.memory_space<semaphore_mem>>
      %dma_start3A_143 = arith.constant 0 : i32
      %dma_start3A_144 = tpu.memref_slice %arg25[%add3A_68, %dma_start3A_143] : memref<10000x128xf32, #tpu.memory_space<vmem_shared>> -> memref<40x128xf32, #tpu.memory_space<vmem_shared>>
      %dma_start3A_145 = arith.constant 0 : i32
      %dma_start3A_146 = tpu.memref_slice %arg25[%add3A_68, %dma_start3A_145] : memref<10000x128xf32, #tpu.memory_space<vmem_shared>> -> memref<40x128xf32, #tpu.memory_space<vmem_shared>>
      tpu.enqueue_dma source(%arg22 : memref<40x128xf32, #tpu.memory_space<vmem>>) target(%dma_start3A_146 : memref<40x128xf32, #tpu.memory_space<vmem_shared>>) target_semaphore(%run_scoped3A : memref<!tpu.dma_semaphore, #tpu.memory_space<semaphore_mem>>)
      %dma_wait3A_147 = arith.constant 0 : i32
      %dma_wait3A_148 = tpu.memref_slice %arg25[%add3A_68, %dma_wait3A_147] : memref<10000x128xf32, #tpu.memory_space<vmem_shared>> -> memref<40x128xf32, #tpu.memory_space<vmem_shared>>
      %dma_wait3A_149 = arith.constant 0 : i32
      %dma_wait3A_150 = tpu.memref_slice %arg25[%add3A_68, %dma_wait3A_149] : memref<10000x128xf32, #tpu.memory_space<vmem_shared>> -> memref<40x128xf32, #tpu.memory_space<vmem_shared>>
      tpu.wait_dma2 semaphore(%run_scoped3A : memref<!tpu.dma_semaphore, #tpu.memory_space<semaphore_mem>>) src(%arg22 : memref<40x128xf32, #tpu.memory_space<vmem>>) dst(%dma_wait3A_150 : memref<40x128xf32, #tpu.memory_space<vmem_shared>>)
      tpu.yield
    }) : () -> ()
    %add3A_69 = arith.constant 280 : i32
    %add3A_70 = arith.addi %mul3A_54, %add3A_69 : i32
    "tpu.region"() ({
      %run_scoped3A = tpu.sem_alloc : memref<!tpu.dma_semaphore, #tpu.memory_space<semaphore_mem>>
      %dma_start3A_143 = arith.constant 0 : i32
      %dma_start3A_144 = tpu.memref_slice %arg25[%add3A_70, %dma_start3A_143] : memref<10000x128xf32, #tpu.memory_space<vmem_shared>> -> memref<40x128xf32, #tpu.memory_space<vmem_shared>>
      %dma_start3A_145 = arith.constant 0 : i32
      %dma_start3A_146 = tpu.memref_slice %arg25[%add3A_70, %dma_start3A_145] : memref<10000x128xf32, #tpu.memory_space<vmem_shared>> -> memref<40x128xf32, #tpu.memory_space<vmem_shared>>
      tpu.enqueue_dma source(%arg22 : memref<40x128xf32, #tpu.memory_space<vmem>>) target(%dma_start3A_146 : memref<40x128xf32, #tpu.memory_space<vmem_shared>>) target_semaphore(%run_scoped3A : memref<!tpu.dma_semaphore, #tpu.memory_space<semaphore_mem>>)
      %dma_wait3A_147 = arith.constant 0 : i32
      %dma_wait3A_148 = tpu.memref_slice %arg25[%add3A_70, %dma_wait3A_147] : memref<10000x128xf32, #tpu.memory_space<vmem_shared>> -> memref<40x128xf32, #tpu.memory_space<vmem_shared>>
      %dma_wait3A_149 = arith.constant 0 : i32
      %dma_wait3A_150 = tpu.memref_slice %arg25[%add3A_70, %dma_wait3A_149] : memref<10000x128xf32, #tpu.memory_space<vmem_shared>> -> memref<40x128xf32, #tpu.memory_space<vmem_shared>>
      tpu.wait_dma2 semaphore(%run_scoped3A : memref<!tpu.dma_semaphore, #tpu.memory_space<semaphore_mem>>) src(%arg22 : memref<40x128xf32, #tpu.memory_space<vmem>>) dst(%dma_wait3A_150 : memref<40x128xf32, #tpu.memory_space<vmem_shared>>)
      tpu.yield
    }) : () -> ()
    %add3A_71 = arith.constant 320 : i32
    %add3A_72 = arith.addi %mul3A_54, %add3A_71 : i32
    "tpu.region"() ({
      %run_scoped3A = tpu.sem_alloc : memref<!tpu.dma_semaphore, #tpu.memory_space<semaphore_mem>>
      %dma_start3A_143 = arith.constant 0 : i32
      %dma_start3A_144 = tpu.memref_slice %arg25[%add3A_72, %dma_start3A_143] : memref<10000x128xf32, #tpu.memory_space<vmem_shared>> -> memref<40x128xf32, #tpu.memory_space<vmem_shared>>
      %dma_start3A_145 = arith.constant 0 : i32
      %dma_start3A_146 = tpu.memref_slice %arg25[%add3A_72, %dma_start3A_145] : memref<10000x128xf32, #tpu.memory_space<vmem_shared>> -> memref<40x128xf32, #tpu.memory_space<vmem_shared>>
      tpu.enqueue_dma source(%arg22 : memref<40x128xf32, #tpu.memory_space<vmem>>) target(%dma_start3A_146 : memref<40x128xf32, #tpu.memory_space<vmem_shared>>) target_semaphore(%run_scoped3A : memref<!tpu.dma_semaphore, #tpu.memory_space<semaphore_mem>>)
      %dma_wait3A_147 = arith.constant 0 : i32
      %dma_wait3A_148 = tpu.memref_slice %arg25[%add3A_72, %dma_wait3A_147] : memref<10000x128xf32, #tpu.memory_space<vmem_shared>> -> memref<40x128xf32, #tpu.memory_space<vmem_shared>>
      %dma_wait3A_149 = arith.constant 0 : i32
      %dma_wait3A_150 = tpu.memref_slice %arg25[%add3A_72, %dma_wait3A_149] : memref<10000x128xf32, #tpu.memory_space<vmem_shared>> -> memref<40x128xf32, #tpu.memory_space<vmem_shared>>
      tpu.wait_dma2 semaphore(%run_scoped3A : memref<!tpu.dma_semaphore, #tpu.memory_space<semaphore_mem>>) src(%arg22 : memref<40x128xf32, #tpu.memory_space<vmem>>) dst(%dma_wait3A_150 : memref<40x128xf32, #tpu.memory_space<vmem_shared>>)
      tpu.yield
    }) : () -> ()
    %add3A_73 = arith.constant 360 : i32
    %add3A_74 = arith.addi %mul3A_54, %add3A_73 : i32
    "tpu.region"() ({
      %run_scoped3A = tpu.sem_alloc : memref<!tpu.dma_semaphore, #tpu.memory_space<semaphore_mem>>
      %dma_start3A_143 = arith.constant 0 : i32
      %dma_start3A_144 = tpu.memref_slice %arg25[%add3A_74, %dma_start3A_143] : memref<10000x128xf32, #tpu.memory_space<vmem_shared>> -> memref<40x128xf32, #tpu.memory_space<vmem_shared>>
      %dma_start3A_145 = arith.constant 0 : i32
      %dma_start3A_146 = tpu.memref_slice %arg25[%add3A_74, %dma_start3A_145] : memref<10000x128xf32, #tpu.memory_space<vmem_shared>> -> memref<40x128xf32, #tpu.memory_space<vmem_shared>>
      tpu.enqueue_dma source(%arg22 : memref<40x128xf32, #tpu.memory_space<vmem>>) target(%dma_start3A_146 : memref<40x128xf32, #tpu.memory_space<vmem_shared>>) target_semaphore(%run_scoped3A : memref<!tpu.dma_semaphore, #tpu.memory_space<semaphore_mem>>)
      %dma_wait3A_147 = arith.constant 0 : i32
      %dma_wait3A_148 = tpu.memref_slice %arg25[%add3A_74, %dma_wait3A_147] : memref<10000x128xf32, #tpu.memory_space<vmem_shared>> -> memref<40x128xf32, #tpu.memory_space<vmem_shared>>
      %dma_wait3A_149 = arith.constant 0 : i32
      %dma_wait3A_150 = tpu.memref_slice %arg25[%add3A_74, %dma_wait3A_149] : memref<10000x128xf32, #tpu.memory_space<vmem_shared>> -> memref<40x128xf32, #tpu.memory_space<vmem_shared>>
      tpu.wait_dma2 semaphore(%run_scoped3A : memref<!tpu.dma_semaphore, #tpu.memory_space<semaphore_mem>>) src(%arg22 : memref<40x128xf32, #tpu.memory_space<vmem>>) dst(%dma_wait3A_150 : memref<40x128xf32, #tpu.memory_space<vmem_shared>>)
      tpu.yield
    }) : () -> ()
    %add3A_75 = arith.constant 400 : i32
    %add3A_76 = arith.addi %mul3A_54, %add3A_75 : i32
    "tpu.region"() ({
      %run_scoped3A = tpu.sem_alloc : memref<!tpu.dma_semaphore, #tpu.memory_space<semaphore_mem>>
      %dma_start3A_143 = arith.constant 0 : i32
      %dma_start3A_144 = tpu.memref_slice %arg25[%add3A_76, %dma_start3A_143] : memref<10000x128xf32, #tpu.memory_space<vmem_shared>> -> memref<40x128xf32, #tpu.memory_space<vmem_shared>>
      %dma_start3A_145 = arith.constant 0 : i32
      %dma_start3A_146 = tpu.memref_slice %arg25[%add3A_76, %dma_start3A_145] : memref<10000x128xf32, #tpu.memory_space<vmem_shared>> -> memref<40x128xf32, #tpu.memory_space<vmem_shared>>
      tpu.enqueue_dma source(%arg22 : memref<40x128xf32, #tpu.memory_space<vmem>>) target(%dma_start3A_146 : memref<40x128xf32, #tpu.memory_space<vmem_shared>>) target_semaphore(%run_scoped3A : memref<!tpu.dma_semaphore, #tpu.memory_space<semaphore_mem>>)
      %dma_wait3A_147 = arith.constant 0 : i32
      %dma_wait3A_148 = tpu.memref_slice %arg25[%add3A_76, %dma_wait3A_147] : memref<10000x128xf32, #tpu.memory_space<vmem_shared>> -> memref<40x128xf32, #tpu.memory_space<vmem_shared>>
      %dma_wait3A_149 = arith.constant 0 : i32
      %dma_wait3A_150 = tpu.memref_slice %arg25[%add3A_76, %dma_wait3A_149] : memref<10000x128xf32, #tpu.memory_space<vmem_shared>> -> memref<40x128xf32, #tpu.memory_space<vmem_shared>>
      tpu.wait_dma2 semaphore(%run_scoped3A : memref<!tpu.dma_semaphore, #tpu.memory_space<semaphore_mem>>) src(%arg22 : memref<40x128xf32, #tpu.memory_space<vmem>>) dst(%dma_wait3A_150 : memref<40x128xf32, #tpu.memory_space<vmem_shared>>)
      tpu.yield
    }) : () -> ()
    %add3A_77 = arith.constant 440 : i32
    %add3A_78 = arith.addi %mul3A_54, %add3A_77 : i32
    "tpu.region"() ({
      %run_scoped3A = tpu.sem_alloc : memref<!tpu.dma_semaphore, #tpu.memory_space<semaphore_mem>>
      %dma_start3A_143 = arith.constant 0 : i32
      %dma_start3A_144 = tpu.memref_slice %arg25[%add3A_78, %dma_start3A_143] : memref<10000x128xf32, #tpu.memory_space<vmem_shared>> -> memref<40x128xf32, #tpu.memory_space<vmem_shared>>
      %dma_start3A_145 = arith.constant 0 : i32
      %dma_start3A_146 = tpu.memref_slice %arg25[%add3A_78, %dma_start3A_145] : memref<10000x128xf32, #tpu.memory_space<vmem_shared>> -> memref<40x128xf32, #tpu.memory_space<vmem_shared>>
      tpu.enqueue_dma source(%arg22 : memref<40x128xf32, #tpu.memory_space<vmem>>) target(%dma_start3A_146 : memref<40x128xf32, #tpu.memory_space<vmem_shared>>) target_semaphore(%run_scoped3A : memref<!tpu.dma_semaphore, #tpu.memory_space<semaphore_mem>>)
      %dma_wait3A_147 = arith.constant 0 : i32
      %dma_wait3A_148 = tpu.memref_slice %arg25[%add3A_78, %dma_wait3A_147] : memref<10000x128xf32, #tpu.memory_space<vmem_shared>> -> memref<40x128xf32, #tpu.memory_space<vmem_shared>>
      %dma_wait3A_149 = arith.constant 0 : i32
      %dma_wait3A_150 = tpu.memref_slice %arg25[%add3A_78, %dma_wait3A_149] : memref<10000x128xf32, #tpu.memory_space<vmem_shared>> -> memref<40x128xf32, #tpu.memory_space<vmem_shared>>
      tpu.wait_dma2 semaphore(%run_scoped3A : memref<!tpu.dma_semaphore, #tpu.memory_space<semaphore_mem>>) src(%arg22 : memref<40x128xf32, #tpu.memory_space<vmem>>) dst(%dma_wait3A_150 : memref<40x128xf32, #tpu.memory_space<vmem_shared>>)
      tpu.yield
    }) : () -> ()
    %add3A_79 = arith.constant 480 : i32
    %add3A_80 = arith.addi %mul3A_54, %add3A_79 : i32
    "tpu.region"() ({
      %run_scoped3A = tpu.sem_alloc : memref<!tpu.dma_semaphore, #tpu.memory_space<semaphore_mem>>
      %dma_start3A_143 = arith.constant 0 : i32
      %dma_start3A_144 = tpu.memref_slice %arg25[%add3A_80, %dma_start3A_143] : memref<10000x128xf32, #tpu.memory_space<vmem_shared>> -> memref<40x128xf32, #tpu.memory_space<vmem_shared>>
      %dma_start3A_145 = arith.constant 0 : i32
      %dma_start3A_146 = tpu.memref_slice %arg25[%add3A_80, %dma_start3A_145] : memref<10000x128xf32, #tpu.memory_space<vmem_shared>> -> memref<40x128xf32, #tpu.memory_space<vmem_shared>>
      tpu.enqueue_dma source(%arg22 : memref<40x128xf32, #tpu.memory_space<vmem>>) target(%dma_start3A_146 : memref<40x128xf32, #tpu.memory_space<vmem_shared>>) target_semaphore(%run_scoped3A : memref<!tpu.dma_semaphore, #tpu.memory_space<semaphore_mem>>)
      %dma_wait3A_147 = arith.constant 0 : i32
      %dma_wait3A_148 = tpu.memref_slice %arg25[%add3A_80, %dma_wait3A_147] : memref<10000x128xf32, #tpu.memory_space<vmem_shared>> -> memref<40x128xf32, #tpu.memory_space<vmem_shared>>
      %dma_wait3A_149 = arith.constant 0 : i32
      %dma_wait3A_150 = tpu.memref_slice %arg25[%add3A_80, %dma_wait3A_149] : memref<10000x128xf32, #tpu.memory_space<vmem_shared>> -> memref<40x128xf32, #tpu.memory_space<vmem_shared>>
      tpu.wait_dma2 semaphore(%run_scoped3A : memref<!tpu.dma_semaphore, #tpu.memory_space<semaphore_mem>>) src(%arg22 : memref<40x128xf32, #tpu.memory_space<vmem>>) dst(%dma_wait3A_150 : memref<40x128xf32, #tpu.memory_space<vmem_shared>>)
      tpu.yield
    }) : () -> ()
    %add3A_81 = arith.constant 520 : i32
    %add3A_82 = arith.addi %mul3A_54, %add3A_81 : i32
    "tpu.region"() ({
      %run_scoped3A = tpu.sem_alloc : memref<!tpu.dma_semaphore, #tpu.memory_space<semaphore_mem>>
      %dma_start3A_143 = arith.constant 0 : i32
      %dma_start3A_144 = tpu.memref_slice %arg25[%add3A_82, %dma_start3A_143] : memref<10000x128xf32, #tpu.memory_space<vmem_shared>> -> memref<40x128xf32, #tpu.memory_space<vmem_shared>>
      %dma_start3A_145 = arith.constant 0 : i32
      %dma_start3A_146 = tpu.memref_slice %arg25[%add3A_82, %dma_start3A_145] : memref<10000x128xf32, #tpu.memory_space<vmem_shared>> -> memref<40x128xf32, #tpu.memory_space<vmem_shared>>
      tpu.enqueue_dma source(%arg22 : memref<40x128xf32, #tpu.memory_space<vmem>>) target(%dma_start3A_146 : memref<40x128xf32, #tpu.memory_space<vmem_shared>>) target_semaphore(%run_scoped3A : memref<!tpu.dma_semaphore, #tpu.memory_space<semaphore_mem>>)
      %dma_wait3A_147 = arith.constant 0 : i32
      %dma_wait3A_148 = tpu.memref_slice %arg25[%add3A_82, %dma_wait3A_147] : memref<10000x128xf32, #tpu.memory_space<vmem_shared>> -> memref<40x128xf32, #tpu.memory_space<vmem_shared>>
      %dma_wait3A_149 = arith.constant 0 : i32
      %dma_wait3A_150 = tpu.memref_slice %arg25[%add3A_82, %dma_wait3A_149] : memref<10000x128xf32, #tpu.memory_space<vmem_shared>> -> memref<40x128xf32, #tpu.memory_space<vmem_shared>>
      tpu.wait_dma2 semaphore(%run_scoped3A : memref<!tpu.dma_semaphore, #tpu.memory_space<semaphore_mem>>) src(%arg22 : memref<40x128xf32, #tpu.memory_space<vmem>>) dst(%dma_wait3A_150 : memref<40x128xf32, #tpu.memory_space<vmem_shared>>)
      tpu.yield
    }) : () -> ()
    %add3A_83 = arith.constant 560 : i32
    %add3A_84 = arith.addi %mul3A_54, %add3A_83 : i32
    "tpu.region"() ({
      %run_scoped3A = tpu.sem_alloc : memref<!tpu.dma_semaphore, #tpu.memory_space<semaphore_mem>>
      %dma_start3A_143 = arith.constant 0 : i32
      %dma_start3A_144 = tpu.memref_slice %arg25[%add3A_84, %dma_start3A_143] : memref<10000x128xf32, #tpu.memory_space<vmem_shared>> -> memref<40x128xf32, #tpu.memory_space<vmem_shared>>
      %dma_start3A_145 = arith.constant 0 : i32
      %dma_start3A_146 = tpu.memref_slice %arg25[%add3A_84, %dma_start3A_145] : memref<10000x128xf32, #tpu.memory_space<vmem_shared>> -> memref<40x128xf32, #tpu.memory_space<vmem_shared>>
      tpu.enqueue_dma source(%arg22 : memref<40x128xf32, #tpu.memory_space<vmem>>) target(%dma_start3A_146 : memref<40x128xf32, #tpu.memory_space<vmem_shared>>) target_semaphore(%run_scoped3A : memref<!tpu.dma_semaphore, #tpu.memory_space<semaphore_mem>>)
      %dma_wait3A_147 = arith.constant 0 : i32
      %dma_wait3A_148 = tpu.memref_slice %arg25[%add3A_84, %dma_wait3A_147] : memref<10000x128xf32, #tpu.memory_space<vmem_shared>> -> memref<40x128xf32, #tpu.memory_space<vmem_shared>>
      %dma_wait3A_149 = arith.constant 0 : i32
      %dma_wait3A_150 = tpu.memref_slice %arg25[%add3A_84, %dma_wait3A_149] : memref<10000x128xf32, #tpu.memory_space<vmem_shared>> -> memref<40x128xf32, #tpu.memory_space<vmem_shared>>
      tpu.wait_dma2 semaphore(%run_scoped3A : memref<!tpu.dma_semaphore, #tpu.memory_space<semaphore_mem>>) src(%arg22 : memref<40x128xf32, #tpu.memory_space<vmem>>) dst(%dma_wait3A_150 : memref<40x128xf32, #tpu.memory_space<vmem_shared>>)
      tpu.yield
    }) : () -> ()
    %add3A_85 = arith.constant 600 : i32
    %add3A_86 = arith.addi %mul3A_54, %add3A_85 : i32
    "tpu.region"() ({
      %run_scoped3A = tpu.sem_alloc : memref<!tpu.dma_semaphore, #tpu.memory_space<semaphore_mem>>
      %dma_start3A_143 = arith.constant 0 : i32
      %dma_start3A_144 = arith.constant 0 : i32
      %dma_start3A_145 = tpu.memref_slice %arg22[%dma_start3A_143, %dma_start3A_144] : memref<40x128xf32, #tpu.memory_space<vmem>> -> memref<24x128xf32, #tpu.memory_space<vmem>>
      %dma_start3A_146 = arith.constant 0 : i32
      %dma_start3A_147 = tpu.memref_slice %arg25[%add3A_86, %dma_start3A_146] : memref<10000x128xf32, #tpu.memory_space<vmem_shared>> -> memref<24x128xf32, #tpu.memory_space<vmem_shared>>
      %dma_start3A_148 = arith.constant 0 : i32
      %dma_start3A_149 = tpu.memref_slice %arg25[%add3A_86, %dma_start3A_148] : memref<10000x128xf32, #tpu.memory_space<vmem_shared>> -> memref<24x128xf32, #tpu.memory_space<vmem_shared>>
      %dma_start3A_150 = arith.constant 0 : i32
      %dma_start3A_151 = arith.constant 0 : i32
      %dma_start3A_152 = tpu.memref_slice %arg22[%dma_start3A_150, %dma_start3A_151] : memref<40x128xf32, #tpu.memory_space<vmem>> -> memref<24x128xf32, #tpu.memory_space<vmem>>
      tpu.enqueue_dma source(%dma_start3A_152 : memref<24x128xf32, #tpu.memory_space<vmem>>) target(%dma_start3A_149 : memref<24x128xf32, #tpu.memory_space<vmem_shared>>) target_semaphore(%run_scoped3A : memref<!tpu.dma_semaphore, #tpu.memory_space<semaphore_mem>>)
      %dma_wait3A_153 = arith.constant 0 : i32
      %dma_wait3A_154 = arith.constant 0 : i32
      %dma_wait3A_155 = tpu.memref_slice %arg22[%dma_wait3A_153, %dma_wait3A_154] : memref<40x128xf32, #tpu.memory_space<vmem>> -> memref<24x128xf32, #tpu.memory_space<vmem>>
      %dma_wait3A_156 = arith.constant 0 : i32
      %dma_wait3A_157 = tpu.memref_slice %arg25[%add3A_86, %dma_wait3A_156] : memref<10000x128xf32, #tpu.memory_space<vmem_shared>> -> memref<24x128xf32, #tpu.memory_space<vmem_shared>>
      %dma_wait3A_158 = arith.constant 0 : i32
      %dma_wait3A_159 = tpu.memref_slice %arg25[%add3A_86, %dma_wait3A_158] : memref<10000x128xf32, #tpu.memory_space<vmem_shared>> -> memref<24x128xf32, #tpu.memory_space<vmem_shared>>
      %dma_wait3A_160 = arith.constant 0 : i32
      %dma_wait3A_161 = arith.constant 0 : i32
      %dma_wait3A_162 = tpu.memref_slice %arg22[%dma_wait3A_160, %dma_wait3A_161] : memref<40x128xf32, #tpu.memory_space<vmem>> -> memref<24x128xf32, #tpu.memory_space<vmem>>
      tpu.wait_dma2 semaphore(%run_scoped3A : memref<!tpu.dma_semaphore, #tpu.memory_space<semaphore_mem>>) src(%dma_wait3A_162 : memref<24x128xf32, #tpu.memory_space<vmem>>) dst(%dma_wait3A_159 : memref<24x128xf32, #tpu.memory_space<vmem_shared>>)
      tpu.yield
    }) : () -> ()
    %eq3A = arith.constant 15 : i32
    %eq3A_87 = arith.cmpi eq, %arg1, %eq3A : i32
    %convert_element_type3A = arith.extui %eq3A_87 : i1 to i32
    %cond3A = arith.constant 0 : i32
    %cond3A_88 = arith.cmpi ne, %convert_element_type3A, %cond3A : i32
    scf.if %cond3A_88 {
      "tpu.region"() ({
        %run_scoped3A = tpu.sem_alloc : memref<!tpu.dma_semaphore, #tpu.memory_space<semaphore_mem>>
        %dma_start3A_143 = arith.constant 0 : i32
        %dma_start3A_144 = arith.constant 0 : i32
        %dma_start3A_145 = tpu.memref_slice %arg22[%dma_start3A_143, %dma_start3A_144] : memref<40x128xf32, #tpu.memory_space<vmem>> -> memref<16x128xf32, #tpu.memory_space<vmem>>
        %dma_start3A_146 = arith.constant 9984 : i32
        %dma_start3A_147 = arith.constant 0 : i32
        %dma_start3A_148 = tpu.memref_slice %arg25[%dma_start3A_146, %dma_start3A_147] : memref<10000x128xf32, #tpu.memory_space<vmem_shared>> -> memref<16x128xf32, #tpu.memory_space<vmem_shared>>
        %dma_start3A_149 = arith.constant 9984 : i32
        %dma_start3A_150 = arith.constant 0 : i32
        %dma_start3A_151 = tpu.memref_slice %arg25[%dma_start3A_149, %dma_start3A_150] : memref<10000x128xf32, #tpu.memory_space<vmem_shared>> -> memref<16x128xf32, #tpu.memory_space<vmem_shared>>
        %dma_start3A_152 = arith.constant 0 : i32
        %dma_start3A_153 = arith.constant 0 : i32
        %dma_start3A_154 = tpu.memref_slice %arg22[%dma_start3A_152, %dma_start3A_153] : memref<40x128xf32, #tpu.memory_space<vmem>> -> memref<16x128xf32, #tpu.memory_space<vmem>>
        tpu.enqueue_dma source(%dma_start3A_154 : memref<16x128xf32, #tpu.memory_space<vmem>>) target(%dma_start3A_151 : memref<16x128xf32, #tpu.memory_space<vmem_shared>>) target_semaphore(%run_scoped3A : memref<!tpu.dma_semaphore, #tpu.memory_space<semaphore_mem>>)
        %dma_wait3A_155 = arith.constant 0 : i32
        %dma_wait3A_156 = arith.constant 0 : i32
        %dma_wait3A_157 = tpu.memref_slice %arg22[%dma_wait3A_155, %dma_wait3A_156] : memref<40x128xf32, #tpu.memory_space<vmem>> -> memref<16x128xf32, #tpu.memory_space<vmem>>
        %dma_wait3A_158 = arith.constant 9984 : i32
        %dma_wait3A_159 = arith.constant 0 : i32
        %dma_wait3A_160 = tpu.memref_slice %arg25[%dma_wait3A_158, %dma_wait3A_159] : memref<10000x128xf32, #tpu.memory_space<vmem_shared>> -> memref<16x128xf32, #tpu.memory_space<vmem_shared>>
        %dma_wait3A_161 = arith.constant 9984 : i32
        %dma_wait3A_162 = arith.constant 0 : i32
        %dma_wait3A_163 = tpu.memref_slice %arg25[%dma_wait3A_161, %dma_wait3A_162] : memref<10000x128xf32, #tpu.memory_space<vmem_shared>> -> memref<16x128xf32, #tpu.memory_space<vmem_shared>>
        %dma_wait3A_164 = arith.constant 0 : i32
        %dma_wait3A_165 = arith.constant 0 : i32
        %dma_wait3A_166 = tpu.memref_slice %arg22[%dma_wait3A_164, %dma_wait3A_165] : memref<40x128xf32, #tpu.memory_space<vmem>> -> memref<16x128xf32, #tpu.memory_space<vmem>>
        tpu.wait_dma2 semaphore(%run_scoped3A : memref<!tpu.dma_semaphore, #tpu.memory_space<semaphore_mem>>) src(%dma_wait3A_166 : memref<16x128xf32, #tpu.memory_space<vmem>>) dst(%dma_wait3A_163 : memref<16x128xf32, #tpu.memory_space<vmem_shared>>)
        tpu.yield
      }) : () -> ()
    } else {
    }
    %barrier3A = arith.constant 0 : index
    tpu.barrier barrier_id(%barrier3A)
    %scan3A_89 = arith.constant 0 : i32
    %scan3A_90 = arith.constant 0 : i32
    %scan3A_91 = arith.constant 83 : i32
    %scan3A_92 = arith.addi %scan3A_90, %scan3A_91 : i32
    %scan3A_93 = arith.constant 1 : i32
    scf.for %scan3A_143 = %scan3A_90 to %scan3A_92 step %scan3A_93  : i32 {
      %mul3A_144 = arith.constant 3 : i32
      %mul3A_145 = arith.muli %mul3A_144, %scan3A_143 : i32
      %add3A_146 = arith.constant 0 : i32
      %add3A_147 = arith.addi %mul3A_145, %add3A_146 : i32
      %add3A_148 = arith.constant 2 : i32
      %add3A_149 = arith.addi %add3A_147, %add3A_148 : i32
      %lt3A = arith.constant 250 : i32
      %lt3A_150 = arith.cmpi slt, %add3A_149, %lt3A : i32
      %convert_element_type3A_151 = arith.extui %lt3A_150 : i1 to i32
      %cond3A_152 = arith.constant 0 : i32
      %cond3A_153 = arith.cmpi ne, %convert_element_type3A_151, %cond3A_152 : i32
      scf.if %cond3A_153 {
        %dma_wait3A_306 = arith.constant 0 : i32
        %dma_wait3A_307 = tpu.memref_slice %arg2[%dma_wait3A_306] : memref<320000xi32, #tpu.memory_space<hbm>> -> memref<40xi32, #tpu.memory_space<hbm>>
        %dma_wait3A_308 = arith.constant 0 : i32
        %dma_wait3A_309 = tpu.memref_slice %arg2[%dma_wait3A_308] : memref<320000xi32, #tpu.memory_space<hbm>> -> memref<40xi32, #tpu.memory_space<hbm>>
        tpu.wait_dma2 semaphore(%arg31 : memref<!tpu.dma_semaphore, #tpu.memory_space<semaphore_mem>>) src(%dma_wait3A_309 : memref<40xi32, #tpu.memory_space<hbm>>) dst(%arg9 : memref<40xi32, #tpu.memory_space<vmem>>)
        %dma_wait3A_310 = arith.constant 0 : i32
        %dma_wait3A_311 = tpu.memref_slice %arg3[%dma_wait3A_310] : memref<320000xi32, #tpu.memory_space<hbm>> -> memref<40xi32, #tpu.memory_space<hbm>>
        %dma_wait3A_312 = arith.constant 0 : i32
        %dma_wait3A_313 = tpu.memref_slice %arg3[%dma_wait3A_312] : memref<320000xi32, #tpu.memory_space<hbm>> -> memref<40xi32, #tpu.memory_space<hbm>>
        tpu.wait_dma2 semaphore(%arg31 : memref<!tpu.dma_semaphore, #tpu.memory_space<semaphore_mem>>) src(%dma_wait3A_313 : memref<40xi32, #tpu.memory_space<hbm>>) dst(%arg12 : memref<40xi32, #tpu.memory_space<vmem>>)
        %dma_start3A_314 = arith.constant 0 : i32
        %dma_start3A_315 = arith.constant 0 : i32
        %dma_start3A_316 = tpu.memref_slice %arg4[%dma_start3A_314, %dma_start3A_315] : memref<10000x128xf32, #tpu.memory_space<hbm>> -> memref<10000x128xf32, #tpu.memory_space<hbm>>
        tpu.enqueue_indirect_dma source(%dma_start3A_316 : memref<10000x128xf32, #tpu.memory_space<hbm>>) target(%arg18 : memref<40x128xf32, #tpu.memory_space<vmem>>) offsets(%arg9 : memref<40xi32, #tpu.memory_space<vmem>>) semaphore(%arg28 : memref<!tpu.dma_semaphore, #tpu.memory_space<semaphore_mem>>)
        %dma_start3A_317 = arith.constant 0 : i32
        %dma_start3A_318 = arith.constant 0 : i32
        %dma_start3A_319 = tpu.memref_slice %arg5[%dma_start3A_317, %dma_start3A_318] : memref<10000x128xf32, #tpu.memory_space<hbm>> -> memref<10000x128xf32, #tpu.memory_space<hbm>>
        tpu.enqueue_indirect_dma source(%dma_start3A_319 : memref<10000x128xf32, #tpu.memory_space<hbm>>) target(%arg21 : memref<40x128xf32, #tpu.memory_space<vmem>>) offsets(%arg12 : memref<40xi32, #tpu.memory_space<vmem>>) semaphore(%arg28 : memref<!tpu.dma_semaphore, #tpu.memory_space<semaphore_mem>>)
      } else {
      }
      %dma_wait3A_154 = arith.constant 0 : i32
      %dma_wait3A_155 = arith.constant 0 : i32
      %dma_wait3A_156 = tpu.memref_slice %arg4[%dma_wait3A_154, %dma_wait3A_155] : memref<10000x128xf32, #tpu.memory_space<hbm>> -> memref<10000x128xf32, #tpu.memory_space<hbm>>
      tpu.wait_indirect_dma semaphore(%arg26 : memref<!tpu.dma_semaphore, #tpu.memory_space<semaphore_mem>>) src(%dma_wait3A_156 : memref<10000x128xf32, #tpu.memory_space<hbm>>) dst(%arg16 : memref<40x128xf32, #tpu.memory_space<vmem>>)
      %dma_wait3A_157 = arith.constant 0 : i32
      %dma_wait3A_158 = arith.constant 0 : i32
      %dma_wait3A_159 = tpu.memref_slice %arg5[%dma_wait3A_157, %dma_wait3A_158] : memref<10000x128xf32, #tpu.memory_space<hbm>> -> memref<10000x128xf32, #tpu.memory_space<hbm>>
      tpu.wait_indirect_dma semaphore(%arg26 : memref<!tpu.dma_semaphore, #tpu.memory_space<semaphore_mem>>) src(%dma_wait3A_159 : memref<10000x128xf32, #tpu.memory_space<hbm>>) dst(%arg19 : memref<40x128xf32, #tpu.memory_space<vmem>>)
      %gt3A = arith.constant 0 : i32
      %gt3A_160 = arith.cmpi sgt, %scan3A_143, %gt3A : i32
      %convert_element_type3A_161 = arith.extui %gt3A_160 : i1 to i32
      %cond3A_162 = arith.constant 0 : i32
      %cond3A_163 = arith.cmpi ne, %convert_element_type3A_161, %cond3A_162 : i32
      scf.if %cond3A_163 {
        %dma_wait3A_306 = arith.constant 0 : i32
        %dma_wait3A_307 = arith.constant 0 : i32
        %dma_wait3A_308 = tpu.memref_slice %arg25[%dma_wait3A_306, %dma_wait3A_307] : memref<10000x128xf32, #tpu.memory_space<vmem_shared>> -> memref<10000x128xf32, #tpu.memory_space<vmem_shared>>
        tpu.wait_indirect_dma semaphore(%arg32 : memref<!tpu.dma_semaphore, #tpu.memory_space<semaphore_mem>>) src(%arg22 : memref<40x128xf32, #tpu.memory_space<vmem>>) dst(%dma_wait3A_308 : memref<10000x128xf32, #tpu.memory_space<vmem_shared>>)
      } else {
      }
      %parallel_loop3A_164 = arith.constant 0 : i32
      %parallel_loop3A_165 = arith.constant 40 : i32
      %parallel_loop3A_166 = arith.constant 1 : i32
      scf.for %parallel_loop3A_306 = %parallel_loop3A_164 to %parallel_loop3A_165 step %parallel_loop3A_166  : i32 {
        %parallel_loop3A_307 = arith.index_cast %parallel_loop3A_306 : i32 to index
        %parallel_loop3A_308 = arith.constant 0 : index
        %parallel_loop3A_309 = tpu.vector_load %arg16[%parallel_loop3A_307, %parallel_loop3A_308] {strides = array<i32>} : memref<40x128xf32, #tpu.memory_space<vmem>>, vector<1x16xf32>,
        %parallel_loop3A_310 = vector.shape_cast %parallel_loop3A_309 : vector<1x16xf32> to vector<16xf32>
        %parallel_loop3A_311 = arith.index_cast %parallel_loop3A_306 : i32 to index
        %parallel_loop3A_312 = arith.constant 0 : index
        %parallel_loop3A_313 = tpu.vector_load %arg19[%parallel_loop3A_311, %parallel_loop3A_312] {strides = array<i32>} : memref<40x128xf32, #tpu.memory_space<vmem>>, vector<1x16xf32>,
        %parallel_loop3A_314 = vector.shape_cast %parallel_loop3A_313 : vector<1x16xf32> to vector<16xf32>
        %parallel_loop3A_315 = arith.addf %parallel_loop3A_310, %parallel_loop3A_314 : vector<16xf32>
        %parallel_loop3A_316 = arith.constant 0.000000e+00 : f32
        %parallel_loop3A_317 = vector.broadcast %parallel_loop3A_316 : f32 to vector<16xf32>
        %parallel_loop3A_318 = arith.maximumf %parallel_loop3A_315, %parallel_loop3A_317 : vector<16xf32>
        %parallel_loop3A_319 = arith.index_cast %parallel_loop3A_306 : i32 to index
        %parallel_loop3A_320 = arith.constant 0 : index
        %parallel_loop3A_321 = tpu.vector_load %arg22[%parallel_loop3A_319, %parallel_loop3A_320] {strides = array<i32>} : memref<40x128xf32, #tpu.memory_space<vmem>>, vector<1x16xf32>,
        %parallel_loop3A_322 = vector.shape_cast %parallel_loop3A_321 : vector<1x16xf32> to vector<16xf32>
        %parallel_loop3A_323 = vector.shape_cast %parallel_loop3A_318 : vector<16xf32> to vector<1x16xf32>
        tpu.vector_store %arg22[%parallel_loop3A_319, %parallel_loop3A_320], %parallel_loop3A_323 {strides = array<i32>} : memref<40x128xf32, #tpu.memory_space<vmem>>, vector<1x16xf32>,
        %parallel_loop3A_324 = arith.index_cast %parallel_loop3A_306 : i32 to index
        %parallel_loop3A_325 = arith.constant 16 : index
        %parallel_loop3A_326 = tpu.vector_load %arg16[%parallel_loop3A_324, %parallel_loop3A_325] {strides = array<i32>} : memref<40x128xf32, #tpu.memory_space<vmem>>, vector<1x16xf32>,
        %parallel_loop3A_327 = vector.shape_cast %parallel_loop3A_326 : vector<1x16xf32> to vector<16xf32>
        %parallel_loop3A_328 = arith.index_cast %parallel_loop3A_306 : i32 to index
        %parallel_loop3A_329 = arith.constant 16 : index
        %parallel_loop3A_330 = tpu.vector_load %arg19[%parallel_loop3A_328, %parallel_loop3A_329] {strides = array<i32>} : memref<40x128xf32, #tpu.memory_space<vmem>>, vector<1x16xf32>,
        %parallel_loop3A_331 = vector.shape_cast %parallel_loop3A_330 : vector<1x16xf32> to vector<16xf32>
        %parallel_loop3A_332 = arith.addf %parallel_loop3A_327, %parallel_loop3A_331 : vector<16xf32>
        %parallel_loop3A_333 = arith.constant 0.000000e+00 : f32
        %parallel_loop3A_334 = vector.broadcast %parallel_loop3A_333 : f32 to vector<16xf32>
        %parallel_loop3A_335 = arith.maximumf %parallel_loop3A_332, %parallel_loop3A_334 : vector<16xf32>
        %parallel_loop3A_336 = arith.index_cast %parallel_loop3A_306 : i32 to index
        %parallel_loop3A_337 = arith.constant 16 : index
        %parallel_loop3A_338 = tpu.vector_load %arg22[%parallel_loop3A_336, %parallel_loop3A_337] {strides = array<i32>} : memref<40x128xf32, #tpu.memory_space<vmem>>, vector<1x16xf32>,
        %parallel_loop3A_339 = vector.shape_cast %parallel_loop3A_338 : vector<1x16xf32> to vector<16xf32>
        %parallel_loop3A_340 = vector.shape_cast %parallel_loop3A_335 : vector<16xf32> to vector<1x16xf32>
        tpu.vector_store %arg22[%parallel_loop3A_336, %parallel_loop3A_337], %parallel_loop3A_340 {strides = array<i32>} : memref<40x128xf32, #tpu.memory_space<vmem>>, vector<1x16xf32>,
        %parallel_loop3A_341 = arith.index_cast %parallel_loop3A_306 : i32 to index
        %parallel_loop3A_342 = arith.constant 32 : index
        %parallel_loop3A_343 = tpu.vector_load %arg16[%parallel_loop3A_341, %parallel_loop3A_342] {strides = array<i32>} : memref<40x128xf32, #tpu.memory_space<vmem>>, vector<1x16xf32>,
        %parallel_loop3A_344 = vector.shape_cast %parallel_loop3A_343 : vector<1x16xf32> to vector<16xf32>
        %parallel_loop3A_345 = arith.index_cast %parallel_loop3A_306 : i32 to index
        %parallel_loop3A_346 = arith.constant 32 : index
        %parallel_loop3A_347 = tpu.vector_load %arg19[%parallel_loop3A_345, %parallel_loop3A_346] {strides = array<i32>} : memref<40x128xf32, #tpu.memory_space<vmem>>, vector<1x16xf32>,
        %parallel_loop3A_348 = vector.shape_cast %parallel_loop3A_347 : vector<1x16xf32> to vector<16xf32>
        %parallel_loop3A_349 = arith.addf %parallel_loop3A_344, %parallel_loop3A_348 : vector<16xf32>
        %parallel_loop3A_350 = arith.constant 0.000000e+00 : f32
        %parallel_loop3A_351 = vector.broadcast %parallel_loop3A_350 : f32 to vector<16xf32>
        %parallel_loop3A_352 = arith.maximumf %parallel_loop3A_349, %parallel_loop3A_351 : vector<16xf32>
        %parallel_loop3A_353 = arith.index_cast %parallel_loop3A_306 : i32 to index
        %parallel_loop3A_354 = arith.constant 32 : index
        %parallel_loop3A_355 = tpu.vector_load %arg22[%parallel_loop3A_353, %parallel_loop3A_354] {strides = array<i32>} : memref<40x128xf32, #tpu.memory_space<vmem>>, vector<1x16xf32>,
        %parallel_loop3A_356 = vector.shape_cast %parallel_loop3A_355 : vector<1x16xf32> to vector<16xf32>
        %parallel_loop3A_357 = vector.shape_cast %parallel_loop3A_352 : vector<16xf32> to vector<1x16xf32>
        tpu.vector_store %arg22[%parallel_loop3A_353, %parallel_loop3A_354], %parallel_loop3A_357 {strides = array<i32>} : memref<40x128xf32, #tpu.memory_space<vmem>>, vector<1x16xf32>,
        %parallel_loop3A_358 = arith.index_cast %parallel_loop3A_306 : i32 to index
        %parallel_loop3A_359 = arith.constant 48 : index
        %parallel_loop3A_360 = tpu.vector_load %arg16[%parallel_loop3A_358, %parallel_loop3A_359] {strides = array<i32>} : memref<40x128xf32, #tpu.memory_space<vmem>>, vector<1x16xf32>,
        %parallel_loop3A_361 = vector.shape_cast %parallel_loop3A_360 : vector<1x16xf32> to vector<16xf32>
        %parallel_loop3A_362 = arith.index_cast %parallel_loop3A_306 : i32 to index
        %parallel_loop3A_363 = arith.constant 48 : index
        %parallel_loop3A_364 = tpu.vector_load %arg19[%parallel_loop3A_362, %parallel_loop3A_363] {strides = array<i32>} : memref<40x128xf32, #tpu.memory_space<vmem>>, vector<1x16xf32>,
        %parallel_loop3A_365 = vector.shape_cast %parallel_loop3A_364 : vector<1x16xf32> to vector<16xf32>
        %parallel_loop3A_366 = arith.addf %parallel_loop3A_361, %parallel_loop3A_365 : vector<16xf32>
        %parallel_loop3A_367 = arith.constant 0.000000e+00 : f32
        %parallel_loop3A_368 = vector.broadcast %parallel_loop3A_367 : f32 to vector<16xf32>
        %parallel_loop3A_369 = arith.maximumf %parallel_loop3A_366, %parallel_loop3A_368 : vector<16xf32>
        %parallel_loop3A_370 = arith.index_cast %parallel_loop3A_306 : i32 to index
        %parallel_loop3A_371 = arith.constant 48 : index
        %parallel_loop3A_372 = tpu.vector_load %arg22[%parallel_loop3A_370, %parallel_loop3A_371] {strides = array<i32>} : memref<40x128xf32, #tpu.memory_space<vmem>>, vector<1x16xf32>,
        %parallel_loop3A_373 = vector.shape_cast %parallel_loop3A_372 : vector<1x16xf32> to vector<16xf32>
        %parallel_loop3A_374 = vector.shape_cast %parallel_loop3A_369 : vector<16xf32> to vector<1x16xf32>
        tpu.vector_store %arg22[%parallel_loop3A_370, %parallel_loop3A_371], %parallel_loop3A_374 {strides = array<i32>} : memref<40x128xf32, #tpu.memory_space<vmem>>, vector<1x16xf32>,
        %parallel_loop3A_375 = arith.index_cast %parallel_loop3A_306 : i32 to index
        %parallel_loop3A_376 = arith.constant 64 : index
        %parallel_loop3A_377 = tpu.vector_load %arg16[%parallel_loop3A_375, %parallel_loop3A_376] {strides = array<i32>} : memref<40x128xf32, #tpu.memory_space<vmem>>, vector<1x16xf32>,
        %parallel_loop3A_378 = vector.shape_cast %parallel_loop3A_377 : vector<1x16xf32> to vector<16xf32>
        %parallel_loop3A_379 = arith.index_cast %parallel_loop3A_306 : i32 to index
        %parallel_loop3A_380 = arith.constant 64 : index
        %parallel_loop3A_381 = tpu.vector_load %arg19[%parallel_loop3A_379, %parallel_loop3A_380] {strides = array<i32>} : memref<40x128xf32, #tpu.memory_space<vmem>>, vector<1x16xf32>,
        %parallel_loop3A_382 = vector.shape_cast %parallel_loop3A_381 : vector<1x16xf32> to vector<16xf32>
        %parallel_loop3A_383 = arith.addf %parallel_loop3A_378, %parallel_loop3A_382 : vector<16xf32>
        %parallel_loop3A_384 = arith.constant 0.000000e+00 : f32
        %parallel_loop3A_385 = vector.broadcast %parallel_loop3A_384 : f32 to vector<16xf32>
        %parallel_loop3A_386 = arith.maximumf %parallel_loop3A_383, %parallel_loop3A_385 : vector<16xf32>
        %parallel_loop3A_387 = arith.index_cast %parallel_loop3A_306 : i32 to index
        %parallel_loop3A_388 = arith.constant 64 : index
        %parallel_loop3A_389 = tpu.vector_load %arg22[%parallel_loop3A_387, %parallel_loop3A_388] {strides = array<i32>} : memref<40x128xf32, #tpu.memory_space<vmem>>, vector<1x16xf32>,
        %parallel_loop3A_390 = vector.shape_cast %parallel_loop3A_389 : vector<1x16xf32> to vector<16xf32>
        %parallel_loop3A_391 = vector.shape_cast %parallel_loop3A_386 : vector<16xf32> to vector<1x16xf32>
        tpu.vector_store %arg22[%parallel_loop3A_387, %parallel_loop3A_388], %parallel_loop3A_391 {strides = array<i32>} : memref<40x128xf32, #tpu.memory_space<vmem>>, vector<1x16xf32>,
        %parallel_loop3A_392 = arith.index_cast %parallel_loop3A_306 : i32 to index
        %parallel_loop3A_393 = arith.constant 80 : index
        %parallel_loop3A_394 = tpu.vector_load %arg16[%parallel_loop3A_392, %parallel_loop3A_393] {strides = array<i32>} : memref<40x128xf32, #tpu.memory_space<vmem>>, vector<1x16xf32>,
        %parallel_loop3A_395 = vector.shape_cast %parallel_loop3A_394 : vector<1x16xf32> to vector<16xf32>
        %parallel_loop3A_396 = arith.index_cast %parallel_loop3A_306 : i32 to index
        %parallel_loop3A_397 = arith.constant 80 : index
        %parallel_loop3A_398 = tpu.vector_load %arg19[%parallel_loop3A_396, %parallel_loop3A_397] {strides = array<i32>} : memref<40x128xf32, #tpu.memory_space<vmem>>, vector<1x16xf32>,
        %parallel_loop3A_399 = vector.shape_cast %parallel_loop3A_398 : vector<1x16xf32> to vector<16xf32>
        %parallel_loop3A_400 = arith.addf %parallel_loop3A_395, %parallel_loop3A_399 : vector<16xf32>
        %parallel_loop3A_401 = arith.constant 0.000000e+00 : f32
        %parallel_loop3A_402 = vector.broadcast %parallel_loop3A_401 : f32 to vector<16xf32>
        %parallel_loop3A_403 = arith.maximumf %parallel_loop3A_400, %parallel_loop3A_402 : vector<16xf32>
        %parallel_loop3A_404 = arith.index_cast %parallel_loop3A_306 : i32 to index
        %parallel_loop3A_405 = arith.constant 80 : index
        %parallel_loop3A_406 = tpu.vector_load %arg22[%parallel_loop3A_404, %parallel_loop3A_405] {strides = array<i32>} : memref<40x128xf32, #tpu.memory_space<vmem>>, vector<1x16xf32>,
        %parallel_loop3A_407 = vector.shape_cast %parallel_loop3A_406 : vector<1x16xf32> to vector<16xf32>
        %parallel_loop3A_408 = vector.shape_cast %parallel_loop3A_403 : vector<16xf32> to vector<1x16xf32>
        tpu.vector_store %arg22[%parallel_loop3A_404, %parallel_loop3A_405], %parallel_loop3A_408 {strides = array<i32>} : memref<40x128xf32, #tpu.memory_space<vmem>>, vector<1x16xf32>,
        %parallel_loop3A_409 = arith.index_cast %parallel_loop3A_306 : i32 to index
        %parallel_loop3A_410 = arith.constant 96 : index
        %parallel_loop3A_411 = tpu.vector_load %arg16[%parallel_loop3A_409, %parallel_loop3A_410] {strides = array<i32>} : memref<40x128xf32, #tpu.memory_space<vmem>>, vector<1x16xf32>,
        %parallel_loop3A_412 = vector.shape_cast %parallel_loop3A_411 : vector<1x16xf32> to vector<16xf32>
        %parallel_loop3A_413 = arith.index_cast %parallel_loop3A_306 : i32 to index
        %parallel_loop3A_414 = arith.constant 96 : index
        %parallel_loop3A_415 = tpu.vector_load %arg19[%parallel_loop3A_413, %parallel_loop3A_414] {strides = array<i32>} : memref<40x128xf32, #tpu.memory_space<vmem>>, vector<1x16xf32>,
        %parallel_loop3A_416 = vector.shape_cast %parallel_loop3A_415 : vector<1x16xf32> to vector<16xf32>
        %parallel_loop3A_417 = arith.addf %parallel_loop3A_412, %parallel_loop3A_416 : vector<16xf32>
        %parallel_loop3A_418 = arith.constant 0.000000e+00 : f32
        %parallel_loop3A_419 = vector.broadcast %parallel_loop3A_418 : f32 to vector<16xf32>
        %parallel_loop3A_420 = arith.maximumf %parallel_loop3A_417, %parallel_loop3A_419 : vector<16xf32>
        %parallel_loop3A_421 = arith.index_cast %parallel_loop3A_306 : i32 to index
        %parallel_loop3A_422 = arith.constant 96 : index
        %parallel_loop3A_423 = tpu.vector_load %arg22[%parallel_loop3A_421, %parallel_loop3A_422] {strides = array<i32>} : memref<40x128xf32, #tpu.memory_space<vmem>>, vector<1x16xf32>,
        %parallel_loop3A_424 = vector.shape_cast %parallel_loop3A_423 : vector<1x16xf32> to vector<16xf32>
        %parallel_loop3A_425 = vector.shape_cast %parallel_loop3A_420 : vector<16xf32> to vector<1x16xf32>
        tpu.vector_store %arg22[%parallel_loop3A_421, %parallel_loop3A_422], %parallel_loop3A_425 {strides = array<i32>} : memref<40x128xf32, #tpu.memory_space<vmem>>, vector<1x16xf32>,
        %parallel_loop3A_426 = arith.index_cast %parallel_loop3A_306 : i32 to index
        %parallel_loop3A_427 = arith.constant 112 : index
        %parallel_loop3A_428 = tpu.vector_load %arg16[%parallel_loop3A_426, %parallel_loop3A_427] {strides = array<i32>} : memref<40x128xf32, #tpu.memory_space<vmem>>, vector<1x16xf32>,
        %parallel_loop3A_429 = vector.shape_cast %parallel_loop3A_428 : vector<1x16xf32> to vector<16xf32>
        %parallel_loop3A_430 = arith.index_cast %parallel_loop3A_306 : i32 to index
        %parallel_loop3A_431 = arith.constant 112 : index
        %parallel_loop3A_432 = tpu.vector_load %arg19[%parallel_loop3A_430, %parallel_loop3A_431] {strides = array<i32>} : memref<40x128xf32, #tpu.memory_space<vmem>>, vector<1x16xf32>,
        %parallel_loop3A_433 = vector.shape_cast %parallel_loop3A_432 : vector<1x16xf32> to vector<16xf32>
        %parallel_loop3A_434 = arith.addf %parallel_loop3A_429, %parallel_loop3A_433 : vector<16xf32>
        %parallel_loop3A_435 = arith.constant 0.000000e+00 : f32
        %parallel_loop3A_436 = vector.broadcast %parallel_loop3A_435 : f32 to vector<16xf32>
        %parallel_loop3A_437 = arith.maximumf %parallel_loop3A_434, %parallel_loop3A_436 : vector<16xf32>
        %parallel_loop3A_438 = arith.index_cast %parallel_loop3A_306 : i32 to index
        %parallel_loop3A_439 = arith.constant 112 : index
        %parallel_loop3A_440 = tpu.vector_load %arg22[%parallel_loop3A_438, %parallel_loop3A_439] {strides = array<i32>} : memref<40x128xf32, #tpu.memory_space<vmem>>, vector<1x16xf32>,
        %parallel_loop3A_441 = vector.shape_cast %parallel_loop3A_440 : vector<1x16xf32> to vector<16xf32>
        %parallel_loop3A_442 = vector.shape_cast %parallel_loop3A_437 : vector<16xf32> to vector<1x16xf32>
        tpu.vector_store %arg22[%parallel_loop3A_438, %parallel_loop3A_439], %parallel_loop3A_442 {strides = array<i32>} : memref<40x128xf32, #tpu.memory_space<vmem>>, vector<1x16xf32>,
      } {sc.loop_unroll_factor = 4 : i64, sc.parallel_access}
      %get3A_167 = arith.constant 0 : index
      %get3A_168 = tpu.vector_load %arg10[%get3A_167] {strides = array<i32>} : memref<40xi32, #tpu.memory_space<vmem>>, vector<16xi32>,
      %get3A_169 = vector.shape_cast %get3A_168 : vector<16xi32> to vector<16xi32>
      %swap3A_170 = arith.constant 0 : index
      %swap3A_171 = tpu.vector_load %arg13[%swap3A_170] {strides = array<i32>} : memref<40xi32, #tpu.memory_space<vmem>>, vector<16xi32>,
      %swap3A_172 = vector.shape_cast %swap3A_171 : vector<16xi32> to vector<16xi32>
      %swap3A_173 = vector.shape_cast %get3A_169 : vector<16xi32> to vector<16xi32>
      tpu.vector_store %arg13[%swap3A_170], %swap3A_173 {strides = array<i32>} : memref<40xi32, #tpu.memory_space<vmem>>, vector<16xi32>,
      %get3A_174 = arith.constant 16 : index
      %get3A_175 = tpu.vector_load %arg10[%get3A_174] {strides = array<i32>} : memref<40xi32, #tpu.memory_space<vmem>>, vector<16xi32>,
      %get3A_176 = vector.shape_cast %get3A_175 : vector<16xi32> to vector<16xi32>
      %swap3A_177 = arith.constant 16 : index
      %swap3A_178 = tpu.vector_load %arg13[%swap3A_177] {strides = array<i32>} : memref<40xi32, #tpu.memory_space<vmem>>, vector<16xi32>,
      %swap3A_179 = vector.shape_cast %swap3A_178 : vector<16xi32> to vector<16xi32>
      %swap3A_180 = vector.shape_cast %get3A_176 : vector<16xi32> to vector<16xi32>
      tpu.vector_store %arg13[%swap3A_177], %swap3A_180 {strides = array<i32>} : memref<40xi32, #tpu.memory_space<vmem>>, vector<16xi32>,
      %get3A_181 = arith.constant 24 : index
      %get3A_182 = tpu.vector_load %arg10[%get3A_181] {strides = array<i32>} : memref<40xi32, #tpu.memory_space<vmem>>, vector<16xi32>,
      %get3A_183 = vector.shape_cast %get3A_182 : vector<16xi32> to vector<16xi32>
      %swap3A_184 = arith.constant 24 : index
      %swap3A_185 = tpu.vector_load %arg13[%swap3A_184] {strides = array<i32>} : memref<40xi32, #tpu.memory_space<vmem>>, vector<16xi32>,
      %swap3A_186 = vector.shape_cast %swap3A_185 : vector<16xi32> to vector<16xi32>
      %swap3A_187 = vector.shape_cast %get3A_183 : vector<16xi32> to vector<16xi32>
      tpu.vector_store %arg13[%swap3A_184], %swap3A_187 {strides = array<i32>} : memref<40xi32, #tpu.memory_space<vmem>>, vector<16xi32>,
      %dma_start3A_188 = arith.constant 0 : i32
      %dma_start3A_189 = arith.constant 0 : i32
      %dma_start3A_190 = tpu.memref_slice %arg25[%dma_start3A_188, %dma_start3A_189] : memref<10000x128xf32, #tpu.memory_space<vmem_shared>> -> memref<10000x128xf32, #tpu.memory_space<vmem_shared>>
      tpu.enqueue_indirect_dma source(%arg22 : memref<40x128xf32, #tpu.memory_space<vmem>>) target(%dma_start3A_190 : memref<10000x128xf32, #tpu.memory_space<vmem_shared>>) offsets(%arg13 : memref<40xi32, #tpu.memory_space<vmem>>) semaphore(%arg32 : memref<!tpu.dma_semaphore, #tpu.memory_space<semaphore_mem>>) {add = true}
      %add3A_191 = arith.constant 3 : i32
      %add3A_192 = arith.addi %add3A_147, %add3A_191 : i32
      %lt3A_193 = arith.constant 250 : i32
      %lt3A_194 = arith.cmpi slt, %add3A_192, %lt3A_193 : i32
      %convert_element_type3A_195 = arith.extui %lt3A_194 : i1 to i32
      %cond3A_196 = arith.constant 0 : i32
      %cond3A_197 = arith.cmpi ne, %convert_element_type3A_195, %cond3A_196 : i32
      scf.if %cond3A_197 {
        %add3A_306 = arith.constant 3 : i32
        %add3A_307 = arith.addi %add3A_147, %add3A_306 : i32
        %mul3A_308 = arith.constant 40 : i32
        %mul3A_309 = arith.muli %add3A_307, %mul3A_308 : i32
        %add3A_310 = arith.addi %mul3A_2, %mul3A_309 : i32
        %dma_start3A_311 = tpu.memref_slice %arg2[%add3A_310] : memref<320000xi32, #tpu.memory_space<hbm>> -> memref<40xi32, #tpu.memory_space<hbm>>
        %dma_start3A_312 = tpu.memref_slice %arg2[%add3A_310] : memref<320000xi32, #tpu.memory_space<hbm>> -> memref<40xi32, #tpu.memory_space<hbm>>
        tpu.enqueue_dma source(%dma_start3A_312 : memref<40xi32, #tpu.memory_space<hbm>>) target(%arg7 : memref<40xi32, #tpu.memory_space<vmem>>) target_semaphore(%arg29 : memref<!tpu.dma_semaphore, #tpu.memory_space<semaphore_mem>>)
        %dma_start3A_313 = tpu.memref_slice %arg3[%add3A_310] : memref<320000xi32, #tpu.memory_space<hbm>> -> memref<40xi32, #tpu.memory_space<hbm>>
        %dma_start3A_314 = tpu.memref_slice %arg3[%add3A_310] : memref<320000xi32, #tpu.memory_space<hbm>> -> memref<40xi32, #tpu.memory_space<hbm>>
        tpu.enqueue_dma source(%dma_start3A_314 : memref<40xi32, #tpu.memory_space<hbm>>) target(%arg10 : memref<40xi32, #tpu.memory_space<vmem>>) target_semaphore(%arg29 : memref<!tpu.dma_semaphore, #tpu.memory_space<semaphore_mem>>)
      } else {
      }
      %add3A_198 = arith.constant 1 : i32
      %add3A_199 = arith.addi %mul3A_145, %add3A_198 : i32
      %add3A_200 = arith.constant 2 : i32
      %add3A_201 = arith.addi %add3A_199, %add3A_200 : i32
      %lt3A_202 = arith.constant 250 : i32
      %lt3A_203 = arith.cmpi slt, %add3A_201, %lt3A_202 : i32
      %convert_element_type3A_204 = arith.extui %lt3A_203 : i1 to i32
      %cond3A_205 = arith.constant 0 : i32
      %cond3A_206 = arith.cmpi ne, %convert_element_type3A_204, %cond3A_205 : i32
      scf.if %cond3A_206 {
        %dma_wait3A_306 = arith.constant 0 : i32
        %dma_wait3A_307 = tpu.memref_slice %arg2[%dma_wait3A_306] : memref<320000xi32, #tpu.memory_space<hbm>> -> memref<40xi32, #tpu.memory_space<hbm>>
        %dma_wait3A_308 = arith.constant 0 : i32
        %dma_wait3A_309 = tpu.memref_slice %arg2[%dma_wait3A_308] : memref<320000xi32, #tpu.memory_space<hbm>> -> memref<40xi32, #tpu.memory_space<hbm>>
        tpu.wait_dma2 semaphore(%arg29 : memref<!tpu.dma_semaphore, #tpu.memory_space<semaphore_mem>>) src(%dma_wait3A_309 : memref<40xi32, #tpu.memory_space<hbm>>) dst(%arg7 : memref<40xi32, #tpu.memory_space<vmem>>)
        %dma_wait3A_310 = arith.constant 0 : i32
        %dma_wait3A_311 = tpu.memref_slice %arg3[%dma_wait3A_310] : memref<320000xi32, #tpu.memory_space<hbm>> -> memref<40xi32, #tpu.memory_space<hbm>>
        %dma_wait3A_312 = arith.constant 0 : i32
        %dma_wait3A_313 = tpu.memref_slice %arg3[%dma_wait3A_312] : memref<320000xi32, #tpu.memory_space<hbm>> -> memref<40xi32, #tpu.memory_space<hbm>>
        tpu.wait_dma2 semaphore(%arg29 : memref<!tpu.dma_semaphore, #tpu.memory_space<semaphore_mem>>) src(%dma_wait3A_313 : memref<40xi32, #tpu.memory_space<hbm>>) dst(%arg10 : memref<40xi32, #tpu.memory_space<vmem>>)
        %dma_start3A_314 = arith.constant 0 : i32
        %dma_start3A_315 = arith.constant 0 : i32
        %dma_start3A_316 = tpu.memref_slice %arg4[%dma_start3A_314, %dma_start3A_315] : memref<10000x128xf32, #tpu.memory_space<hbm>> -> memref<10000x128xf32, #tpu.memory_space<hbm>>
        tpu.enqueue_indirect_dma source(%dma_start3A_316 : memref<10000x128xf32, #tpu.memory_space<hbm>>) target(%arg16 : memref<40x128xf32, #tpu.memory_space<vmem>>) offsets(%arg7 : memref<40xi32, #tpu.memory_space<vmem>>) semaphore(%arg26 : memref<!tpu.dma_semaphore, #tpu.memory_space<semaphore_mem>>)
        %dma_start3A_317 = arith.constant 0 : i32
        %dma_start3A_318 = arith.constant 0 : i32
        %dma_start3A_319 = tpu.memref_slice %arg5[%dma_start3A_317, %dma_start3A_318] : memref<10000x128xf32, #tpu.memory_space<hbm>> -> memref<10000x128xf32, #tpu.memory_space<hbm>>
        tpu.enqueue_indirect_dma source(%dma_start3A_319 : memref<10000x128xf32, #tpu.memory_space<hbm>>) target(%arg19 : memref<40x128xf32, #tpu.memory_space<vmem>>) offsets(%arg10 : memref<40xi32, #tpu.memory_space<vmem>>) semaphore(%arg26 : memref<!tpu.dma_semaphore, #tpu.memory_space<semaphore_mem>>)
      } else {
      }
      %dma_wait3A_207 = arith.constant 0 : i32
      %dma_wait3A_208 = arith.constant 0 : i32
      %dma_wait3A_209 = tpu.memref_slice %arg4[%dma_wait3A_207, %dma_wait3A_208] : memref<10000x128xf32, #tpu.memory_space<hbm>> -> memref<10000x128xf32, #tpu.memory_space<hbm>>
      tpu.wait_indirect_dma semaphore(%arg27 : memref<!tpu.dma_semaphore, #tpu.memory_space<semaphore_mem>>) src(%dma_wait3A_209 : memref<10000x128xf32, #tpu.memory_space<hbm>>) dst(%arg17 : memref<40x128xf32, #tpu.memory_space<vmem>>)
      %dma_wait3A_210 = arith.constant 0 : i32
      %dma_wait3A_211 = arith.constant 0 : i32
      %dma_wait3A_212 = tpu.memref_slice %arg5[%dma_wait3A_210, %dma_wait3A_211] : memref<10000x128xf32, #tpu.memory_space<hbm>> -> memref<10000x128xf32, #tpu.memory_space<hbm>>
      tpu.wait_indirect_dma semaphore(%arg27 : memref<!tpu.dma_semaphore, #tpu.memory_space<semaphore_mem>>) src(%dma_wait3A_212 : memref<10000x128xf32, #tpu.memory_space<hbm>>) dst(%arg20 : memref<40x128xf32, #tpu.memory_space<vmem>>)
      %gt3A_213 = arith.constant 0 : i32
      %gt3A_214 = arith.cmpi sgt, %scan3A_143, %gt3A_213 : i32
      %convert_element_type3A_215 = arith.extui %gt3A_214 : i1 to i32
      %cond3A_216 = arith.constant 0 : i32
      %cond3A_217 = arith.cmpi ne, %convert_element_type3A_215, %cond3A_216 : i32
      scf.if %cond3A_217 {
        %dma_wait3A_306 = arith.constant 0 : i32
        %dma_wait3A_307 = arith.constant 0 : i32
        %dma_wait3A_308 = tpu.memref_slice %arg25[%dma_wait3A_306, %dma_wait3A_307] : memref<10000x128xf32, #tpu.memory_space<vmem_shared>> -> memref<10000x128xf32, #tpu.memory_space<vmem_shared>>
        tpu.wait_indirect_dma semaphore(%arg33 : memref<!tpu.dma_semaphore, #tpu.memory_space<semaphore_mem>>) src(%arg23 : memref<40x128xf32, #tpu.memory_space<vmem>>) dst(%dma_wait3A_308 : memref<10000x128xf32, #tpu.memory_space<vmem_shared>>)
      } else {
      }
      %parallel_loop3A_218 = arith.constant 0 : i32
      %parallel_loop3A_219 = arith.constant 40 : i32
      %parallel_loop3A_220 = arith.constant 1 : i32
      scf.for %parallel_loop3A_306 = %parallel_loop3A_218 to %parallel_loop3A_219 step %parallel_loop3A_220  : i32 {
        %parallel_loop3A_307 = arith.index_cast %parallel_loop3A_306 : i32 to index
        %parallel_loop3A_308 = arith.constant 0 : index
        %parallel_loop3A_309 = tpu.vector_load %arg17[%parallel_loop3A_307, %parallel_loop3A_308] {strides = array<i32>} : memref<40x128xf32, #tpu.memory_space<vmem>>, vector<1x16xf32>,
        %parallel_loop3A_310 = vector.shape_cast %parallel_loop3A_309 : vector<1x16xf32> to vector<16xf32>
        %parallel_loop3A_311 = arith.index_cast %parallel_loop3A_306 : i32 to index
        %parallel_loop3A_312 = arith.constant 0 : index
        %parallel_loop3A_313 = tpu.vector_load %arg20[%parallel_loop3A_311, %parallel_loop3A_312] {strides = array<i32>} : memref<40x128xf32, #tpu.memory_space<vmem>>, vector<1x16xf32>,
        %parallel_loop3A_314 = vector.shape_cast %parallel_loop3A_313 : vector<1x16xf32> to vector<16xf32>
        %parallel_loop3A_315 = arith.addf %parallel_loop3A_310, %parallel_loop3A_314 : vector<16xf32>
        %parallel_loop3A_316 = arith.constant 0.000000e+00 : f32
        %parallel_loop3A_317 = vector.broadcast %parallel_loop3A_316 : f32 to vector<16xf32>
        %parallel_loop3A_318 = arith.maximumf %parallel_loop3A_315, %parallel_loop3A_317 : vector<16xf32>
        %parallel_loop3A_319 = arith.index_cast %parallel_loop3A_306 : i32 to index
        %parallel_loop3A_320 = arith.constant 0 : index
        %parallel_loop3A_321 = tpu.vector_load %arg23[%parallel_loop3A_319, %parallel_loop3A_320] {strides = array<i32>} : memref<40x128xf32, #tpu.memory_space<vmem>>, vector<1x16xf32>,
        %parallel_loop3A_322 = vector.shape_cast %parallel_loop3A_321 : vector<1x16xf32> to vector<16xf32>
        %parallel_loop3A_323 = vector.shape_cast %parallel_loop3A_318 : vector<16xf32> to vector<1x16xf32>
        tpu.vector_store %arg23[%parallel_loop3A_319, %parallel_loop3A_320], %parallel_loop3A_323 {strides = array<i32>} : memref<40x128xf32, #tpu.memory_space<vmem>>, vector<1x16xf32>,
        %parallel_loop3A_324 = arith.index_cast %parallel_loop3A_306 : i32 to index
        %parallel_loop3A_325 = arith.constant 16 : index
        %parallel_loop3A_326 = tpu.vector_load %arg17[%parallel_loop3A_324, %parallel_loop3A_325] {strides = array<i32>} : memref<40x128xf32, #tpu.memory_space<vmem>>, vector<1x16xf32>,
        %parallel_loop3A_327 = vector.shape_cast %parallel_loop3A_326 : vector<1x16xf32> to vector<16xf32>
        %parallel_loop3A_328 = arith.index_cast %parallel_loop3A_306 : i32 to index
        %parallel_loop3A_329 = arith.constant 16 : index
        %parallel_loop3A_330 = tpu.vector_load %arg20[%parallel_loop3A_328, %parallel_loop3A_329] {strides = array<i32>} : memref<40x128xf32, #tpu.memory_space<vmem>>, vector<1x16xf32>,
        %parallel_loop3A_331 = vector.shape_cast %parallel_loop3A_330 : vector<1x16xf32> to vector<16xf32>
        %parallel_loop3A_332 = arith.addf %parallel_loop3A_327, %parallel_loop3A_331 : vector<16xf32>
        %parallel_loop3A_333 = arith.constant 0.000000e+00 : f32
        %parallel_loop3A_334 = vector.broadcast %parallel_loop3A_333 : f32 to vector<16xf32>
        %parallel_loop3A_335 = arith.maximumf %parallel_loop3A_332, %parallel_loop3A_334 : vector<16xf32>
        %parallel_loop3A_336 = arith.index_cast %parallel_loop3A_306 : i32 to index
        %parallel_loop3A_337 = arith.constant 16 : index
        %parallel_loop3A_338 = tpu.vector_load %arg23[%parallel_loop3A_336, %parallel_loop3A_337] {strides = array<i32>} : memref<40x128xf32, #tpu.memory_space<vmem>>, vector<1x16xf32>,
        %parallel_loop3A_339 = vector.shape_cast %parallel_loop3A_338 : vector<1x16xf32> to vector<16xf32>
        %parallel_loop3A_340 = vector.shape_cast %parallel_loop3A_335 : vector<16xf32> to vector<1x16xf32>
        tpu.vector_store %arg23[%parallel_loop3A_336, %parallel_loop3A_337], %parallel_loop3A_340 {strides = array<i32>} : memref<40x128xf32, #tpu.memory_space<vmem>>, vector<1x16xf32>,
        %parallel_loop3A_341 = arith.index_cast %parallel_loop3A_306 : i32 to index
        %parallel_loop3A_342 = arith.constant 32 : index
        %parallel_loop3A_343 = tpu.vector_load %arg17[%parallel_loop3A_341, %parallel_loop3A_342] {strides = array<i32>} : memref<40x128xf32, #tpu.memory_space<vmem>>, vector<1x16xf32>,
        %parallel_loop3A_344 = vector.shape_cast %parallel_loop3A_343 : vector<1x16xf32> to vector<16xf32>
        %parallel_loop3A_345 = arith.index_cast %parallel_loop3A_306 : i32 to index
        %parallel_loop3A_346 = arith.constant 32 : index
        %parallel_loop3A_347 = tpu.vector_load %arg20[%parallel_loop3A_345, %parallel_loop3A_346] {strides = array<i32>} : memref<40x128xf32, #tpu.memory_space<vmem>>, vector<1x16xf32>,
        %parallel_loop3A_348 = vector.shape_cast %parallel_loop3A_347 : vector<1x16xf32> to vector<16xf32>
        %parallel_loop3A_349 = arith.addf %parallel_loop3A_344, %parallel_loop3A_348 : vector<16xf32>
        %parallel_loop3A_350 = arith.constant 0.000000e+00 : f32
        %parallel_loop3A_351 = vector.broadcast %parallel_loop3A_350 : f32 to vector<16xf32>
        %parallel_loop3A_352 = arith.maximumf %parallel_loop3A_349, %parallel_loop3A_351 : vector<16xf32>
        %parallel_loop3A_353 = arith.index_cast %parallel_loop3A_306 : i32 to index
        %parallel_loop3A_354 = arith.constant 32 : index
        %parallel_loop3A_355 = tpu.vector_load %arg23[%parallel_loop3A_353, %parallel_loop3A_354] {strides = array<i32>} : memref<40x128xf32, #tpu.memory_space<vmem>>, vector<1x16xf32>,
        %parallel_loop3A_356 = vector.shape_cast %parallel_loop3A_355 : vector<1x16xf32> to vector<16xf32>
        %parallel_loop3A_357 = vector.shape_cast %parallel_loop3A_352 : vector<16xf32> to vector<1x16xf32>
        tpu.vector_store %arg23[%parallel_loop3A_353, %parallel_loop3A_354], %parallel_loop3A_357 {strides = array<i32>} : memref<40x128xf32, #tpu.memory_space<vmem>>, vector<1x16xf32>,
        %parallel_loop3A_358 = arith.index_cast %parallel_loop3A_306 : i32 to index
        %parallel_loop3A_359 = arith.constant 48 : index
        %parallel_loop3A_360 = tpu.vector_load %arg17[%parallel_loop3A_358, %parallel_loop3A_359] {strides = array<i32>} : memref<40x128xf32, #tpu.memory_space<vmem>>, vector<1x16xf32>,
        %parallel_loop3A_361 = vector.shape_cast %parallel_loop3A_360 : vector<1x16xf32> to vector<16xf32>
        %parallel_loop3A_362 = arith.index_cast %parallel_loop3A_306 : i32 to index
        %parallel_loop3A_363 = arith.constant 48 : index
        %parallel_loop3A_364 = tpu.vector_load %arg20[%parallel_loop3A_362, %parallel_loop3A_363] {strides = array<i32>} : memref<40x128xf32, #tpu.memory_space<vmem>>, vector<1x16xf32>,
        %parallel_loop3A_365 = vector.shape_cast %parallel_loop3A_364 : vector<1x16xf32> to vector<16xf32>
        %parallel_loop3A_366 = arith.addf %parallel_loop3A_361, %parallel_loop3A_365 : vector<16xf32>
        %parallel_loop3A_367 = arith.constant 0.000000e+00 : f32
        %parallel_loop3A_368 = vector.broadcast %parallel_loop3A_367 : f32 to vector<16xf32>
        %parallel_loop3A_369 = arith.maximumf %parallel_loop3A_366, %parallel_loop3A_368 : vector<16xf32>
        %parallel_loop3A_370 = arith.index_cast %parallel_loop3A_306 : i32 to index
        %parallel_loop3A_371 = arith.constant 48 : index
        %parallel_loop3A_372 = tpu.vector_load %arg23[%parallel_loop3A_370, %parallel_loop3A_371] {strides = array<i32>} : memref<40x128xf32, #tpu.memory_space<vmem>>, vector<1x16xf32>,
        %parallel_loop3A_373 = vector.shape_cast %parallel_loop3A_372 : vector<1x16xf32> to vector<16xf32>
        %parallel_loop3A_374 = vector.shape_cast %parallel_loop3A_369 : vector<16xf32> to vector<1x16xf32>
        tpu.vector_store %arg23[%parallel_loop3A_370, %parallel_loop3A_371], %parallel_loop3A_374 {strides = array<i32>} : memref<40x128xf32, #tpu.memory_space<vmem>>, vector<1x16xf32>,
        %parallel_loop3A_375 = arith.index_cast %parallel_loop3A_306 : i32 to index
        %parallel_loop3A_376 = arith.constant 64 : index
        %parallel_loop3A_377 = tpu.vector_load %arg17[%parallel_loop3A_375, %parallel_loop3A_376] {strides = array<i32>} : memref<40x128xf32, #tpu.memory_space<vmem>>, vector<1x16xf32>,
        %parallel_loop3A_378 = vector.shape_cast %parallel_loop3A_377 : vector<1x16xf32> to vector<16xf32>
        %parallel_loop3A_379 = arith.index_cast %parallel_loop3A_306 : i32 to index
        %parallel_loop3A_380 = arith.constant 64 : index
        %parallel_loop3A_381 = tpu.vector_load %arg20[%parallel_loop3A_379, %parallel_loop3A_380] {strides = array<i32>} : memref<40x128xf32, #tpu.memory_space<vmem>>, vector<1x16xf32>,
        %parallel_loop3A_382 = vector.shape_cast %parallel_loop3A_381 : vector<1x16xf32> to vector<16xf32>
        %parallel_loop3A_383 = arith.addf %parallel_loop3A_378, %parallel_loop3A_382 : vector<16xf32>
        %parallel_loop3A_384 = arith.constant 0.000000e+00 : f32
        %parallel_loop3A_385 = vector.broadcast %parallel_loop3A_384 : f32 to vector<16xf32>
        %parallel_loop3A_386 = arith.maximumf %parallel_loop3A_383, %parallel_loop3A_385 : vector<16xf32>
        %parallel_loop3A_387 = arith.index_cast %parallel_loop3A_306 : i32 to index
        %parallel_loop3A_388 = arith.constant 64 : index
        %parallel_loop3A_389 = tpu.vector_load %arg23[%parallel_loop3A_387, %parallel_loop3A_388] {strides = array<i32>} : memref<40x128xf32, #tpu.memory_space<vmem>>, vector<1x16xf32>,
        %parallel_loop3A_390 = vector.shape_cast %parallel_loop3A_389 : vector<1x16xf32> to vector<16xf32>
        %parallel_loop3A_391 = vector.shape_cast %parallel_loop3A_386 : vector<16xf32> to vector<1x16xf32>
        tpu.vector_store %arg23[%parallel_loop3A_387, %parallel_loop3A_388], %parallel_loop3A_391 {strides = array<i32>} : memref<40x128xf32, #tpu.memory_space<vmem>>, vector<1x16xf32>,
        %parallel_loop3A_392 = arith.index_cast %parallel_loop3A_306 : i32 to index
        %parallel_loop3A_393 = arith.constant 80 : index
        %parallel_loop3A_394 = tpu.vector_load %arg17[%parallel_loop3A_392, %parallel_loop3A_393] {strides = array<i32>} : memref<40x128xf32, #tpu.memory_space<vmem>>, vector<1x16xf32>,
        %parallel_loop3A_395 = vector.shape_cast %parallel_loop3A_394 : vector<1x16xf32> to vector<16xf32>
        %parallel_loop3A_396 = arith.index_cast %parallel_loop3A_306 : i32 to index
        %parallel_loop3A_397 = arith.constant 80 : index
        %parallel_loop3A_398 = tpu.vector_load %arg20[%parallel_loop3A_396, %parallel_loop3A_397] {strides = array<i32>} : memref<40x128xf32, #tpu.memory_space<vmem>>, vector<1x16xf32>,
        %parallel_loop3A_399 = vector.shape_cast %parallel_loop3A_398 : vector<1x16xf32> to vector<16xf32>
        %parallel_loop3A_400 = arith.addf %parallel_loop3A_395, %parallel_loop3A_399 : vector<16xf32>
        %parallel_loop3A_401 = arith.constant 0.000000e+00 : f32
        %parallel_loop3A_402 = vector.broadcast %parallel_loop3A_401 : f32 to vector<16xf32>
        %parallel_loop3A_403 = arith.maximumf %parallel_loop3A_400, %parallel_loop3A_402 : vector<16xf32>
        %parallel_loop3A_404 = arith.index_cast %parallel_loop3A_306 : i32 to index
        %parallel_loop3A_405 = arith.constant 80 : index
        %parallel_loop3A_406 = tpu.vector_load %arg23[%parallel_loop3A_404, %parallel_loop3A_405] {strides = array<i32>} : memref<40x128xf32, #tpu.memory_space<vmem>>, vector<1x16xf32>,
        %parallel_loop3A_407 = vector.shape_cast %parallel_loop3A_406 : vector<1x16xf32> to vector<16xf32>
        %parallel_loop3A_408 = vector.shape_cast %parallel_loop3A_403 : vector<16xf32> to vector<1x16xf32>
        tpu.vector_store %arg23[%parallel_loop3A_404, %parallel_loop3A_405], %parallel_loop3A_408 {strides = array<i32>} : memref<40x128xf32, #tpu.memory_space<vmem>>, vector<1x16xf32>,
        %parallel_loop3A_409 = arith.index_cast %parallel_loop3A_306 : i32 to index
        %parallel_loop3A_410 = arith.constant 96 : index
        %parallel_loop3A_411 = tpu.vector_load %arg17[%parallel_loop3A_409, %parallel_loop3A_410] {strides = array<i32>} : memref<40x128xf32, #tpu.memory_space<vmem>>, vector<1x16xf32>,
        %parallel_loop3A_412 = vector.shape_cast %parallel_loop3A_411 : vector<1x16xf32> to vector<16xf32>
        %parallel_loop3A_413 = arith.index_cast %parallel_loop3A_306 : i32 to index
        %parallel_loop3A_414 = arith.constant 96 : index
        %parallel_loop3A_415 = tpu.vector_load %arg20[%parallel_loop3A_413, %parallel_loop3A_414] {strides = array<i32>} : memref<40x128xf32, #tpu.memory_space<vmem>>, vector<1x16xf32>,
        %parallel_loop3A_416 = vector.shape_cast %parallel_loop3A_415 : vector<1x16xf32> to vector<16xf32>
        %parallel_loop3A_417 = arith.addf %parallel_loop3A_412, %parallel_loop3A_416 : vector<16xf32>
        %parallel_loop3A_418 = arith.constant 0.000000e+00 : f32
        %parallel_loop3A_419 = vector.broadcast %parallel_loop3A_418 : f32 to vector<16xf32>
        %parallel_loop3A_420 = arith.maximumf %parallel_loop3A_417, %parallel_loop3A_419 : vector<16xf32>
        %parallel_loop3A_421 = arith.index_cast %parallel_loop3A_306 : i32 to index
        %parallel_loop3A_422 = arith.constant 96 : index
        %parallel_loop3A_423 = tpu.vector_load %arg23[%parallel_loop3A_421, %parallel_loop3A_422] {strides = array<i32>} : memref<40x128xf32, #tpu.memory_space<vmem>>, vector<1x16xf32>,
        %parallel_loop3A_424 = vector.shape_cast %parallel_loop3A_423 : vector<1x16xf32> to vector<16xf32>
        %parallel_loop3A_425 = vector.shape_cast %parallel_loop3A_420 : vector<16xf32> to vector<1x16xf32>
        tpu.vector_store %arg23[%parallel_loop3A_421, %parallel_loop3A_422], %parallel_loop3A_425 {strides = array<i32>} : memref<40x128xf32, #tpu.memory_space<vmem>>, vector<1x16xf32>,
        %parallel_loop3A_426 = arith.index_cast %parallel_loop3A_306 : i32 to index
        %parallel_loop3A_427 = arith.constant 112 : index
        %parallel_loop3A_428 = tpu.vector_load %arg17[%parallel_loop3A_426, %parallel_loop3A_427] {strides = array<i32>} : memref<40x128xf32, #tpu.memory_space<vmem>>, vector<1x16xf32>,
        %parallel_loop3A_429 = vector.shape_cast %parallel_loop3A_428 : vector<1x16xf32> to vector<16xf32>
        %parallel_loop3A_430 = arith.index_cast %parallel_loop3A_306 : i32 to index
        %parallel_loop3A_431 = arith.constant 112 : index
        %parallel_loop3A_432 = tpu.vector_load %arg20[%parallel_loop3A_430, %parallel_loop3A_431] {strides = array<i32>} : memref<40x128xf32, #tpu.memory_space<vmem>>, vector<1x16xf32>,
        %parallel_loop3A_433 = vector.shape_cast %parallel_loop3A_432 : vector<1x16xf32> to vector<16xf32>
        %parallel_loop3A_434 = arith.addf %parallel_loop3A_429, %parallel_loop3A_433 : vector<16xf32>
        %parallel_loop3A_435 = arith.constant 0.000000e+00 : f32
        %parallel_loop3A_436 = vector.broadcast %parallel_loop3A_435 : f32 to vector<16xf32>
        %parallel_loop3A_437 = arith.maximumf %parallel_loop3A_434, %parallel_loop3A_436 : vector<16xf32>
        %parallel_loop3A_438 = arith.index_cast %parallel_loop3A_306 : i32 to index
        %parallel_loop3A_439 = arith.constant 112 : index
        %parallel_loop3A_440 = tpu.vector_load %arg23[%parallel_loop3A_438, %parallel_loop3A_439] {strides = array<i32>} : memref<40x128xf32, #tpu.memory_space<vmem>>, vector<1x16xf32>,
        %parallel_loop3A_441 = vector.shape_cast %parallel_loop3A_440 : vector<1x16xf32> to vector<16xf32>
        %parallel_loop3A_442 = vector.shape_cast %parallel_loop3A_437 : vector<16xf32> to vector<1x16xf32>
        tpu.vector_store %arg23[%parallel_loop3A_438, %parallel_loop3A_439], %parallel_loop3A_442 {strides = array<i32>} : memref<40x128xf32, #tpu.memory_space<vmem>>, vector<1x16xf32>,
      } {sc.loop_unroll_factor = 4 : i64, sc.parallel_access}
      %get3A_221 = arith.constant 0 : index
      %get3A_222 = tpu.vector_load %arg11[%get3A_221] {strides = array<i32>} : memref<40xi32, #tpu.memory_space<vmem>>, vector<16xi32>,
      %get3A_223 = vector.shape_cast %get3A_222 : vector<16xi32> to vector<16xi32>
      %swap3A_224 = arith.constant 0 : index
      %swap3A_225 = tpu.vector_load %arg14[%swap3A_224] {strides = array<i32>} : memref<40xi32, #tpu.memory_space<vmem>>, vector<16xi32>,
      %swap3A_226 = vector.shape_cast %swap3A_225 : vector<16xi32> to vector<16xi32>
      %swap3A_227 = vector.shape_cast %get3A_223 : vector<16xi32> to vector<16xi32>
      tpu.vector_store %arg14[%swap3A_224], %swap3A_227 {strides = array<i32>} : memref<40xi32, #tpu.memory_space<vmem>>, vector<16xi32>,
      %get3A_228 = arith.constant 16 : index
      %get3A_229 = tpu.vector_load %arg11[%get3A_228] {strides = array<i32>} : memref<40xi32, #tpu.memory_space<vmem>>, vector<16xi32>,
      %get3A_230 = vector.shape_cast %get3A_229 : vector<16xi32> to vector<16xi32>
      %swap3A_231 = arith.constant 16 : index
      %swap3A_232 = tpu.vector_load %arg14[%swap3A_231] {strides = array<i32>} : memref<40xi32, #tpu.memory_space<vmem>>, vector<16xi32>,
      %swap3A_233 = vector.shape_cast %swap3A_232 : vector<16xi32> to vector<16xi32>
      %swap3A_234 = vector.shape_cast %get3A_230 : vector<16xi32> to vector<16xi32>
      tpu.vector_store %arg14[%swap3A_231], %swap3A_234 {strides = array<i32>} : memref<40xi32, #tpu.memory_space<vmem>>, vector<16xi32>,
      %get3A_235 = arith.constant 24 : index
      %get3A_236 = tpu.vector_load %arg11[%get3A_235] {strides = array<i32>} : memref<40xi32, #tpu.memory_space<vmem>>, vector<16xi32>,
      %get3A_237 = vector.shape_cast %get3A_236 : vector<16xi32> to vector<16xi32>
      %swap3A_238 = arith.constant 24 : index
      %swap3A_239 = tpu.vector_load %arg14[%swap3A_238] {strides = array<i32>} : memref<40xi32, #tpu.memory_space<vmem>>, vector<16xi32>,
      %swap3A_240 = vector.shape_cast %swap3A_239 : vector<16xi32> to vector<16xi32>
      %swap3A_241 = vector.shape_cast %get3A_237 : vector<16xi32> to vector<16xi32>
      tpu.vector_store %arg14[%swap3A_238], %swap3A_241 {strides = array<i32>} : memref<40xi32, #tpu.memory_space<vmem>>, vector<16xi32>,
      %dma_start3A_242 = arith.constant 0 : i32
      %dma_start3A_243 = arith.constant 0 : i32
      %dma_start3A_244 = tpu.memref_slice %arg25[%dma_start3A_242, %dma_start3A_243] : memref<10000x128xf32, #tpu.memory_space<vmem_shared>> -> memref<10000x128xf32, #tpu.memory_space<vmem_shared>>
      tpu.enqueue_indirect_dma source(%arg23 : memref<40x128xf32, #tpu.memory_space<vmem>>) target(%dma_start3A_244 : memref<10000x128xf32, #tpu.memory_space<vmem_shared>>) offsets(%arg14 : memref<40xi32, #tpu.memory_space<vmem>>) semaphore(%arg33 : memref<!tpu.dma_semaphore, #tpu.memory_space<semaphore_mem>>) {add = true}
      %add3A_245 = arith.constant 3 : i32
      %add3A_246 = arith.addi %add3A_199, %add3A_245 : i32
      %lt3A_247 = arith.constant 250 : i32
      %lt3A_248 = arith.cmpi slt, %add3A_246, %lt3A_247 : i32
      %convert_element_type3A_249 = arith.extui %lt3A_248 : i1 to i32
      %cond3A_250 = arith.constant 0 : i32
      %cond3A_251 = arith.cmpi ne, %convert_element_type3A_249, %cond3A_250 : i32
      scf.if %cond3A_251 {
        %add3A_306 = arith.constant 3 : i32
        %add3A_307 = arith.addi %add3A_199, %add3A_306 : i32
        %mul3A_308 = arith.constant 40 : i32
        %mul3A_309 = arith.muli %add3A_307, %mul3A_308 : i32
        %add3A_310 = arith.addi %mul3A_2, %mul3A_309 : i32
        %dma_start3A_311 = tpu.memref_slice %arg2[%add3A_310] : memref<320000xi32, #tpu.memory_space<hbm>> -> memref<40xi32, #tpu.memory_space<hbm>>
        %dma_start3A_312 = tpu.memref_slice %arg2[%add3A_310] : memref<320000xi32, #tpu.memory_space<hbm>> -> memref<40xi32, #tpu.memory_space<hbm>>
        tpu.enqueue_dma source(%dma_start3A_312 : memref<40xi32, #tpu.memory_space<hbm>>) target(%arg8 : memref<40xi32, #tpu.memory_space<vmem>>) target_semaphore(%arg30 : memref<!tpu.dma_semaphore, #tpu.memory_space<semaphore_mem>>)
        %dma_start3A_313 = tpu.memref_slice %arg3[%add3A_310] : memref<320000xi32, #tpu.memory_space<hbm>> -> memref<40xi32, #tpu.memory_space<hbm>>
        %dma_start3A_314 = tpu.memref_slice %arg3[%add3A_310] : memref<320000xi32, #tpu.memory_space<hbm>> -> memref<40xi32, #tpu.memory_space<hbm>>
        tpu.enqueue_dma source(%dma_start3A_314 : memref<40xi32, #tpu.memory_space<hbm>>) target(%arg11 : memref<40xi32, #tpu.memory_space<vmem>>) target_semaphore(%arg30 : memref<!tpu.dma_semaphore, #tpu.memory_space<semaphore_mem>>)
      } else {
      }
      %add3A_252 = arith.constant 2 : i32
      %add3A_253 = arith.addi %mul3A_145, %add3A_252 : i32
      %add3A_254 = arith.constant 2 : i32
      %add3A_255 = arith.addi %add3A_253, %add3A_254 : i32
      %lt3A_256 = arith.constant 250 : i32
      %lt3A_257 = arith.cmpi slt, %add3A_255, %lt3A_256 : i32
      %convert_element_type3A_258 = arith.extui %lt3A_257 : i1 to i32
      %cond3A_259 = arith.constant 0 : i32
      %cond3A_260 = arith.cmpi ne, %convert_element_type3A_258, %cond3A_259 : i32
      scf.if %cond3A_260 {
        %dma_wait3A_306 = arith.constant 0 : i32
        %dma_wait3A_307 = tpu.memref_slice %arg2[%dma_wait3A_306] : memref<320000xi32, #tpu.memory_space<hbm>> -> memref<40xi32, #tpu.memory_space<hbm>>
        %dma_wait3A_308 = arith.constant 0 : i32
        %dma_wait3A_309 = tpu.memref_slice %arg2[%dma_wait3A_308] : memref<320000xi32, #tpu.memory_space<hbm>> -> memref<40xi32, #tpu.memory_space<hbm>>
        tpu.wait_dma2 semaphore(%arg30 : memref<!tpu.dma_semaphore, #tpu.memory_space<semaphore_mem>>) src(%dma_wait3A_309 : memref<40xi32, #tpu.memory_space<hbm>>) dst(%arg8 : memref<40xi32, #tpu.memory_space<vmem>>)
        %dma_wait3A_310 = arith.constant 0 : i32
        %dma_wait3A_311 = tpu.memref_slice %arg3[%dma_wait3A_310] : memref<320000xi32, #tpu.memory_space<hbm>> -> memref<40xi32, #tpu.memory_space<hbm>>
        %dma_wait3A_312 = arith.constant 0 : i32
        %dma_wait3A_313 = tpu.memref_slice %arg3[%dma_wait3A_312] : memref<320000xi32, #tpu.memory_space<hbm>> -> memref<40xi32, #tpu.memory_space<hbm>>
        tpu.wait_dma2 semaphore(%arg30 : memref<!tpu.dma_semaphore, #tpu.memory_space<semaphore_mem>>) src(%dma_wait3A_313 : memref<40xi32, #tpu.memory_space<hbm>>) dst(%arg11 : memref<40xi32, #tpu.memory_space<vmem>>)
        %dma_start3A_314 = arith.constant 0 : i32
        %dma_start3A_315 = arith.constant 0 : i32
        %dma_start3A_316 = tpu.memref_slice %arg4[%dma_start3A_314, %dma_start3A_315] : memref<10000x128xf32, #tpu.memory_space<hbm>> -> memref<10000x128xf32, #tpu.memory_space<hbm>>
        tpu.enqueue_indirect_dma source(%dma_start3A_316 : memref<10000x128xf32, #tpu.memory_space<hbm>>) target(%arg17 : memref<40x128xf32, #tpu.memory_space<vmem>>) offsets(%arg8 : memref<40xi32, #tpu.memory_space<vmem>>) semaphore(%arg27 : memref<!tpu.dma_semaphore, #tpu.memory_space<semaphore_mem>>)
        %dma_start3A_317 = arith.constant 0 : i32
        %dma_start3A_318 = arith.constant 0 : i32
        %dma_start3A_319 = tpu.memref_slice %arg5[%dma_start3A_317, %dma_start3A_318] : memref<10000x128xf32, #tpu.memory_space<hbm>> -> memref<10000x128xf32, #tpu.memory_space<hbm>>
        tpu.enqueue_indirect_dma source(%dma_start3A_319 : memref<10000x128xf32, #tpu.memory_space<hbm>>) target(%arg20 : memref<40x128xf32, #tpu.memory_space<vmem>>) offsets(%arg11 : memref<40xi32, #tpu.memory_space<vmem>>) semaphore(%arg27 : memref<!tpu.dma_semaphore, #tpu.memory_space<semaphore_mem>>)
      } else {
      }
      %dma_wait3A_261 = arith.constant 0 : i32
      %dma_wait3A_262 = arith.constant 0 : i32
      %dma_wait3A_263 = tpu.memref_slice %arg4[%dma_wait3A_261, %dma_wait3A_262] : memref<10000x128xf32, #tpu.memory_space<hbm>> -> memref<10000x128xf32, #tpu.memory_space<hbm>>
      tpu.wait_indirect_dma semaphore(%arg28 : memref<!tpu.dma_semaphore, #tpu.memory_space<semaphore_mem>>) src(%dma_wait3A_263 : memref<10000x128xf32, #tpu.memory_space<hbm>>) dst(%arg18 : memref<40x128xf32, #tpu.memory_space<vmem>>)
      %dma_wait3A_264 = arith.constant 0 : i32
      %dma_wait3A_265 = arith.constant 0 : i32
      %dma_wait3A_266 = tpu.memref_slice %arg5[%dma_wait3A_264, %dma_wait3A_265] : memref<10000x128xf32, #tpu.memory_space<hbm>> -> memref<10000x128xf32, #tpu.memory_space<hbm>>
      tpu.wait_indirect_dma semaphore(%arg28 : memref<!tpu.dma_semaphore, #tpu.memory_space<semaphore_mem>>) src(%dma_wait3A_266 : memref<10000x128xf32, #tpu.memory_space<hbm>>) dst(%arg21 : memref<40x128xf32, #tpu.memory_space<vmem>>)
      %gt3A_267 = arith.constant 0 : i32
      %gt3A_268 = arith.cmpi sgt, %scan3A_143, %gt3A_267 : i32
      %convert_element_type3A_269 = arith.extui %gt3A_268 : i1 to i32
      %cond3A_270 = arith.constant 0 : i32
      %cond3A_271 = arith.cmpi ne, %convert_element_type3A_269, %cond3A_270 : i32
      scf.if %cond3A_271 {
        %dma_wait3A_306 = arith.constant 0 : i32
        %dma_wait3A_307 = arith.constant 0 : i32
        %dma_wait3A_308 = tpu.memref_slice %arg25[%dma_wait3A_306, %dma_wait3A_307] : memref<10000x128xf32, #tpu.memory_space<vmem_shared>> -> memref<10000x128xf32, #tpu.memory_space<vmem_shared>>
        tpu.wait_indirect_dma semaphore(%arg34 : memref<!tpu.dma_semaphore, #tpu.memory_space<semaphore_mem>>) src(%arg24 : memref<40x128xf32, #tpu.memory_space<vmem>>) dst(%dma_wait3A_308 : memref<10000x128xf32, #tpu.memory_space<vmem_shared>>)
      } else {
      }
      %parallel_loop3A_272 = arith.constant 0 : i32
      %parallel_loop3A_273 = arith.constant 40 : i32
      %parallel_loop3A_274 = arith.constant 1 : i32
      scf.for %parallel_loop3A_306 = %parallel_loop3A_272 to %parallel_loop3A_273 step %parallel_loop3A_274  : i32 {
        %parallel_loop3A_307 = arith.index_cast %parallel_loop3A_306 : i32 to index
        %parallel_loop3A_308 = arith.constant 0 : index
        %parallel_loop3A_309 = tpu.vector_load %arg18[%parallel_loop3A_307, %parallel_loop3A_308] {strides = array<i32>} : memref<40x128xf32, #tpu.memory_space<vmem>>, vector<1x16xf32>,
        %parallel_loop3A_310 = vector.shape_cast %parallel_loop3A_309 : vector<1x16xf32> to vector<16xf32>
        %parallel_loop3A_311 = arith.index_cast %parallel_loop3A_306 : i32 to index
        %parallel_loop3A_312 = arith.constant 0 : index
        %parallel_loop3A_313 = tpu.vector_load %arg21[%parallel_loop3A_311, %parallel_loop3A_312] {strides = array<i32>} : memref<40x128xf32, #tpu.memory_space<vmem>>, vector<1x16xf32>,
        %parallel_loop3A_314 = vector.shape_cast %parallel_loop3A_313 : vector<1x16xf32> to vector<16xf32>
        %parallel_loop3A_315 = arith.addf %parallel_loop3A_310, %parallel_loop3A_314 : vector<16xf32>
        %parallel_loop3A_316 = arith.constant 0.000000e+00 : f32
        %parallel_loop3A_317 = vector.broadcast %parallel_loop3A_316 : f32 to vector<16xf32>
        %parallel_loop3A_318 = arith.maximumf %parallel_loop3A_315, %parallel_loop3A_317 : vector<16xf32>
        %parallel_loop3A_319 = arith.index_cast %parallel_loop3A_306 : i32 to index
        %parallel_loop3A_320 = arith.constant 0 : index
        %parallel_loop3A_321 = tpu.vector_load %arg24[%parallel_loop3A_319, %parallel_loop3A_320] {strides = array<i32>} : memref<40x128xf32, #tpu.memory_space<vmem>>, vector<1x16xf32>,
        %parallel_loop3A_322 = vector.shape_cast %parallel_loop3A_321 : vector<1x16xf32> to vector<16xf32>
        %parallel_loop3A_323 = vector.shape_cast %parallel_loop3A_318 : vector<16xf32> to vector<1x16xf32>
        tpu.vector_store %arg24[%parallel_loop3A_319, %parallel_loop3A_320], %parallel_loop3A_323 {strides = array<i32>} : memref<40x128xf32, #tpu.memory_space<vmem>>, vector<1x16xf32>,
        %parallel_loop3A_324 = arith.index_cast %parallel_loop3A_306 : i32 to index
        %parallel_loop3A_325 = arith.constant 16 : index
        %parallel_loop3A_326 = tpu.vector_load %arg18[%parallel_loop3A_324, %parallel_loop3A_325] {strides = array<i32>} : memref<40x128xf32, #tpu.memory_space<vmem>>, vector<1x16xf32>,
        %parallel_loop3A_327 = vector.shape_cast %parallel_loop3A_326 : vector<1x16xf32> to vector<16xf32>
        %parallel_loop3A_328 = arith.index_cast %parallel_loop3A_306 : i32 to index
        %parallel_loop3A_329 = arith.constant 16 : index
        %parallel_loop3A_330 = tpu.vector_load %arg21[%parallel_loop3A_328, %parallel_loop3A_329] {strides = array<i32>} : memref<40x128xf32, #tpu.memory_space<vmem>>, vector<1x16xf32>,
        %parallel_loop3A_331 = vector.shape_cast %parallel_loop3A_330 : vector<1x16xf32> to vector<16xf32>
        %parallel_loop3A_332 = arith.addf %parallel_loop3A_327, %parallel_loop3A_331 : vector<16xf32>
        %parallel_loop3A_333 = arith.constant 0.000000e+00 : f32
        %parallel_loop3A_334 = vector.broadcast %parallel_loop3A_333 : f32 to vector<16xf32>
        %parallel_loop3A_335 = arith.maximumf %parallel_loop3A_332, %parallel_loop3A_334 : vector<16xf32>
        %parallel_loop3A_336 = arith.index_cast %parallel_loop3A_306 : i32 to index
        %parallel_loop3A_337 = arith.constant 16 : index
        %parallel_loop3A_338 = tpu.vector_load %arg24[%parallel_loop3A_336, %parallel_loop3A_337] {strides = array<i32>} : memref<40x128xf32, #tpu.memory_space<vmem>>, vector<1x16xf32>,
        %parallel_loop3A_339 = vector.shape_cast %parallel_loop3A_338 : vector<1x16xf32> to vector<16xf32>
        %parallel_loop3A_340 = vector.shape_cast %parallel_loop3A_335 : vector<16xf32> to vector<1x16xf32>
        tpu.vector_store %arg24[%parallel_loop3A_336, %parallel_loop3A_337], %parallel_loop3A_340 {strides = array<i32>} : memref<40x128xf32, #tpu.memory_space<vmem>>, vector<1x16xf32>,
        %parallel_loop3A_341 = arith.index_cast %parallel_loop3A_306 : i32 to index
        %parallel_loop3A_342 = arith.constant 32 : index
        %parallel_loop3A_343 = tpu.vector_load %arg18[%parallel_loop3A_341, %parallel_loop3A_342] {strides = array<i32>} : memref<40x128xf32, #tpu.memory_space<vmem>>, vector<1x16xf32>,
        %parallel_loop3A_344 = vector.shape_cast %parallel_loop3A_343 : vector<1x16xf32> to vector<16xf32>
        %parallel_loop3A_345 = arith.index_cast %parallel_loop3A_306 : i32 to index
        %parallel_loop3A_346 = arith.constant 32 : index
        %parallel_loop3A_347 = tpu.vector_load %arg21[%parallel_loop3A_345, %parallel_loop3A_346] {strides = array<i32>} : memref<40x128xf32, #tpu.memory_space<vmem>>, vector<1x16xf32>,
        %parallel_loop3A_348 = vector.shape_cast %parallel_loop3A_347 : vector<1x16xf32> to vector<16xf32>
        %parallel_loop3A_349 = arith.addf %parallel_loop3A_344, %parallel_loop3A_348 : vector<16xf32>
        %parallel_loop3A_350 = arith.constant 0.000000e+00 : f32
        %parallel_loop3A_351 = vector.broadcast %parallel_loop3A_350 : f32 to vector<16xf32>
        %parallel_loop3A_352 = arith.maximumf %parallel_loop3A_349, %parallel_loop3A_351 : vector<16xf32>
        %parallel_loop3A_353 = arith.index_cast %parallel_loop3A_306 : i32 to index
        %parallel_loop3A_354 = arith.constant 32 : index
        %parallel_loop3A_355 = tpu.vector_load %arg24[%parallel_loop3A_353, %parallel_loop3A_354] {strides = array<i32>} : memref<40x128xf32, #tpu.memory_space<vmem>>, vector<1x16xf32>,
        %parallel_loop3A_356 = vector.shape_cast %parallel_loop3A_355 : vector<1x16xf32> to vector<16xf32>
        %parallel_loop3A_357 = vector.shape_cast %parallel_loop3A_352 : vector<16xf32> to vector<1x16xf32>
        tpu.vector_store %arg24[%parallel_loop3A_353, %parallel_loop3A_354], %parallel_loop3A_357 {strides = array<i32>} : memref<40x128xf32, #tpu.memory_space<vmem>>, vector<1x16xf32>,
        %parallel_loop3A_358 = arith.index_cast %parallel_loop3A_306 : i32 to index
        %parallel_loop3A_359 = arith.constant 48 : index
        %parallel_loop3A_360 = tpu.vector_load %arg18[%parallel_loop3A_358, %parallel_loop3A_359] {strides = array<i32>} : memref<40x128xf32, #tpu.memory_space<vmem>>, vector<1x16xf32>,
        %parallel_loop3A_361 = vector.shape_cast %parallel_loop3A_360 : vector<1x16xf32> to vector<16xf32>
        %parallel_loop3A_362 = arith.index_cast %parallel_loop3A_306 : i32 to index
        %parallel_loop3A_363 = arith.constant 48 : index
        %parallel_loop3A_364 = tpu.vector_load %arg21[%parallel_loop3A_362, %parallel_loop3A_363] {strides = array<i32>} : memref<40x128xf32, #tpu.memory_space<vmem>>, vector<1x16xf32>,
        %parallel_loop3A_365 = vector.shape_cast %parallel_loop3A_364 : vector<1x16xf32> to vector<16xf32>
        %parallel_loop3A_366 = arith.addf %parallel_loop3A_361, %parallel_loop3A_365 : vector<16xf32>
        %parallel_loop3A_367 = arith.constant 0.000000e+00 : f32
        %parallel_loop3A_368 = vector.broadcast %parallel_loop3A_367 : f32 to vector<16xf32>
        %parallel_loop3A_369 = arith.maximumf %parallel_loop3A_366, %parallel_loop3A_368 : vector<16xf32>
        %parallel_loop3A_370 = arith.index_cast %parallel_loop3A_306 : i32 to index
        %parallel_loop3A_371 = arith.constant 48 : index
        %parallel_loop3A_372 = tpu.vector_load %arg24[%parallel_loop3A_370, %parallel_loop3A_371] {strides = array<i32>} : memref<40x128xf32, #tpu.memory_space<vmem>>, vector<1x16xf32>,
        %parallel_loop3A_373 = vector.shape_cast %parallel_loop3A_372 : vector<1x16xf32> to vector<16xf32>
        %parallel_loop3A_374 = vector.shape_cast %parallel_loop3A_369 : vector<16xf32> to vector<1x16xf32>
        tpu.vector_store %arg24[%parallel_loop3A_370, %parallel_loop3A_371], %parallel_loop3A_374 {strides = array<i32>} : memref<40x128xf32, #tpu.memory_space<vmem>>, vector<1x16xf32>,
        %parallel_loop3A_375 = arith.index_cast %parallel_loop3A_306 : i32 to index
        %parallel_loop3A_376 = arith.constant 64 : index
        %parallel_loop3A_377 = tpu.vector_load %arg18[%parallel_loop3A_375, %parallel_loop3A_376] {strides = array<i32>} : memref<40x128xf32, #tpu.memory_space<vmem>>, vector<1x16xf32>,
        %parallel_loop3A_378 = vector.shape_cast %parallel_loop3A_377 : vector<1x16xf32> to vector<16xf32>
        %parallel_loop3A_379 = arith.index_cast %parallel_loop3A_306 : i32 to index
        %parallel_loop3A_380 = arith.constant 64 : index
        %parallel_loop3A_381 = tpu.vector_load %arg21[%parallel_loop3A_379, %parallel_loop3A_380] {strides = array<i32>} : memref<40x128xf32, #tpu.memory_space<vmem>>, vector<1x16xf32>,
        %parallel_loop3A_382 = vector.shape_cast %parallel_loop3A_381 : vector<1x16xf32> to vector<16xf32>
        %parallel_loop3A_383 = arith.addf %parallel_loop3A_378, %parallel_loop3A_382 : vector<16xf32>
        %parallel_loop3A_384 = arith.constant 0.000000e+00 : f32
        %parallel_loop3A_385 = vector.broadcast %parallel_loop3A_384 : f32 to vector<16xf32>
        %parallel_loop3A_386 = arith.maximumf %parallel_loop3A_383, %parallel_loop3A_385 : vector<16xf32>
        %parallel_loop3A_387 = arith.index_cast %parallel_loop3A_306 : i32 to index
        %parallel_loop3A_388 = arith.constant 64 : index
        %parallel_loop3A_389 = tpu.vector_load %arg24[%parallel_loop3A_387, %parallel_loop3A_388] {strides = array<i32>} : memref<40x128xf32, #tpu.memory_space<vmem>>, vector<1x16xf32>,
        %parallel_loop3A_390 = vector.shape_cast %parallel_loop3A_389 : vector<1x16xf32> to vector<16xf32>
        %parallel_loop3A_391 = vector.shape_cast %parallel_loop3A_386 : vector<16xf32> to vector<1x16xf32>
        tpu.vector_store %arg24[%parallel_loop3A_387, %parallel_loop3A_388], %parallel_loop3A_391 {strides = array<i32>} : memref<40x128xf32, #tpu.memory_space<vmem>>, vector<1x16xf32>,
        %parallel_loop3A_392 = arith.index_cast %parallel_loop3A_306 : i32 to index
        %parallel_loop3A_393 = arith.constant 80 : index
        %parallel_loop3A_394 = tpu.vector_load %arg18[%parallel_loop3A_392, %parallel_loop3A_393] {strides = array<i32>} : memref<40x128xf32, #tpu.memory_space<vmem>>, vector<1x16xf32>,
        %parallel_loop3A_395 = vector.shape_cast %parallel_loop3A_394 : vector<1x16xf32> to vector<16xf32>
        %parallel_loop3A_396 = arith.index_cast %parallel_loop3A_306 : i32 to index
        %parallel_loop3A_397 = arith.constant 80 : index
        %parallel_loop3A_398 = tpu.vector_load %arg21[%parallel_loop3A_396, %parallel_loop3A_397] {strides = array<i32>} : memref<40x128xf32, #tpu.memory_space<vmem>>, vector<1x16xf32>,
        %parallel_loop3A_399 = vector.shape_cast %parallel_loop3A_398 : vector<1x16xf32> to vector<16xf32>
        %parallel_loop3A_400 = arith.addf %parallel_loop3A_395, %parallel_loop3A_399 : vector<16xf32>
        %parallel_loop3A_401 = arith.constant 0.000000e+00 : f32
        %parallel_loop3A_402 = vector.broadcast %parallel_loop3A_401 : f32 to vector<16xf32>
        %parallel_loop3A_403 = arith.maximumf %parallel_loop3A_400, %parallel_loop3A_402 : vector<16xf32>
        %parallel_loop3A_404 = arith.index_cast %parallel_loop3A_306 : i32 to index
        %parallel_loop3A_405 = arith.constant 80 : index
        %parallel_loop3A_406 = tpu.vector_load %arg24[%parallel_loop3A_404, %parallel_loop3A_405] {strides = array<i32>} : memref<40x128xf32, #tpu.memory_space<vmem>>, vector<1x16xf32>,
        %parallel_loop3A_407 = vector.shape_cast %parallel_loop3A_406 : vector<1x16xf32> to vector<16xf32>
        %parallel_loop3A_408 = vector.shape_cast %parallel_loop3A_403 : vector<16xf32> to vector<1x16xf32>
        tpu.vector_store %arg24[%parallel_loop3A_404, %parallel_loop3A_405], %parallel_loop3A_408 {strides = array<i32>} : memref<40x128xf32, #tpu.memory_space<vmem>>, vector<1x16xf32>,
        %parallel_loop3A_409 = arith.index_cast %parallel_loop3A_306 : i32 to index
        %parallel_loop3A_410 = arith.constant 96 : index
        %parallel_loop3A_411 = tpu.vector_load %arg18[%parallel_loop3A_409, %parallel_loop3A_410] {strides = array<i32>} : memref<40x128xf32, #tpu.memory_space<vmem>>, vector<1x16xf32>,
        %parallel_loop3A_412 = vector.shape_cast %parallel_loop3A_411 : vector<1x16xf32> to vector<16xf32>
        %parallel_loop3A_413 = arith.index_cast %parallel_loop3A_306 : i32 to index
        %parallel_loop3A_414 = arith.constant 96 : index
        %parallel_loop3A_415 = tpu.vector_load %arg21[%parallel_loop3A_413, %parallel_loop3A_414] {strides = array<i32>} : memref<40x128xf32, #tpu.memory_space<vmem>>, vector<1x16xf32>,
        %parallel_loop3A_416 = vector.shape_cast %parallel_loop3A_415 : vector<1x16xf32> to vector<16xf32>
        %parallel_loop3A_417 = arith.addf %parallel_loop3A_412, %parallel_loop3A_416 : vector<16xf32>
        %parallel_loop3A_418 = arith.constant 0.000000e+00 : f32
        %parallel_loop3A_419 = vector.broadcast %parallel_loop3A_418 : f32 to vector<16xf32>
        %parallel_loop3A_420 = arith.maximumf %parallel_loop3A_417, %parallel_loop3A_419 : vector<16xf32>
        %parallel_loop3A_421 = arith.index_cast %parallel_loop3A_306 : i32 to index
        %parallel_loop3A_422 = arith.constant 96 : index
        %parallel_loop3A_423 = tpu.vector_load %arg24[%parallel_loop3A_421, %parallel_loop3A_422] {strides = array<i32>} : memref<40x128xf32, #tpu.memory_space<vmem>>, vector<1x16xf32>,
        %parallel_loop3A_424 = vector.shape_cast %parallel_loop3A_423 : vector<1x16xf32> to vector<16xf32>
        %parallel_loop3A_425 = vector.shape_cast %parallel_loop3A_420 : vector<16xf32> to vector<1x16xf32>
        tpu.vector_store %arg24[%parallel_loop3A_421, %parallel_loop3A_422], %parallel_loop3A_425 {strides = array<i32>} : memref<40x128xf32, #tpu.memory_space<vmem>>, vector<1x16xf32>,
        %parallel_loop3A_426 = arith.index_cast %parallel_loop3A_306 : i32 to index
        %parallel_loop3A_427 = arith.constant 112 : index
        %parallel_loop3A_428 = tpu.vector_load %arg18[%parallel_loop3A_426, %parallel_loop3A_427] {strides = array<i32>} : memref<40x128xf32, #tpu.memory_space<vmem>>, vector<1x16xf32>,
        %parallel_loop3A_429 = vector.shape_cast %parallel_loop3A_428 : vector<1x16xf32> to vector<16xf32>
        %parallel_loop3A_430 = arith.index_cast %parallel_loop3A_306 : i32 to index
        %parallel_loop3A_431 = arith.constant 112 : index
        %parallel_loop3A_432 = tpu.vector_load %arg21[%parallel_loop3A_430, %parallel_loop3A_431] {strides = array<i32>} : memref<40x128xf32, #tpu.memory_space<vmem>>, vector<1x16xf32>,
        %parallel_loop3A_433 = vector.shape_cast %parallel_loop3A_432 : vector<1x16xf32> to vector<16xf32>
        %parallel_loop3A_434 = arith.addf %parallel_loop3A_429, %parallel_loop3A_433 : vector<16xf32>
        %parallel_loop3A_435 = arith.constant 0.000000e+00 : f32
        %parallel_loop3A_436 = vector.broadcast %parallel_loop3A_435 : f32 to vector<16xf32>
        %parallel_loop3A_437 = arith.maximumf %parallel_loop3A_434, %parallel_loop3A_436 : vector<16xf32>
        %parallel_loop3A_438 = arith.index_cast %parallel_loop3A_306 : i32 to index
        %parallel_loop3A_439 = arith.constant 112 : index
        %parallel_loop3A_440 = tpu.vector_load %arg24[%parallel_loop3A_438, %parallel_loop3A_439] {strides = array<i32>} : memref<40x128xf32, #tpu.memory_space<vmem>>, vector<1x16xf32>,
        %parallel_loop3A_441 = vector.shape_cast %parallel_loop3A_440 : vector<1x16xf32> to vector<16xf32>
        %parallel_loop3A_442 = vector.shape_cast %parallel_loop3A_437 : vector<16xf32> to vector<1x16xf32>
        tpu.vector_store %arg24[%parallel_loop3A_438, %parallel_loop3A_439], %parallel_loop3A_442 {strides = array<i32>} : memref<40x128xf32, #tpu.memory_space<vmem>>, vector<1x16xf32>,
      } {sc.loop_unroll_factor = 4 : i64, sc.parallel_access}
      %get3A_275 = arith.constant 0 : index
      %get3A_276 = tpu.vector_load %arg12[%get3A_275] {strides = array<i32>} : memref<40xi32, #tpu.memory_space<vmem>>, vector<16xi32>,
      %get3A_277 = vector.shape_cast %get3A_276 : vector<16xi32> to vector<16xi32>
      %swap3A_278 = arith.constant 0 : index
      %swap3A_279 = tpu.vector_load %arg15[%swap3A_278] {strides = array<i32>} : memref<40xi32, #tpu.memory_space<vmem>>, vector<16xi32>,
      %swap3A_280 = vector.shape_cast %swap3A_279 : vector<16xi32> to vector<16xi32>
      %swap3A_281 = vector.shape_cast %get3A_277 : vector<16xi32> to vector<16xi32>
      tpu.vector_store %arg15[%swap3A_278], %swap3A_281 {strides = array<i32>} : memref<40xi32, #tpu.memory_space<vmem>>, vector<16xi32>,
      %get3A_282 = arith.constant 16 : index
      %get3A_283 = tpu.vector_load %arg12[%get3A_282] {strides = array<i32>} : memref<40xi32, #tpu.memory_space<vmem>>, vector<16xi32>,
      %get3A_284 = vector.shape_cast %get3A_283 : vector<16xi32> to vector<16xi32>
      %swap3A_285 = arith.constant 16 : index
      %swap3A_286 = tpu.vector_load %arg15[%swap3A_285] {strides = array<i32>} : memref<40xi32, #tpu.memory_space<vmem>>, vector<16xi32>,
      %swap3A_287 = vector.shape_cast %swap3A_286 : vector<16xi32> to vector<16xi32>
      %swap3A_288 = vector.shape_cast %get3A_284 : vector<16xi32> to vector<16xi32>
      tpu.vector_store %arg15[%swap3A_285], %swap3A_288 {strides = array<i32>} : memref<40xi32, #tpu.memory_space<vmem>>, vector<16xi32>,
      %get3A_289 = arith.constant 24 : index
      %get3A_290 = tpu.vector_load %arg12[%get3A_289] {strides = array<i32>} : memref<40xi32, #tpu.memory_space<vmem>>, vector<16xi32>,
      %get3A_291 = vector.shape_cast %get3A_290 : vector<16xi32> to vector<16xi32>
      %swap3A_292 = arith.constant 24 : index
      %swap3A_293 = tpu.vector_load %arg15[%swap3A_292] {strides = array<i32>} : memref<40xi32, #tpu.memory_space<vmem>>, vector<16xi32>,
      %swap3A_294 = vector.shape_cast %swap3A_293 : vector<16xi32> to vector<16xi32>
      %swap3A_295 = vector.shape_cast %get3A_291 : vector<16xi32> to vector<16xi32>
      tpu.vector_store %arg15[%swap3A_292], %swap3A_295 {strides = array<i32>} : memref<40xi32, #tpu.memory_space<vmem>>, vector<16xi32>,
      %dma_start3A_296 = arith.constant 0 : i32
      %dma_start3A_297 = arith.constant 0 : i32
      %dma_start3A_298 = tpu.memref_slice %arg25[%dma_start3A_296, %dma_start3A_297] : memref<10000x128xf32, #tpu.memory_space<vmem_shared>> -> memref<10000x128xf32, #tpu.memory_space<vmem_shared>>
      tpu.enqueue_indirect_dma source(%arg24 : memref<40x128xf32, #tpu.memory_space<vmem>>) target(%dma_start3A_298 : memref<10000x128xf32, #tpu.memory_space<vmem_shared>>) offsets(%arg15 : memref<40xi32, #tpu.memory_space<vmem>>) semaphore(%arg34 : memref<!tpu.dma_semaphore, #tpu.memory_space<semaphore_mem>>) {add = true}
      %add3A_299 = arith.constant 3 : i32
      %add3A_300 = arith.addi %add3A_253, %add3A_299 : i32
      %lt3A_301 = arith.constant 250 : i32
      %lt3A_302 = arith.cmpi slt, %add3A_300, %lt3A_301 : i32
      %convert_element_type3A_303 = arith.extui %lt3A_302 : i1 to i32
      %cond3A_304 = arith.constant 0 : i32
      %cond3A_305 = arith.cmpi ne, %convert_element_type3A_303, %cond3A_304 : i32
      scf.if %cond3A_305 {
        %add3A_306 = arith.constant 3 : i32
        %add3A_307 = arith.addi %add3A_253, %add3A_306 : i32
        %mul3A_308 = arith.constant 40 : i32
        %mul3A_309 = arith.muli %add3A_307, %mul3A_308 : i32
        %add3A_310 = arith.addi %mul3A_2, %mul3A_309 : i32
        %dma_start3A_311 = tpu.memref_slice %arg2[%add3A_310] : memref<320000xi32, #tpu.memory_space<hbm>> -> memref<40xi32, #tpu.memory_space<hbm>>
        %dma_start3A_312 = tpu.memref_slice %arg2[%add3A_310] : memref<320000xi32, #tpu.memory_space<hbm>> -> memref<40xi32, #tpu.memory_space<hbm>>
        tpu.enqueue_dma source(%dma_start3A_312 : memref<40xi32, #tpu.memory_space<hbm>>) target(%arg9 : memref<40xi32, #tpu.memory_space<vmem>>) target_semaphore(%arg31 : memref<!tpu.dma_semaphore, #tpu.memory_space<semaphore_mem>>)
        %dma_start3A_313 = tpu.memref_slice %arg3[%add3A_310] : memref<320000xi32, #tpu.memory_space<hbm>> -> memref<40xi32, #tpu.memory_space<hbm>>
        %dma_start3A_314 = tpu.memref_slice %arg3[%add3A_310] : memref<320000xi32, #tpu.memory_space<hbm>> -> memref<40xi32, #tpu.memory_space<hbm>>
        tpu.enqueue_dma source(%dma_start3A_314 : memref<40xi32, #tpu.memory_space<hbm>>) target(%arg12 : memref<40xi32, #tpu.memory_space<vmem>>) target_semaphore(%arg31 : memref<!tpu.dma_semaphore, #tpu.memory_space<semaphore_mem>>)
      } else {
      }
    }
    %scan3A_94 = arith.constant 83 : i32
    %dma_wait3A_95 = arith.constant 0 : i32
    %dma_wait3A_96 = arith.constant 0 : i32
    %dma_wait3A_97 = tpu.memref_slice %arg4[%dma_wait3A_95, %dma_wait3A_96] : memref<10000x128xf32, #tpu.memory_space<hbm>> -> memref<10000x128xf32, #tpu.memory_space<hbm>>
    tpu.wait_indirect_dma semaphore(%arg26 : memref<!tpu.dma_semaphore, #tpu.memory_space<semaphore_mem>>) src(%dma_wait3A_97 : memref<10000x128xf32, #tpu.memory_space<hbm>>) dst(%arg16 : memref<40x128xf32, #tpu.memory_space<vmem>>)
    %dma_wait3A_98 = arith.constant 0 : i32
    %dma_wait3A_99 = arith.constant 0 : i32
    %dma_wait3A_100 = tpu.memref_slice %arg5[%dma_wait3A_98, %dma_wait3A_99] : memref<10000x128xf32, #tpu.memory_space<hbm>> -> memref<10000x128xf32, #tpu.memory_space<hbm>>
    tpu.wait_indirect_dma semaphore(%arg26 : memref<!tpu.dma_semaphore, #tpu.memory_space<semaphore_mem>>) src(%dma_wait3A_100 : memref<10000x128xf32, #tpu.memory_space<hbm>>) dst(%arg19 : memref<40x128xf32, #tpu.memory_space<vmem>>)
    %dma_wait3A_101 = arith.constant 0 : i32
    %dma_wait3A_102 = arith.constant 0 : i32
    %dma_wait3A_103 = tpu.memref_slice %arg25[%dma_wait3A_101, %dma_wait3A_102] : memref<10000x128xf32, #tpu.memory_space<vmem_shared>> -> memref<10000x128xf32, #tpu.memory_space<vmem_shared>>
    tpu.wait_indirect_dma semaphore(%arg32 : memref<!tpu.dma_semaphore, #tpu.memory_space<semaphore_mem>>) src(%arg22 : memref<40x128xf32, #tpu.memory_space<vmem>>) dst(%dma_wait3A_103 : memref<10000x128xf32, #tpu.memory_space<vmem_shared>>)
    %parallel_loop3A = arith.constant 0 : i32
    %parallel_loop3A_104 = arith.constant 40 : i32
    %parallel_loop3A_105 = arith.constant 1 : i32
    scf.for %parallel_loop3A_143 = %parallel_loop3A to %parallel_loop3A_104 step %parallel_loop3A_105  : i32 {
      %parallel_loop3A_144 = arith.index_cast %parallel_loop3A_143 : i32 to index
      %parallel_loop3A_145 = arith.constant 0 : index
      %parallel_loop3A_146 = tpu.vector_load %arg16[%parallel_loop3A_144, %parallel_loop3A_145] {strides = array<i32>} : memref<40x128xf32, #tpu.memory_space<vmem>>, vector<1x16xf32>,
      %parallel_loop3A_147 = vector.shape_cast %parallel_loop3A_146 : vector<1x16xf32> to vector<16xf32>
      %parallel_loop3A_148 = arith.index_cast %parallel_loop3A_143 : i32 to index
      %parallel_loop3A_149 = arith.constant 0 : index
      %parallel_loop3A_150 = tpu.vector_load %arg19[%parallel_loop3A_148, %parallel_loop3A_149] {strides = array<i32>} : memref<40x128xf32, #tpu.memory_space<vmem>>, vector<1x16xf32>,
      %parallel_loop3A_151 = vector.shape_cast %parallel_loop3A_150 : vector<1x16xf32> to vector<16xf32>
      %parallel_loop3A_152 = arith.addf %parallel_loop3A_147, %parallel_loop3A_151 : vector<16xf32>
      %parallel_loop3A_153 = arith.constant 0.000000e+00 : f32
      %parallel_loop3A_154 = vector.broadcast %parallel_loop3A_153 : f32 to vector<16xf32>
      %parallel_loop3A_155 = arith.maximumf %parallel_loop3A_152, %parallel_loop3A_154 : vector<16xf32>
      %parallel_loop3A_156 = arith.index_cast %parallel_loop3A_143 : i32 to index
      %parallel_loop3A_157 = arith.constant 0 : index
      %parallel_loop3A_158 = tpu.vector_load %arg22[%parallel_loop3A_156, %parallel_loop3A_157] {strides = array<i32>} : memref<40x128xf32, #tpu.memory_space<vmem>>, vector<1x16xf32>,
      %parallel_loop3A_159 = vector.shape_cast %parallel_loop3A_158 : vector<1x16xf32> to vector<16xf32>
      %parallel_loop3A_160 = vector.shape_cast %parallel_loop3A_155 : vector<16xf32> to vector<1x16xf32>
      tpu.vector_store %arg22[%parallel_loop3A_156, %parallel_loop3A_157], %parallel_loop3A_160 {strides = array<i32>} : memref<40x128xf32, #tpu.memory_space<vmem>>, vector<1x16xf32>,
      %parallel_loop3A_161 = arith.index_cast %parallel_loop3A_143 : i32 to index
      %parallel_loop3A_162 = arith.constant 16 : index
      %parallel_loop3A_163 = tpu.vector_load %arg16[%parallel_loop3A_161, %parallel_loop3A_162] {strides = array<i32>} : memref<40x128xf32, #tpu.memory_space<vmem>>, vector<1x16xf32>,
      %parallel_loop3A_164 = vector.shape_cast %parallel_loop3A_163 : vector<1x16xf32> to vector<16xf32>
      %parallel_loop3A_165 = arith.index_cast %parallel_loop3A_143 : i32 to index
      %parallel_loop3A_166 = arith.constant 16 : index
      %parallel_loop3A_167 = tpu.vector_load %arg19[%parallel_loop3A_165, %parallel_loop3A_166] {strides = array<i32>} : memref<40x128xf32, #tpu.memory_space<vmem>>, vector<1x16xf32>,
      %parallel_loop3A_168 = vector.shape_cast %parallel_loop3A_167 : vector<1x16xf32> to vector<16xf32>
      %parallel_loop3A_169 = arith.addf %parallel_loop3A_164, %parallel_loop3A_168 : vector<16xf32>
      %parallel_loop3A_170 = arith.constant 0.000000e+00 : f32
      %parallel_loop3A_171 = vector.broadcast %parallel_loop3A_170 : f32 to vector<16xf32>
      %parallel_loop3A_172 = arith.maximumf %parallel_loop3A_169, %parallel_loop3A_171 : vector<16xf32>
      %parallel_loop3A_173 = arith.index_cast %parallel_loop3A_143 : i32 to index
      %parallel_loop3A_174 = arith.constant 16 : index
      %parallel_loop3A_175 = tpu.vector_load %arg22[%parallel_loop3A_173, %parallel_loop3A_174] {strides = array<i32>} : memref<40x128xf32, #tpu.memory_space<vmem>>, vector<1x16xf32>,
      %parallel_loop3A_176 = vector.shape_cast %parallel_loop3A_175 : vector<1x16xf32> to vector<16xf32>
      %parallel_loop3A_177 = vector.shape_cast %parallel_loop3A_172 : vector<16xf32> to vector<1x16xf32>
      tpu.vector_store %arg22[%parallel_loop3A_173, %parallel_loop3A_174], %parallel_loop3A_177 {strides = array<i32>} : memref<40x128xf32, #tpu.memory_space<vmem>>, vector<1x16xf32>,
      %parallel_loop3A_178 = arith.index_cast %parallel_loop3A_143 : i32 to index
      %parallel_loop3A_179 = arith.constant 32 : index
      %parallel_loop3A_180 = tpu.vector_load %arg16[%parallel_loop3A_178, %parallel_loop3A_179] {strides = array<i32>} : memref<40x128xf32, #tpu.memory_space<vmem>>, vector<1x16xf32>,
      %parallel_loop3A_181 = vector.shape_cast %parallel_loop3A_180 : vector<1x16xf32> to vector<16xf32>
      %parallel_loop3A_182 = arith.index_cast %parallel_loop3A_143 : i32 to index
      %parallel_loop3A_183 = arith.constant 32 : index
      %parallel_loop3A_184 = tpu.vector_load %arg19[%parallel_loop3A_182, %parallel_loop3A_183] {strides = array<i32>} : memref<40x128xf32, #tpu.memory_space<vmem>>, vector<1x16xf32>,
      %parallel_loop3A_185 = vector.shape_cast %parallel_loop3A_184 : vector<1x16xf32> to vector<16xf32>
      %parallel_loop3A_186 = arith.addf %parallel_loop3A_181, %parallel_loop3A_185 : vector<16xf32>
      %parallel_loop3A_187 = arith.constant 0.000000e+00 : f32
      %parallel_loop3A_188 = vector.broadcast %parallel_loop3A_187 : f32 to vector<16xf32>
      %parallel_loop3A_189 = arith.maximumf %parallel_loop3A_186, %parallel_loop3A_188 : vector<16xf32>
      %parallel_loop3A_190 = arith.index_cast %parallel_loop3A_143 : i32 to index
      %parallel_loop3A_191 = arith.constant 32 : index
      %parallel_loop3A_192 = tpu.vector_load %arg22[%parallel_loop3A_190, %parallel_loop3A_191] {strides = array<i32>} : memref<40x128xf32, #tpu.memory_space<vmem>>, vector<1x16xf32>,
      %parallel_loop3A_193 = vector.shape_cast %parallel_loop3A_192 : vector<1x16xf32> to vector<16xf32>
      %parallel_loop3A_194 = vector.shape_cast %parallel_loop3A_189 : vector<16xf32> to vector<1x16xf32>
      tpu.vector_store %arg22[%parallel_loop3A_190, %parallel_loop3A_191], %parallel_loop3A_194 {strides = array<i32>} : memref<40x128xf32, #tpu.memory_space<vmem>>, vector<1x16xf32>,
      %parallel_loop3A_195 = arith.index_cast %parallel_loop3A_143 : i32 to index
      %parallel_loop3A_196 = arith.constant 48 : index
      %parallel_loop3A_197 = tpu.vector_load %arg16[%parallel_loop3A_195, %parallel_loop3A_196] {strides = array<i32>} : memref<40x128xf32, #tpu.memory_space<vmem>>, vector<1x16xf32>,
      %parallel_loop3A_198 = vector.shape_cast %parallel_loop3A_197 : vector<1x16xf32> to vector<16xf32>
      %parallel_loop3A_199 = arith.index_cast %parallel_loop3A_143 : i32 to index
      %parallel_loop3A_200 = arith.constant 48 : index
      %parallel_loop3A_201 = tpu.vector_load %arg19[%parallel_loop3A_199, %parallel_loop3A_200] {strides = array<i32>} : memref<40x128xf32, #tpu.memory_space<vmem>>, vector<1x16xf32>,
      %parallel_loop3A_202 = vector.shape_cast %parallel_loop3A_201 : vector<1x16xf32> to vector<16xf32>
      %parallel_loop3A_203 = arith.addf %parallel_loop3A_198, %parallel_loop3A_202 : vector<16xf32>
      %parallel_loop3A_204 = arith.constant 0.000000e+00 : f32
      %parallel_loop3A_205 = vector.broadcast %parallel_loop3A_204 : f32 to vector<16xf32>
      %parallel_loop3A_206 = arith.maximumf %parallel_loop3A_203, %parallel_loop3A_205 : vector<16xf32>
      %parallel_loop3A_207 = arith.index_cast %parallel_loop3A_143 : i32 to index
      %parallel_loop3A_208 = arith.constant 48 : index
      %parallel_loop3A_209 = tpu.vector_load %arg22[%parallel_loop3A_207, %parallel_loop3A_208] {strides = array<i32>} : memref<40x128xf32, #tpu.memory_space<vmem>>, vector<1x16xf32>,
      %parallel_loop3A_210 = vector.shape_cast %parallel_loop3A_209 : vector<1x16xf32> to vector<16xf32>
      %parallel_loop3A_211 = vector.shape_cast %parallel_loop3A_206 : vector<16xf32> to vector<1x16xf32>
      tpu.vector_store %arg22[%parallel_loop3A_207, %parallel_loop3A_208], %parallel_loop3A_211 {strides = array<i32>} : memref<40x128xf32, #tpu.memory_space<vmem>>, vector<1x16xf32>,
      %parallel_loop3A_212 = arith.index_cast %parallel_loop3A_143 : i32 to index
      %parallel_loop3A_213 = arith.constant 64 : index
      %parallel_loop3A_214 = tpu.vector_load %arg16[%parallel_loop3A_212, %parallel_loop3A_213] {strides = array<i32>} : memref<40x128xf32, #tpu.memory_space<vmem>>, vector<1x16xf32>,
      %parallel_loop3A_215 = vector.shape_cast %parallel_loop3A_214 : vector<1x16xf32> to vector<16xf32>
      %parallel_loop3A_216 = arith.index_cast %parallel_loop3A_143 : i32 to index
      %parallel_loop3A_217 = arith.constant 64 : index
      %parallel_loop3A_218 = tpu.vector_load %arg19[%parallel_loop3A_216, %parallel_loop3A_217] {strides = array<i32>} : memref<40x128xf32, #tpu.memory_space<vmem>>, vector<1x16xf32>,
      %parallel_loop3A_219 = vector.shape_cast %parallel_loop3A_218 : vector<1x16xf32> to vector<16xf32>
      %parallel_loop3A_220 = arith.addf %parallel_loop3A_215, %parallel_loop3A_219 : vector<16xf32>
      %parallel_loop3A_221 = arith.constant 0.000000e+00 : f32
      %parallel_loop3A_222 = vector.broadcast %parallel_loop3A_221 : f32 to vector<16xf32>
      %parallel_loop3A_223 = arith.maximumf %parallel_loop3A_220, %parallel_loop3A_222 : vector<16xf32>
      %parallel_loop3A_224 = arith.index_cast %parallel_loop3A_143 : i32 to index
      %parallel_loop3A_225 = arith.constant 64 : index
      %parallel_loop3A_226 = tpu.vector_load %arg22[%parallel_loop3A_224, %parallel_loop3A_225] {strides = array<i32>} : memref<40x128xf32, #tpu.memory_space<vmem>>, vector<1x16xf32>,
      %parallel_loop3A_227 = vector.shape_cast %parallel_loop3A_226 : vector<1x16xf32> to vector<16xf32>
      %parallel_loop3A_228 = vector.shape_cast %parallel_loop3A_223 : vector<16xf32> to vector<1x16xf32>
      tpu.vector_store %arg22[%parallel_loop3A_224, %parallel_loop3A_225], %parallel_loop3A_228 {strides = array<i32>} : memref<40x128xf32, #tpu.memory_space<vmem>>, vector<1x16xf32>,
      %parallel_loop3A_229 = arith.index_cast %parallel_loop3A_143 : i32 to index
      %parallel_loop3A_230 = arith.constant 80 : index
      %parallel_loop3A_231 = tpu.vector_load %arg16[%parallel_loop3A_229, %parallel_loop3A_230] {strides = array<i32>} : memref<40x128xf32, #tpu.memory_space<vmem>>, vector<1x16xf32>,
      %parallel_loop3A_232 = vector.shape_cast %parallel_loop3A_231 : vector<1x16xf32> to vector<16xf32>
      %parallel_loop3A_233 = arith.index_cast %parallel_loop3A_143 : i32 to index
      %parallel_loop3A_234 = arith.constant 80 : index
      %parallel_loop3A_235 = tpu.vector_load %arg19[%parallel_loop3A_233, %parallel_loop3A_234] {strides = array<i32>} : memref<40x128xf32, #tpu.memory_space<vmem>>, vector<1x16xf32>,
      %parallel_loop3A_236 = vector.shape_cast %parallel_loop3A_235 : vector<1x16xf32> to vector<16xf32>
      %parallel_loop3A_237 = arith.addf %parallel_loop3A_232, %parallel_loop3A_236 : vector<16xf32>
      %parallel_loop3A_238 = arith.constant 0.000000e+00 : f32
      %parallel_loop3A_239 = vector.broadcast %parallel_loop3A_238 : f32 to vector<16xf32>
      %parallel_loop3A_240 = arith.maximumf %parallel_loop3A_237, %parallel_loop3A_239 : vector<16xf32>
      %parallel_loop3A_241 = arith.index_cast %parallel_loop3A_143 : i32 to index
      %parallel_loop3A_242 = arith.constant 80 : index
      %parallel_loop3A_243 = tpu.vector_load %arg22[%parallel_loop3A_241, %parallel_loop3A_242] {strides = array<i32>} : memref<40x128xf32, #tpu.memory_space<vmem>>, vector<1x16xf32>,
      %parallel_loop3A_244 = vector.shape_cast %parallel_loop3A_243 : vector<1x16xf32> to vector<16xf32>
      %parallel_loop3A_245 = vector.shape_cast %parallel_loop3A_240 : vector<16xf32> to vector<1x16xf32>
      tpu.vector_store %arg22[%parallel_loop3A_241, %parallel_loop3A_242], %parallel_loop3A_245 {strides = array<i32>} : memref<40x128xf32, #tpu.memory_space<vmem>>, vector<1x16xf32>,
      %parallel_loop3A_246 = arith.index_cast %parallel_loop3A_143 : i32 to index
      %parallel_loop3A_247 = arith.constant 96 : index
      %parallel_loop3A_248 = tpu.vector_load %arg16[%parallel_loop3A_246, %parallel_loop3A_247] {strides = array<i32>} : memref<40x128xf32, #tpu.memory_space<vmem>>, vector<1x16xf32>,
      %parallel_loop3A_249 = vector.shape_cast %parallel_loop3A_248 : vector<1x16xf32> to vector<16xf32>
      %parallel_loop3A_250 = arith.index_cast %parallel_loop3A_143 : i32 to index
      %parallel_loop3A_251 = arith.constant 96 : index
      %parallel_loop3A_252 = tpu.vector_load %arg19[%parallel_loop3A_250, %parallel_loop3A_251] {strides = array<i32>} : memref<40x128xf32, #tpu.memory_space<vmem>>, vector<1x16xf32>,
      %parallel_loop3A_253 = vector.shape_cast %parallel_loop3A_252 : vector<1x16xf32> to vector<16xf32>
      %parallel_loop3A_254 = arith.addf %parallel_loop3A_249, %parallel_loop3A_253 : vector<16xf32>
      %parallel_loop3A_255 = arith.constant 0.000000e+00 : f32
      %parallel_loop3A_256 = vector.broadcast %parallel_loop3A_255 : f32 to vector<16xf32>
      %parallel_loop3A_257 = arith.maximumf %parallel_loop3A_254, %parallel_loop3A_256 : vector<16xf32>
      %parallel_loop3A_258 = arith.index_cast %parallel_loop3A_143 : i32 to index
      %parallel_loop3A_259 = arith.constant 96 : index
      %parallel_loop3A_260 = tpu.vector_load %arg22[%parallel_loop3A_258, %parallel_loop3A_259] {strides = array<i32>} : memref<40x128xf32, #tpu.memory_space<vmem>>, vector<1x16xf32>,
      %parallel_loop3A_261 = vector.shape_cast %parallel_loop3A_260 : vector<1x16xf32> to vector<16xf32>
      %parallel_loop3A_262 = vector.shape_cast %parallel_loop3A_257 : vector<16xf32> to vector<1x16xf32>
      tpu.vector_store %arg22[%parallel_loop3A_258, %parallel_loop3A_259], %parallel_loop3A_262 {strides = array<i32>} : memref<40x128xf32, #tpu.memory_space<vmem>>, vector<1x16xf32>,
      %parallel_loop3A_263 = arith.index_cast %parallel_loop3A_143 : i32 to index
      %parallel_loop3A_264 = arith.constant 112 : index
      %parallel_loop3A_265 = tpu.vector_load %arg16[%parallel_loop3A_263, %parallel_loop3A_264] {strides = array<i32>} : memref<40x128xf32, #tpu.memory_space<vmem>>, vector<1x16xf32>,
      %parallel_loop3A_266 = vector.shape_cast %parallel_loop3A_265 : vector<1x16xf32> to vector<16xf32>
      %parallel_loop3A_267 = arith.index_cast %parallel_loop3A_143 : i32 to index
      %parallel_loop3A_268 = arith.constant 112 : index
      %parallel_loop3A_269 = tpu.vector_load %arg19[%parallel_loop3A_267, %parallel_loop3A_268] {strides = array<i32>} : memref<40x128xf32, #tpu.memory_space<vmem>>, vector<1x16xf32>,
      %parallel_loop3A_270 = vector.shape_cast %parallel_loop3A_269 : vector<1x16xf32> to vector<16xf32>
      %parallel_loop3A_271 = arith.addf %parallel_loop3A_266, %parallel_loop3A_270 : vector<16xf32>
      %parallel_loop3A_272 = arith.constant 0.000000e+00 : f32
      %parallel_loop3A_273 = vector.broadcast %parallel_loop3A_272 : f32 to vector<16xf32>
      %parallel_loop3A_274 = arith.maximumf %parallel_loop3A_271, %parallel_loop3A_273 : vector<16xf32>
      %parallel_loop3A_275 = arith.index_cast %parallel_loop3A_143 : i32 to index
      %parallel_loop3A_276 = arith.constant 112 : index
      %parallel_loop3A_277 = tpu.vector_load %arg22[%parallel_loop3A_275, %parallel_loop3A_276] {strides = array<i32>} : memref<40x128xf32, #tpu.memory_space<vmem>>, vector<1x16xf32>,
      %parallel_loop3A_278 = vector.shape_cast %parallel_loop3A_277 : vector<1x16xf32> to vector<16xf32>
      %parallel_loop3A_279 = vector.shape_cast %parallel_loop3A_274 : vector<16xf32> to vector<1x16xf32>
      tpu.vector_store %arg22[%parallel_loop3A_275, %parallel_loop3A_276], %parallel_loop3A_279 {strides = array<i32>} : memref<40x128xf32, #tpu.memory_space<vmem>>, vector<1x16xf32>,
    } {sc.loop_unroll_factor = 4 : i64, sc.parallel_access}
    %get3A = arith.constant 0 : index
    %get3A_106 = tpu.vector_load %arg10[%get3A] {strides = array<i32>} : memref<40xi32, #tpu.memory_space<vmem>>, vector<16xi32>,
    %get3A_107 = vector.shape_cast %get3A_106 : vector<16xi32> to vector<16xi32>
    %swap3A = arith.constant 0 : index
    %swap3A_108 = tpu.vector_load %arg13[%swap3A] {strides = array<i32>} : memref<40xi32, #tpu.memory_space<vmem>>, vector<16xi32>,
    %swap3A_109 = vector.shape_cast %swap3A_108 : vector<16xi32> to vector<16xi32>
    %swap3A_110 = vector.shape_cast %get3A_107 : vector<16xi32> to vector<16xi32>
    tpu.vector_store %arg13[%swap3A], %swap3A_110 {strides = array<i32>} : memref<40xi32, #tpu.memory_space<vmem>>, vector<16xi32>,
    %get3A_111 = arith.constant 16 : index
    %get3A_112 = tpu.vector_load %arg10[%get3A_111] {strides = array<i32>} : memref<40xi32, #tpu.memory_space<vmem>>, vector<16xi32>,
    %get3A_113 = vector.shape_cast %get3A_112 : vector<16xi32> to vector<16xi32>
    %swap3A_114 = arith.constant 16 : index
    %swap3A_115 = tpu.vector_load %arg13[%swap3A_114] {strides = array<i32>} : memref<40xi32, #tpu.memory_space<vmem>>, vector<16xi32>,
    %swap3A_116 = vector.shape_cast %swap3A_115 : vector<16xi32> to vector<16xi32>
    %swap3A_117 = vector.shape_cast %get3A_113 : vector<16xi32> to vector<16xi32>
    tpu.vector_store %arg13[%swap3A_114], %swap3A_117 {strides = array<i32>} : memref<40xi32, #tpu.memory_space<vmem>>, vector<16xi32>,
    %get3A_118 = arith.constant 24 : index
    %get3A_119 = tpu.vector_load %arg10[%get3A_118] {strides = array<i32>} : memref<40xi32, #tpu.memory_space<vmem>>, vector<16xi32>,
    %get3A_120 = vector.shape_cast %get3A_119 : vector<16xi32> to vector<16xi32>
    %swap3A_121 = arith.constant 24 : index
    %swap3A_122 = tpu.vector_load %arg13[%swap3A_121] {strides = array<i32>} : memref<40xi32, #tpu.memory_space<vmem>>, vector<16xi32>,
    %swap3A_123 = vector.shape_cast %swap3A_122 : vector<16xi32> to vector<16xi32>
    %swap3A_124 = vector.shape_cast %get3A_120 : vector<16xi32> to vector<16xi32>
    tpu.vector_store %arg13[%swap3A_121], %swap3A_124 {strides = array<i32>} : memref<40xi32, #tpu.memory_space<vmem>>, vector<16xi32>,
    %dma_start3A_125 = arith.constant 0 : i32
    %dma_start3A_126 = arith.constant 0 : i32
    %dma_start3A_127 = tpu.memref_slice %arg25[%dma_start3A_125, %dma_start3A_126] : memref<10000x128xf32, #tpu.memory_space<vmem_shared>> -> memref<10000x128xf32, #tpu.memory_space<vmem_shared>>
    tpu.enqueue_indirect_dma source(%arg22 : memref<40x128xf32, #tpu.memory_space<vmem>>) target(%dma_start3A_127 : memref<10000x128xf32, #tpu.memory_space<vmem_shared>>) offsets(%arg13 : memref<40xi32, #tpu.memory_space<vmem>>) semaphore(%arg32 : memref<!tpu.dma_semaphore, #tpu.memory_space<semaphore_mem>>) {add = true}
    %dma_wait3A_128 = arith.constant 0 : i32
    %dma_wait3A_129 = arith.constant 0 : i32
    %dma_wait3A_130 = tpu.memref_slice %arg25[%dma_wait3A_128, %dma_wait3A_129] : memref<10000x128xf32, #tpu.memory_space<vmem_shared>> -> memref<10000x128xf32, #tpu.memory_space<vmem_shared>>
    tpu.wait_indirect_dma semaphore(%arg33 : memref<!tpu.dma_semaphore, #tpu.memory_space<semaphore_mem>>) src(%arg23 : memref<40x128xf32, #tpu.memory_space<vmem>>) dst(%dma_wait3A_130 : memref<10000x128xf32, #tpu.memory_space<vmem_shared>>)
    %dma_wait3A_131 = arith.constant 0 : i32
    %dma_wait3A_132 = arith.constant 0 : i32
    %dma_wait3A_133 = tpu.memref_slice %arg25[%dma_wait3A_131, %dma_wait3A_132] : memref<10000x128xf32, #tpu.memory_space<vmem_shared>> -> memref<10000x128xf32, #tpu.memory_space<vmem_shared>>
    tpu.wait_indirect_dma semaphore(%arg34 : memref<!tpu.dma_semaphore, #tpu.memory_space<semaphore_mem>>) src(%arg24 : memref<40x128xf32, #tpu.memory_space<vmem>>) dst(%dma_wait3A_133 : memref<10000x128xf32, #tpu.memory_space<vmem_shared>>)
    %dma_wait3A_134 = arith.constant 0 : i32
    %dma_wait3A_135 = arith.constant 0 : i32
    %dma_wait3A_136 = tpu.memref_slice %arg25[%dma_wait3A_134, %dma_wait3A_135] : memref<10000x128xf32, #tpu.memory_space<vmem_shared>> -> memref<10000x128xf32, #tpu.memory_space<vmem_shared>>
    tpu.wait_indirect_dma semaphore(%arg32 : memref<!tpu.dma_semaphore, #tpu.memory_space<semaphore_mem>>) src(%arg22 : memref<40x128xf32, #tpu.memory_space<vmem>>) dst(%dma_wait3A_136 : memref<10000x128xf32, #tpu.memory_space<vmem_shared>>)
    %barrier3A_137 = arith.constant 0 : index
    tpu.barrier barrier_id(%barrier3A_137)
    "tpu.region"() ({
      %run_scoped3A = tpu.sem_alloc : memref<!tpu.dma_semaphore, #tpu.memory_space<semaphore_mem>>
      %dma_start3A_143 = arith.constant 0 : i32
      %dma_start3A_144 = tpu.memref_slice %arg6[%arg0, %mul3A_54, %dma_start3A_143] : memref<2x10000x128xf32, #tpu.memory_space<hbm>> -> memref<1x624x128xf32, #tpu.memory_space<hbm>>
      %dma_start3A_145 = tpu.memref_squeeze %dma_start3A_144 : memref<1x624x128xf32, #tpu.memory_space<hbm>> -> memref<624x128xf32, #tpu.memory_space<hbm>>
      %dma_start3A_146 = arith.constant 0 : i32
      %dma_start3A_147 = tpu.memref_slice %arg25[%mul3A_54, %dma_start3A_146] : memref<10000x128xf32, #tpu.memory_space<vmem_shared>> -> memref<624x128xf32, #tpu.memory_space<vmem_shared>>
      tpu.enqueue_dma source(%dma_start3A_147 : memref<624x128xf32, #tpu.memory_space<vmem_shared>>) target(%dma_start3A_145 : memref<624x128xf32, #tpu.memory_space<hbm>>) target_semaphore(%run_scoped3A : memref<!tpu.dma_semaphore, #tpu.memory_space<semaphore_mem>>)
      %dma_wait3A_148 = arith.constant 0 : i32
      %dma_wait3A_149 = tpu.memref_slice %arg6[%arg0, %mul3A_54, %dma_wait3A_148] : memref<2x10000x128xf32, #tpu.memory_space<hbm>> -> memref<1x624x128xf32, #tpu.memory_space<hbm>>
      %dma_wait3A_150 = tpu.memref_squeeze %dma_wait3A_149 : memref<1x624x128xf32, #tpu.memory_space<hbm>> -> memref<624x128xf32, #tpu.memory_space<hbm>>
      %dma_wait3A_151 = arith.constant 0 : i32
      %dma_wait3A_152 = tpu.memref_slice %arg25[%mul3A_54, %dma_wait3A_151] : memref<10000x128xf32, #tpu.memory_space<vmem_shared>> -> memref<624x128xf32, #tpu.memory_space<vmem_shared>>
      tpu.wait_dma2 semaphore(%run_scoped3A : memref<!tpu.dma_semaphore, #tpu.memory_space<semaphore_mem>>) src(%dma_wait3A_152 : memref<624x128xf32, #tpu.memory_space<vmem_shared>>) dst(%dma_wait3A_150 : memref<624x128xf32, #tpu.memory_space<hbm>>)
      tpu.yield
    }) : () -> ()
    %eq3A_138 = arith.constant 15 : i32
    %eq3A_139 = arith.cmpi eq, %arg1, %eq3A_138 : i32
    %convert_element_type3A_140 = arith.extui %eq3A_139 : i1 to i32
    %cond3A_141 = arith.constant 0 : i32
    %cond3A_142 = arith.cmpi ne, %convert_element_type3A_140, %cond3A_141 : i32
    scf.if %cond3A_142 {
      "tpu.region"() ({
        %run_scoped3A = tpu.sem_alloc : memref<!tpu.dma_semaphore, #tpu.memory_space<semaphore_mem>>
        %dma_start3A_143 = arith.constant 9984 : i32
        %dma_start3A_144 = arith.constant 0 : i32
        %dma_start3A_145 = tpu.memref_slice %arg6[%arg0, %dma_start3A_143, %dma_start3A_144] : memref<2x10000x128xf32, #tpu.memory_space<hbm>> -> memref<1x16x128xf32, #tpu.memory_space<hbm>>
        %dma_start3A_146 = tpu.memref_squeeze %dma_start3A_145 : memref<1x16x128xf32, #tpu.memory_space<hbm>> -> memref<16x128xf32, #tpu.memory_space<hbm>>
        %dma_start3A_147 = arith.constant 9984 : i32
        %dma_start3A_148 = arith.constant 0 : i32
        %dma_start3A_149 = tpu.memref_slice %arg25[%dma_start3A_147, %dma_start3A_148] : memref<10000x128xf32, #tpu.memory_space<vmem_shared>> -> memref<16x128xf32, #tpu.memory_space<vmem_shared>>
        tpu.enqueue_dma source(%dma_start3A_149 : memref<16x128xf32, #tpu.memory_space<vmem_shared>>) target(%dma_start3A_146 : memref<16x128xf32, #tpu.memory_space<hbm>>) target_semaphore(%run_scoped3A : memref<!tpu.dma_semaphore, #tpu.memory_space<semaphore_mem>>)
        %dma_wait3A_150 = arith.constant 9984 : i32
        %dma_wait3A_151 = arith.constant 0 : i32
        %dma_wait3A_152 = tpu.memref_slice %arg6[%arg0, %dma_wait3A_150, %dma_wait3A_151] : memref<2x10000x128xf32, #tpu.memory_space<hbm>> -> memref<1x16x128xf32, #tpu.memory_space<hbm>>
        %dma_wait3A_153 = tpu.memref_squeeze %dma_wait3A_152 : memref<1x16x128xf32, #tpu.memory_space<hbm>> -> memref<16x128xf32, #tpu.memory_space<hbm>>
        %dma_wait3A_154 = arith.constant 9984 : i32
        %dma_wait3A_155 = arith.constant 0 : i32
        %dma_wait3A_156 = tpu.memref_slice %arg25[%dma_wait3A_154, %dma_wait3A_155] : memref<10000x128xf32, #tpu.memory_space<vmem_shared>> -> memref<16x128xf32, #tpu.memory_space<vmem_shared>>
        tpu.wait_dma2 semaphore(%run_scoped3A : memref<!tpu.dma_semaphore, #tpu.memory_space<semaphore_mem>>) src(%dma_wait3A_156 : memref<16x128xf32, #tpu.memory_space<vmem_shared>>) dst(%dma_wait3A_153 : memref<16x128xf32, #tpu.memory_space<hbm>>)
        tpu.yield
      }) : () -> ()
    } else {
    }
    return
  }
}

module attributes {stable_mosaic.version = 14 : i64} {
  func.func @_pre_body(%arg0: i32, %arg1: memref<1000x128xf32, #tpu.memory_space<vmem>>, %arg2: memref<128x128xf32, #tpu.memory_space<vmem>>, %arg3: memref<128x128xf32, #tpu.memory_space<vmem>>, %arg4: memref<1x128xf32, #tpu.memory_space<vmem>>, %arg5: memref<128x128xf32, #tpu.memory_space<vmem>>, %arg6: memref<1x128xf32, #tpu.memory_space<vmem>>, %arg7: memref<1000x128xf32, #tpu.memory_space<vmem>>, %arg8: memref<1000x128xf32, #tpu.memory_space<vmem>>, %arg9: memref<1000x128xf32, #tpu.memory_space<vmem>>) attributes {dimension_semantics = [#tpu.dimension_semantics<arbitrary>], iteration_bounds = array<i64: 10>, scalar_prefetch = 0 : i64, scratch_operands = 0 : i64, tpu.core_type = #tpu.core_type<tc>, window_params = [{transform_indices = @transform_0, window_bounds = array<i64: 1000, 128>}, {transform_indices = @transform_1, window_bounds = array<i64: 128, 128>}, {transform_indices = @transform_2, window_bounds = array<i64: 128, 128>}, {pipeline_mode = #tpu.pipeline_mode<synchronous>, transform_indices = @transform_3, window_bounds = array<i64: 1, 128>}, {pipeline_mode = #tpu.pipeline_mode<synchronous>, transform_indices = @transform_4, window_bounds = array<i64: 128, 128>}, {pipeline_mode = #tpu.pipeline_mode<synchronous>, transform_indices = @transform_5, window_bounds = array<i64: 1, 128>}, {transform_indices = @transform_6, window_bounds = array<i64: 1000, 128>}, {transform_indices = @transform_7, window_bounds = array<i64: 1000, 128>}, {transform_indices = @transform_8, window_bounds = array<i64: 1000, 128>}]} {
    %get3A = arith.constant 0 : index
    %get3A_0 = arith.constant 0 : index
    %get3A_1 = vector.load %arg1[%get3A, %get3A_0] : memref<1000x128xf32, #tpu.memory_space<vmem>>, vector<1000x128xf32>
    %get3A_2 = arith.constant 0 : index
    %get3A_3 = arith.constant 0 : index
    %get3A_4 = vector.load %arg2[%get3A_2, %get3A_3] : memref<128x128xf32, #tpu.memory_space<vmem>>, vector<128x128xf32>
    %dot_general3A = arith.constant dense<0.000000e+00> : vector<1000x128xf32>
    %dot_general3A_5 = tpu.matmul %get3A_1, %get3A_4, %dot_general3A {dimension_numbers = #tpu.dot_dimension_numbers<[1], [1], [0], [0], [0, 0, 1, 0], [], []>, transpose_lhs_hint = false} : vector<1000x128xf32>, vector<128x128xf32>, vector<1000x128xf32> -> vector<1000x128xf32>
    %swap3A = arith.constant 0 : index
    %swap3A_6 = arith.constant 0 : index
    %swap3A_7 = vector.load %arg7[%swap3A, %swap3A_6] : memref<1000x128xf32, #tpu.memory_space<vmem>>, vector<1000x128xf32>
    tpu.vector_store %arg7[%swap3A, %swap3A_6], %dot_general3A_5 {strides = array<i32>} : memref<1000x128xf32, #tpu.memory_space<vmem>>, vector<1000x128xf32>,
    %get3A_8 = arith.constant 0 : index
    %get3A_9 = arith.constant 0 : index
    %get3A_10 = vector.load %arg3[%get3A_8, %get3A_9] : memref<128x128xf32, #tpu.memory_space<vmem>>, vector<128x128xf32>
    %dot_general3A_11 = arith.constant dense<0.000000e+00> : vector<1000x128xf32>
    %dot_general3A_12 = tpu.matmul %get3A_1, %get3A_10, %dot_general3A_11 {dimension_numbers = #tpu.dot_dimension_numbers<[1], [1], [0], [0], [0, 0, 1, 0], [], []>, transpose_lhs_hint = false} : vector<1000x128xf32>, vector<128x128xf32>, vector<1000x128xf32> -> vector<1000x128xf32>
    %get3A_13 = arith.constant 0 : index
    %get3A_14 = arith.constant 0 : index
    %get3A_15 = vector.load %arg4[%get3A_13, %get3A_14] : memref<1x128xf32, #tpu.memory_space<vmem>>, vector<1x128xf32>
    %add3A = vector.broadcast %get3A_15 : vector<1x128xf32> to vector<1000x128xf32>
    %add3A_16 = arith.addf %dot_general3A_12, %add3A : vector<1000x128xf32>
    %swap3A_17 = arith.constant 0 : index
    %swap3A_18 = arith.constant 0 : index
    %swap3A_19 = vector.load %arg8[%swap3A_17, %swap3A_18] : memref<1000x128xf32, #tpu.memory_space<vmem>>, vector<1000x128xf32>
    tpu.vector_store %arg8[%swap3A_17, %swap3A_18], %add3A_16 {strides = array<i32>} : memref<1000x128xf32, #tpu.memory_space<vmem>>, vector<1000x128xf32>,
    %get3A_20 = arith.constant 0 : index
    %get3A_21 = arith.constant 0 : index
    %get3A_22 = vector.load %arg5[%get3A_20, %get3A_21] : memref<128x128xf32, #tpu.memory_space<vmem>>, vector<128x128xf32>
    %dot_general3A_23 = arith.constant dense<0.000000e+00> : vector<1000x128xf32>
    %dot_general3A_24 = tpu.matmul %get3A_1, %get3A_22, %dot_general3A_23 {dimension_numbers = #tpu.dot_dimension_numbers<[1], [1], [0], [0], [0, 0, 1, 0], [], []>, transpose_lhs_hint = false} : vector<1000x128xf32>, vector<128x128xf32>, vector<1000x128xf32> -> vector<1000x128xf32>
    %get3A_25 = arith.constant 0 : index
    %get3A_26 = arith.constant 0 : index
    %get3A_27 = vector.load %arg6[%get3A_25, %get3A_26] : memref<1x128xf32, #tpu.memory_space<vmem>>, vector<1x128xf32>
    %add3A_28 = vector.broadcast %get3A_27 : vector<1x128xf32> to vector<1000x128xf32>
    %add3A_29 = arith.addf %dot_general3A_24, %add3A_28 : vector<1000x128xf32>
    %swap3A_30 = arith.constant 0 : index
    %swap3A_31 = arith.constant 0 : index
    %swap3A_32 = vector.load %arg9[%swap3A_30, %swap3A_31] : memref<1000x128xf32, #tpu.memory_space<vmem>>, vector<1000x128xf32>
    tpu.vector_store %arg9[%swap3A_30, %swap3A_31], %add3A_29 {strides = array<i32>} : memref<1000x128xf32, #tpu.memory_space<vmem>>, vector<1000x128xf32>,
    return
  }
  func.func @transform_0(%arg0: i32) -> (i32, i32) {
    %c0_i32 = arith.constant 0 : i32
    %c0_i32_0 = arith.constant 0 : i32
    return %arg0, %c0_i32 : i32, i32
  }
  func.func @transform_1(%arg0: i32) -> (i32, i32) {
    %c0_i32 = arith.constant 0 : i32
    %c0_i32_0 = arith.constant 0 : i32
    %c0_i32_1 = arith.constant 0 : i32
    return %c0_i32, %c0_i32_0 : i32, i32
  }
  func.func @transform_2(%arg0: i32) -> (i32, i32) {
    %c0_i32 = arith.constant 0 : i32
    %c1_i32 = arith.constant 1 : i32
    %c0_i32_0 = arith.constant 0 : i32
    return %c0_i32, %c1_i32 : i32, i32
  }
  func.func @transform_3(%arg0: i32) -> (i32, i32) {
    %c0_i32 = arith.constant 0 : i32
    %c0_i32_0 = arith.constant 0 : i32
    %c0_i32_1 = arith.constant 0 : i32
    return %c0_i32, %c0_i32_0 : i32, i32
  }
  func.func @transform_4(%arg0: i32) -> (i32, i32) {
    %c0_i32 = arith.constant 0 : i32
    %c0_i32_0 = arith.constant 0 : i32
    %c0_i32_1 = arith.constant 0 : i32
    return %c0_i32, %c0_i32_0 : i32, i32
  }
  func.func @transform_5(%arg0: i32) -> (i32, i32) {
    %c0_i32 = arith.constant 0 : i32
    %c0_i32_0 = arith.constant 0 : i32
    %c0_i32_1 = arith.constant 0 : i32
    return %c0_i32, %c0_i32_0 : i32, i32
  }
  func.func @transform_6(%arg0: i32) -> (i32, i32) {
    %c0_i32 = arith.constant 0 : i32
    %c0_i32_0 = arith.constant 0 : i32
    return %arg0, %c0_i32 : i32, i32
  }
  func.func @transform_7(%arg0: i32) -> (i32, i32) {
    %c0_i32 = arith.constant 0 : i32
    %c0_i32_0 = arith.constant 0 : i32
    return %arg0, %c0_i32 : i32, i32
  }
  func.func @transform_8(%arg0: i32) -> (i32, i32) {
    %c0_i32 = arith.constant 0 : i32
    %c0_i32_0 = arith.constant 0 : i32
    return %arg0, %c0_i32 : i32, i32
  }
}

module attributes {stable_mosaic.version = 14 : i64} {
  func.func @_tail_body(%arg0: i32, %arg1: memref<2x1000x128xf32, #tpu.memory_space<vmem>>, %arg2: memref<1000x128xf32, #tpu.memory_space<vmem>>, %arg3: memref<128x128xf32, #tpu.memory_space<vmem>>, %arg4: memref<1x128xf32, #tpu.memory_space<vmem>>, %arg5: memref<128x128xf32, #tpu.memory_space<vmem>>, %arg6: memref<1x128xf32, #tpu.memory_space<vmem>>, %arg7: memref<4x128x128xf32, #tpu.memory_space<vmem>>, %arg8: memref<4x1x128xf32, #tpu.memory_space<vmem>>, %arg9: memref<4x1x128xf32, #tpu.memory_space<vmem>>, %arg10: memref<4x1x128xf32, #tpu.memory_space<vmem>>, %arg11: memref<4x1x128xf32, #tpu.memory_space<vmem>>, %arg12: memref<4x1x128xf32, #tpu.memory_space<vmem>>, %arg13: memref<128x128xf32, #tpu.memory_space<vmem>>, %arg14: memref<1x128xf32, #tpu.memory_space<vmem>>, %arg15: memref<1000x128xf32, #tpu.memory_space<vmem>>) attributes {dimension_semantics = [#tpu.dimension_semantics<arbitrary>], iteration_bounds = array<i64: 10>, scalar_prefetch = 0 : i64, scratch_operands = 0 : i64, tpu.core_type = #tpu.core_type<tc>, window_params = [{transform_indices = @transform_0, window_bounds = array<i64: 2, 1000, 128>}, {transform_indices = @transform_1, window_bounds = array<i64: 1000, 128>}, {pipeline_mode = #tpu.pipeline_mode<synchronous>, transform_indices = @transform_2, window_bounds = array<i64: 128, 128>}, {pipeline_mode = #tpu.pipeline_mode<synchronous>, transform_indices = @transform_3, window_bounds = array<i64: 1, 128>}, {pipeline_mode = #tpu.pipeline_mode<synchronous>, transform_indices = @transform_4, window_bounds = array<i64: 128, 128>}, {pipeline_mode = #tpu.pipeline_mode<synchronous>, transform_indices = @transform_5, window_bounds = array<i64: 1, 128>}, {pipeline_mode = #tpu.pipeline_mode<synchronous>, transform_indices = @transform_6, window_bounds = array<i64: 4, 128, 128>}, {pipeline_mode = #tpu.pipeline_mode<synchronous>, transform_indices = @transform_7, window_bounds = array<i64: 4, 1, 128>}, {pipeline_mode = #tpu.pipeline_mode<synchronous>, transform_indices = @transform_8, window_bounds = array<i64: 4, 1, 128>}, {pipeline_mode = #tpu.pipeline_mode<synchronous>, transform_indices = @transform_9, window_bounds = array<i64: 4, 1, 128>}, {pipeline_mode = #tpu.pipeline_mode<synchronous>, transform_indices = @transform_10, window_bounds = array<i64: 4, 1, 128>}, {pipeline_mode = #tpu.pipeline_mode<synchronous>, transform_indices = @transform_11, window_bounds = array<i64: 4, 1, 128>}, {pipeline_mode = #tpu.pipeline_mode<synchronous>, transform_indices = @transform_12, window_bounds = array<i64: 128, 128>}, {pipeline_mode = #tpu.pipeline_mode<synchronous>, transform_indices = @transform_13, window_bounds = array<i64: 1, 128>}, {transform_indices = @transform_14, window_bounds = array<i64: 1000, 128>}]} {
    %get3A = arith.constant 0 : index
    %get3A_0 = arith.constant 0 : index
    %get3A_1 = arith.constant 0 : index
    %get3A_2 = vector.load %arg1[%get3A, %get3A_0, %get3A_1] : memref<2x1000x128xf32, #tpu.memory_space<vmem>>, vector<1x1000x128xf32>
    %get3A_3 = vector.shape_cast %get3A_2 : vector<1x1000x128xf32> to vector<1000x128xf32>
    %get3A_4 = arith.constant 1 : index
    %get3A_5 = arith.constant 0 : index
    %get3A_6 = arith.constant 0 : index
    %get3A_7 = vector.load %arg1[%get3A_4, %get3A_5, %get3A_6] : memref<2x1000x128xf32, #tpu.memory_space<vmem>>, vector<1x1000x128xf32>
    %get3A_8 = vector.shape_cast %get3A_7 : vector<1x1000x128xf32> to vector<1000x128xf32>
    %add3A = arith.addf %get3A_3, %get3A_8 : vector<1000x128xf32>
    %get3A_9 = arith.constant 0 : index
    %get3A_10 = arith.constant 0 : index
    %get3A_11 = vector.load %arg3[%get3A_9, %get3A_10] : memref<128x128xf32, #tpu.memory_space<vmem>>, vector<128x128xf32>
    %dot_general3A = arith.constant dense<0.000000e+00> : vector<1000x128xf32>
    %dot_general3A_12 = tpu.matmul %add3A, %get3A_11, %dot_general3A {dimension_numbers = #tpu.dot_dimension_numbers<[1], [1], [0], [0], [0, 0, 1, 0], [], []>, transpose_lhs_hint = false} : vector<1000x128xf32>, vector<128x128xf32>, vector<1000x128xf32> -> vector<1000x128xf32>
    %get3A_13 = arith.constant 0 : index
    %get3A_14 = arith.constant 0 : index
    %get3A_15 = vector.load %arg4[%get3A_13, %get3A_14] : memref<1x128xf32, #tpu.memory_space<vmem>>, vector<1x128xf32>
    %add3A_16 = vector.broadcast %get3A_15 : vector<1x128xf32> to vector<1000x128xf32>
    %add3A_17 = arith.addf %dot_general3A_12, %add3A_16 : vector<1000x128xf32>
    %max3A = arith.constant 0.000000e+00 : f32
    %max3A_18 = vector.broadcast %max3A : f32 to vector<1000x128xf32>
    %max3A_19 = arith.maximumf %add3A_17, %max3A_18 : vector<1000x128xf32>
    %get3A_20 = arith.constant 0 : index
    %get3A_21 = arith.constant 0 : index
    %get3A_22 = vector.load %arg2[%get3A_20, %get3A_21] : memref<1000x128xf32, #tpu.memory_space<vmem>>, vector<1000x128xf32>
    %get3A_23 = arith.constant 0 : index
    %get3A_24 = arith.constant 0 : index
    %get3A_25 = vector.load %arg5[%get3A_23, %get3A_24] : memref<128x128xf32, #tpu.memory_space<vmem>>, vector<128x128xf32>
    %dot_general3A_26 = arith.constant dense<0.000000e+00> : vector<1000x128xf32>
    %dot_general3A_27 = tpu.matmul %max3A_19, %get3A_25, %dot_general3A_26 {dimension_numbers = #tpu.dot_dimension_numbers<[1], [1], [0], [0], [0, 0, 1, 0], [], []>, transpose_lhs_hint = false} : vector<1000x128xf32>, vector<128x128xf32>, vector<1000x128xf32> -> vector<1000x128xf32>
    %add3A_28 = arith.addf %get3A_22, %dot_general3A_27 : vector<1000x128xf32>
    %get3A_29 = arith.constant 0 : index
    %get3A_30 = arith.constant 0 : index
    %get3A_31 = vector.load %arg6[%get3A_29, %get3A_30] : memref<1x128xf32, #tpu.memory_space<vmem>>, vector<1x128xf32>
    %add3A_32 = vector.broadcast %get3A_31 : vector<1x128xf32> to vector<1000x128xf32>
    %add3A_33 = arith.addf %add3A_28, %add3A_32 : vector<1000x128xf32>
    %get3A_34 = arith.constant 0 : index
    %get3A_35 = arith.constant 0 : index
    %get3A_36 = arith.constant 0 : index
    %get3A_37 = vector.load %arg7[%get3A_34, %get3A_35, %get3A_36] : memref<4x128x128xf32, #tpu.memory_space<vmem>>, vector<1x128x128xf32>
    %get3A_38 = vector.shape_cast %get3A_37 : vector<1x128x128xf32> to vector<128x128xf32>
    %dot_general3A_39 = arith.constant dense<0.000000e+00> : vector<1000x128xf32>
    %dot_general3A_40 = tpu.matmul %add3A_33, %get3A_38, %dot_general3A_39 {dimension_numbers = #tpu.dot_dimension_numbers<[1], [1], [0], [0], [0, 0, 1, 0], [], []>, transpose_lhs_hint = false} : vector<1000x128xf32>, vector<128x128xf32>, vector<1000x128xf32> -> vector<1000x128xf32>
    %get3A_41 = arith.constant 0 : index
    %get3A_42 = arith.constant 0 : index
    %get3A_43 = arith.constant 0 : index
    %get3A_44 = vector.load %arg8[%get3A_41, %get3A_42, %get3A_43] : memref<4x1x128xf32, #tpu.memory_space<vmem>>, vector<1x1x128xf32>
    %get3A_45 = vector.shape_cast %get3A_44 : vector<1x1x128xf32> to vector<1x128xf32>
    %add3A_46 = vector.broadcast %get3A_45 : vector<1x128xf32> to vector<1000x128xf32>
    %add3A_47 = arith.addf %dot_general3A_40, %add3A_46 : vector<1000x128xf32>
    %get3A_48 = arith.constant 0 : index
    %get3A_49 = arith.constant 0 : index
    %get3A_50 = arith.constant 0 : index
    %get3A_51 = vector.load %arg10[%get3A_48, %get3A_49, %get3A_50] : memref<4x1x128xf32, #tpu.memory_space<vmem>>, vector<1x1x128xf32>
    %get3A_52 = vector.shape_cast %get3A_51 : vector<1x1x128xf32> to vector<1x128xf32>
    %add3A_53 = arith.constant 9.99999974E-6 : f32
    %add3A_54 = vector.broadcast %add3A_53 : f32 to vector<1x128xf32>
    %add3A_55 = arith.addf %get3A_52, %add3A_54 : vector<1x128xf32>
    %rsqrt3A = math.rsqrt %add3A_55 : vector<1x128xf32>
    %get3A_56 = arith.constant 0 : index
    %get3A_57 = arith.constant 0 : index
    %get3A_58 = arith.constant 0 : index
    %get3A_59 = vector.load %arg11[%get3A_56, %get3A_57, %get3A_58] : memref<4x1x128xf32, #tpu.memory_space<vmem>>, vector<1x1x128xf32>
    %get3A_60 = vector.shape_cast %get3A_59 : vector<1x1x128xf32> to vector<1x128xf32>
    %mul3A = arith.mulf %rsqrt3A, %get3A_60 : vector<1x128xf32>
    %get3A_61 = arith.constant 0 : index
    %get3A_62 = arith.constant 0 : index
    %get3A_63 = arith.constant 0 : index
    %get3A_64 = vector.load %arg9[%get3A_61, %get3A_62, %get3A_63] : memref<4x1x128xf32, #tpu.memory_space<vmem>>, vector<1x1x128xf32>
    %get3A_65 = vector.shape_cast %get3A_64 : vector<1x1x128xf32> to vector<1x128xf32>
    %sub3A = vector.broadcast %get3A_65 : vector<1x128xf32> to vector<1000x128xf32>
    %sub3A_66 = arith.subf %add3A_47, %sub3A : vector<1000x128xf32>
    %mul3A_67 = vector.broadcast %mul3A : vector<1x128xf32> to vector<1000x128xf32>
    %mul3A_68 = arith.mulf %sub3A_66, %mul3A_67 : vector<1000x128xf32>
    %get3A_69 = arith.constant 0 : index
    %get3A_70 = arith.constant 0 : index
    %get3A_71 = arith.constant 0 : index
    %get3A_72 = vector.load %arg12[%get3A_69, %get3A_70, %get3A_71] : memref<4x1x128xf32, #tpu.memory_space<vmem>>, vector<1x1x128xf32>
    %get3A_73 = vector.shape_cast %get3A_72 : vector<1x1x128xf32> to vector<1x128xf32>
    %add3A_74 = vector.broadcast %get3A_73 : vector<1x128xf32> to vector<1000x128xf32>
    %add3A_75 = arith.addf %mul3A_68, %add3A_74 : vector<1000x128xf32>
    %max3A_76 = arith.constant 0.000000e+00 : f32
    %max3A_77 = vector.broadcast %max3A_76 : f32 to vector<1000x128xf32>
    %max3A_78 = arith.maximumf %add3A_75, %max3A_77 : vector<1000x128xf32>
    %get3A_79 = arith.constant 1 : index
    %get3A_80 = arith.constant 0 : index
    %get3A_81 = arith.constant 0 : index
    %get3A_82 = vector.load %arg7[%get3A_79, %get3A_80, %get3A_81] : memref<4x128x128xf32, #tpu.memory_space<vmem>>, vector<1x128x128xf32>
    %get3A_83 = vector.shape_cast %get3A_82 : vector<1x128x128xf32> to vector<128x128xf32>
    %dot_general3A_84 = arith.constant dense<0.000000e+00> : vector<1000x128xf32>
    %dot_general3A_85 = tpu.matmul %max3A_78, %get3A_83, %dot_general3A_84 {dimension_numbers = #tpu.dot_dimension_numbers<[1], [1], [0], [0], [0, 0, 1, 0], [], []>, transpose_lhs_hint = false} : vector<1000x128xf32>, vector<128x128xf32>, vector<1000x128xf32> -> vector<1000x128xf32>
    %get3A_86 = arith.constant 1 : index
    %get3A_87 = arith.constant 0 : index
    %get3A_88 = arith.constant 0 : index
    %get3A_89 = vector.load %arg8[%get3A_86, %get3A_87, %get3A_88] : memref<4x1x128xf32, #tpu.memory_space<vmem>>, vector<1x1x128xf32>
    %get3A_90 = vector.shape_cast %get3A_89 : vector<1x1x128xf32> to vector<1x128xf32>
    %add3A_91 = vector.broadcast %get3A_90 : vector<1x128xf32> to vector<1000x128xf32>
    %add3A_92 = arith.addf %dot_general3A_85, %add3A_91 : vector<1000x128xf32>
    %get3A_93 = arith.constant 1 : index
    %get3A_94 = arith.constant 0 : index
    %get3A_95 = arith.constant 0 : index
    %get3A_96 = vector.load %arg10[%get3A_93, %get3A_94, %get3A_95] : memref<4x1x128xf32, #tpu.memory_space<vmem>>, vector<1x1x128xf32>
    %get3A_97 = vector.shape_cast %get3A_96 : vector<1x1x128xf32> to vector<1x128xf32>
    %add3A_98 = arith.constant 9.99999974E-6 : f32
    %add3A_99 = vector.broadcast %add3A_98 : f32 to vector<1x128xf32>
    %add3A_100 = arith.addf %get3A_97, %add3A_99 : vector<1x128xf32>
    %rsqrt3A_101 = math.rsqrt %add3A_100 : vector<1x128xf32>
    %get3A_102 = arith.constant 1 : index
    %get3A_103 = arith.constant 0 : index
    %get3A_104 = arith.constant 0 : index
    %get3A_105 = vector.load %arg11[%get3A_102, %get3A_103, %get3A_104] : memref<4x1x128xf32, #tpu.memory_space<vmem>>, vector<1x1x128xf32>
    %get3A_106 = vector.shape_cast %get3A_105 : vector<1x1x128xf32> to vector<1x128xf32>
    %mul3A_107 = arith.mulf %rsqrt3A_101, %get3A_106 : vector<1x128xf32>
    %get3A_108 = arith.constant 1 : index
    %get3A_109 = arith.constant 0 : index
    %get3A_110 = arith.constant 0 : index
    %get3A_111 = vector.load %arg9[%get3A_108, %get3A_109, %get3A_110] : memref<4x1x128xf32, #tpu.memory_space<vmem>>, vector<1x1x128xf32>
    %get3A_112 = vector.shape_cast %get3A_111 : vector<1x1x128xf32> to vector<1x128xf32>
    %sub3A_113 = vector.broadcast %get3A_112 : vector<1x128xf32> to vector<1000x128xf32>
    %sub3A_114 = arith.subf %add3A_92, %sub3A_113 : vector<1000x128xf32>
    %mul3A_115 = vector.broadcast %mul3A_107 : vector<1x128xf32> to vector<1000x128xf32>
    %mul3A_116 = arith.mulf %sub3A_114, %mul3A_115 : vector<1000x128xf32>
    %get3A_117 = arith.constant 1 : index
    %get3A_118 = arith.constant 0 : index
    %get3A_119 = arith.constant 0 : index
    %get3A_120 = vector.load %arg12[%get3A_117, %get3A_118, %get3A_119] : memref<4x1x128xf32, #tpu.memory_space<vmem>>, vector<1x1x128xf32>
    %get3A_121 = vector.shape_cast %get3A_120 : vector<1x1x128xf32> to vector<1x128xf32>
    %add3A_122 = vector.broadcast %get3A_121 : vector<1x128xf32> to vector<1000x128xf32>
    %add3A_123 = arith.addf %mul3A_116, %add3A_122 : vector<1000x128xf32>
    %max3A_124 = arith.constant 0.000000e+00 : f32
    %max3A_125 = vector.broadcast %max3A_124 : f32 to vector<1000x128xf32>
    %max3A_126 = arith.maximumf %add3A_123, %max3A_125 : vector<1000x128xf32>
    %get3A_127 = arith.constant 2 : index
    %get3A_128 = arith.constant 0 : index
    %get3A_129 = arith.constant 0 : index
    %get3A_130 = vector.load %arg7[%get3A_127, %get3A_128, %get3A_129] : memref<4x128x128xf32, #tpu.memory_space<vmem>>, vector<1x128x128xf32>
    %get3A_131 = vector.shape_cast %get3A_130 : vector<1x128x128xf32> to vector<128x128xf32>
    %dot_general3A_132 = arith.constant dense<0.000000e+00> : vector<1000x128xf32>
    %dot_general3A_133 = tpu.matmul %max3A_126, %get3A_131, %dot_general3A_132 {dimension_numbers = #tpu.dot_dimension_numbers<[1], [1], [0], [0], [0, 0, 1, 0], [], []>, transpose_lhs_hint = false} : vector<1000x128xf32>, vector<128x128xf32>, vector<1000x128xf32> -> vector<1000x128xf32>
    %get3A_134 = arith.constant 2 : index
    %get3A_135 = arith.constant 0 : index
    %get3A_136 = arith.constant 0 : index
    %get3A_137 = vector.load %arg8[%get3A_134, %get3A_135, %get3A_136] : memref<4x1x128xf32, #tpu.memory_space<vmem>>, vector<1x1x128xf32>
    %get3A_138 = vector.shape_cast %get3A_137 : vector<1x1x128xf32> to vector<1x128xf32>
    %add3A_139 = vector.broadcast %get3A_138 : vector<1x128xf32> to vector<1000x128xf32>
    %add3A_140 = arith.addf %dot_general3A_133, %add3A_139 : vector<1000x128xf32>
    %get3A_141 = arith.constant 2 : index
    %get3A_142 = arith.constant 0 : index
    %get3A_143 = arith.constant 0 : index
    %get3A_144 = vector.load %arg10[%get3A_141, %get3A_142, %get3A_143] : memref<4x1x128xf32, #tpu.memory_space<vmem>>, vector<1x1x128xf32>
    %get3A_145 = vector.shape_cast %get3A_144 : vector<1x1x128xf32> to vector<1x128xf32>
    %add3A_146 = arith.constant 9.99999974E-6 : f32
    %add3A_147 = vector.broadcast %add3A_146 : f32 to vector<1x128xf32>
    %add3A_148 = arith.addf %get3A_145, %add3A_147 : vector<1x128xf32>
    %rsqrt3A_149 = math.rsqrt %add3A_148 : vector<1x128xf32>
    %get3A_150 = arith.constant 2 : index
    %get3A_151 = arith.constant 0 : index
    %get3A_152 = arith.constant 0 : index
    %get3A_153 = vector.load %arg11[%get3A_150, %get3A_151, %get3A_152] : memref<4x1x128xf32, #tpu.memory_space<vmem>>, vector<1x1x128xf32>
    %get3A_154 = vector.shape_cast %get3A_153 : vector<1x1x128xf32> to vector<1x128xf32>
    %mul3A_155 = arith.mulf %rsqrt3A_149, %get3A_154 : vector<1x128xf32>
    %get3A_156 = arith.constant 2 : index
    %get3A_157 = arith.constant 0 : index
    %get3A_158 = arith.constant 0 : index
    %get3A_159 = vector.load %arg9[%get3A_156, %get3A_157, %get3A_158] : memref<4x1x128xf32, #tpu.memory_space<vmem>>, vector<1x1x128xf32>
    %get3A_160 = vector.shape_cast %get3A_159 : vector<1x1x128xf32> to vector<1x128xf32>
    %sub3A_161 = vector.broadcast %get3A_160 : vector<1x128xf32> to vector<1000x128xf32>
    %sub3A_162 = arith.subf %add3A_140, %sub3A_161 : vector<1000x128xf32>
    %mul3A_163 = vector.broadcast %mul3A_155 : vector<1x128xf32> to vector<1000x128xf32>
    %mul3A_164 = arith.mulf %sub3A_162, %mul3A_163 : vector<1000x128xf32>
    %get3A_165 = arith.constant 2 : index
    %get3A_166 = arith.constant 0 : index
    %get3A_167 = arith.constant 0 : index
    %get3A_168 = vector.load %arg12[%get3A_165, %get3A_166, %get3A_167] : memref<4x1x128xf32, #tpu.memory_space<vmem>>, vector<1x1x128xf32>
    %get3A_169 = vector.shape_cast %get3A_168 : vector<1x1x128xf32> to vector<1x128xf32>
    %add3A_170 = vector.broadcast %get3A_169 : vector<1x128xf32> to vector<1000x128xf32>
    %add3A_171 = arith.addf %mul3A_164, %add3A_170 : vector<1000x128xf32>
    %max3A_172 = arith.constant 0.000000e+00 : f32
    %max3A_173 = vector.broadcast %max3A_172 : f32 to vector<1000x128xf32>
    %max3A_174 = arith.maximumf %add3A_171, %max3A_173 : vector<1000x128xf32>
    %get3A_175 = arith.constant 3 : index
    %get3A_176 = arith.constant 0 : index
    %get3A_177 = arith.constant 0 : index
    %get3A_178 = vector.load %arg7[%get3A_175, %get3A_176, %get3A_177] : memref<4x128x128xf32, #tpu.memory_space<vmem>>, vector<1x128x128xf32>
    %get3A_179 = vector.shape_cast %get3A_178 : vector<1x128x128xf32> to vector<128x128xf32>
    %dot_general3A_180 = arith.constant dense<0.000000e+00> : vector<1000x128xf32>
    %dot_general3A_181 = tpu.matmul %max3A_174, %get3A_179, %dot_general3A_180 {dimension_numbers = #tpu.dot_dimension_numbers<[1], [1], [0], [0], [0, 0, 1, 0], [], []>, transpose_lhs_hint = false} : vector<1000x128xf32>, vector<128x128xf32>, vector<1000x128xf32> -> vector<1000x128xf32>
    %get3A_182 = arith.constant 3 : index
    %get3A_183 = arith.constant 0 : index
    %get3A_184 = arith.constant 0 : index
    %get3A_185 = vector.load %arg8[%get3A_182, %get3A_183, %get3A_184] : memref<4x1x128xf32, #tpu.memory_space<vmem>>, vector<1x1x128xf32>
    %get3A_186 = vector.shape_cast %get3A_185 : vector<1x1x128xf32> to vector<1x128xf32>
    %add3A_187 = vector.broadcast %get3A_186 : vector<1x128xf32> to vector<1000x128xf32>
    %add3A_188 = arith.addf %dot_general3A_181, %add3A_187 : vector<1000x128xf32>
    %get3A_189 = arith.constant 3 : index
    %get3A_190 = arith.constant 0 : index
    %get3A_191 = arith.constant 0 : index
    %get3A_192 = vector.load %arg10[%get3A_189, %get3A_190, %get3A_191] : memref<4x1x128xf32, #tpu.memory_space<vmem>>, vector<1x1x128xf32>
    %get3A_193 = vector.shape_cast %get3A_192 : vector<1x1x128xf32> to vector<1x128xf32>
    %add3A_194 = arith.constant 9.99999974E-6 : f32
    %add3A_195 = vector.broadcast %add3A_194 : f32 to vector<1x128xf32>
    %add3A_196 = arith.addf %get3A_193, %add3A_195 : vector<1x128xf32>
    %rsqrt3A_197 = math.rsqrt %add3A_196 : vector<1x128xf32>
    %get3A_198 = arith.constant 3 : index
    %get3A_199 = arith.constant 0 : index
    %get3A_200 = arith.constant 0 : index
    %get3A_201 = vector.load %arg11[%get3A_198, %get3A_199, %get3A_200] : memref<4x1x128xf32, #tpu.memory_space<vmem>>, vector<1x1x128xf32>
    %get3A_202 = vector.shape_cast %get3A_201 : vector<1x1x128xf32> to vector<1x128xf32>
    %mul3A_203 = arith.mulf %rsqrt3A_197, %get3A_202 : vector<1x128xf32>
    %get3A_204 = arith.constant 3 : index
    %get3A_205 = arith.constant 0 : index
    %get3A_206 = arith.constant 0 : index
    %get3A_207 = vector.load %arg9[%get3A_204, %get3A_205, %get3A_206] : memref<4x1x128xf32, #tpu.memory_space<vmem>>, vector<1x1x128xf32>
    %get3A_208 = vector.shape_cast %get3A_207 : vector<1x1x128xf32> to vector<1x128xf32>
    %sub3A_209 = vector.broadcast %get3A_208 : vector<1x128xf32> to vector<1000x128xf32>
    %sub3A_210 = arith.subf %add3A_188, %sub3A_209 : vector<1000x128xf32>
    %mul3A_211 = vector.broadcast %mul3A_203 : vector<1x128xf32> to vector<1000x128xf32>
    %mul3A_212 = arith.mulf %sub3A_210, %mul3A_211 : vector<1000x128xf32>
    %get3A_213 = arith.constant 3 : index
    %get3A_214 = arith.constant 0 : index
    %get3A_215 = arith.constant 0 : index
    %get3A_216 = vector.load %arg12[%get3A_213, %get3A_214, %get3A_215] : memref<4x1x128xf32, #tpu.memory_space<vmem>>, vector<1x1x128xf32>
    %get3A_217 = vector.shape_cast %get3A_216 : vector<1x1x128xf32> to vector<1x128xf32>
    %add3A_218 = vector.broadcast %get3A_217 : vector<1x128xf32> to vector<1000x128xf32>
    %add3A_219 = arith.addf %mul3A_212, %add3A_218 : vector<1000x128xf32>
    %max3A_220 = arith.constant 0.000000e+00 : f32
    %max3A_221 = vector.broadcast %max3A_220 : f32 to vector<1000x128xf32>
    %max3A_222 = arith.maximumf %add3A_219, %max3A_221 : vector<1000x128xf32>
    %get3A_223 = arith.constant 0 : index
    %get3A_224 = arith.constant 0 : index
    %get3A_225 = vector.load %arg13[%get3A_223, %get3A_224] : memref<128x128xf32, #tpu.memory_space<vmem>>, vector<128x128xf32>
    %dot_general3A_226 = arith.constant dense<0.000000e+00> : vector<1000x128xf32>
    %dot_general3A_227 = tpu.matmul %max3A_222, %get3A_225, %dot_general3A_226 {dimension_numbers = #tpu.dot_dimension_numbers<[1], [1], [0], [0], [0, 0, 1, 0], [], []>, transpose_lhs_hint = false} : vector<1000x128xf32>, vector<128x128xf32>, vector<1000x128xf32> -> vector<1000x128xf32>
    %get3A_228 = arith.constant 0 : index
    %get3A_229 = arith.constant 0 : index
    %get3A_230 = vector.load %arg14[%get3A_228, %get3A_229] : memref<1x128xf32, #tpu.memory_space<vmem>>, vector<1x128xf32>
    %add3A_231 = vector.broadcast %get3A_230 : vector<1x128xf32> to vector<1000x128xf32>
    %add3A_232 = arith.addf %dot_general3A_227, %add3A_231 : vector<1000x128xf32>
    %swap3A = arith.constant 0 : index
    %swap3A_233 = arith.constant 0 : index
    %swap3A_234 = vector.load %arg15[%swap3A, %swap3A_233] : memref<1000x128xf32, #tpu.memory_space<vmem>>, vector<1000x128xf32>
    tpu.vector_store %arg15[%swap3A, %swap3A_233], %add3A_232 {strides = array<i32>} : memref<1000x128xf32, #tpu.memory_space<vmem>>, vector<1000x128xf32>,
    return
  }
  func.func @transform_0(%arg0: i32) -> (i32, i32, i32) {
    %c0_i32 = arith.constant 0 : i32
    %c0_i32_0 = arith.constant 0 : i32
    %c0_i32_1 = arith.constant 0 : i32
    return %c0_i32, %arg0, %c0_i32_0 : i32, i32, i32
  }
  func.func @transform_1(%arg0: i32) -> (i32, i32) {
    %c0_i32 = arith.constant 0 : i32
    %c0_i32_0 = arith.constant 0 : i32
    return %arg0, %c0_i32 : i32, i32
  }
  func.func @transform_2(%arg0: i32) -> (i32, i32) {
    %c0_i32 = arith.constant 0 : i32
    %c0_i32_0 = arith.constant 0 : i32
    %c0_i32_1 = arith.constant 0 : i32
    return %c0_i32, %c0_i32_0 : i32, i32
  }
  func.func @transform_3(%arg0: i32) -> (i32, i32) {
    %c0_i32 = arith.constant 0 : i32
    %c0_i32_0 = arith.constant 0 : i32
    %c0_i32_1 = arith.constant 0 : i32
    return %c0_i32, %c0_i32_0 : i32, i32
  }
  func.func @transform_4(%arg0: i32) -> (i32, i32) {
    %c0_i32 = arith.constant 0 : i32
    %c0_i32_0 = arith.constant 0 : i32
    %c0_i32_1 = arith.constant 0 : i32
    return %c0_i32, %c0_i32_0 : i32, i32
  }
  func.func @transform_5(%arg0: i32) -> (i32, i32) {
    %c0_i32 = arith.constant 0 : i32
    %c0_i32_0 = arith.constant 0 : i32
    %c0_i32_1 = arith.constant 0 : i32
    return %c0_i32, %c0_i32_0 : i32, i32
  }
  func.func @transform_6(%arg0: i32) -> (i32, i32, i32) {
    %c0_i32 = arith.constant 0 : i32
    %c0_i32_0 = arith.constant 0 : i32
    %c0_i32_1 = arith.constant 0 : i32
    %c0_i32_2 = arith.constant 0 : i32
    return %c0_i32, %c0_i32_0, %c0_i32_1 : i32, i32, i32
  }
  func.func @transform_7(%arg0: i32) -> (i32, i32, i32) {
    %c0_i32 = arith.constant 0 : i32
    %c0_i32_0 = arith.constant 0 : i32
    %c0_i32_1 = arith.constant 0 : i32
    %c0_i32_2 = arith.constant 0 : i32
    return %c0_i32, %c0_i32_0, %c0_i32_1 : i32, i32, i32
  }
  func.func @transform_8(%arg0: i32) -> (i32, i32, i32) {
    %c0_i32 = arith.constant 0 : i32
    %c0_i32_0 = arith.constant 0 : i32
    %c0_i32_1 = arith.constant 0 : i32
    %c0_i32_2 = arith.constant 0 : i32
    return %c0_i32, %c0_i32_0, %c0_i32_1 : i32, i32, i32
  }
  func.func @transform_9(%arg0: i32) -> (i32, i32, i32) {
    %c0_i32 = arith.constant 0 : i32
    %c0_i32_0 = arith.constant 0 : i32
    %c0_i32_1 = arith.constant 0 : i32
    %c0_i32_2 = arith.constant 0 : i32
    return %c0_i32, %c0_i32_0, %c0_i32_1 : i32, i32, i32
  }
  func.func @transform_10(%arg0: i32) -> (i32, i32, i32) {
    %c0_i32 = arith.constant 0 : i32
    %c0_i32_0 = arith.constant 0 : i32
    %c0_i32_1 = arith.constant 0 : i32
    %c0_i32_2 = arith.constant 0 : i32
    return %c0_i32, %c0_i32_0, %c0_i32_1 : i32, i32, i32
  }
  func.func @transform_11(%arg0: i32) -> (i32, i32, i32) {
    %c0_i32 = arith.constant 0 : i32
    %c0_i32_0 = arith.constant 0 : i32
    %c0_i32_1 = arith.constant 0 : i32
    %c0_i32_2 = arith.constant 0 : i32
    return %c0_i32, %c0_i32_0, %c0_i32_1 : i32, i32, i32
  }
  func.func @transform_12(%arg0: i32) -> (i32, i32) {
    %c0_i32 = arith.constant 0 : i32
    %c0_i32_0 = arith.constant 0 : i32
    %c0_i32_1 = arith.constant 0 : i32
    return %c0_i32, %c0_i32_0 : i32, i32
  }
  func.func @transform_13(%arg0: i32) -> (i32, i32) {
    %c0_i32 = arith.constant 0 : i32
    %c0_i32_0 = arith.constant 0 : i32
    %c0_i32_1 = arith.constant 0 : i32
    return %c0_i32, %c0_i32_0 : i32, i32
  }
  func.func @transform_14(%arg0: i32) -> (i32, i32) {
    %c0_i32 = arith.constant 0 : i32
    %c0_i32_0 = arith.constant 0 : i32
    return %arg0, %c0_i32 : i32, i32
  }
}

</mosaic_0001>

<sc_bundles>
// kernel: kernel.5.cloned.1.call-start
scs
__scs_entry_jumppad:
0x0: {  	(pc) =	sbr.rel $0x88, $3  }
0x1: {  	(tag) =	ssettag $0x0;
	lr =	simm.s32 $0x1  }
0x2: {  	[smem:$0x3F7D] =	sst lr;
	_ =	strace $0xD0000000  }
0x3: {  	_ = 	snop  }
0x4: {  	_ = 	snop  }
0x5: {  	_ = 	snop  }
0x6: {  	_ = 	snop  }
0x7: {  	_ = 	snop  }
__scs_overlays_trampoline_lowered:
0x8: {  	[smem:$0x3F8C] =	sst s0  }
0x9: {  	[smem:$0x3F8D] =	sst s1  }
0xa: {  	[smem:$0x3F8E] =	sst s2  }
0xb: {  	[smem:$0x3F8F] =	sst s3  }
0xc: {  	[smem:$0x3F90] =	sst s4  }
0xd: {  	[smem:$0x3F91] =	sst s5  }
0xe: {  	[smem:$0x3F92] =	sst s6  }
0xf: {  	[smem:$0x3F93] =	sst s7  }
0x10: {  	[smem:$0x3F94] =	sst s8  }
0x11: {  	[smem:$0x3F95] =	sst s9;
	s0 =	simm.s32 @!p0 $0x0  }
0x12: {  	s1 =	sld [smem:$0x3F7B];
	s0 =	simm.s32 @p0 $0x1  }
0x13: {  	[smem:$0x3F96] =	sst s0;
	s0 =	simm.s32 @!p1 $0x0  }
0x14: {  	s2 =	sld [smem:$0x3F7A];
	s0 =	simm.s32 @p1 $0x1  }
0x15: {  	[smem:$0x3F97] =	sst s0;
	s0 =	simm.s32 @!p2 $0x0  }
0x16: {  	s3 =	sld [smem:$0x3FDB];
	s0 =	simm.s32 @p2 $0x1  }
0x17: {  	s4 =	simm.s32 $0x1BF5;
	[smem:$0x3F99] =	sst s0  }
0x18: {  	s0 =	sld [smem:$0x3F7C];
	_ =	swait.ge [sflag:s4], $0x0  }
0x19: {  	s7 =	sld [smem:$0x3F7D]  }
0x1a: {  	s8 =	sadd.s32 $0xFFFFE003, lr  }
0x1b: {  	s9 =	sadd.s32 $0xFFFFFEF7, lr;
	s5 =	simm.s32 $0xFFFFFFFF;
	p2 =	slt.u32 s8, $0xFFFFF086  }
0x1c: {  	p1 =	slt.u32 s9, $0xF7A;
	s5 =	simm.s32 @!p2 $0x0  }
0x1d: {  	s5 =	simm.s32 @p1 $0x1;
	p0 =	seq.s32 s7, s2  }
0x1e: {  	s7 =	smul.u32 @!p0 $0xF7A, s2;
	p2 =	seq.s32 @!p0 s5, $0x0  }
0x1f: {  	s9 =	smul.u32 $0xF7A, s1;
	s8 =	simm.s32 @!p0 $0x1BF5;
	p2 =	por !p2, p0  }
0x20: {  	[sflag:s8] =	ssyncset.s32 @!p0 $0xFFFFF086;
	s6 =	sadd.s32 @!p0 s3, s7;
	s7 =	simm.s32 @!p0 $0x108  }
0x21: {  	s3 =	sadd.s32 s3, s9;
	s6 =	sadd.s32 @!p0 $0x88, s6;
	s7 =	simm.s32 @p2 $0x1082  }
0x22: {  	[simem:s7], [sflag:s8] =	dma.local @!p0 [hbm:s6], $0xF7A  }
0x23: {  	s9 =	sor.u32 $0xD0000000, s2;
	s6 =	simm.s32 $0x108;
	_ =	swait.ge @!p0 [sflag:s8], $0x0  }
0x24: {  	s3 =	sadd.s32 $0x88, s3;
	s6 =	simm.s32 @!p1 $0x1082;
	[sflag:s4] =	ssyncset.s32 $0xFFFFF086  }
0x25: {  	[simem:s6], [sflag:s4] =	dma.local [hbm:s3], $0xF7A  }
0x26: {  	[smem:$0x3F7D] =	sst s1;
	(tag) =	ssettag s2;
	_ =	strace s9  }
0x27: {  	s1 =	sld [smem:$0x3F8D]  }
0x28: {  	s2 =	sld [smem:$0x3F8E]  }
0x29: {  	s4 =	sld [smem:$0x3F90]  }
0x2a: {  	p0 =	seq.s32 s5, $0x0;
	s5 =	sld [smem:$0x3F91]  }
0x2b: {  	s6 =	sld [smem:$0x3F92]  }
0x2c: {  	s7 =	sld [smem:$0x3F93]  }
0x2d: {  	s3 =	simm.s32 $0x108;
	s8 =	sld [smem:$0x3F94]  }
0x2e: {  	s3 =	simm.s32 @!p0 $0x1082;
	s9 =	sld [smem:$0x3F95]  }
0x2f: {  	lr =	sadd.s32 s0, s3;
	s0 =	sld [smem:$0x3F8C]  }
0x30: {  	s3 =	sld [smem:$0x3F8F]  }
0x31: {  	[smem:$0x3F98] =	sst s10  }
0x32: {  	s10 =	sld [smem:$0x3F96];
	_ =	sdelay $0x3  }
0x33: {  	p0 =	seq.s32 s10, $0x1;
	s10 =	sld [smem:$0x3F98];
	_ =	sdelay $0x3  }
0x34: {  	[smem:$0x3F98] =	sst s10  }
0x35: {  	s10 =	sld [smem:$0x3F97];
	_ =	sdelay $0x3  }
0x36: {  	p1 =	seq.s32 s10, $0x1;
	s10 =	sld [smem:$0x3F98];
	_ =	sdelay $0x3  }
0x37: {  	[smem:$0x3F98] =	sst s10  }
0x38: {  	s10 =	sld [smem:$0x3F99]  }
0x39: {  	_ = 	snop;
	(pc) =	sbr.ind lr, $3  }
0x3a: {  	_ = 	snop  }
0x3b: {  	_ = 	snop  }
0x3c: {  	p2 =	seq.s32 s10, $0x1;
	s10 =	sld [smem:$0x3F98]  }
0x3d: {  	_ =	shalt  }
0x3e: {  	_ =	shalt  }
0x3f: {  	_ =	shalt  }
0x40: {  	_ =	shalt  }
0x41: {  	_ =	shalt  }
0x42: {  	_ =	shalt  }
0x43: {  	_ =	shalt  }
0x44: {  	_ =	shalt  }
0x45: {  	_ =	shalt  }
0x46: {  	_ =	shalt  }
0x47: {  	_ =	shalt  }
0x48: {  	_ =	shalt  }
0x49: {  	_ =	shalt  }
0x4a: {  	_ =	shalt  }
0x4b: {  	_ =	shalt  }
0x4c: {  	_ =	shalt  }
0x4d: {  	_ =	shalt  }
0x4e: {  	_ =	shalt  }
0x4f: {  	_ =	shalt  }
0x50: {  	_ =	shalt  }
0x51: {  	_ =	shalt  }
0x52: {  	_ =	shalt  }
0x53: {  	_ =	shalt  }
0x54: {  	_ =	shalt  }
0x55: {  	_ =	shalt  }
0x56: {  	_ =	shalt  }
0x57: {  	_ =	shalt  }
0x58: {  	_ =	shalt  }
0x59: {  	_ =	shalt  }
0x5a: {  	_ =	shalt  }
0x5b: {  	_ =	shalt  }
0x5c: {  	_ =	shalt  }
0x5d: {  	_ =	shalt  }
0x5e: {  	_ =	shalt  }
0x5f: {  	_ =	shalt  }
0x60: {  	_ =	shalt  }
0x61: {  	_ =	shalt  }
0x62: {  	_ =	shalt  }
0x63: {  	_ =	shalt  }
0x64: {  	_ =	shalt  }
0x65: {  	_ =	shalt  }
0x66: {  	_ =	shalt  }
0x67: {  	_ =	shalt  }
0x68: {  	_ =	shalt  }
0x69: {  	_ =	shalt  }
0x6a: {  	_ =	shalt  }
0x6b: {  	_ =	shalt  }
0x6c: {  	_ =	shalt  }
0x6d: {  	_ =	shalt  }
0x6e: {  	_ =	shalt  }
0x6f: {  	_ =	shalt  }
0x70: {  	_ =	shalt  }
0x71: {  	_ =	shalt  }
0x72: {  	_ =	shalt  }
0x73: {  	_ =	shalt  }
0x74: {  	_ =	shalt  }
0x75: {  	_ =	shalt  }
0x76: {  	_ =	shalt  }
0x77: {  	_ =	shalt  }
0x78: {  	_ =	shalt  }
0x79: {  	_ =	shalt  }
0x7a: {  	_ =	shalt  }
0x7b: {  	_ =	shalt  }
0x7c: {  	_ =	shalt  }
0x7d: {  	_ =	shalt  }
0x7e: {  	_ =	shalt  }
0x7f: {  	_ =	shalt  }
0x80: {  	_ =	shalt  }
0x81: {  	_ =	shalt  }
0x82: {  	_ =	shalt  }
0x83: {  	_ =	shalt  }
0x84: {  	_ =	shalt  }
0x85: {  	_ =	shalt  }
0x86: {  	_ =	shalt  }
0x87: {  	_ =	shalt  }
.Lfunc_end0:
.L_simem_size_0:
called_computation_lowered:
.L_overlay_start_0:
0x88: {  	s2 =	sld [smem:$0x3FD9]  }
0x89: {  	s3 =	sld [smem:$0x3FFE];
	_ =	sdelay $0x1  }
0x8a: {  	s1 =	srdreg.scid  }
0x8b: {  	s0 =	sand.u32 $0x1, s1  }
0x8c: {  	s17 =	sshll.u32 s0, $0xA;
	s2 =	sadd.s32 s3, s2  }
0x8d: {  	s2 =	sadd.s32 s2, s17  }
0x8e: {  	[smem:$0x3FA4] =	sst s2  }
0x8f: {  	_ = 	snop  }
0x90: {  	s2 =	sld [smem:$0x3FD0];
	(tm) =	ssettm $0x1  }
0x91: {  	s18 =	sld [smem:$0x3FFB];
	_ =	sdelay $0x3  }
0x92: {  	_ =	strace s18  }
0x93: {  	s3 =	sld [smem:$0x3FFC];
	_ =	sdelay $0x3  }
0x94: {  	_ =	strace s3  }
0x95: {  	s3 =	sld [smem:$0x3FFD];
	_ =	sdelay $0x3  }
0x96: {  	_ =	strace s3  }
0x97: {  	_ =	strace $0x8FFFFFFF  }
0x98: {  	s19 =	sld [smem:$0x3FDB];
	_ =	sdelay $0x1  }
0x99: {  	s4 =	simm.s32 $_scs_section_size  }
0x9a: {  	s5 =	simm.s32 $_size__tile_overlayer_lowered;
	s6 =	simm.s32 $_tile_overlayer_lowered  }
0x9b: {  	s22 =	simm.s32 $0x1BFF;
	s21 =	sshll.u32 s6, $0x1;
	s3 =	sadd.s32 s4, s19  }
0x9c: {  	s7 =	simm.s32 $0x0;
	s20 =	sshll.u32 s5, $0x1;
	s5 =	sadd.s32 s21, s3  }
0x9d: {  	[timem:s7], [sflag:s22] =	dma.local [hbm:s5], s20  }
0x9e: {  	_ =	swait.ge [sflag:s22], s20  }
0x9f: {  	s4 =	ssub.s32 $0x0, s20;
	[sflag:s22] =	ssyncset.done $0x0  }
0xa0: {  	[sflag:s22] =	ssyncadd.s32 s4;
	_ =	sdelay $0x1  }
0xa1: {  	s23 =	simm.s32 $0x1B8B  }
0xa2: {  	_ =	swait.ge [sflag:s23], $0x1  }
0xa3: {  	[sflag:s23] =	ssyncset.done $0x0  }
0xa4: {  	s25 =	simm.s32 $0x1B8E;
	s24 =	sld [smem:$0x3FFE];
	[sflag:s23] =	ssyncadd.s32 $0xFFFFFFFF  }
0xa5: {  	s26 =	simm.s32 $execute0_lowered;
	[smem:$0x3FD2] =	sst s25  }
0xa6: {  	s5 =	sshll.u32 s26, $0x1;
	_ =	strace $0x80000046;
	[dreg:$0x1] =	wrdreg $0xFFFFFFFF  }
0xa7: {  	s28 =	simm.s32 $_size_execute0_lowered;
	s3 =	sadd.s32 s3, s5;
	[dreg:$0x0] =	wrdreg $0x0  }
0xa8: {  	s5 =	sshll.u32 s28, $0x1;
	[dreg:$0x2] =	wrdreg s3  }
0xa9: {  	[dreg:$0x3] =	wrdreg s5  }
0xaa: {  	[dreg:$0x4] =	wrdreg $0xC0  }
0xab: {  	_ =	task [dreg:s7], $0x5FFFF  }
0xac: {  	[dreg:$0x1] =	wrdreg $0xFFFFFFFF  }
0xad: {  	[dreg:$0x0] =	wrdreg $0x60  }
0xae: {  	[dreg:$0x2] =	wrdreg s24  }
0xaf: {  	[dreg:$0x3] =	wrdreg s2  }
0xb0: {  	[dreg:$0x4] =	wrdreg $0xB8800  }
0xb1: {  	[dreg:$0x5] =	wrdreg $0x9  }
0xb2: {  	_ =	task.clear_ibuf [dreg:s7], $0x6FFFF;
	_ =	strace $0x90000046  }
0xb3: {  	s29 =	simm.s32 $0x9;
	_ =	strace $0x80000048  }
0xb4: {  	_ =	swait.ge [sflag:s29], $0x1  }
0xb5: {  	[sflag:s29] =	ssyncadd.s32 $0xFFFFFFFF  }
0xb6: {  	_ =	strace $0x90000048  }
0xb7: {  	_ =	sfence  }
0xb8: {  	s30 =	sld [smem:$0x0];
	_ =	sdelay $0x2  }
0xb9: {  	s31 =	sshll.u32 s1, $0xD;
	s1 =	sshrl.u32 s1, $0x2  }
0xba: {  	s3 =	sand.u32 $0x4000, s31;
	s1 =	sadd.s32 s1, s30  }
0xbb: {  	s0 =	sor.u32 s3, s0;
	s1 =	sshll.u32 s1, $0x11  }
0xbc: {  	s0 =	sor.u32 s1, s0  }
0xbd: {  	s0 =	sadd.s32 $0x8F2B, s0  }
0xbe: {  	[sflag:s0] =	ssyncadd.remote.s32 $0x1  }
0xbf: {  	_ =	sfence.sel $0xFFFF  }
0xc0: {  	[dreg:$0x0] =	wrdreg $0xFFFFFFFF;
	(pc) =	sbr.abs _section_cstart, $3  }
0xc1: {  	[dreg:$0x1] =	wrdreg $0xFFFFFFFF  }
0xc2: {  	_ =	task.clear_ibuf [dreg:s7], $0x2FFFF;
	_ =	strace $0x9FFFFFFF  }
0xc3: {  	(tm) =	ssettm $0x7FFFFFFF  }
tec
execute0_lowered:
.L_overlay_start_1:
0x0: {  	(tag) =	ssettag $0x1  }
0x1: {  	s0 =	rddreg [dreg:$0x0];
	s3 =	srdreg.scid  }
0x2: {  	s1 =	rddreg [dreg:$0x1];
	s3 =	sand.u32 $0x1, s3  }
0x3: {  	s2 =	rddreg [dreg:$0x2];
	s13 =	stileid.u32;
	s6 =	sshll.u32 s3, $0x4  }
0x4: {  	s4 =	simm.s32 $0x0;
	s19 =	smul.u32 $0x4E000, s13;
	s7 =	sor.u32 s13, s6  }
0x5: {  	[smem:$0x7FF] =	sst s4;
	s5 =	sadd.s32 $0xE800, s0;
	s9 =	smul.u32 $0x2710, s7  }
0x6: {  	_ =	strace $0x80000047;
	s8 =	ssub.s32 $0x2, s3;
	s6 =	sadd.s32 $0x4A00, s0  }
0x7: {  	s10 =	sshrl.u32 s8, $0x1;
	s21 =	sshrl.u32 s19, $0x2;
	s18 =	sshrl.u32 s9, $0x3  }
0x8: {  	s8 =	ssub.s32 s8, s10;
	s11 =	sadd.s32 $0x28, s9;
	s12 =	sadd.s32 s5, s18  }
0x9: {  	s11 =	sshrl.u32 s11, $0x3;
	s14 =	sadd.s32 s6, s18;
	[dreg:$0x4] =	wrdreg s12  }
0xa: {  	s10 =	sadd.s32 $0xA, s18;
	s18 =	sadd.s32 s21, s2;
	[dreg:$0x5] =	wrdreg s14  }
0xb: {  	s20 =	sadd.s32 s5, s11;
	[dreg:$0x9] =	wrdreg s18  }
0xc: {  	s11 =	sadd.s32 s6, s11;
	[dreg:$0x6] =	wrdreg s20  }
0xd: {  	s30 =	simm.s32 $0x1;
	s22 =	sadd.s32 s5, s10;
	[dreg:$0x7] =	wrdreg s11  }
0xe: {  	s31 =	simm.s32 $0x300;
	s10 =	sadd.s32 s6, s10;
	[dreg:$0x8] =	wrdreg s22  }
0xf: {  	s23 =	smul.u32 $0x13800, s13;
	s24 =	sadd.s32 $0x1400, s18;
	[dreg:$0xa] =	wrdreg s10  }
0x10: {  	p0 =	sne.s32 s13, $0xF;
	s25 =	sadd.s32 $0x2800, s18;
	[dreg:$0xb] =	wrdreg s24  }
0x11: {  	s3 =	smul.u32 $0x138800, s3;
	s26 =	sadd.s32 $0x3C00, s18;
	[dreg:$0xc] =	wrdreg s25  }
0x12: {  	s7 =	sadd.s32 $0x18600, s0;
	s28 =	sadd.s32 $0x5000, s18;
	[dreg:$0xd] =	wrdreg s26  }
0x13: {  	s0 =	sadd.s32 $0x3F800, s0;
	s12 =	sadd.s32 $0x6400, s18;
	[dreg:$0xe] =	wrdreg s28  }
0x14: {  	s29 =	sadd.s32 s23, s3;
	s14 =	smax.u32 s8, $0x1;
	[dreg:$0xf] =	wrdreg s12  }
0x15: {  	s3 =	sshrl.u32 s3, $0x3;
	s15 =	sadd.s32 $0x7800, s18;
	[dreg:$0x12] =	wrdreg s14  }
0x16: {  	s23 =	sadd.s32 $0xC8, s9;
	s16 =	sadd.s32 $0x8C00, s18;
	[dreg:$0x13] =	wrdreg s15  }
0x17: {  	s17 =	sadd.s32 $0xA000, s18;
	s19 =	sadd.s32 $0xB400, s18;
	[dreg:$0x14] =	wrdreg s16  }
0x18: {  	s21 =	sadd.s32 $0xC800, s18;
	s10 =	sshrl.u32 s29, $0x3;
	[dreg:$0x15] =	wrdreg s17  }
0x19: {  	s20 =	sadd.s32 $0x78, s9;
	s22 =	sadd.s32 $0xA0, s9;
	[dreg:$0x16] =	wrdreg s19  }
0x1a: {  	[dreg:$0x17] =	wrdreg s21;
	s24 =	sadd.s32 $0xDC00, s18;
	s25 =	sadd.s32 $0xF000, s18  }
0x1b: {  	s26 =	sadd.s32 $0x10400, s18;
	s28 =	sadd.s32 $0x11800, s18;
	s29 =	sadd.s32 $0x12C00, s18  }
0x1c: {  	s11 =	sadd.s32 $0x138000, s2;
	s12 =	simm.s32 $0x180;
	[dreg:$0x18] =	wrdreg s24  }
0x1d: {  	s14 =	simm.s32 $0x100;
	s15 =	simm.s32 $0x280;
	[dreg:$0x19] =	wrdreg s25  }
0x1e: {  	s16 =	simm.s32 $0x4;
	s17 =	simm.s32 $0x28;
	[dreg:$0x1a] =	wrdreg s26  }
0x1f: {  	s19 =	simm.s32 $0x4080;
	s9 =	simm.s32 $0x3;
	[dreg:$0x1b] =	wrdreg s28  }
0x20: {  	s10 =	sadd.s32 s0, s10;
	s0 =	sadd.s32 s0, s3;
	[dreg:$0x1c] =	wrdreg s29  }
0x21: {  	s24 =	simm.s32 $0x7C80;
	s25 =	simm.s32 $0xA;
	[dreg:$0x1d] =	wrdreg s11  }
0x22: {  	s26 =	simm.s32 $0x6;
	[dreg:$0x10] =	wrdreg s10;
	s0 =	sadd.s32 $0x27000, s0  }
0x23: {  	v0 =	vimm.f32 $0.0e+00;
	s10 =	simm.s32 $0x0;
	[dreg:$0x11] =	wrdreg s0;
	s0 =	simm.s32 $0x2  }
.LBB2_1:
0x24: {  	[dreg:$0x1e] =	wrdreg s10  }
0x25: {  	s3 =	rddreg [dreg:$0x4]  }
0x26: {  	[tilespmem:s4], [sflag:$0x4] =	stream.linear.gather [hbm4b:s3+s4], $0x28, $0x38;
	[tilespmem:$0x1F100] =	vst v63  }
0x27: {  	s10 =	rddreg [dreg:$0x5]  }
0x28: {  	[tilespmem:s12], [sflag:$0x4] =	stream.linear.gather [hbm4b:s10+s4], $0x28, $0x38;
	[tilespmem:$0x1F100] =	vst v63  }
0x29: {  	s13 =	rddreg [dreg:$0x6];
	s8 =	simm.s32 $0x80  }
0x2a: {  	[tilespmem:s8], [sflag:$0x5] =	stream.linear.gather [hbm4b:s13+s4], $0x28, $0x38;
	[tilespmem:$0x1F100] =	vst v63  }
0x2b: {  	s21 =	rddreg [dreg:$0x7];
	s10 =	simm.s32 $0x200  }
0x2c: {  	[tilespmem:s10], [sflag:$0x5] =	stream.linear.gather [hbm4b:s21+s4], $0x28, $0x38;
	[tilespmem:$0x1F100] =	vst v63  }
0x2d: {  	s28 =	rddreg [dreg:$0x8]  }
0x2e: {  	[tilespmem:s14], [sflag:$0x6] =	stream.linear.gather [hbm4b:s28+s4], $0x28, $0x38;
	[tilespmem:$0x1F100] =	vst v63  }
0x2f: {  	s29 =	rddreg [dreg:$0xa]  }
0x30: {  	[tilespmem:s15], [sflag:$0x6] =	stream.linear.gather [hbm4b:s29+s4], $0x28, $0x38;
	[tilespmem:$0x1F100] =	vst v63  }
0x31: {  	_ =	swait.ge [sflag:s16], $0x28  }
0x32: {  	[sflag:s16] =	ssyncset.done $0x0  }
0x33: {  	[sflag:s16] =	ssyncadd.s32 $0xFFFFFFD8  }
0x34: {  	_ =	swait.ge [sflag:s16], $0x28  }
0x35: {  	[sflag:s16] =	ssyncset.done $0x0  }
0x36: {  	s13 =	simm.s32 $0x480;
	[sflag:s16] =	ssyncadd.s32 $0xFFFFFFD8  }
0x37: {  	[tilespmem:s13], [sflag:$0x1] =	stream.indirect.gather [hbm4b:s1+s17], $0x80, s4, s17, $0xb8;
	[tilespmem:$0x1F100] =	vst v63  }
0x38: {  	s21 =	simm.s32 $0x5  }
0x39: {  	[tilespmem:s19], [sflag:$0x1] =	stream.indirect.gather [hbm4b:s7+s17], $0x80, s12, s17, $0xb8;
	[tilespmem:$0x1F100] =	vst v63  }
0x3a: {  	_ =	swait.ge [sflag:s21], $0x28  }
0x3b: {  	[sflag:s21] =	ssyncset.done $0x0  }
0x3c: {  	[sflag:s21] =	ssyncadd.s32 $0xFFFFFFD8  }
0x3d: {  	_ =	swait.ge [sflag:s21], $0x28  }
0x3e: {  	[sflag:s21] =	ssyncset.done $0x0  }
0x3f: {  	s28 =	simm.s32 $0x1880;
	[sflag:s21] =	ssyncadd.s32 $0xFFFFFFD8  }
0x40: {  	[tilespmem:s28], [sflag:$0x2] =	stream.indirect.gather [hbm4b:s1+s17], $0x80, s8, s17, $0xb8;
	[tilespmem:$0x1F100] =	vst v63  }
0x41: {  	s3 =	simm.s32 $0x0;
	s29 =	simm.s32 $0x5480;
	s8 =	simm.s32 $0x200  }
0x42: {  	[tilespmem:s29], [sflag:$0x2] =	stream.indirect.gather [hbm4b:s7+s17], $0x80, s10, s17, $0xb8;
	[tilespmem:$0x1F100] =	vst v63  }
.LBB2_2:
0x43: {  	p1 =	sne.s32 s8, $0x4E00;
	[tilespmem:s3+$0x7CF0] =	vst v0  }
0x44: {  	[tilespmem:s3+$0x7C80] =	vst v0  }
0x45: {  	[tilespmem:s3+$0x7C90] =	vst v0  }
.Ltmp0:
0x46: {  	[tilespmem:s3+$0x7CA0] =	vst v0;
	(pc) =	sbr.rel @p1 .LBB2_2-.Ltmp0, $4  }
0x47: {  	[tilespmem:s3+$0x7CB0] =	vst v0  }
0x48: {  	[tilespmem:s3+$0x7CC0] =	vst v0  }
0x49: {  	[tilespmem:s3+$0x7CD0] =	vst v0  }
0x4a: {  	[tilespmem:s3+$0x7CE0] =	vst v0;
	s3 =	sshra.s32 s8, $0x2;
	s8 =	sadd.s32 $0x200, s8  }
0x4b: {  	[tilespmem:s3+$0x7CF0] =	vst v0  }
0x4c: {  	[tilespmem:s3+$0x7C80] =	vst v0  }
0x4d: {  	[tilespmem:s3+$0x7C90] =	vst v0  }
0x4e: {  	[tilespmem:s3+$0x7CA0] =	vst v0  }
0x4f: {  	[tilespmem:s3+$0x7CB0] =	vst v0  }
0x50: {  	[tilespmem:s3+$0x7CC0] =	vst v0  }
0x51: {  	[tilespmem:s3+$0x7CD0] =	vst v0  }
0x52: {  	[tilespmem:s3+$0x7CE0] =	vst v0  }
0x53: {  	[spmem:s18] =	stream.linear.scatter [tilespmem:s24], [sflag:$0xA], $0x1400, $0x38;
	[tilespmem:$0x1F100] =	vst v63  }
0x54: {  	_ =	swait.ge [sflag:s25], $0x1400  }
0x55: {  	[sflag:s25] =	ssyncset.done $0x0  }
0x56: {  	s29 =	rddreg [dreg:$0xb];
	[sflag:s25] =	ssyncadd.s32 $0xFFFFEC00  }
0x57: {  	[spmem:s29] =	stream.linear.scatter [tilespmem:s24], [sflag:$0xA], $0x1400, $0x38;
	[tilespmem:$0x1F100] =	vst v63  }
0x58: {  	_ =	swait.ge [sflag:s25], $0x1400  }
0x59: {  	[sflag:s25] =	ssyncset.done $0x0  }
0x5a: {  	s8 =	rddreg [dreg:$0xc];
	[sflag:s25] =	ssyncadd.s32 $0xFFFFEC00  }
0x5b: {  	[spmem:s8] =	stream.linear.scatter [tilespmem:s24], [sflag:$0xA], $0x1400, $0x38;
	[tilespmem:$0x1F100] =	vst v63  }
0x5c: {  	_ =	swait.ge [sflag:s25], $0x1400  }
0x5d: {  	[sflag:s25] =	ssyncset.done $0x0  }
0x5e: {  	s10 =	rddreg [dreg:$0xd];
	[sflag:s25] =	ssyncadd.s32 $0xFFFFEC00  }
0x5f: {  	[spmem:s10] =	stream.linear.scatter [tilespmem:s24], [sflag:$0xA], $0x1400, $0x38;
	[tilespmem:$0x1F100] =	vst v63  }
0x60: {  	_ =	swait.ge [sflag:s25], $0x1400  }
0x61: {  	[sflag:s25] =	ssyncset.done $0x0  }
0x62: {  	s13 =	rddreg [dreg:$0xe];
	[sflag:s25] =	ssyncadd.s32 $0xFFFFEC00  }
0x63: {  	[spmem:s13] =	stream.linear.scatter [tilespmem:s24], [sflag:$0xA], $0x1400, $0x38;
	[tilespmem:$0x1F100] =	vst v63  }
0x64: {  	_ =	swait.ge [sflag:s25], $0x1400  }
0x65: {  	[sflag:s25] =	ssyncset.done $0x0  }
0x66: {  	s18 =	rddreg [dreg:$0xf];
	[sflag:s25] =	ssyncadd.s32 $0xFFFFEC00  }
0x67: {  	[spmem:s18] =	stream.linear.scatter [tilespmem:s24], [sflag:$0xA], $0x1400, $0x38;
	[tilespmem:$0x1F100] =	vst v63  }
0x68: {  	_ =	swait.ge [sflag:s25], $0x1400  }
0x69: {  	[sflag:s25] =	ssyncset.done $0x0  }
0x6a: {  	s21 =	rddreg [dreg:$0x13];
	[sflag:s25] =	ssyncadd.s32 $0xFFFFEC00  }
0x6b: {  	[spmem:s21] =	stream.linear.scatter [tilespmem:s24], [sflag:$0xA], $0x1400, $0x38;
	[tilespmem:$0x1F100] =	vst v63  }
0x6c: {  	_ =	swait.ge [sflag:s25], $0x1400  }
0x6d: {  	[sflag:s25] =	ssyncset.done $0x0  }
0x6e: {  	s28 =	rddreg [dreg:$0x14];
	[sflag:s25] =	ssyncadd.s32 $0xFFFFEC00  }
0x6f: {  	[spmem:s28] =	stream.linear.scatter [tilespmem:s24], [sflag:$0xA], $0x1400, $0x38;
	[tilespmem:$0x1F100] =	vst v63  }
0x70: {  	_ =	swait.ge [sflag:s25], $0x1400  }
0x71: {  	[sflag:s25] =	ssyncset.done $0x0  }
0x72: {  	s29 =	rddreg [dreg:$0x15];
	[sflag:s25] =	ssyncadd.s32 $0xFFFFEC00  }
0x73: {  	[spmem:s29] =	stream.linear.scatter [tilespmem:s24], [sflag:$0xA], $0x1400, $0x38;
	[tilespmem:$0x1F100] =	vst v63  }
0x74: {  	_ =	swait.ge [sflag:s25], $0x1400  }
0x75: {  	[sflag:s25] =	ssyncset.done $0x0  }
0x76: {  	s8 =	rddreg [dreg:$0x16];
	[sflag:s25] =	ssyncadd.s32 $0xFFFFEC00  }
0x77: {  	[spmem:s8] =	stream.linear.scatter [tilespmem:s24], [sflag:$0xA], $0x1400, $0x38;
	[tilespmem:$0x1F100] =	vst v63  }
0x78: {  	_ =	swait.ge [sflag:s25], $0x1400  }
0x79: {  	[sflag:s25] =	ssyncset.done $0x0  }
0x7a: {  	s10 =	rddreg [dreg:$0x17];
	[sflag:s25] =	ssyncadd.s32 $0xFFFFEC00  }
0x7b: {  	[spmem:s10] =	stream.linear.scatter [tilespmem:s24], [sflag:$0xA], $0x1400, $0x38;
	[tilespmem:$0x1F100] =	vst v63  }
0x7c: {  	_ =	swait.ge [sflag:s25], $0x1400  }
0x7d: {  	[sflag:s25] =	ssyncset.done $0x0  }
0x7e: {  	s13 =	rddreg [dreg:$0x18];
	[sflag:s25] =	ssyncadd.s32 $0xFFFFEC00  }
0x7f: {  	[spmem:s13] =	stream.linear.scatter [tilespmem:s24], [sflag:$0xA], $0x1400, $0x38;
	[tilespmem:$0x1F100] =	vst v63  }
0x80: {  	_ =	swait.ge [sflag:s25], $0x1400  }
0x81: {  	[sflag:s25] =	ssyncset.done $0x0  }
0x82: {  	s18 =	rddreg [dreg:$0x19];
	[sflag:s25] =	ssyncadd.s32 $0xFFFFEC00  }
0x83: {  	[spmem:s18] =	stream.linear.scatter [tilespmem:s24], [sflag:$0xA], $0x1400, $0x38;
	[tilespmem:$0x1F100] =	vst v63  }
0x84: {  	_ =	swait.ge [sflag:s25], $0x1400  }
0x85: {  	[sflag:s25] =	ssyncset.done $0x0  }
0x86: {  	s21 =	rddreg [dreg:$0x1a];
	[sflag:s25] =	ssyncadd.s32 $0xFFFFEC00  }
0x87: {  	[spmem:s21] =	stream.linear.scatter [tilespmem:s24], [sflag:$0xA], $0x1400, $0x38;
	[tilespmem:$0x1F100] =	vst v63  }
0x88: {  	_ =	swait.ge [sflag:s25], $0x1400  }
0x89: {  	[sflag:s25] =	ssyncset.done $0x0  }
0x8a: {  	s28 =	rddreg [dreg:$0x1b];
	[sflag:s25] =	ssyncadd.s32 $0xFFFFEC00  }
0x8b: {  	[spmem:s28] =	stream.linear.scatter [tilespmem:s24], [sflag:$0xA], $0x1400, $0x38;
	[tilespmem:$0x1F100] =	vst v63  }
0x8c: {  	_ =	swait.ge [sflag:s25], $0x1400  }
0x8d: {  	[sflag:s25] =	ssyncset.done $0x0  }
0x8e: {  	s29 =	rddreg [dreg:$0x1c];
	[sflag:s25] =	ssyncadd.s32 $0xFFFFEC00  }
0x8f: {  	[spmem:s29] =	stream.linear.scatter [tilespmem:s24], [sflag:$0xA], $0xC00, $0x38;
	[tilespmem:$0x1F100] =	vst v63  }
0x90: {  	_ =	swait.ge [sflag:s25], $0xC00  }
0x91: {  	[sflag:s25] =	ssyncset.done $0x0  }
0x92: {  	s3 =	simm.s32 @!p0 $0x7C80;
	[sflag:s25] =	ssyncadd.s32 $0xFFFFF400  }
0x93: {  	[spmem:s11] =	stream.linear.scatter @!p0 [tilespmem:s3], [sflag:$0xA], $0x800, $0x38;
	[tilespmem:$0x1F100] =	vst v63  }
0x94: {  	s3 =	simm.s32 @!p0 $0xA  }
0x95: {  	_ =	swait.ge @!p0 [sflag:s3], $0x800  }
0x96: {  	[sflag:s3] =	ssyncset.done @!p0 $0x0  }
0x97: {  	[sflag:s3] =	ssyncadd.s32 @!p0 $0xFFFFF800  }
0x98: {  	s13 =	simm.s32 $0x0;
	[bflag:$0x0] =	sbarrier.arrive $0xFFFF  }
.LBB2_4:
0x99: {  	_ =	swait.ge [sflag:s26], $0x28  }
0x9a: {  	[sflag:s26] =	ssyncset.done $0x0  }
0x9b: {  	[sflag:s26] =	ssyncadd.s32 $0xFFFFFFD8  }
0x9c: {  	_ =	swait.ge [sflag:s26], $0x28  }
0x9d: {  	[sflag:s26] =	ssyncset.done $0x0  }
0x9e: {  	s3 =	simm.s32 $0x2C80;
	[sflag:s26] =	ssyncadd.s32 $0xFFFFFFD8  }
0x9f: {  	[tilespmem:s3], [sflag:$0x3] =	stream.indirect.gather [hbm4b:s1+s17], $0x80, s14, s17, $0xb8;
	[tilespmem:$0x1F100] =	vst v63  }
0xa0: {  	s21 =	simm.s32 $0x6880  }
0xa1: {  	[tilespmem:s21], [sflag:$0x3] =	stream.indirect.gather [hbm4b:s7+s17], $0x80, s15, s17, $0xb8;
	[tilespmem:$0x1F100] =	vst v63  }
0xa2: {  	_ =	swait.ge [sflag:s30], $0x1400  }
0xa3: {  	[sflag:s30] =	ssyncset.done $0x0  }
0xa4: {  	[sflag:s30] =	ssyncadd.s32 $0xFFFFEC00  }
0xa5: {  	_ =	swait.ge [sflag:s30], $0x1400  }
0xa6: {  	p1 =	seq.s32 s13, $0x0;
	[sflag:s30] =	ssyncset.done $0x0  }
0xa7: {  	s3 =	simm.s32 @!p1 $0x7;
	[sflag:s30] =	ssyncadd.s32 $0xFFFFEC00  }
0xa8: {  	_ =	swait.ge @!p1 [sflag:s3], $0x1400  }
0xa9: {  	[sflag:s3] =	ssyncset.done @!p1 $0x0  }
0xaa: {  	s10 =	simm.s32 $0x580;
	[sflag:s3] =	ssyncadd.s32 @!p1 $0xFFFFEC00  }
0xab: {  	s8 =	simm.s32 $0x4180;
	v1 =	vld [tilespmem:s10+$0x80]  }
0xac: {  	v2 =	vld [tilespmem:s8+$0x80];
	_ =	sdelay $0x4  }
0xad: {  	v3 =	vld [tilespmem:s10+$0xFFFFFF80];
	v1 =	vadd.f32 v2, v1  }
0xae: {  	v2 =	vld [tilespmem:s8+$0xFFFFFF80]  }
0xaf: {  	s21 =	simm.s32 $0x7D80;
	v4 =	vld [tilespmem:s8+$0xFFFFFF00];
	v1 =	vmax.f32 v1, $0.0e+00  }
0xb0: {  	v5 =	vld [tilespmem:s10+$0xFFFFFF00];
	[tilespmem:s21+$0x80] =	vst v1  }
0xb1: {  	v1 =	vld [tilespmem:s10+$0x90]  }
0xb2: {  	v6 =	vld [tilespmem:s8+$0x90]  }
0xb3: {  	v7 =	vld [tilespmem:s10+$0x0];
	v2 =	vadd.f32 v2, v3  }
0xb4: {  	v3 =	vld [tilespmem:s8+$0x0]  }
0xb5: {  	v4 =	vadd.f32 v4, v5;
	v2 =	vmax.f32 v2, $0.0e+00  }
0xb6: {  	[tilespmem:s21+$0xFFFFFF80] =	vst v2  }
0xb7: {  	v4 =	vmax.f32 v4, $0.0e+00;
	v2 =	vld [tilespmem:s10+$0xFFFFFF90];
	v1 =	vadd.f32 v6, v1  }
0xb8: {  	[tilespmem:s21+$0xFFFFFF00] =	vst v4;
	v5 =	vld [tilespmem:s8+$0xFFFFFF90]  }
0xb9: {  	v4 =	vld [tilespmem:s10+$0xFFFFFF10];
	v3 =	vadd.f32 v3, v7;
	v1 =	vmax.f32 v1, $0.0e+00  }
0xba: {  	v6 =	vld [tilespmem:s8+$0xFFFFFF10];
	[tilespmem:s21+$0x90] =	vst v1  }
0xbb: {  	v1 =	vmax.f32 v3, $0.0e+00;
	v3 =	vld [tilespmem:s10+$0xA0]  }
0xbc: {  	[tilespmem:s21+$0x0] =	vst v1;
	v1 =	vld [tilespmem:s8+$0xA0]  }
0xbd: {  	v7 =	vld [tilespmem:s10+$0x10];
	v2 =	vadd.f32 v5, v2  }
0xbe: {  	v5 =	vld [tilespmem:s8+$0x10]  }
0xbf: {  	v2 =	vmax.f32 v2, $0.0e+00  }
0xc0: {  	v4 =	vadd.f32 v6, v4;
	[tilespmem:s21+$0xFFFFFF90] =	vst v2  }
0xc1: {  	v2 =	vld [tilespmem:s10+$0xFFFFFFA0];
	v1 =	vadd.f32 v1, v3  }
0xc2: {  	v4 =	vmax.f32 v4, $0.0e+00;
	v3 =	vld [tilespmem:s8+$0xFFFFFFA0]  }
0xc3: {  	[tilespmem:s21+$0xFFFFFF10] =	vst v4;
	v4 =	vadd.f32 v5, v7;
	v1 =	vmax.f32 v1, $0.0e+00  }
0xc4: {  	[tilespmem:s21+$0xA0] =	vst v1  }
0xc5: {  	v1 =	vmax.f32 v4, $0.0e+00;
	v4 =	vld [tilespmem:s10+$0xB0]  }
0xc6: {  	[tilespmem:s21+$0x10] =	vst v1;
	v1 =	vld [tilespmem:s8+$0xB0]  }
0xc7: {  	v2 =	vadd.f32 v3, v2;
	v3 =	vld [tilespmem:s10+$0x20]  }
0xc8: {  	v7 =	vld [tilespmem:s8+$0x20]  }
0xc9: {  	v6 =	vld [tilespmem:s8+$0xFFFFFF20];
	v2 =	vmax.f32 v2, $0.0e+00  }
0xca: {  	v5 =	vld [tilespmem:s10+$0xFFFFFF20];
	[tilespmem:s21+$0xFFFFFFA0] =	vst v2  }
0xcb: {  	v2 =	vld [tilespmem:s10+$0xFFFFFFB0];
	v1 =	vadd.f32 v1, v4  }
0xcc: {  	v4 =	vld [tilespmem:s8+$0xFFFFFFB0]  }
0xcd: {  	v3 =	vadd.f32 v7, v3;
	v1 =	vmax.f32 v1, $0.0e+00  }
0xce: {  	[tilespmem:s21+$0xB0] =	vst v1  }
0xcf: {  	v5 =	vadd.f32 v6, v5;
	v1 =	vmax.f32 v3, $0.0e+00;
	v3 =	vld [tilespmem:s10+$0xC0]  }
0xd0: {  	[tilespmem:s21+$0x20] =	vst v1;
	v1 =	vld [tilespmem:s8+$0xC0]  }
0xd1: {  	v5 =	vmax.f32 v5, $0.0e+00;
	v2 =	vadd.f32 v4, v2;
	v4 =	vld [tilespmem:s10+$0x30]  }
0xd2: {  	[tilespmem:s21+$0xFFFFFF20] =	vst v5;
	v7 =	vld [tilespmem:s8+$0x30]  }
0xd3: {  	v5 =	vld [tilespmem:s10+$0xFFFFFF30];
	v2 =	vmax.f32 v2, $0.0e+00  }
0xd4: {  	v6 =	vld [tilespmem:s8+$0xFFFFFF30];
	[tilespmem:s21+$0xFFFFFFB0] =	vst v2  }
0xd5: {  	v2 =	vld [tilespmem:s10+$0xFFFFFFC0];
	v1 =	vadd.f32 v1, v3  }
0xd6: {  	v3 =	vld [tilespmem:s8+$0xFFFFFFC0]  }
0xd7: {  	s3 =	simm.s32 $0x4380;
	v4 =	vadd.f32 v7, v4;
	v1 =	vmax.f32 v1, $0.0e+00  }
0xd8: {  	v11 =	vld [tilespmem:s3+$0xFFFFFF00];
	[tilespmem:s21+$0xC0] =	vst v1  }
0xd9: {  	v1 =	vmax.f32 v4, $0.0e+00;
	v4 =	vld [tilespmem:s10+$0xD0]  }
0xda: {  	v5 =	vadd.f32 v6, v5;
	[tilespmem:s21+$0x30] =	vst v1;
	v1 =	vld [tilespmem:s8+$0xD0]  }
0xdb: {  	v2 =	vadd.f32 v3, v2;
	v3 =	vld [tilespmem:s10+$0x40]  }
0xdc: {  	s28 =	simm.s32 $0x780;
	v5 =	vmax.f32 v5, $0.0e+00;
	v7 =	vld [tilespmem:s8+$0x40]  }
0xdd: {  	v52 =	vld [tilespmem:s28+$0xFFFFFF00];
	[tilespmem:s21+$0xFFFFFF30] =	vst v5  }
0xde: {  	v5 =	vld [tilespmem:s10+$0xFFFFFF40]  }
0xdf: {  	v6 =	vld [tilespmem:s8+$0xFFFFFF40];
	v1 =	vadd.f32 v1, v4  }
0xe0: {  	v9 =	vld [tilespmem:s28+$0x80]  }
0xe1: {  	v10 =	vld [tilespmem:s3+$0x80];
	v3 =	vadd.f32 v7, v3;
	v1 =	vmax.f32 v1, $0.0e+00  }
0xe2: {  	v12 =	vld [tilespmem:s3+$0xFFFFFF80];
	v11 =	vadd.f32 v11, v52;
	[tilespmem:s21+$0xD0] =	vst v1  }
0xe3: {  	v1 =	vmax.f32 v3, $0.0e+00;
	v3 =	vld [tilespmem:s10+$0xE0]  }
0xe4: {  	s29 =	simm.s32 $0x7F80;
	v11 =	vmax.f32 v11, $0.0e+00;
	v5 =	vadd.f32 v6, v5;
	[tilespmem:s21+$0x40] =	vst v1;
	v1 =	vld [tilespmem:s8+$0xE0]  }
0xe5: {  	v13 =	vld [tilespmem:s28+$0x0];
	[tilespmem:s29+$0xFFFFFF00] =	vst v11;
	v2 =	vmax.f32 v2, $0.0e+00  }
0xe6: {  	v11 =	vld [tilespmem:s28+$0xFFFFFF10];
	[tilespmem:s21+$0xFFFFFFC0] =	vst v2;
	v5 =	vmax.f32 v5, $0.0e+00  }
0xe7: {  	v2 =	vld [tilespmem:s10+$0xFFFFFFD0];
	[tilespmem:s21+$0xFFFFFF40] =	vst v5  }
0xe8: {  	v5 =	vld [tilespmem:s10+$0xFFFFFF50]  }
0xe9: {  	v6 =	vld [tilespmem:s8+$0xFFFFFF50];
	v1 =	vadd.f32 v1, v3  }
0xea: {  	v3 =	vld [tilespmem:s28+$0xFFFFFF80]  }
0xeb: {  	v4 =	vld [tilespmem:s8+$0xFFFFFFD0];
	v1 =	vmax.f32 v1, $0.0e+00  }
0xec: {  	v7 =	vld [tilespmem:s10+$0x50];
	[tilespmem:s21+$0xE0] =	vst v1;
	v1 =	vadd.f32 v10, v9  }
0xed: {  	v8 =	vld [tilespmem:s8+$0x50]  }
0xee: {  	v5 =	vadd.f32 v6, v5;
	v6 =	vld [tilespmem:s3+$0x0];
	v1 =	vmax.f32 v1, $0.0e+00  }
0xef: {  	v54 =	vld [tilespmem:s3+$0xFFFFFF10];
	v3 =	vadd.f32 v12, v3;
	[tilespmem:s29+$0x80] =	vst v1  }
0xf0: {  	v1 =	vmax.f32 v5, $0.0e+00;
	v5 =	vld [tilespmem:s28+$0x90]  }
0xf1: {  	v2 =	vadd.f32 v4, v2;
	[tilespmem:s21+$0xFFFFFF50] =	vst v1;
	v1 =	vmax.f32 v3, $0.0e+00;
	v3 =	vld [tilespmem:s3+$0x90]  }
0xf2: {  	v7 =	vadd.f32 v8, v7;
	v50 =	vld [tilespmem:s10+$0xF0]  }
0xf3: {  	v2 =	vmax.f32 v2, $0.0e+00;
	v6 =	vadd.f32 v6, v13;
	v51 =	vld [tilespmem:s8+$0xF0];
	[tilespmem:s29+$0xFFFFFF80] =	vst v1  }
0xf4: {  	[tilespmem:s21+$0xFFFFFFD0] =	vst v2;
	v7 =	vmax.f32 v7, $0.0e+00;
	v4 =	vld [tilespmem:s28+$0xFFFFFF90]  }
0xf5: {  	v2 =	vmax.f32 v6, $0.0e+00;
	[tilespmem:s21+$0x50] =	vst v7;
	v53 =	vld [tilespmem:s3+$0xFFFFFF90]  }
0xf6: {  	v7 =	vld [tilespmem:s8+$0xFFFFFFE0];
	[tilespmem:s29+$0x0] =	vst v2;
	v2 =	vadd.f32 v3, v5  }
0xf7: {  	v57 =	vld [tilespmem:s10+$0x60]  }
0xf8: {  	v58 =	vld [tilespmem:s8+$0x60];
	v2 =	vmax.f32 v2, $0.0e+00  }
0xf9: {  	v1 =	vld [tilespmem:s10+$0xFFFFFF60];
	[tilespmem:s29+$0x90] =	vst v2  }
0xfa: {  	v4 =	vadd.f32 v53, v4;
	v2 =	vld [tilespmem:s28+$0xA0]  }
0xfb: {  	v55 =	vld [tilespmem:s3+$0xA0]  }
0xfc: {  	v5 =	vld [tilespmem:s28+$0x10];
	v4 =	vmax.f32 v4, $0.0e+00  }
0xfd: {  	[tilespmem:s29+$0xFFFFFF90] =	vst v4;
	v4 =	vld [tilespmem:s3+$0x10]  }
0xfe: {  	v11 =	vadd.f32 v54, v11;
	v8 =	vld [tilespmem:s28+$0xFFFFFFA0]  }
0xff: {  	v56 =	vld [tilespmem:s3+$0xFFFFFFA0]  }
0x100: {  	v11 =	vmax.f32 v11, $0.0e+00;
	v6 =	vld [tilespmem:s8+$0xFFFFFF60];
	v2 =	vadd.f32 v55, v2  }
0x101: {  	[tilespmem:s29+$0xFFFFFF10] =	vst v11;
	v3 =	vld [tilespmem:s10+$0xFFFFFFE0]  }
0x102: {  	v4 =	vadd.f32 v4, v5;
	v5 =	vld [tilespmem:s28+$0xFFFFFF20];
	v2 =	vmax.f32 v2, $0.0e+00  }
0x103: {  	[tilespmem:s29+$0xA0] =	vst v2;
	v2 =	vld [tilespmem:s3+$0xFFFFFF20]  }
0x104: {  	v8 =	vadd.f32 v56, v8;
	v4 =	vmax.f32 v4, $0.0e+00;
	v59 =	vld [tilespmem:s28+$0xB0]  }
0x105: {  	v1 =	vadd.f32 v6, v1;
	[tilespmem:s29+$0x10] =	vst v4;
	v4 =	vld [tilespmem:s3+$0xB0]  }
0x106: {  	v6 =	vmax.f32 v8, $0.0e+00;
	v8 =	vld [tilespmem:s28+$0x20]  }
0x107: {  	v1 =	vmax.f32 v1, $0.0e+00;
	[tilespmem:s29+$0xFFFFFFA0] =	vst v6;
	v6 =	vld [tilespmem:s3+$0x20]  }
0x108: {  	[tilespmem:s21+$0xFFFFFF60] =	vst v1;
	v1 =	vld [tilespmem:s3+$0xFFFFFFB0];
	v2 =	vadd.f32 v2, v5  }
0x109: {  	v5 =	vld [tilespmem:s28+$0xFFFFFFB0]  }
0x10a: {  	v60 =	vld [tilespmem:s10+$0xFFFFFF70];
	v4 =	vadd.f32 v4, v59;
	v2 =	vmax.f32 v2, $0.0e+00  }
0x10b: {  	[tilespmem:s29+$0xFFFFFF20] =	vst v2;
	v2 =	vld [tilespmem:s8+$0xFFFFFF70]  }
0x10c: {  	v6 =	vadd.f32 v6, v8;
	v4 =	vmax.f32 v4, $0.0e+00;
	v8 =	vld [tilespmem:s28+$0xFFFFFF30]  }
0x10d: {  	[tilespmem:s29+$0xB0] =	vst v4;
	v4 =	vld [tilespmem:s3+$0xFFFFFF30]  }
0x10e: {  	v1 =	vadd.f32 v1, v5;
	v5 =	vmax.f32 v6, $0.0e+00;
	v6 =	vld [tilespmem:s28+$0xC0]  }
0x10f: {  	[tilespmem:s29+$0x20] =	vst v5;
	v5 =	vld [tilespmem:s3+$0xC0]  }
0x110: {  	v3 =	vadd.f32 v7, v3;
	v1 =	vmax.f32 v1, $0.0e+00;
	v7 =	vld [tilespmem:s28+$0x30]  }
0x111: {  	[tilespmem:s29+$0xFFFFFFB0] =	vst v1;
	v1 =	vld [tilespmem:s3+$0x30]  }
0x112: {  	v3 =	vmax.f32 v3, $0.0e+00;
	v4 =	vadd.f32 v4, v8;
	v8 =	vld [tilespmem:s28+$0xFFFFFFC0]  }
0x113: {  	[tilespmem:s21+$0xFFFFFFE0] =	vst v3;
	v3 =	vld [tilespmem:s3+$0xFFFFFFC0]  }
0x114: {  	v4 =	vmax.f32 v4, $0.0e+00;
	v5 =	vadd.f32 v5, v6;
	v6 =	vld [tilespmem:s10+$0xFFFFFFF0]  }
0x115: {  	[tilespmem:s29+$0xFFFFFF30] =	vst v4;
	v4 =	vld [tilespmem:s8+$0xFFFFFFF0]  }
0x116: {  	v1 =	vadd.f32 v1, v7;
	v7 =	vld [tilespmem:s28+$0xFFFFFF40];
	v5 =	vmax.f32 v5, $0.0e+00  }
0x117: {  	[tilespmem:s29+$0xC0] =	vst v5;
	v5 =	vld [tilespmem:s3+$0xFFFFFF40]  }
0x118: {  	v3 =	vadd.f32 v3, v8;
	v1 =	vmax.f32 v1, $0.0e+00;
	v8 =	vld [tilespmem:s28+$0xD0]  }
0x119: {  	[tilespmem:s29+$0x30] =	vst v1;
	v1 =	vld [tilespmem:s3+$0xD0]  }
0x11a: {  	v11 =	vadd.f32 v58, v57;
	v3 =	vmax.f32 v3, $0.0e+00;
	v61 =	vld [tilespmem:s28+$0x40]  }
0x11b: {  	[tilespmem:s29+$0xFFFFFFC0] =	vst v3;
	v3 =	vld [tilespmem:s3+$0x40]  }
0x11c: {  	v11 =	vmax.f32 v11, $0.0e+00;
	v62 =	vld [tilespmem:s3+$0xFFFFFFD0];
	v5 =	vadd.f32 v5, v7  }
0x11d: {  	v9 =	vadd.f32 v51, v50;
	[tilespmem:s21+$0x60] =	vst v11;
	v7 =	vld [tilespmem:s28+$0xFFFFFFD0]  }
0x11e: {  	v11 =	vld [tilespmem:s8+$0x70];
	v5 =	vmax.f32 v5, $0.0e+00;
	v1 =	vadd.f32 v1, v8  }
0x11f: {  	v9 =	vmax.f32 v9, $0.0e+00;
	v2 =	vadd.f32 v2, v60;
	v8 =	vld [tilespmem:s10+$0x70];
	[tilespmem:s29+$0xFFFFFF40] =	vst v5  }
0x120: {  	[tilespmem:s21+$0xF0] =	vst v9;
	v63 =	vadd.f32 v3, v61;
	v3 =	vld [tilespmem:s28+$0xFFFFFF50];
	v1 =	vmax.f32 v1, $0.0e+00  }
0x121: {  	v2 =	vmax.f32 v2, $0.0e+00;
	v4 =	vadd.f32 v4, v6;
	v5 =	vld [tilespmem:s3+$0xFFFFFF50];
	[tilespmem:s29+$0xD0] =	vst v1  }
0x122: {  	[tilespmem:s21+$0xFFFFFF70] =	vst v2;
	v1 =	vadd.f32 v62, v7;
	v6 =	vmax.f32 v63, $0.0e+00;
	v2 =	vld [tilespmem:s28+$0xE0]  }
0x123: {  	v7 =	vmax.f32 v4, $0.0e+00;
	[tilespmem:s29+$0x40] =	vst v6;
	v4 =	vld [tilespmem:s3+$0xE0]  }
0x124: {  	[tilespmem:s21+$0xFFFFFFF0] =	vst v7;
	v7 =	vmax.f32 v1, $0.0e+00;
	v6 =	vld [tilespmem:s28+$0x50];
	v1 =	vadd.f32 v11, v8  }
0x125: {  	s11 =	simm.s32 $0x980;
	s8 =	simm.s32 $0x4380;
	s10 =	simm.s32 $0x4;
	[tilespmem:s29+$0xFFFFFFD0] =	vst v7;
	v7 =	vld [tilespmem:s3+$0x50]  }
.LBB2_5:
0x126: {  	v8 =	vld [tilespmem:s11+$0x80];
	v3 =	vadd.f32 v5, v3;
	s3 =	sadd.s32 $0x200, s3;
	v1 =	vmax.f32 v1, $0.0e+00  }
0x127: {  	v5 =	vld [tilespmem:s3+$0x80];
	[tilespmem:s21+$0x70] =	vst v1;
	s21 =	smov.u32 s29  }
0x128: {  	v1 =	vld [tilespmem:s3+$0xFFFFFF00];
	v3 =	vmax.f32 v3, $0.0e+00;
	v2 =	vadd.f32 v4, v2  }
0x129: {  	v4 =	vld [tilespmem:s11+$0xFFFFFF80];
	[tilespmem:s29+$0xFFFFFF50] =	vst v3  }
0x12a: {  	v3 =	vld [tilespmem:s3+$0xFFFFFF80];
	v6 =	vadd.f32 v7, v6;
	v2 =	vmax.f32 v2, $0.0e+00  }
0x12b: {  	v7 =	vld [tilespmem:s11+$0x0];
	[tilespmem:s29+$0xE0] =	vst v2  }
0x12c: {  	v2 =	vadd.f32 v5, v8;
	v5 =	vmax.f32 v6, $0.0e+00;
	v6 =	vld [tilespmem:s28+$0xF0]  }
0x12d: {  	[tilespmem:s29+$0x50] =	vst v5;
	v5 =	vld [tilespmem:s8+$0xF0]  }
0x12e: {  	s10 =	sadd.s32 $0x4, s10;
	s29 =	sadd.s32 $0x200, s29;
	v8 =	vld [tilespmem:s3+$0x0];
	v2 =	vmax.f32 v2, $0.0e+00  }
0x12f: {  	p2 =	slt.u32 s10, $0x24;
	v9 =	vld [tilespmem:s11+$0xFFFFFF00];
	v3 =	vadd.f32 v3, v4;
	[tilespmem:s29+$0x80] =	vst v2  }
0x130: {  	v2 =	vld [tilespmem:s11+$0x90]  }
0x131: {  	v3 =	vmax.f32 v3, $0.0e+00;
	v4 =	vld [tilespmem:s3+$0x90]  }
0x132: {  	[tilespmem:s29+$0xFFFFFF80] =	vst v3;
	v3 =	vld [tilespmem:s28+$0xFFFFFF60];
	v5 =	vadd.f32 v5, v6  }
0x133: {  	v6 =	vld [tilespmem:s11+$0xFFFFFF90];
	v7 =	vadd.f32 v8, v7  }
0x134: {  	v1 =	vadd.f32 v1, v9;
	v8 =	vld [tilespmem:s3+$0xFFFFFF90];
	v5 =	vmax.f32 v5, $0.0e+00  }
0x135: {  	v7 =	vmax.f32 v7, $0.0e+00;
	v9 =	vld [tilespmem:s8+$0xFFFFFF60];
	[tilespmem:s21+$0xF0] =	vst v5  }
0x136: {  	v1 =	vmax.f32 v1, $0.0e+00;
	[tilespmem:s29+$0x0] =	vst v7;
	v2 =	vadd.f32 v4, v2;
	v4 =	vld [tilespmem:s28+$0xFFFFFFE0]  }
0x137: {  	[tilespmem:s29+$0xFFFFFF00] =	vst v1;
	v1 =	vld [tilespmem:s11+$0x10]  }
0x138: {  	v5 =	vld [tilespmem:s11+$0xFFFFFF10];
	v2 =	vmax.f32 v2, $0.0e+00  }
0x139: {  	v7 =	vld [tilespmem:s3+$0xFFFFFF10];
	v6 =	vadd.f32 v8, v6;
	[tilespmem:s29+$0x90] =	vst v2  }
0x13a: {  	v2 =	vld [tilespmem:s11+$0xA0];
	v3 =	vadd.f32 v9, v3  }
0x13b: {  	v6 =	vmax.f32 v6, $0.0e+00;
	v8 =	vld [tilespmem:s3+$0xA0]  }
0x13c: {  	[tilespmem:s29+$0xFFFFFF90] =	vst v6;
	v6 =	vld [tilespmem:s3+$0x10];
	v3 =	vmax.f32 v3, $0.0e+00  }
0x13d: {  	v9 =	vld [tilespmem:s11+$0xFFFFFFA0];
	[tilespmem:s21+$0xFFFFFF60] =	vst v3  }
0x13e: {  	v3 =	vadd.f32 v7, v5;
	v5 =	vld [tilespmem:s3+$0xFFFFFFA0]  }
0x13f: {  	v7 =	vld [tilespmem:s8+$0xFFFFFFE0]  }
0x140: {  	v3 =	vmax.f32 v3, $0.0e+00;
	v2 =	vadd.f32 v8, v2;
	v8 =	vld [tilespmem:s28+$0x60]  }
0x141: {  	[tilespmem:s29+$0xFFFFFF10] =	vst v3;
	v1 =	vadd.f32 v6, v1;
	v3 =	vld [tilespmem:s8+$0x60]  }
0x142: {  	v6 =	vld [tilespmem:s11+$0xFFFFFF20];
	v2 =	vmax.f32 v2, $0.0e+00  }
0x143: {  	v10 =	vld [tilespmem:s3+$0xFFFFFF20];
	v5 =	vadd.f32 v5, v9;
	v1 =	vmax.f32 v1, $0.0e+00;
	[tilespmem:s29+$0xA0] =	vst v2  }
0x144: {  	[tilespmem:s29+$0x10] =	vst v1;
	v1 =	vld [tilespmem:s11+$0xB0];
	v2 =	vadd.f32 v7, v4  }
0x145: {  	v4 =	vmax.f32 v5, $0.0e+00;
	v5 =	vld [tilespmem:s3+$0xB0]  }
0x146: {  	[tilespmem:s29+$0xFFFFFFA0] =	vst v4;
	v4 =	vld [tilespmem:s11+$0x20];
	v2 =	vmax.f32 v2, $0.0e+00;
	v3 =	vadd.f32 v3, v8  }
0x147: {  	v7 =	vld [tilespmem:s3+$0x20];
	[tilespmem:s21+$0xFFFFFFE0] =	vst v2  }
0x148: {  	v2 =	vadd.f32 v10, v6;
	v6 =	vld [tilespmem:s11+$0xFFFFFFB0];
	v3 =	vmax.f32 v3, $0.0e+00  }
0x149: {  	v8 =	vld [tilespmem:s3+$0xFFFFFFB0];
	[tilespmem:s21+$0x60] =	vst v3  }
0x14a: {  	v2 =	vmax.f32 v2, $0.0e+00;
	v1 =	vadd.f32 v5, v1;
	v3 =	vld [tilespmem:s28+$0xFFFFFF70]  }
0x14b: {  	[tilespmem:s29+$0xFFFFFF20] =	vst v2;
	v2 =	vld [tilespmem:s8+$0xFFFFFF70]  }
0x14c: {  	v5 =	vld [tilespmem:s11+$0xFFFFFF30];
	v4 =	vadd.f32 v7, v4;
	v1 =	vmax.f32 v1, $0.0e+00  }
0x14d: {  	v7 =	vld [tilespmem:s3+$0xFFFFFF30];
	[tilespmem:s29+$0xB0] =	vst v1  }
0x14e: {  	v1 =	vadd.f32 v8, v6;
	v4 =	vmax.f32 v4, $0.0e+00;
	v6 =	vld [tilespmem:s11+$0xC0]  }
0x14f: {  	[tilespmem:s29+$0x20] =	vst v4;
	v4 =	vld [tilespmem:s3+$0xC0]  }
0x150: {  	v1 =	vmax.f32 v1, $0.0e+00;
	v8 =	vld [tilespmem:s11+$0x30];
	v2 =	vadd.f32 v2, v3  }
0x151: {  	[tilespmem:s29+$0xFFFFFFB0] =	vst v1;
	v1 =	vld [tilespmem:s3+$0x30]  }
0x152: {  	v3 =	vadd.f32 v7, v5;
	v5 =	vld [tilespmem:s11+$0xFFFFFFC0];
	v2 =	vmax.f32 v2, $0.0e+00  }
0x153: {  	v7 =	vld [tilespmem:s3+$0xFFFFFFC0];
	[tilespmem:s21+$0xFFFFFF70] =	vst v2  }
0x154: {  	v2 =	vmax.f32 v3, $0.0e+00;
	v3 =	vadd.f32 v4, v6;
	v4 =	vld [tilespmem:s28+$0xFFFFFFF0]  }
0x155: {  	[tilespmem:s29+$0xFFFFFF30] =	vst v2;
	v2 =	vld [tilespmem:s8+$0xFFFFFFF0]  }
0x156: {  	v6 =	vld [tilespmem:s11+$0xFFFFFF40];
	v1 =	vadd.f32 v1, v8;
	v3 =	vmax.f32 v3, $0.0e+00  }
0x157: {  	v8 =	vld [tilespmem:s3+$0xFFFFFF40];
	[tilespmem:s29+$0xC0] =	vst v3  }
0x158: {  	v3 =	vadd.f32 v7, v5;
	v1 =	vmax.f32 v1, $0.0e+00;
	v5 =	vld [tilespmem:s11+$0xD0]  }
0x159: {  	[tilespmem:s29+$0x30] =	vst v1;
	v1 =	vld [tilespmem:s3+$0xD0]  }
0x15a: {  	v3 =	vmax.f32 v3, $0.0e+00;
	v7 =	vld [tilespmem:s11+$0x40];
	v2 =	vadd.f32 v2, v4  }
0x15b: {  	[tilespmem:s29+$0xFFFFFFC0] =	vst v3;
	v4 =	vld [tilespmem:s3+$0x40]  }
0x15c: {  	v3 =	vadd.f32 v8, v6;
	v6 =	vld [tilespmem:s11+$0xFFFFFFD0];
	v2 =	vmax.f32 v2, $0.0e+00  }
0x15d: {  	v8 =	vld [tilespmem:s3+$0xFFFFFFD0];
	[tilespmem:s21+$0xFFFFFFF0] =	vst v2  }
0x15e: {  	v2 =	vmax.f32 v3, $0.0e+00;
	v1 =	vadd.f32 v1, v5;
	v9 =	vld [tilespmem:s28+$0x70];
	s28 =	smov.u32 s11  }
0x15f: {  	[tilespmem:s29+$0xFFFFFF40] =	vst v2;
	v10 =	vld [tilespmem:s8+$0x70];
	s8 =	smov.u32 s3  }
0x160: {  	v3 =	vld [tilespmem:s11+$0xFFFFFF50];
	v2 =	vadd.f32 v4, v7;
	v1 =	vmax.f32 v1, $0.0e+00  }
.Ltmp1:
0x161: {  	v5 =	vld [tilespmem:s3+$0xFFFFFF50];
	[tilespmem:s29+$0xD0] =	vst v1;
	(pc) =	sbr.rel @p2 .LBB2_5-.Ltmp1, $4  }
0x162: {  	v1 =	vadd.f32 v8, v6;
	v4 =	vmax.f32 v2, $0.0e+00;
	v2 =	vld [tilespmem:s11+$0xE0]  }
0x163: {  	[tilespmem:s29+$0x40] =	vst v4;
	v4 =	vld [tilespmem:s3+$0xE0]  }
0x164: {  	v7 =	vmax.f32 v1, $0.0e+00;
	v6 =	vld [tilespmem:s11+$0x50];
	v1 =	vadd.f32 v10, v9  }
0x165: {  	s11 =	sadd.s32 $0x200, s11;
	[tilespmem:s29+$0xFFFFFFD0] =	vst v7;
	v7 =	vld [tilespmem:s3+$0x50]  }
0x166: {  	v3 =	vadd.f32 v5, v3;
	_ =	sdelay $0x1  }
0x167: {  	v3 =	vmax.f32 v3, $0.0e+00  }
0x168: {  	[tilespmem:s29+$0xFFFFFF50] =	vst v3  }
0x169: {  	v3 =	vadd.f32 v7, v6;
	v5 =	vld [tilespmem:s28+$0xFFFFFF60]  }
0x16a: {  	v6 =	vld [tilespmem:s8+$0xFFFFFF60]  }
0x16b: {  	v7 =	vld [tilespmem:s28+$0xFFFFFFE0];
	v3 =	vmax.f32 v3, $0.0e+00  }
0x16c: {  	[tilespmem:s29+$0x50] =	vst v3;
	v3 =	vld [tilespmem:s8+$0xFFFFFFE0]  }
0x16d: {  	v2 =	vadd.f32 v4, v2;
	v4 =	vld [tilespmem:s28+$0x60]  }
0x16e: {  	v8 =	vld [tilespmem:s8+$0x60]  }
0x16f: {  	v2 =	vmax.f32 v2, $0.0e+00;
	v5 =	vadd.f32 v6, v5  }
0x170: {  	[tilespmem:s29+$0xE0] =	vst v2  }
0x171: {  	v2 =	vld [tilespmem:s28+$0xF0];
	v5 =	vmax.f32 v5, $0.0e+00;
	v3 =	vadd.f32 v3, v7  }
0x172: {  	v6 =	vld [tilespmem:s8+$0xF0];
	[tilespmem:s29+$0xFFFFFF60] =	vst v5  }
0x173: {  	v4 =	vadd.f32 v8, v4;
	v5 =	vld [tilespmem:s28+$0xFFFFFF70];
	v3 =	vmax.f32 v3, $0.0e+00  }
0x174: {  	[tilespmem:s29+$0xFFFFFFE0] =	vst v3;
	v3 =	vld [tilespmem:s8+$0xFFFFFF70]  }
0x175: {  	v4 =	vmax.f32 v4, $0.0e+00;
	v7 =	vld [tilespmem:s28+$0xFFFFFFF0]  }
0x176: {  	[tilespmem:s29+$0x60] =	vst v4;
	v4 =	vld [tilespmem:s8+$0xFFFFFFF0]  }
0x177: {  	v8 =	vld [tilespmem:s28+$0x70]  }
0x178: {  	v9 =	vld [tilespmem:s8+$0x70];
	_ =	sdelay $0x1  }
0x179: {  	v2 =	vadd.f32 v6, v2  }
0x17a: {  	v1 =	vmax.f32 v1, $0.0e+00;
	v3 =	vadd.f32 v3, v5  }
0x17b: {  	[tilespmem:s21+$0x70] =	vst v1;
	v1 =	vmax.f32 v2, $0.0e+00;
	v2 =	vadd.f32 v4, v7  }
0x17c: {  	[tilespmem:s29+$0xF0] =	vst v1;
	v1 =	vmax.f32 v3, $0.0e+00;
	v3 =	vadd.f32 v9, v8  }
0x17d: {  	[tilespmem:s29+$0xFFFFFF70] =	vst v1;
	v1 =	vmax.f32 v2, $0.0e+00  }
0x17e: {  	[tilespmem:s29+$0xFFFFFFF0] =	vst v1;
	v1 =	vmax.f32 v3, $0.0e+00  }
0x17f: {  	[tilespmem:s29+$0x70] =	vst v1  }
0x180: {  	v1 =	vld [tilespmem:$0x180]  }
0x181: {  	v2 =	vld [tilespmem:$0x190]  }
0x182: {  	v3 =	vld [tilespmem:$0x198];
	_ =	sdelay $0x1  }
0x183: {  	s21 =	smul.u32 $0x78, s13  }
0x184: {  	[tilespmem:$0x300] =	vst v1  }
0x185: {  	s3 =	sadd.s32 s21, s20;
	[tilespmem:$0x310] =	vst v2  }
0x186: {  	s3 =	sshrl.u32 s3, $0x3;
	[tilespmem:$0x318] =	vst v3  }
0x187: {  	[spmem:s2] =	stream.indirect.scatter.add.f32 [tilespmem:s24], [sflag:$0x7], $0x80, s31, s17, $0xb8;
	[tilespmem:$0x1F100] =	vst v63  }
0x188: {  	s11 =	sadd.s32 s5, s3  }
0x189: {  	[tilespmem:s4], [sflag:$0x4] =	stream.linear.gather [hbm4b:s11+s4], $0x28, $0x38;
	[tilespmem:$0x1F100] =	vst v63  }
0x18a: {  	s3 =	sadd.s32 s6, s3  }
0x18b: {  	[tilespmem:s12], [sflag:$0x4] =	stream.linear.gather [hbm4b:s3+s4], $0x28, $0x38;
	[tilespmem:$0x1F100] =	vst v63  }
0x18c: {  	_ =	swait.ge [sflag:s16], $0x28  }
0x18d: {  	[sflag:s16] =	ssyncset.done $0x0  }
0x18e: {  	[sflag:s16] =	ssyncadd.s32 $0xFFFFFFD8  }
0x18f: {  	_ =	swait.ge [sflag:s16], $0x28  }
0x190: {  	[sflag:s16] =	ssyncset.done $0x0  }
0x191: {  	s18 =	simm.s32 $0x480;
	[sflag:s16] =	ssyncadd.s32 $0xFFFFFFD8  }
0x192: {  	[tilespmem:s18], [sflag:$0x1] =	stream.indirect.gather [hbm4b:s1+s17], $0x80, s4, s17, $0xb8;
	[tilespmem:$0x1F100] =	vst v63  }
0x193: {  	_ = 	snop  }
0x194: {  	[tilespmem:s19], [sflag:$0x1] =	stream.indirect.gather [hbm4b:s7+s17], $0x80, s12, s17, $0xb8;
	[tilespmem:$0x1F100] =	vst v63  }
0x195: {  	_ =	swait.ge [sflag:s0], $0x1400  }
0x196: {  	[sflag:s0] =	ssyncset.done $0x0  }
0x197: {  	[sflag:s0] =	ssyncadd.s32 $0xFFFFEC00  }
0x198: {  	_ =	swait.ge [sflag:s0], $0x1400  }
0x199: {  	[sflag:s0] =	ssyncset.done $0x0  }
0x19a: {  	s3 =	simm.s32 @!p1 $0x8;
	[sflag:s0] =	ssyncadd.s32 $0xFFFFEC00  }
0x19b: {  	_ =	swait.ge @!p1 [sflag:s3], $0x1400  }
0x19c: {  	[sflag:s3] =	ssyncset.done @!p1 $0x0  }
0x19d: {  	s11 =	simm.s32 $0x1980;
	[sflag:s3] =	ssyncadd.s32 @!p1 $0xFFFFEC00  }
0x19e: {  	s10 =	simm.s32 $0x5580;
	v1 =	vld [tilespmem:s11+$0x80]  }
0x19f: {  	v2 =	vld [tilespmem:s10+$0x80];
	_ =	sdelay $0x4  }
0x1a0: {  	v3 =	vld [tilespmem:s11+$0xFFFFFF80];
	v1 =	vadd.f32 v2, v1  }
0x1a1: {  	v2 =	vld [tilespmem:s10+$0xFFFFFF80]  }
0x1a2: {  	s28 =	simm.s32 $0x9180;
	v4 =	vld [tilespmem:s10+$0xFFFFFF00];
	v1 =	vmax.f32 v1, $0.0e+00  }
0x1a3: {  	v5 =	vld [tilespmem:s11+$0xFFFFFF00];
	[tilespmem:s28+$0x80] =	vst v1  }
0x1a4: {  	v1 =	vld [tilespmem:s11+$0x90]  }
0x1a5: {  	v6 =	vld [tilespmem:s10+$0x90]  }
0x1a6: {  	v7 =	vld [tilespmem:s11+$0x0];
	v2 =	vadd.f32 v2, v3  }
0x1a7: {  	v3 =	vld [tilespmem:s10+$0x0]  }
0x1a8: {  	v4 =	vadd.f32 v4, v5;
	v2 =	vmax.f32 v2, $0.0e+00  }
0x1a9: {  	[tilespmem:s28+$0xFFFFFF80] =	vst v2  }
0x1aa: {  	v4 =	vmax.f32 v4, $0.0e+00;
	v2 =	vld [tilespmem:s11+$0xFFFFFF90];
	v1 =	vadd.f32 v6, v1  }
0x1ab: {  	[tilespmem:s28+$0xFFFFFF00] =	vst v4;
	v5 =	vld [tilespmem:s10+$0xFFFFFF90]  }
0x1ac: {  	v4 =	vld [tilespmem:s11+$0xFFFFFF10];
	v3 =	vadd.f32 v3, v7;
	v1 =	vmax.f32 v1, $0.0e+00  }
0x1ad: {  	v6 =	vld [tilespmem:s10+$0xFFFFFF10];
	[tilespmem:s28+$0x90] =	vst v1  }
0x1ae: {  	v1 =	vmax.f32 v3, $0.0e+00;
	v3 =	vld [tilespmem:s11+$0xA0]  }
0x1af: {  	[tilespmem:s28+$0x0] =	vst v1;
	v1 =	vld [tilespmem:s10+$0xA0]  }
0x1b0: {  	v7 =	vld [tilespmem:s11+$0x10];
	v2 =	vadd.f32 v5, v2  }
0x1b1: {  	v5 =	vld [tilespmem:s10+$0x10]  }
0x1b2: {  	v2 =	vmax.f32 v2, $0.0e+00  }
0x1b3: {  	v4 =	vadd.f32 v6, v4;
	[tilespmem:s28+$0xFFFFFF90] =	vst v2  }
0x1b4: {  	v2 =	vld [tilespmem:s11+$0xFFFFFFA0];
	v1 =	vadd.f32 v1, v3  }
0x1b5: {  	v4 =	vmax.f32 v4, $0.0e+00;
	v3 =	vld [tilespmem:s10+$0xFFFFFFA0]  }
0x1b6: {  	[tilespmem:s28+$0xFFFFFF10] =	vst v4;
	v4 =	vadd.f32 v5, v7;
	v1 =	vmax.f32 v1, $0.0e+00  }
0x1b7: {  	[tilespmem:s28+$0xA0] =	vst v1  }
0x1b8: {  	v1 =	vmax.f32 v4, $0.0e+00;
	v4 =	vld [tilespmem:s11+$0xB0]  }
0x1b9: {  	[tilespmem:s28+$0x10] =	vst v1;
	v1 =	vld [tilespmem:s10+$0xB0]  }
0x1ba: {  	v2 =	vadd.f32 v3, v2;
	v3 =	vld [tilespmem:s11+$0x20]  }
0x1bb: {  	v7 =	vld [tilespmem:s10+$0x20]  }
0x1bc: {  	v6 =	vld [tilespmem:s10+$0xFFFFFF20];
	v2 =	vmax.f32 v2, $0.0e+00  }
0x1bd: {  	v5 =	vld [tilespmem:s11+$0xFFFFFF20];
	[tilespmem:s28+$0xFFFFFFA0] =	vst v2  }
0x1be: {  	v2 =	vld [tilespmem:s11+$0xFFFFFFB0];
	v1 =	vadd.f32 v1, v4  }
0x1bf: {  	v4 =	vld [tilespmem:s10+$0xFFFFFFB0]  }
0x1c0: {  	v3 =	vadd.f32 v7, v3;
	v1 =	vmax.f32 v1, $0.0e+00  }
0x1c1: {  	[tilespmem:s28+$0xB0] =	vst v1  }
0x1c2: {  	v5 =	vadd.f32 v6, v5;
	v1 =	vmax.f32 v3, $0.0e+00;
	v3 =	vld [tilespmem:s11+$0xC0]  }
0x1c3: {  	[tilespmem:s28+$0x20] =	vst v1;
	v1 =	vld [tilespmem:s10+$0xC0]  }
0x1c4: {  	v5 =	vmax.f32 v5, $0.0e+00;
	v2 =	vadd.f32 v4, v2;
	v4 =	vld [tilespmem:s11+$0x30]  }
0x1c5: {  	[tilespmem:s28+$0xFFFFFF20] =	vst v5;
	v7 =	vld [tilespmem:s10+$0x30]  }
0x1c6: {  	v5 =	vld [tilespmem:s11+$0xFFFFFF30];
	v2 =	vmax.f32 v2, $0.0e+00  }
0x1c7: {  	v6 =	vld [tilespmem:s10+$0xFFFFFF30];
	[tilespmem:s28+$0xFFFFFFB0] =	vst v2  }
0x1c8: {  	v2 =	vld [tilespmem:s11+$0xFFFFFFC0];
	v1 =	vadd.f32 v1, v3  }
0x1c9: {  	v3 =	vld [tilespmem:s10+$0xFFFFFFC0]  }
0x1ca: {  	s8 =	simm.s32 $0x5780;
	v4 =	vadd.f32 v7, v4;
	v1 =	vmax.f32 v1, $0.0e+00  }
0x1cb: {  	v11 =	vld [tilespmem:s8+$0xFFFFFF00];
	[tilespmem:s28+$0xC0] =	vst v1  }
0x1cc: {  	v1 =	vmax.f32 v4, $0.0e+00;
	v4 =	vld [tilespmem:s11+$0xD0]  }
0x1cd: {  	v5 =	vadd.f32 v6, v5;
	[tilespmem:s28+$0x30] =	vst v1;
	v1 =	vld [tilespmem:s10+$0xD0]  }
0x1ce: {  	v2 =	vadd.f32 v3, v2;
	v3 =	vld [tilespmem:s11+$0x40]  }
0x1cf: {  	s29 =	simm.s32 $0x1B80;
	v5 =	vmax.f32 v5, $0.0e+00;
	v7 =	vld [tilespmem:s10+$0x40]  }
0x1d0: {  	v52 =	vld [tilespmem:s29+$0xFFFFFF00];
	[tilespmem:s28+$0xFFFFFF30] =	vst v5  }
0x1d1: {  	v5 =	vld [tilespmem:s11+$0xFFFFFF40]  }
0x1d2: {  	v6 =	vld [tilespmem:s10+$0xFFFFFF40];
	v1 =	vadd.f32 v1, v4  }
0x1d3: {  	v49 =	vld [tilespmem:s29+$0x80]  }
0x1d4: {  	v10 =	vld [tilespmem:s8+$0x80];
	v3 =	vadd.f32 v7, v3;
	v1 =	vmax.f32 v1, $0.0e+00  }
0x1d5: {  	v12 =	vld [tilespmem:s8+$0xFFFFFF80];
	v11 =	vadd.f32 v11, v52;
	[tilespmem:s28+$0xD0] =	vst v1  }
0x1d6: {  	v1 =	vmax.f32 v3, $0.0e+00;
	v3 =	vld [tilespmem:s11+$0xE0]  }
0x1d7: {  	s3 =	simm.s32 $0x9380;
	v11 =	vmax.f32 v11, $0.0e+00;
	v5 =	vadd.f32 v6, v5;
	[tilespmem:s28+$0x40] =	vst v1;
	v1 =	vld [tilespmem:s10+$0xE0]  }
0x1d8: {  	v13 =	vld [tilespmem:s29+$0x0];
	[tilespmem:s3+$0xFFFFFF00] =	vst v11;
	v2 =	vmax.f32 v2, $0.0e+00  }
0x1d9: {  	v11 =	vld [tilespmem:s29+$0xFFFFFF10];
	[tilespmem:s28+$0xFFFFFFC0] =	vst v2;
	v5 =	vmax.f32 v5, $0.0e+00  }
0x1da: {  	v2 =	vld [tilespmem:s11+$0xFFFFFFD0];
	[tilespmem:s28+$0xFFFFFF40] =	vst v5  }
0x1db: {  	v5 =	vld [tilespmem:s11+$0xFFFFFF50]  }
0x1dc: {  	v6 =	vld [tilespmem:s10+$0xFFFFFF50];
	v1 =	vadd.f32 v1, v3  }
0x1dd: {  	v3 =	vld [tilespmem:s29+$0xFFFFFF80]  }
0x1de: {  	v4 =	vld [tilespmem:s10+$0xFFFFFFD0];
	v1 =	vmax.f32 v1, $0.0e+00  }
0x1df: {  	v7 =	vld [tilespmem:s11+$0x50];
	[tilespmem:s28+$0xE0] =	vst v1;
	v1 =	vadd.f32 v10, v49  }
0x1e0: {  	v8 =	vld [tilespmem:s10+$0x50]  }
0x1e1: {  	v5 =	vadd.f32 v6, v5;
	v6 =	vld [tilespmem:s8+$0x0];
	v1 =	vmax.f32 v1, $0.0e+00  }
0x1e2: {  	v54 =	vld [tilespmem:s8+$0xFFFFFF10];
	v3 =	vadd.f32 v12, v3;
	[tilespmem:s3+$0x80] =	vst v1  }
0x1e3: {  	v1 =	vmax.f32 v5, $0.0e+00;
	v5 =	vld [tilespmem:s29+$0x90]  }
0x1e4: {  	v2 =	vadd.f32 v4, v2;
	[tilespmem:s28+$0xFFFFFF50] =	vst v1;
	v1 =	vmax.f32 v3, $0.0e+00;
	v3 =	vld [tilespmem:s8+$0x90]  }
0x1e5: {  	v7 =	vadd.f32 v8, v7;
	v50 =	vld [tilespmem:s11+$0xF0]  }
0x1e6: {  	v2 =	vmax.f32 v2, $0.0e+00;
	v6 =	vadd.f32 v6, v13;
	v51 =	vld [tilespmem:s10+$0xF0];
	[tilespmem:s3+$0xFFFFFF80] =	vst v1  }
0x1e7: {  	[tilespmem:s28+$0xFFFFFFD0] =	vst v2;
	v7 =	vmax.f32 v7, $0.0e+00;
	v4 =	vld [tilespmem:s29+$0xFFFFFF90]  }
0x1e8: {  	v2 =	vmax.f32 v6, $0.0e+00;
	[tilespmem:s28+$0x50] =	vst v7;
	v53 =	vld [tilespmem:s8+$0xFFFFFF90]  }
0x1e9: {  	v7 =	vld [tilespmem:s10+$0xFFFFFFE0];
	[tilespmem:s3+$0x0] =	vst v2;
	v2 =	vadd.f32 v3, v5  }
0x1ea: {  	v57 =	vld [tilespmem:s11+$0x60]  }
0x1eb: {  	v58 =	vld [tilespmem:s10+$0x60];
	v2 =	vmax.f32 v2, $0.0e+00  }
0x1ec: {  	v1 =	vld [tilespmem:s11+$0xFFFFFF60];
	[tilespmem:s3+$0x90] =	vst v2  }
0x1ed: {  	v4 =	vadd.f32 v53, v4;
	v2 =	vld [tilespmem:s29+$0xA0]  }
0x1ee: {  	v55 =	vld [tilespmem:s8+$0xA0]  }
0x1ef: {  	v5 =	vld [tilespmem:s29+$0x10];
	v4 =	vmax.f32 v4, $0.0e+00  }
0x1f0: {  	[tilespmem:s3+$0xFFFFFF90] =	vst v4;
	v4 =	vld [tilespmem:s8+$0x10]  }
0x1f1: {  	v11 =	vadd.f32 v54, v11;
	v8 =	vld [tilespmem:s29+$0xFFFFFFA0]  }
0x1f2: {  	v56 =	vld [tilespmem:s8+$0xFFFFFFA0]  }
0x1f3: {  	v11 =	vmax.f32 v11, $0.0e+00;
	v6 =	vld [tilespmem:s10+$0xFFFFFF60];
	v2 =	vadd.f32 v55, v2  }
0x1f4: {  	[tilespmem:s3+$0xFFFFFF10] =	vst v11;
	v3 =	vld [tilespmem:s11+$0xFFFFFFE0]  }
0x1f5: {  	v4 =	vadd.f32 v4, v5;
	v5 =	vld [tilespmem:s29+$0xFFFFFF20];
	v2 =	vmax.f32 v2, $0.0e+00  }
0x1f6: {  	[tilespmem:s3+$0xA0] =	vst v2;
	v2 =	vld [tilespmem:s8+$0xFFFFFF20]  }
0x1f7: {  	v8 =	vadd.f32 v56, v8;
	v4 =	vmax.f32 v4, $0.0e+00;
	v59 =	vld [tilespmem:s29+$0xB0]  }
0x1f8: {  	v1 =	vadd.f32 v6, v1;
	[tilespmem:s3+$0x10] =	vst v4;
	v4 =	vld [tilespmem:s8+$0xB0]  }
0x1f9: {  	v6 =	vmax.f32 v8, $0.0e+00;
	v8 =	vld [tilespmem:s29+$0x20]  }
0x1fa: {  	v1 =	vmax.f32 v1, $0.0e+00;
	[tilespmem:s3+$0xFFFFFFA0] =	vst v6;
	v6 =	vld [tilespmem:s8+$0x20]  }
0x1fb: {  	[tilespmem:s28+$0xFFFFFF60] =	vst v1;
	v1 =	vld [tilespmem:s8+$0xFFFFFFB0];
	v2 =	vadd.f32 v2, v5  }
0x1fc: {  	v5 =	vld [tilespmem:s29+$0xFFFFFFB0]  }
0x1fd: {  	v60 =	vld [tilespmem:s11+$0xFFFFFF70];
	v4 =	vadd.f32 v4, v59;
	v2 =	vmax.f32 v2, $0.0e+00  }
0x1fe: {  	[tilespmem:s3+$0xFFFFFF20] =	vst v2;
	v2 =	vld [tilespmem:s10+$0xFFFFFF70]  }
0x1ff: {  	v6 =	vadd.f32 v6, v8;
	v4 =	vmax.f32 v4, $0.0e+00;
	v8 =	vld [tilespmem:s29+$0xFFFFFF30]  }
0x200: {  	[tilespmem:s3+$0xB0] =	vst v4;
	v4 =	vld [tilespmem:s8+$0xFFFFFF30]  }
0x201: {  	v1 =	vadd.f32 v1, v5;
	v5 =	vmax.f32 v6, $0.0e+00;
	v6 =	vld [tilespmem:s29+$0xC0]  }
0x202: {  	[tilespmem:s3+$0x20] =	vst v5;
	v5 =	vld [tilespmem:s8+$0xC0]  }
0x203: {  	v3 =	vadd.f32 v7, v3;
	v1 =	vmax.f32 v1, $0.0e+00;
	v7 =	vld [tilespmem:s29+$0x30]  }
0x204: {  	[tilespmem:s3+$0xFFFFFFB0] =	vst v1;
	v1 =	vld [tilespmem:s8+$0x30]  }
0x205: {  	v3 =	vmax.f32 v3, $0.0e+00;
	v4 =	vadd.f32 v4, v8;
	v8 =	vld [tilespmem:s29+$0xFFFFFFC0]  }
0x206: {  	[tilespmem:s28+$0xFFFFFFE0] =	vst v3;
	v3 =	vld [tilespmem:s8+$0xFFFFFFC0]  }
0x207: {  	v4 =	vmax.f32 v4, $0.0e+00;
	v5 =	vadd.f32 v5, v6;
	v6 =	vld [tilespmem:s11+$0xFFFFFFF0]  }
0x208: {  	[tilespmem:s3+$0xFFFFFF30] =	vst v4;
	v4 =	vld [tilespmem:s10+$0xFFFFFFF0]  }
0x209: {  	v1 =	vadd.f32 v1, v7;
	v7 =	vld [tilespmem:s29+$0xFFFFFF40];
	v5 =	vmax.f32 v5, $0.0e+00  }
0x20a: {  	[tilespmem:s3+$0xC0] =	vst v5;
	v5 =	vld [tilespmem:s8+$0xFFFFFF40]  }
0x20b: {  	v3 =	vadd.f32 v3, v8;
	v1 =	vmax.f32 v1, $0.0e+00;
	v8 =	vld [tilespmem:s29+$0xD0]  }
0x20c: {  	[tilespmem:s3+$0x30] =	vst v1;
	v1 =	vld [tilespmem:s8+$0xD0]  }
0x20d: {  	v11 =	vadd.f32 v58, v57;
	v3 =	vmax.f32 v3, $0.0e+00;
	v61 =	vld [tilespmem:s29+$0x40]  }
0x20e: {  	[tilespmem:s3+$0xFFFFFFC0] =	vst v3;
	v3 =	vld [tilespmem:s8+$0x40]  }
0x20f: {  	v11 =	vmax.f32 v11, $0.0e+00;
	v62 =	vld [tilespmem:s8+$0xFFFFFFD0];
	v5 =	vadd.f32 v5, v7  }
0x210: {  	v9 =	vadd.f32 v51, v50;
	[tilespmem:s28+$0x60] =	vst v11;
	v7 =	vld [tilespmem:s29+$0xFFFFFFD0]  }
0x211: {  	v11 =	vld [tilespmem:s10+$0x70];
	v5 =	vmax.f32 v5, $0.0e+00;
	v1 =	vadd.f32 v1, v8  }
0x212: {  	v9 =	vmax.f32 v9, $0.0e+00;
	v2 =	vadd.f32 v2, v60;
	v8 =	vld [tilespmem:s11+$0x70];
	[tilespmem:s3+$0xFFFFFF40] =	vst v5  }
0x213: {  	[tilespmem:s28+$0xF0] =	vst v9;
	v63 =	vadd.f32 v3, v61;
	v3 =	vld [tilespmem:s29+$0xFFFFFF50];
	v1 =	vmax.f32 v1, $0.0e+00  }
0x214: {  	v2 =	vmax.f32 v2, $0.0e+00;
	v4 =	vadd.f32 v4, v6;
	v5 =	vld [tilespmem:s8+$0xFFFFFF50];
	[tilespmem:s3+$0xD0] =	vst v1  }
0x215: {  	[tilespmem:s28+$0xFFFFFF70] =	vst v2;
	v1 =	vadd.f32 v62, v7;
	v6 =	vmax.f32 v63, $0.0e+00;
	v2 =	vld [tilespmem:s29+$0xE0]  }
0x216: {  	v7 =	vmax.f32 v4, $0.0e+00;
	[tilespmem:s3+$0x40] =	vst v6;
	v4 =	vld [tilespmem:s8+$0xE0]  }
0x217: {  	[tilespmem:s28+$0xFFFFFFF0] =	vst v7;
	v7 =	vmax.f32 v1, $0.0e+00;
	v6 =	vld [tilespmem:s29+$0x50];
	v1 =	vadd.f32 v11, v8  }
0x218: {  	s18 =	simm.s32 $0x1D80;
	s10 =	simm.s32 $0x5780;
	s11 =	simm.s32 $0x4;
	[tilespmem:s3+$0xFFFFFFD0] =	vst v7;
	v7 =	vld [tilespmem:s8+$0x50]  }
.LBB2_7:
0x219: {  	v8 =	vld [tilespmem:s18+$0x80];
	v3 =	vadd.f32 v5, v3;
	s8 =	sadd.s32 $0x200, s8;
	v1 =	vmax.f32 v1, $0.0e+00  }
0x21a: {  	v5 =	vld [tilespmem:s8+$0x80];
	[tilespmem:s28+$0x70] =	vst v1;
	s28 =	smov.u32 s3  }
0x21b: {  	v1 =	vld [tilespmem:s8+$0xFFFFFF00];
	v3 =	vmax.f32 v3, $0.0e+00;
	v2 =	vadd.f32 v4, v2  }
0x21c: {  	v4 =	vld [tilespmem:s18+$0xFFFFFF80];
	[tilespmem:s3+$0xFFFFFF50] =	vst v3  }
0x21d: {  	v3 =	vld [tilespmem:s8+$0xFFFFFF80];
	v6 =	vadd.f32 v7, v6;
	v2 =	vmax.f32 v2, $0.0e+00  }
0x21e: {  	v7 =	vld [tilespmem:s18+$0x0];
	[tilespmem:s3+$0xE0] =	vst v2  }
0x21f: {  	v2 =	vadd.f32 v5, v8;
	v5 =	vmax.f32 v6, $0.0e+00;
	v6 =	vld [tilespmem:s29+$0xF0]  }
0x220: {  	[tilespmem:s3+$0x50] =	vst v5;
	v5 =	vld [tilespmem:s10+$0xF0]  }
0x221: {  	s11 =	sadd.s32 $0x4, s11;
	s3 =	sadd.s32 $0x200, s3;
	v8 =	vld [tilespmem:s8+$0x0];
	v2 =	vmax.f32 v2, $0.0e+00  }
0x222: {  	p2 =	slt.u32 s11, $0x24;
	v9 =	vld [tilespmem:s18+$0xFFFFFF00];
	v3 =	vadd.f32 v3, v4;
	[tilespmem:s3+$0x80] =	vst v2  }
0x223: {  	v2 =	vld [tilespmem:s18+$0x90]  }
0x224: {  	v3 =	vmax.f32 v3, $0.0e+00;
	v4 =	vld [tilespmem:s8+$0x90]  }
0x225: {  	[tilespmem:s3+$0xFFFFFF80] =	vst v3;
	v3 =	vld [tilespmem:s29+$0xFFFFFF60];
	v5 =	vadd.f32 v5, v6  }
0x226: {  	v6 =	vld [tilespmem:s18+$0xFFFFFF90];
	v7 =	vadd.f32 v8, v7  }
0x227: {  	v1 =	vadd.f32 v1, v9;
	v8 =	vld [tilespmem:s8+$0xFFFFFF90];
	v5 =	vmax.f32 v5, $0.0e+00  }
0x228: {  	v7 =	vmax.f32 v7, $0.0e+00;
	v9 =	vld [tilespmem:s10+$0xFFFFFF60];
	[tilespmem:s28+$0xF0] =	vst v5  }
0x229: {  	v1 =	vmax.f32 v1, $0.0e+00;
	[tilespmem:s3+$0x0] =	vst v7;
	v2 =	vadd.f32 v4, v2;
	v4 =	vld [tilespmem:s29+$0xFFFFFFE0]  }
0x22a: {  	[tilespmem:s3+$0xFFFFFF00] =	vst v1;
	v1 =	vld [tilespmem:s18+$0x10]  }
0x22b: {  	v5 =	vld [tilespmem:s18+$0xFFFFFF10];
	v2 =	vmax.f32 v2, $0.0e+00  }
0x22c: {  	v7 =	vld [tilespmem:s8+$0xFFFFFF10];
	v6 =	vadd.f32 v8, v6;
	[tilespmem:s3+$0x90] =	vst v2  }
0x22d: {  	v2 =	vld [tilespmem:s18+$0xA0];
	v3 =	vadd.f32 v9, v3  }
0x22e: {  	v6 =	vmax.f32 v6, $0.0e+00;
	v8 =	vld [tilespmem:s8+$0xA0]  }
0x22f: {  	[tilespmem:s3+$0xFFFFFF90] =	vst v6;
	v6 =	vld [tilespmem:s8+$0x10];
	v3 =	vmax.f32 v3, $0.0e+00  }
0x230: {  	v9 =	vld [tilespmem:s18+$0xFFFFFFA0];
	[tilespmem:s28+$0xFFFFFF60] =	vst v3  }
0x231: {  	v3 =	vadd.f32 v7, v5;
	v5 =	vld [tilespmem:s8+$0xFFFFFFA0]  }
0x232: {  	v7 =	vld [tilespmem:s10+$0xFFFFFFE0]  }
0x233: {  	v3 =	vmax.f32 v3, $0.0e+00;
	v2 =	vadd.f32 v8, v2;
	v8 =	vld [tilespmem:s29+$0x60]  }
0x234: {  	[tilespmem:s3+$0xFFFFFF10] =	vst v3;
	v1 =	vadd.f32 v6, v1;
	v3 =	vld [tilespmem:s10+$0x60]  }
0x235: {  	v6 =	vld [tilespmem:s18+$0xFFFFFF20];
	v2 =	vmax.f32 v2, $0.0e+00  }
0x236: {  	v10 =	vld [tilespmem:s8+$0xFFFFFF20];
	v5 =	vadd.f32 v5, v9;
	v1 =	vmax.f32 v1, $0.0e+00;
	[tilespmem:s3+$0xA0] =	vst v2  }
0x237: {  	[tilespmem:s3+$0x10] =	vst v1;
	v1 =	vld [tilespmem:s18+$0xB0];
	v2 =	vadd.f32 v7, v4  }
0x238: {  	v4 =	vmax.f32 v5, $0.0e+00;
	v5 =	vld [tilespmem:s8+$0xB0]  }
0x239: {  	[tilespmem:s3+$0xFFFFFFA0] =	vst v4;
	v4 =	vld [tilespmem:s18+$0x20];
	v2 =	vmax.f32 v2, $0.0e+00;
	v3 =	vadd.f32 v3, v8  }
0x23a: {  	v7 =	vld [tilespmem:s8+$0x20];
	[tilespmem:s28+$0xFFFFFFE0] =	vst v2  }
0x23b: {  	v2 =	vadd.f32 v10, v6;
	v6 =	vld [tilespmem:s18+$0xFFFFFFB0];
	v3 =	vmax.f32 v3, $0.0e+00  }
0x23c: {  	v8 =	vld [tilespmem:s8+$0xFFFFFFB0];
	[tilespmem:s28+$0x60] =	vst v3  }
0x23d: {  	v2 =	vmax.f32 v2, $0.0e+00;
	v1 =	vadd.f32 v5, v1;
	v3 =	vld [tilespmem:s29+$0xFFFFFF70]  }
0x23e: {  	[tilespmem:s3+$0xFFFFFF20] =	vst v2;
	v2 =	vld [tilespmem:s10+$0xFFFFFF70]  }
0x23f: {  	v5 =	vld [tilespmem:s18+$0xFFFFFF30];
	v4 =	vadd.f32 v7, v4;
	v1 =	vmax.f32 v1, $0.0e+00  }
0x240: {  	v7 =	vld [tilespmem:s8+$0xFFFFFF30];
	[tilespmem:s3+$0xB0] =	vst v1  }
0x241: {  	v1 =	vadd.f32 v8, v6;
	v4 =	vmax.f32 v4, $0.0e+00;
	v6 =	vld [tilespmem:s18+$0xC0]  }
0x242: {  	[tilespmem:s3+$0x20] =	vst v4;
	v4 =	vld [tilespmem:s8+$0xC0]  }
0x243: {  	v1 =	vmax.f32 v1, $0.0e+00;
	v8 =	vld [tilespmem:s18+$0x30];
	v2 =	vadd.f32 v2, v3  }
0x244: {  	[tilespmem:s3+$0xFFFFFFB0] =	vst v1;
	v1 =	vld [tilespmem:s8+$0x30]  }
0x245: {  	v3 =	vadd.f32 v7, v5;
	v5 =	vld [tilespmem:s18+$0xFFFFFFC0];
	v2 =	vmax.f32 v2, $0.0e+00  }
0x246: {  	v7 =	vld [tilespmem:s8+$0xFFFFFFC0];
	[tilespmem:s28+$0xFFFFFF70] =	vst v2  }
0x247: {  	v2 =	vmax.f32 v3, $0.0e+00;
	v3 =	vadd.f32 v4, v6;
	v4 =	vld [tilespmem:s29+$0xFFFFFFF0]  }
0x248: {  	[tilespmem:s3+$0xFFFFFF30] =	vst v2;
	v2 =	vld [tilespmem:s10+$0xFFFFFFF0]  }
0x249: {  	v6 =	vld [tilespmem:s18+$0xFFFFFF40];
	v1 =	vadd.f32 v1, v8;
	v3 =	vmax.f32 v3, $0.0e+00  }
0x24a: {  	v8 =	vld [tilespmem:s8+$0xFFFFFF40];
	[tilespmem:s3+$0xC0] =	vst v3  }
0x24b: {  	v3 =	vadd.f32 v7, v5;
	v1 =	vmax.f32 v1, $0.0e+00;
	v5 =	vld [tilespmem:s18+$0xD0]  }
0x24c: {  	[tilespmem:s3+$0x30] =	vst v1;
	v1 =	vld [tilespmem:s8+$0xD0]  }
0x24d: {  	v3 =	vmax.f32 v3, $0.0e+00;
	v7 =	vld [tilespmem:s18+$0x40];
	v2 =	vadd.f32 v2, v4  }
0x24e: {  	[tilespmem:s3+$0xFFFFFFC0] =	vst v3;
	v4 =	vld [tilespmem:s8+$0x40]  }
0x24f: {  	v3 =	vadd.f32 v8, v6;
	v6 =	vld [tilespmem:s18+$0xFFFFFFD0];
	v2 =	vmax.f32 v2, $0.0e+00  }
0x250: {  	v8 =	vld [tilespmem:s8+$0xFFFFFFD0];
	[tilespmem:s28+$0xFFFFFFF0] =	vst v2  }
0x251: {  	v2 =	vmax.f32 v3, $0.0e+00;
	v1 =	vadd.f32 v1, v5;
	v9 =	vld [tilespmem:s29+$0x70];
	s29 =	smov.u32 s18  }
0x252: {  	[tilespmem:s3+$0xFFFFFF40] =	vst v2;
	v10 =	vld [tilespmem:s10+$0x70];
	s10 =	smov.u32 s8  }
0x253: {  	v3 =	vld [tilespmem:s18+$0xFFFFFF50];
	v2 =	vadd.f32 v4, v7;
	v1 =	vmax.f32 v1, $0.0e+00  }
.Ltmp2:
0x254: {  	v5 =	vld [tilespmem:s8+$0xFFFFFF50];
	[tilespmem:s3+$0xD0] =	vst v1;
	(pc) =	sbr.rel @p2 .LBB2_7-.Ltmp2, $4  }
0x255: {  	v1 =	vadd.f32 v8, v6;
	v4 =	vmax.f32 v2, $0.0e+00;
	v2 =	vld [tilespmem:s18+$0xE0]  }
0x256: {  	[tilespmem:s3+$0x40] =	vst v4;
	v4 =	vld [tilespmem:s8+$0xE0]  }
0x257: {  	v7 =	vmax.f32 v1, $0.0e+00;
	v6 =	vld [tilespmem:s18+$0x50];
	v1 =	vadd.f32 v10, v9  }
0x258: {  	s18 =	sadd.s32 $0x200, s18;
	[tilespmem:s3+$0xFFFFFFD0] =	vst v7;
	v7 =	vld [tilespmem:s8+$0x50]  }
0x259: {  	v3 =	vadd.f32 v5, v3;
	_ =	sdelay $0x1  }
0x25a: {  	v3 =	vmax.f32 v3, $0.0e+00  }
0x25b: {  	[tilespmem:s3+$0xFFFFFF50] =	vst v3  }
0x25c: {  	v3 =	vadd.f32 v7, v6;
	v5 =	vld [tilespmem:s29+$0xFFFFFF60]  }
0x25d: {  	v6 =	vld [tilespmem:s10+$0xFFFFFF60]  }
0x25e: {  	v7 =	vld [tilespmem:s29+$0xFFFFFFE0];
	v3 =	vmax.f32 v3, $0.0e+00  }
0x25f: {  	[tilespmem:s3+$0x50] =	vst v3;
	v3 =	vld [tilespmem:s10+$0xFFFFFFE0]  }
0x260: {  	v2 =	vadd.f32 v4, v2;
	v4 =	vld [tilespmem:s29+$0x60]  }
0x261: {  	v8 =	vld [tilespmem:s10+$0x60]  }
0x262: {  	v2 =	vmax.f32 v2, $0.0e+00;
	v5 =	vadd.f32 v6, v5  }
0x263: {  	[tilespmem:s3+$0xE0] =	vst v2  }
0x264: {  	v2 =	vld [tilespmem:s29+$0xF0];
	v5 =	vmax.f32 v5, $0.0e+00;
	v3 =	vadd.f32 v3, v7  }
0x265: {  	v6 =	vld [tilespmem:s10+$0xF0];
	[tilespmem:s3+$0xFFFFFF60] =	vst v5  }
0x266: {  	v4 =	vadd.f32 v8, v4;
	v5 =	vld [tilespmem:s29+$0xFFFFFF70];
	v3 =	vmax.f32 v3, $0.0e+00  }
0x267: {  	[tilespmem:s3+$0xFFFFFFE0] =	vst v3;
	v3 =	vld [tilespmem:s10+$0xFFFFFF70]  }
0x268: {  	v4 =	vmax.f32 v4, $0.0e+00;
	v7 =	vld [tilespmem:s29+$0xFFFFFFF0]  }
0x269: {  	[tilespmem:s3+$0x60] =	vst v4;
	v4 =	vld [tilespmem:s10+$0xFFFFFFF0]  }
0x26a: {  	v8 =	vld [tilespmem:s29+$0x70]  }
0x26b: {  	v9 =	vld [tilespmem:s10+$0x70];
	_ =	sdelay $0x1  }
0x26c: {  	v2 =	vadd.f32 v6, v2  }
0x26d: {  	v1 =	vmax.f32 v1, $0.0e+00;
	v3 =	vadd.f32 v3, v5  }
0x26e: {  	[tilespmem:s28+$0x70] =	vst v1;
	v1 =	vmax.f32 v2, $0.0e+00;
	v2 =	vadd.f32 v4, v7  }
0x26f: {  	[tilespmem:s3+$0xF0] =	vst v1;
	v1 =	vmax.f32 v3, $0.0e+00;
	v3 =	vadd.f32 v9, v8  }
0x270: {  	[tilespmem:s3+$0xFFFFFF70] =	vst v1;
	v1 =	vmax.f32 v2, $0.0e+00  }
0x271: {  	[tilespmem:s3+$0xFFFFFFF0] =	vst v1;
	v1 =	vmax.f32 v3, $0.0e+00  }
0x272: {  	[tilespmem:s3+$0x70] =	vst v1  }
0x273: {  	v1 =	vld [tilespmem:$0x200]  }
0x274: {  	v2 =	vld [tilespmem:$0x210]  }
0x275: {  	v3 =	vld [tilespmem:$0x218];
	_ =	sdelay $0x2  }
0x276: {  	p2 =	seq.s32 s13, $0x52;
	[tilespmem:$0x380] =	vst v1  }
0x277: {  	s3 =	sadd.s32 @!p2 s21, s22;
	[tilespmem:$0x390] =	vst v2  }
0x278: {  	s18 =	simm.s32 $0x380;
	s8 =	simm.s32 $0x9080;
	s3 =	sshrl.u32 @!p2 s3, $0x3;
	[tilespmem:$0x398] =	vst v3  }
0x279: {  	[spmem:s2] =	stream.indirect.scatter.add.f32 [tilespmem:s8], [sflag:$0x8], $0x80, s18, s17, $0xb8;
	[tilespmem:$0x1F100] =	vst v63  }
0x27a: {  	s11 =	simm.s32 @!p2 $0x80;
	s10 =	simm.s32 @!p2 $0x0;
	s8 =	sadd.s32 @!p2 s5, s3  }
0x27b: {  	[tilespmem:s11], [sflag:$0x5] =	stream.linear.gather @!p2 [hbm4b:s8+s10], $0x28, $0x38;
	[tilespmem:$0x1F100] =	vst v63  }
0x27c: {  	s3 =	sadd.s32 @!p2 s6, s3;
	s8 =	simm.s32 @!p2 $0x200  }
0x27d: {  	[tilespmem:s8], [sflag:$0x5] =	stream.linear.gather @!p2 [hbm4b:s3+s10], $0x28, $0x38;
	[tilespmem:$0x1F100] =	vst v63  }
0x27e: {  	s3 =	simm.s32 @!p2 $0x5  }
0x27f: {  	_ =	swait.ge @!p2 [sflag:s3], $0x28  }
0x280: {  	[sflag:s3] =	ssyncset.done @!p2 $0x0  }
0x281: {  	[sflag:s3] =	ssyncadd.s32 @!p2 $0xFFFFFFD8  }
0x282: {  	_ =	swait.ge @!p2 [sflag:s3], $0x28  }
0x283: {  	[sflag:s3] =	ssyncset.done @!p2 $0x0  }
0x284: {  	s10 =	simm.s32 @!p2 $0x1880;
	[sflag:s3] =	ssyncadd.s32 @!p2 $0xFFFFFFD8;
	s3 =	simm.s32 @!p2 $0x28  }
0x285: {  	[tilespmem:s10], [sflag:$0x2] =	stream.indirect.gather @!p2 [hbm4b:s1+s3], $0x80, s11, s3, $0xb8;
	[tilespmem:$0x1F100] =	vst v63  }
0x286: {  	s10 =	simm.s32 @!p2 $0x5480  }
0x287: {  	[tilespmem:s10], [sflag:$0x2] =	stream.indirect.gather @!p2 [hbm4b:s7+s3], $0x80, s8, s3, $0xb8;
	[tilespmem:$0x1F100] =	vst v63  }
0x288: {  	_ =	swait.ge [sflag:s9], $0x1400  }
0x289: {  	[sflag:s9] =	ssyncset.done $0x0  }
0x28a: {  	[sflag:s9] =	ssyncadd.s32 $0xFFFFEC00  }
0x28b: {  	_ =	swait.ge [sflag:s9], $0x1400  }
0x28c: {  	[sflag:s9] =	ssyncset.done $0x0  }
0x28d: {  	s3 =	simm.s32 @!p1 $0x9;
	[sflag:s9] =	ssyncadd.s32 $0xFFFFEC00  }
0x28e: {  	_ =	swait.ge @!p1 [sflag:s3], $0x1400  }
0x28f: {  	[sflag:s3] =	ssyncset.done @!p1 $0x0  }
0x290: {  	s10 =	simm.s32 $0x2D80;
	[sflag:s3] =	ssyncadd.s32 @!p1 $0xFFFFEC00  }
0x291: {  	s18 =	simm.s32 $0x6980;
	v1 =	vld [tilespmem:s10+$0x80]  }
0x292: {  	v2 =	vld [tilespmem:s18+$0x80];
	_ =	sdelay $0x4  }
0x293: {  	v3 =	vld [tilespmem:s10+$0xFFFFFF80];
	v1 =	vadd.f32 v2, v1  }
0x294: {  	v2 =	vld [tilespmem:s18+$0xFFFFFF80]  }
0x295: {  	s28 =	simm.s32 $0xA580;
	v4 =	vld [tilespmem:s18+$0xFFFFFF00];
	v1 =	vmax.f32 v1, $0.0e+00  }
0x296: {  	v5 =	vld [tilespmem:s10+$0xFFFFFF00];
	[tilespmem:s28+$0x80] =	vst v1  }
0x297: {  	v1 =	vld [tilespmem:s10+$0x90]  }
0x298: {  	v6 =	vld [tilespmem:s18+$0x90]  }
0x299: {  	v7 =	vld [tilespmem:s10+$0x0];
	v2 =	vadd.f32 v2, v3  }
0x29a: {  	v3 =	vld [tilespmem:s18+$0x0]  }
0x29b: {  	v4 =	vadd.f32 v4, v5;
	v2 =	vmax.f32 v2, $0.0e+00  }
0x29c: {  	[tilespmem:s28+$0xFFFFFF80] =	vst v2  }
0x29d: {  	v4 =	vmax.f32 v4, $0.0e+00;
	v2 =	vld [tilespmem:s10+$0xFFFFFF90];
	v1 =	vadd.f32 v6, v1  }
0x29e: {  	[tilespmem:s28+$0xFFFFFF00] =	vst v4;
	v5 =	vld [tilespmem:s18+$0xFFFFFF90]  }
0x29f: {  	v4 =	vld [tilespmem:s10+$0xFFFFFF10];
	v3 =	vadd.f32 v3, v7;
	v1 =	vmax.f32 v1, $0.0e+00  }
0x2a0: {  	v6 =	vld [tilespmem:s18+$0xFFFFFF10];
	[tilespmem:s28+$0x90] =	vst v1  }
0x2a1: {  	v1 =	vmax.f32 v3, $0.0e+00;
	v3 =	vld [tilespmem:s10+$0xA0]  }
0x2a2: {  	[tilespmem:s28+$0x0] =	vst v1;
	v1 =	vld [tilespmem:s18+$0xA0]  }
0x2a3: {  	v7 =	vld [tilespmem:s10+$0x10];
	v2 =	vadd.f32 v5, v2  }
0x2a4: {  	v5 =	vld [tilespmem:s18+$0x10]  }
0x2a5: {  	v2 =	vmax.f32 v2, $0.0e+00  }
0x2a6: {  	v4 =	vadd.f32 v6, v4;
	[tilespmem:s28+$0xFFFFFF90] =	vst v2  }
0x2a7: {  	v2 =	vld [tilespmem:s10+$0xFFFFFFA0];
	v1 =	vadd.f32 v1, v3  }
0x2a8: {  	v4 =	vmax.f32 v4, $0.0e+00;
	v3 =	vld [tilespmem:s18+$0xFFFFFFA0]  }
0x2a9: {  	[tilespmem:s28+$0xFFFFFF10] =	vst v4;
	v4 =	vadd.f32 v5, v7;
	v1 =	vmax.f32 v1, $0.0e+00  }
0x2aa: {  	[tilespmem:s28+$0xA0] =	vst v1  }
0x2ab: {  	v1 =	vmax.f32 v4, $0.0e+00;
	v4 =	vld [tilespmem:s10+$0xB0]  }
0x2ac: {  	[tilespmem:s28+$0x10] =	vst v1;
	v1 =	vld [tilespmem:s18+$0xB0]  }
0x2ad: {  	v2 =	vadd.f32 v3, v2;
	v3 =	vld [tilespmem:s10+$0x20]  }
0x2ae: {  	v7 =	vld [tilespmem:s18+$0x20]  }
0x2af: {  	v6 =	vld [tilespmem:s18+$0xFFFFFF20];
	v2 =	vmax.f32 v2, $0.0e+00  }
0x2b0: {  	v5 =	vld [tilespmem:s10+$0xFFFFFF20];
	[tilespmem:s28+$0xFFFFFFA0] =	vst v2  }
0x2b1: {  	v2 =	vld [tilespmem:s10+$0xFFFFFFB0];
	v1 =	vadd.f32 v1, v4  }
0x2b2: {  	v4 =	vld [tilespmem:s18+$0xFFFFFFB0]  }
0x2b3: {  	v3 =	vadd.f32 v7, v3;
	v1 =	vmax.f32 v1, $0.0e+00  }
0x2b4: {  	[tilespmem:s28+$0xB0] =	vst v1  }
0x2b5: {  	v5 =	vadd.f32 v6, v5;
	v1 =	vmax.f32 v3, $0.0e+00;
	v3 =	vld [tilespmem:s10+$0xC0]  }
0x2b6: {  	[tilespmem:s28+$0x20] =	vst v1;
	v1 =	vld [tilespmem:s18+$0xC0]  }
0x2b7: {  	v5 =	vmax.f32 v5, $0.0e+00;
	v2 =	vadd.f32 v4, v2;
	v4 =	vld [tilespmem:s10+$0x30]  }
0x2b8: {  	[tilespmem:s28+$0xFFFFFF20] =	vst v5;
	v7 =	vld [tilespmem:s18+$0x30]  }
0x2b9: {  	v5 =	vld [tilespmem:s10+$0xFFFFFF30];
	v2 =	vmax.f32 v2, $0.0e+00  }
0x2ba: {  	v6 =	vld [tilespmem:s18+$0xFFFFFF30];
	[tilespmem:s28+$0xFFFFFFB0] =	vst v2  }
0x2bb: {  	v2 =	vld [tilespmem:s10+$0xFFFFFFC0];
	v1 =	vadd.f32 v1, v3  }
0x2bc: {  	v3 =	vld [tilespmem:s18+$0xFFFFFFC0]  }
0x2bd: {  	s8 =	simm.s32 $0x6B80;
	v4 =	vadd.f32 v7, v4;
	v1 =	vmax.f32 v1, $0.0e+00  }
0x2be: {  	v11 =	vld [tilespmem:s8+$0xFFFFFF00];
	[tilespmem:s28+$0xC0] =	vst v1  }
0x2bf: {  	v1 =	vmax.f32 v4, $0.0e+00;
	v4 =	vld [tilespmem:s10+$0xD0]  }
0x2c0: {  	v5 =	vadd.f32 v6, v5;
	[tilespmem:s28+$0x30] =	vst v1;
	v1 =	vld [tilespmem:s18+$0xD0]  }
0x2c1: {  	v2 =	vadd.f32 v3, v2;
	v3 =	vld [tilespmem:s10+$0x40]  }
0x2c2: {  	s29 =	simm.s32 $0x2F80;
	v5 =	vmax.f32 v5, $0.0e+00;
	v7 =	vld [tilespmem:s18+$0x40]  }
0x2c3: {  	v52 =	vld [tilespmem:s29+$0xFFFFFF00];
	[tilespmem:s28+$0xFFFFFF30] =	vst v5  }
0x2c4: {  	v5 =	vld [tilespmem:s10+$0xFFFFFF40]  }
0x2c5: {  	v6 =	vld [tilespmem:s18+$0xFFFFFF40];
	v1 =	vadd.f32 v1, v4  }
0x2c6: {  	v49 =	vld [tilespmem:s29+$0x80]  }
0x2c7: {  	v10 =	vld [tilespmem:s8+$0x80];
	v3 =	vadd.f32 v7, v3;
	v1 =	vmax.f32 v1, $0.0e+00  }
0x2c8: {  	v12 =	vld [tilespmem:s8+$0xFFFFFF80];
	v11 =	vadd.f32 v11, v52;
	[tilespmem:s28+$0xD0] =	vst v1  }
0x2c9: {  	v1 =	vmax.f32 v3, $0.0e+00;
	v3 =	vld [tilespmem:s10+$0xE0]  }
0x2ca: {  	s3 =	simm.s32 $0xA780;
	v11 =	vmax.f32 v11, $0.0e+00;
	v5 =	vadd.f32 v6, v5;
	[tilespmem:s28+$0x40] =	vst v1;
	v1 =	vld [tilespmem:s18+$0xE0]  }
0x2cb: {  	v13 =	vld [tilespmem:s29+$0x0];
	[tilespmem:s3+$0xFFFFFF00] =	vst v11;
	v2 =	vmax.f32 v2, $0.0e+00  }
0x2cc: {  	v11 =	vld [tilespmem:s29+$0xFFFFFF10];
	[tilespmem:s28+$0xFFFFFFC0] =	vst v2;
	v5 =	vmax.f32 v5, $0.0e+00  }
0x2cd: {  	v2 =	vld [tilespmem:s10+$0xFFFFFFD0];
	[tilespmem:s28+$0xFFFFFF40] =	vst v5  }
0x2ce: {  	v5 =	vld [tilespmem:s10+$0xFFFFFF50]  }
0x2cf: {  	v6 =	vld [tilespmem:s18+$0xFFFFFF50];
	v1 =	vadd.f32 v1, v3  }
0x2d0: {  	v3 =	vld [tilespmem:s29+$0xFFFFFF80]  }
0x2d1: {  	v4 =	vld [tilespmem:s18+$0xFFFFFFD0];
	v1 =	vmax.f32 v1, $0.0e+00  }
0x2d2: {  	v7 =	vld [tilespmem:s10+$0x50];
	[tilespmem:s28+$0xE0] =	vst v1;
	v1 =	vadd.f32 v10, v49  }
0x2d3: {  	v8 =	vld [tilespmem:s18+$0x50]  }
0x2d4: {  	v5 =	vadd.f32 v6, v5;
	v6 =	vld [tilespmem:s8+$0x0];
	v1 =	vmax.f32 v1, $0.0e+00  }
0x2d5: {  	v54 =	vld [tilespmem:s8+$0xFFFFFF10];
	v3 =	vadd.f32 v12, v3;
	[tilespmem:s3+$0x80] =	vst v1  }
0x2d6: {  	v1 =	vmax.f32 v5, $0.0e+00;
	v5 =	vld [tilespmem:s29+$0x90]  }
0x2d7: {  	v2 =	vadd.f32 v4, v2;
	[tilespmem:s28+$0xFFFFFF50] =	vst v1;
	v1 =	vmax.f32 v3, $0.0e+00;
	v3 =	vld [tilespmem:s8+$0x90]  }
0x2d8: {  	v7 =	vadd.f32 v8, v7;
	v50 =	vld [tilespmem:s10+$0xF0]  }
0x2d9: {  	v2 =	vmax.f32 v2, $0.0e+00;
	v6 =	vadd.f32 v6, v13;
	v51 =	vld [tilespmem:s18+$0xF0];
	[tilespmem:s3+$0xFFFFFF80] =	vst v1  }
0x2da: {  	[tilespmem:s28+$0xFFFFFFD0] =	vst v2;
	v7 =	vmax.f32 v7, $0.0e+00;
	v4 =	vld [tilespmem:s29+$0xFFFFFF90]  }
0x2db: {  	v2 =	vmax.f32 v6, $0.0e+00;
	[tilespmem:s28+$0x50] =	vst v7;
	v53 =	vld [tilespmem:s8+$0xFFFFFF90]  }
0x2dc: {  	v7 =	vld [tilespmem:s18+$0xFFFFFFE0];
	[tilespmem:s3+$0x0] =	vst v2;
	v2 =	vadd.f32 v3, v5  }
0x2dd: {  	v57 =	vld [tilespmem:s10+$0x60]  }
0x2de: {  	v58 =	vld [tilespmem:s18+$0x60];
	v2 =	vmax.f32 v2, $0.0e+00  }
0x2df: {  	v1 =	vld [tilespmem:s10+$0xFFFFFF60];
	[tilespmem:s3+$0x90] =	vst v2  }
0x2e0: {  	v4 =	vadd.f32 v53, v4;
	v2 =	vld [tilespmem:s29+$0xA0]  }
0x2e1: {  	v55 =	vld [tilespmem:s8+$0xA0]  }
0x2e2: {  	v5 =	vld [tilespmem:s29+$0x10];
	v4 =	vmax.f32 v4, $0.0e+00  }
0x2e3: {  	[tilespmem:s3+$0xFFFFFF90] =	vst v4;
	v4 =	vld [tilespmem:s8+$0x10]  }
0x2e4: {  	v11 =	vadd.f32 v54, v11;
	v8 =	vld [tilespmem:s29+$0xFFFFFFA0]  }
0x2e5: {  	v56 =	vld [tilespmem:s8+$0xFFFFFFA0]  }
0x2e6: {  	v11 =	vmax.f32 v11, $0.0e+00;
	v6 =	vld [tilespmem:s18+$0xFFFFFF60];
	v2 =	vadd.f32 v55, v2  }
0x2e7: {  	[tilespmem:s3+$0xFFFFFF10] =	vst v11;
	v3 =	vld [tilespmem:s10+$0xFFFFFFE0]  }
0x2e8: {  	v4 =	vadd.f32 v4, v5;
	v5 =	vld [tilespmem:s29+$0xFFFFFF20];
	v2 =	vmax.f32 v2, $0.0e+00  }
0x2e9: {  	[tilespmem:s3+$0xA0] =	vst v2;
	v2 =	vld [tilespmem:s8+$0xFFFFFF20]  }
0x2ea: {  	v8 =	vadd.f32 v56, v8;
	v4 =	vmax.f32 v4, $0.0e+00;
	v59 =	vld [tilespmem:s29+$0xB0]  }
0x2eb: {  	v1 =	vadd.f32 v6, v1;
	[tilespmem:s3+$0x10] =	vst v4;
	v4 =	vld [tilespmem:s8+$0xB0]  }
0x2ec: {  	v6 =	vmax.f32 v8, $0.0e+00;
	v8 =	vld [tilespmem:s29+$0x20]  }
0x2ed: {  	v1 =	vmax.f32 v1, $0.0e+00;
	[tilespmem:s3+$0xFFFFFFA0] =	vst v6;
	v6 =	vld [tilespmem:s8+$0x20]  }
0x2ee: {  	[tilespmem:s28+$0xFFFFFF60] =	vst v1;
	v1 =	vld [tilespmem:s8+$0xFFFFFFB0];
	v2 =	vadd.f32 v2, v5  }
0x2ef: {  	v5 =	vld [tilespmem:s29+$0xFFFFFFB0]  }
0x2f0: {  	v60 =	vld [tilespmem:s10+$0xFFFFFF70];
	v4 =	vadd.f32 v4, v59;
	v2 =	vmax.f32 v2, $0.0e+00  }
0x2f1: {  	[tilespmem:s3+$0xFFFFFF20] =	vst v2;
	v2 =	vld [tilespmem:s18+$0xFFFFFF70]  }
0x2f2: {  	v6 =	vadd.f32 v6, v8;
	v4 =	vmax.f32 v4, $0.0e+00;
	v8 =	vld [tilespmem:s29+$0xFFFFFF30]  }
0x2f3: {  	[tilespmem:s3+$0xB0] =	vst v4;
	v4 =	vld [tilespmem:s8+$0xFFFFFF30]  }
0x2f4: {  	v1 =	vadd.f32 v1, v5;
	v5 =	vmax.f32 v6, $0.0e+00;
	v6 =	vld [tilespmem:s29+$0xC0]  }
0x2f5: {  	[tilespmem:s3+$0x20] =	vst v5;
	v5 =	vld [tilespmem:s8+$0xC0]  }
0x2f6: {  	v3 =	vadd.f32 v7, v3;
	v1 =	vmax.f32 v1, $0.0e+00;
	v7 =	vld [tilespmem:s29+$0x30]  }
0x2f7: {  	[tilespmem:s3+$0xFFFFFFB0] =	vst v1;
	v1 =	vld [tilespmem:s8+$0x30]  }
0x2f8: {  	v3 =	vmax.f32 v3, $0.0e+00;
	v4 =	vadd.f32 v4, v8;
	v8 =	vld [tilespmem:s29+$0xFFFFFFC0]  }
0x2f9: {  	[tilespmem:s28+$0xFFFFFFE0] =	vst v3;
	v3 =	vld [tilespmem:s8+$0xFFFFFFC0]  }
0x2fa: {  	v4 =	vmax.f32 v4, $0.0e+00;
	v5 =	vadd.f32 v5, v6;
	v6 =	vld [tilespmem:s10+$0xFFFFFFF0]  }
0x2fb: {  	[tilespmem:s3+$0xFFFFFF30] =	vst v4;
	v4 =	vld [tilespmem:s18+$0xFFFFFFF0]  }
0x2fc: {  	v1 =	vadd.f32 v1, v7;
	v7 =	vld [tilespmem:s29+$0xFFFFFF40];
	v5 =	vmax.f32 v5, $0.0e+00  }
0x2fd: {  	[tilespmem:s3+$0xC0] =	vst v5;
	v5 =	vld [tilespmem:s8+$0xFFFFFF40]  }
0x2fe: {  	v3 =	vadd.f32 v3, v8;
	v1 =	vmax.f32 v1, $0.0e+00;
	v8 =	vld [tilespmem:s29+$0xD0]  }
0x2ff: {  	[tilespmem:s3+$0x30] =	vst v1;
	v1 =	vld [tilespmem:s8+$0xD0]  }
0x300: {  	v11 =	vadd.f32 v58, v57;
	v3 =	vmax.f32 v3, $0.0e+00;
	v61 =	vld [tilespmem:s29+$0x40]  }
0x301: {  	[tilespmem:s3+$0xFFFFFFC0] =	vst v3;
	v3 =	vld [tilespmem:s8+$0x40]  }
0x302: {  	v11 =	vmax.f32 v11, $0.0e+00;
	v62 =	vld [tilespmem:s8+$0xFFFFFFD0];
	v5 =	vadd.f32 v5, v7  }
0x303: {  	v9 =	vadd.f32 v51, v50;
	[tilespmem:s28+$0x60] =	vst v11;
	v7 =	vld [tilespmem:s29+$0xFFFFFFD0]  }
0x304: {  	v11 =	vld [tilespmem:s18+$0x70];
	v5 =	vmax.f32 v5, $0.0e+00;
	v1 =	vadd.f32 v1, v8  }
0x305: {  	v9 =	vmax.f32 v9, $0.0e+00;
	v2 =	vadd.f32 v2, v60;
	v8 =	vld [tilespmem:s10+$0x70];
	[tilespmem:s3+$0xFFFFFF40] =	vst v5  }
0x306: {  	[tilespmem:s28+$0xF0] =	vst v9;
	v63 =	vadd.f32 v3, v61;
	v3 =	vld [tilespmem:s29+$0xFFFFFF50];
	v1 =	vmax.f32 v1, $0.0e+00  }
0x307: {  	v2 =	vmax.f32 v2, $0.0e+00;
	v4 =	vadd.f32 v4, v6;
	v5 =	vld [tilespmem:s8+$0xFFFFFF50];
	[tilespmem:s3+$0xD0] =	vst v1  }
0x308: {  	[tilespmem:s28+$0xFFFFFF70] =	vst v2;
	v1 =	vadd.f32 v62, v7;
	v6 =	vmax.f32 v63, $0.0e+00;
	v2 =	vld [tilespmem:s29+$0xE0]  }
0x309: {  	v7 =	vmax.f32 v4, $0.0e+00;
	[tilespmem:s3+$0x40] =	vst v6;
	v4 =	vld [tilespmem:s8+$0xE0]  }
0x30a: {  	[tilespmem:s28+$0xFFFFFFF0] =	vst v7;
	v7 =	vmax.f32 v1, $0.0e+00;
	v6 =	vld [tilespmem:s29+$0x50];
	v1 =	vadd.f32 v11, v8  }
0x30b: {  	s11 =	simm.s32 $0x4;
	s18 =	simm.s32 $0x3180;
	s10 =	simm.s32 $0x6B80;
	[tilespmem:s3+$0xFFFFFFD0] =	vst v7;
	v7 =	vld [tilespmem:s8+$0x50]  }
.LBB2_9:
0x30c: {  	v8 =	vld [tilespmem:s18+$0x80];
	v3 =	vadd.f32 v5, v3;
	s8 =	sadd.s32 $0x200, s8;
	v1 =	vmax.f32 v1, $0.0e+00  }
0x30d: {  	v5 =	vld [tilespmem:s8+$0x80];
	[tilespmem:s28+$0x70] =	vst v1;
	s28 =	smov.u32 s3  }
0x30e: {  	v1 =	vld [tilespmem:s8+$0xFFFFFF00];
	v3 =	vmax.f32 v3, $0.0e+00;
	v2 =	vadd.f32 v4, v2  }
0x30f: {  	v4 =	vld [tilespmem:s18+$0xFFFFFF80];
	[tilespmem:s3+$0xFFFFFF50] =	vst v3  }
0x310: {  	v3 =	vld [tilespmem:s8+$0xFFFFFF80];
	v6 =	vadd.f32 v7, v6;
	v2 =	vmax.f32 v2, $0.0e+00  }
0x311: {  	v7 =	vld [tilespmem:s18+$0x0];
	[tilespmem:s3+$0xE0] =	vst v2  }
0x312: {  	v2 =	vadd.f32 v5, v8;
	v5 =	vmax.f32 v6, $0.0e+00;
	v6 =	vld [tilespmem:s29+$0xF0]  }
0x313: {  	[tilespmem:s3+$0x50] =	vst v5;
	v5 =	vld [tilespmem:s10+$0xF0]  }
0x314: {  	s11 =	sadd.s32 $0x4, s11;
	s3 =	sadd.s32 $0x200, s3;
	v8 =	vld [tilespmem:s8+$0x0];
	v2 =	vmax.f32 v2, $0.0e+00  }
0x315: {  	p1 =	slt.u32 s11, $0x24;
	v9 =	vld [tilespmem:s18+$0xFFFFFF00];
	v3 =	vadd.f32 v3, v4;
	[tilespmem:s3+$0x80] =	vst v2  }
0x316: {  	v2 =	vld [tilespmem:s18+$0x90]  }
0x317: {  	v3 =	vmax.f32 v3, $0.0e+00;
	v4 =	vld [tilespmem:s8+$0x90]  }
0x318: {  	[tilespmem:s3+$0xFFFFFF80] =	vst v3;
	v3 =	vld [tilespmem:s29+$0xFFFFFF60];
	v5 =	vadd.f32 v5, v6  }
0x319: {  	v6 =	vld [tilespmem:s18+$0xFFFFFF90];
	v7 =	vadd.f32 v8, v7  }
0x31a: {  	v1 =	vadd.f32 v1, v9;
	v8 =	vld [tilespmem:s8+$0xFFFFFF90];
	v5 =	vmax.f32 v5, $0.0e+00  }
0x31b: {  	v7 =	vmax.f32 v7, $0.0e+00;
	v9 =	vld [tilespmem:s10+$0xFFFFFF60];
	[tilespmem:s28+$0xF0] =	vst v5  }
0x31c: {  	v1 =	vmax.f32 v1, $0.0e+00;
	[tilespmem:s3+$0x0] =	vst v7;
	v2 =	vadd.f32 v4, v2;
	v4 =	vld [tilespmem:s29+$0xFFFFFFE0]  }
0x31d: {  	[tilespmem:s3+$0xFFFFFF00] =	vst v1;
	v1 =	vld [tilespmem:s18+$0x10]  }
0x31e: {  	v5 =	vld [tilespmem:s18+$0xFFFFFF10];
	v2 =	vmax.f32 v2, $0.0e+00  }
0x31f: {  	v7 =	vld [tilespmem:s8+$0xFFFFFF10];
	v6 =	vadd.f32 v8, v6;
	[tilespmem:s3+$0x90] =	vst v2  }
0x320: {  	v2 =	vld [tilespmem:s18+$0xA0];
	v3 =	vadd.f32 v9, v3  }
0x321: {  	v6 =	vmax.f32 v6, $0.0e+00;
	v8 =	vld [tilespmem:s8+$0xA0]  }
0x322: {  	[tilespmem:s3+$0xFFFFFF90] =	vst v6;
	v6 =	vld [tilespmem:s8+$0x10];
	v3 =	vmax.f32 v3, $0.0e+00  }
0x323: {  	v9 =	vld [tilespmem:s18+$0xFFFFFFA0];
	[tilespmem:s28+$0xFFFFFF60] =	vst v3  }
0x324: {  	v3 =	vadd.f32 v7, v5;
	v5 =	vld [tilespmem:s8+$0xFFFFFFA0]  }
0x325: {  	v7 =	vld [tilespmem:s10+$0xFFFFFFE0]  }
0x326: {  	v3 =	vmax.f32 v3, $0.0e+00;
	v2 =	vadd.f32 v8, v2;
	v8 =	vld [tilespmem:s29+$0x60]  }
0x327: {  	[tilespmem:s3+$0xFFFFFF10] =	vst v3;
	v1 =	vadd.f32 v6, v1;
	v3 =	vld [tilespmem:s10+$0x60]  }
0x328: {  	v6 =	vld [tilespmem:s18+$0xFFFFFF20];
	v2 =	vmax.f32 v2, $0.0e+00  }
0x329: {  	v10 =	vld [tilespmem:s8+$0xFFFFFF20];
	v5 =	vadd.f32 v5, v9;
	v1 =	vmax.f32 v1, $0.0e+00;
	[tilespmem:s3+$0xA0] =	vst v2  }
0x32a: {  	[tilespmem:s3+$0x10] =	vst v1;
	v1 =	vld [tilespmem:s18+$0xB0];
	v2 =	vadd.f32 v7, v4  }
0x32b: {  	v4 =	vmax.f32 v5, $0.0e+00;
	v5 =	vld [tilespmem:s8+$0xB0]  }
0x32c: {  	[tilespmem:s3+$0xFFFFFFA0] =	vst v4;
	v4 =	vld [tilespmem:s18+$0x20];
	v2 =	vmax.f32 v2, $0.0e+00;
	v3 =	vadd.f32 v3, v8  }
0x32d: {  	v7 =	vld [tilespmem:s8+$0x20];
	[tilespmem:s28+$0xFFFFFFE0] =	vst v2  }
0x32e: {  	v2 =	vadd.f32 v10, v6;
	v6 =	vld [tilespmem:s18+$0xFFFFFFB0];
	v3 =	vmax.f32 v3, $0.0e+00  }
0x32f: {  	v8 =	vld [tilespmem:s8+$0xFFFFFFB0];
	[tilespmem:s28+$0x60] =	vst v3  }
0x330: {  	v2 =	vmax.f32 v2, $0.0e+00;
	v1 =	vadd.f32 v5, v1;
	v3 =	vld [tilespmem:s29+$0xFFFFFF70]  }
0x331: {  	[tilespmem:s3+$0xFFFFFF20] =	vst v2;
	v2 =	vld [tilespmem:s10+$0xFFFFFF70]  }
0x332: {  	v5 =	vld [tilespmem:s18+$0xFFFFFF30];
	v4 =	vadd.f32 v7, v4;
	v1 =	vmax.f32 v1, $0.0e+00  }
0x333: {  	v7 =	vld [tilespmem:s8+$0xFFFFFF30];
	[tilespmem:s3+$0xB0] =	vst v1  }
0x334: {  	v1 =	vadd.f32 v8, v6;
	v4 =	vmax.f32 v4, $0.0e+00;
	v6 =	vld [tilespmem:s18+$0xC0]  }
0x335: {  	[tilespmem:s3+$0x20] =	vst v4;
	v4 =	vld [tilespmem:s8+$0xC0]  }
0x336: {  	v1 =	vmax.f32 v1, $0.0e+00;
	v8 =	vld [tilespmem:s18+$0x30];
	v2 =	vadd.f32 v2, v3  }
0x337: {  	[tilespmem:s3+$0xFFFFFFB0] =	vst v1;
	v1 =	vld [tilespmem:s8+$0x30]  }
0x338: {  	v3 =	vadd.f32 v7, v5;
	v5 =	vld [tilespmem:s18+$0xFFFFFFC0];
	v2 =	vmax.f32 v2, $0.0e+00  }
0x339: {  	v7 =	vld [tilespmem:s8+$0xFFFFFFC0];
	[tilespmem:s28+$0xFFFFFF70] =	vst v2  }
0x33a: {  	v2 =	vmax.f32 v3, $0.0e+00;
	v3 =	vadd.f32 v4, v6;
	v4 =	vld [tilespmem:s29+$0xFFFFFFF0]  }
0x33b: {  	[tilespmem:s3+$0xFFFFFF30] =	vst v2;
	v2 =	vld [tilespmem:s10+$0xFFFFFFF0]  }
0x33c: {  	v6 =	vld [tilespmem:s18+$0xFFFFFF40];
	v1 =	vadd.f32 v1, v8;
	v3 =	vmax.f32 v3, $0.0e+00  }
0x33d: {  	v8 =	vld [tilespmem:s8+$0xFFFFFF40];
	[tilespmem:s3+$0xC0] =	vst v3  }
0x33e: {  	v3 =	vadd.f32 v7, v5;
	v1 =	vmax.f32 v1, $0.0e+00;
	v5 =	vld [tilespmem:s18+$0xD0]  }
0x33f: {  	[tilespmem:s3+$0x30] =	vst v1;
	v1 =	vld [tilespmem:s8+$0xD0]  }
0x340: {  	v3 =	vmax.f32 v3, $0.0e+00;
	v7 =	vld [tilespmem:s18+$0x40];
	v2 =	vadd.f32 v2, v4  }
0x341: {  	[tilespmem:s3+$0xFFFFFFC0] =	vst v3;
	v4 =	vld [tilespmem:s8+$0x40]  }
0x342: {  	v3 =	vadd.f32 v8, v6;
	v6 =	vld [tilespmem:s18+$0xFFFFFFD0];
	v2 =	vmax.f32 v2, $0.0e+00  }
0x343: {  	v8 =	vld [tilespmem:s8+$0xFFFFFFD0];
	[tilespmem:s28+$0xFFFFFFF0] =	vst v2  }
0x344: {  	v2 =	vmax.f32 v3, $0.0e+00;
	v1 =	vadd.f32 v1, v5;
	v9 =	vld [tilespmem:s29+$0x70];
	s29 =	smov.u32 s18  }
0x345: {  	[tilespmem:s3+$0xFFFFFF40] =	vst v2;
	v10 =	vld [tilespmem:s10+$0x70];
	s10 =	smov.u32 s8  }
0x346: {  	v3 =	vld [tilespmem:s18+$0xFFFFFF50];
	v2 =	vadd.f32 v4, v7;
	v1 =	vmax.f32 v1, $0.0e+00  }
.Ltmp3:
0x347: {  	v5 =	vld [tilespmem:s8+$0xFFFFFF50];
	[tilespmem:s3+$0xD0] =	vst v1;
	(pc) =	sbr.rel @p1 .LBB2_9-.Ltmp3, $4  }
0x348: {  	v1 =	vadd.f32 v8, v6;
	v4 =	vmax.f32 v2, $0.0e+00;
	v2 =	vld [tilespmem:s18+$0xE0]  }
0x349: {  	[tilespmem:s3+$0x40] =	vst v4;
	v4 =	vld [tilespmem:s8+$0xE0]  }
0x34a: {  	v7 =	vmax.f32 v1, $0.0e+00;
	v6 =	vld [tilespmem:s18+$0x50];
	v1 =	vadd.f32 v10, v9  }
0x34b: {  	s18 =	sadd.s32 $0x200, s18;
	[tilespmem:s3+$0xFFFFFFD0] =	vst v7;
	v7 =	vld [tilespmem:s8+$0x50]  }
0x34c: {  	v3 =	vadd.f32 v5, v3;
	_ =	sdelay $0x1  }
0x34d: {  	v3 =	vmax.f32 v3, $0.0e+00  }
0x34e: {  	[tilespmem:s3+$0xFFFFFF50] =	vst v3  }
0x34f: {  	v3 =	vadd.f32 v7, v6;
	v56 =	vld [tilespmem:s29+$0xFFFFFF60]  }
0x350: {  	v57 =	vld [tilespmem:s10+$0xFFFFFF60]  }
0x351: {  	v58 =	vld [tilespmem:s29+$0xFFFFFFE0];
	v3 =	vmax.f32 v3, $0.0e+00  }
0x352: {  	[tilespmem:s3+$0x50] =	vst v3;
	v3 =	vld [tilespmem:s10+$0xFFFFFFE0]  }
0x353: {  	v2 =	vadd.f32 v4, v2;
	v59 =	vld [tilespmem:s29+$0x60]  }
0x354: {  	v8 =	vld [tilespmem:s10+$0x60]  }
0x355: {  	v2 =	vmax.f32 v2, $0.0e+00;
	v5 =	vadd.f32 v57, v56  }
0x356: {  	[tilespmem:s3+$0xE0] =	vst v2  }
0x357: {  	v2 =	vld [tilespmem:s29+$0xF0];
	v5 =	vmax.f32 v5, $0.0e+00;
	v3 =	vadd.f32 v3, v58  }
0x358: {  	v60 =	vld [tilespmem:s10+$0xF0];
	[tilespmem:s3+$0xFFFFFF60] =	vst v5  }
0x359: {  	v4 =	vadd.f32 v8, v59;
	v5 =	vld [tilespmem:s29+$0xFFFFFF70];
	v3 =	vmax.f32 v3, $0.0e+00  }
0x35a: {  	[tilespmem:s3+$0xFFFFFFE0] =	vst v3;
	v3 =	vld [tilespmem:s10+$0xFFFFFF70]  }
0x35b: {  	v4 =	vmax.f32 v4, $0.0e+00;
	v61 =	vld [tilespmem:s29+$0xFFFFFFF0]  }
0x35c: {  	[tilespmem:s3+$0x60] =	vst v4;
	v62 =	vld [tilespmem:s10+$0xFFFFFFF0]  }
0x35d: {  	v63 =	vld [tilespmem:s29+$0x70]  }
0x35e: {  	v9 =	vld [tilespmem:s10+$0x70];
	_ =	sdelay $0x1  }
0x35f: {  	v2 =	vadd.f32 v60, v2  }
0x360: {  	v1 =	vmax.f32 v1, $0.0e+00;
	v3 =	vadd.f32 v3, v5  }
0x361: {  	[tilespmem:s28+$0x70] =	vst v1;
	v1 =	vmax.f32 v2, $0.0e+00;
	v2 =	vadd.f32 v62, v61  }
0x362: {  	[tilespmem:s3+$0xF0] =	vst v1;
	v1 =	vmax.f32 v3, $0.0e+00;
	v3 =	vadd.f32 v9, v63  }
0x363: {  	[tilespmem:s3+$0xFFFFFF70] =	vst v1;
	v1 =	vmax.f32 v2, $0.0e+00  }
0x364: {  	[tilespmem:s3+$0xFFFFFFF0] =	vst v1;
	v1 =	vmax.f32 v3, $0.0e+00  }
0x365: {  	[tilespmem:s3+$0x70] =	vst v1  }
0x366: {  	v1 =	vld [tilespmem:$0x280]  }
0x367: {  	v2 =	vld [tilespmem:$0x290]  }
0x368: {  	v3 =	vld [tilespmem:$0x298];
	_ =	sdelay $0x1  }
.Ltmp4:
0x369: {  	_ = 	snop;
	(pc) =	sbr.rel @p2 .LBB2_12-.Ltmp4, $4  }
0x36a: {  	[tilespmem:$0x400] =	vst v1  }
0x36b: {  	[tilespmem:$0x410] =	vst v2  }
0x36c: {  	s8 =	simm.s32 $0xA480;
	s29 =	simm.s32 $0x400;
	[tilespmem:$0x418] =	vst v3  }
0x36d: {  	[spmem:s2] =	stream.indirect.scatter.add.f32 [tilespmem:s8], [sflag:$0x9], $0x80, s29, s17, $0xb8;
	[tilespmem:$0x1F100] =	vst v63  }
0x36e: {  	s3 =	sadd.s32 s21, s23  }
.Ltmp5:
0x36f: {  	s3 =	sshrl.u32 s3, $0x3;
	(pc) =	sbr.rel .LBB2_4-.Ltmp5, $4  }
0x370: {  	s8 =	sadd.s32 s5, s3  }
0x371: {  	[tilespmem:s14], [sflag:$0x6] =	stream.linear.gather [hbm4b:s8+s4], $0x28, $0x38;
	[tilespmem:$0x1F100] =	vst v63  }
0x372: {  	s13 =	sadd.s32 $0x1, s13;
	s3 =	sadd.s32 s6, s3  }
0x373: {  	[tilespmem:s15], [sflag:$0x6] =	stream.linear.gather [hbm4b:s3+s4], $0x28, $0x38;
	[tilespmem:$0x1F100] =	vst v63  }
.LBB2_12:
0x374: {  	_ =	swait.ge [sflag:s30], $0x1400  }
0x375: {  	[sflag:s30] =	ssyncset.done $0x0  }
0x376: {  	[sflag:s30] =	ssyncadd.s32 $0xFFFFEC00  }
0x377: {  	_ =	swait.ge [sflag:s30], $0x1400  }
0x378: {  	[sflag:s30] =	ssyncset.done $0x0  }
0x379: {  	s28 =	simm.s32 $0x7;
	[sflag:s30] =	ssyncadd.s32 $0xFFFFEC00  }
0x37a: {  	_ =	swait.ge [sflag:s28], $0x1400  }
0x37b: {  	[sflag:s28] =	ssyncset.done $0x0  }
0x37c: {  	s11 =	simm.s32 $0x580;
	[sflag:s28] =	ssyncadd.s32 $0xFFFFEC00  }
0x37d: {  	s10 =	simm.s32 $0x4180;
	v1 =	vld [tilespmem:s11+$0x80]  }
0x37e: {  	v2 =	vld [tilespmem:s10+$0x80];
	_ =	sdelay $0x4  }
0x37f: {  	v3 =	vld [tilespmem:s11+$0xFFFFFF80];
	v1 =	vadd.f32 v2, v1  }
0x380: {  	v2 =	vld [tilespmem:s10+$0xFFFFFF80]  }
0x381: {  	s13 =	simm.s32 $0x7D80;
	v4 =	vld [tilespmem:s10+$0xFFFFFF00];
	v1 =	vmax.f32 v1, $0.0e+00  }
0x382: {  	v5 =	vld [tilespmem:s11+$0xFFFFFF00];
	[tilespmem:s13+$0x80] =	vst v1  }
0x383: {  	v1 =	vld [tilespmem:s11+$0x90]  }
0x384: {  	v6 =	vld [tilespmem:s10+$0x90]  }
0x385: {  	v7 =	vld [tilespmem:s11+$0x0];
	v2 =	vadd.f32 v2, v3  }
0x386: {  	v3 =	vld [tilespmem:s10+$0x0]  }
0x387: {  	v4 =	vadd.f32 v4, v5;
	v2 =	vmax.f32 v2, $0.0e+00  }
0x388: {  	[tilespmem:s13+$0xFFFFFF80] =	vst v2  }
0x389: {  	v4 =	vmax.f32 v4, $0.0e+00;
	v2 =	vld [tilespmem:s11+$0xFFFFFF90];
	v1 =	vadd.f32 v6, v1  }
0x38a: {  	[tilespmem:s13+$0xFFFFFF00] =	vst v4;
	v5 =	vld [tilespmem:s10+$0xFFFFFF90]  }
0x38b: {  	v4 =	vld [tilespmem:s11+$0xFFFFFF10];
	v3 =	vadd.f32 v3, v7;
	v1 =	vmax.f32 v1, $0.0e+00  }
0x38c: {  	v6 =	vld [tilespmem:s10+$0xFFFFFF10];
	[tilespmem:s13+$0x90] =	vst v1  }
0x38d: {  	v1 =	vmax.f32 v3, $0.0e+00;
	v3 =	vld [tilespmem:s11+$0xA0]  }
0x38e: {  	[tilespmem:s13+$0x0] =	vst v1;
	v1 =	vld [tilespmem:s10+$0xA0]  }
0x38f: {  	v7 =	vld [tilespmem:s11+$0x10];
	v2 =	vadd.f32 v5, v2  }
0x390: {  	v5 =	vld [tilespmem:s10+$0x10]  }
0x391: {  	v2 =	vmax.f32 v2, $0.0e+00  }
0x392: {  	v4 =	vadd.f32 v6, v4;
	[tilespmem:s13+$0xFFFFFF90] =	vst v2  }
0x393: {  	v2 =	vld [tilespmem:s11+$0xFFFFFFA0];
	v1 =	vadd.f32 v1, v3  }
0x394: {  	v4 =	vmax.f32 v4, $0.0e+00;
	v3 =	vld [tilespmem:s10+$0xFFFFFFA0]  }
0x395: {  	[tilespmem:s13+$0xFFFFFF10] =	vst v4;
	v4 =	vadd.f32 v5, v7;
	v1 =	vmax.f32 v1, $0.0e+00  }
0x396: {  	[tilespmem:s13+$0xA0] =	vst v1  }
0x397: {  	v1 =	vmax.f32 v4, $0.0e+00;
	v4 =	vld [tilespmem:s11+$0xB0]  }
0x398: {  	[tilespmem:s13+$0x10] =	vst v1;
	v1 =	vld [tilespmem:s10+$0xB0]  }
0x399: {  	v2 =	vadd.f32 v3, v2;
	v3 =	vld [tilespmem:s11+$0x20]  }
0x39a: {  	v7 =	vld [tilespmem:s10+$0x20]  }
0x39b: {  	v6 =	vld [tilespmem:s10+$0xFFFFFF20];
	v2 =	vmax.f32 v2, $0.0e+00  }
0x39c: {  	v5 =	vld [tilespmem:s11+$0xFFFFFF20];
	[tilespmem:s13+$0xFFFFFFA0] =	vst v2  }
0x39d: {  	v2 =	vld [tilespmem:s11+$0xFFFFFFB0];
	v1 =	vadd.f32 v1, v4  }
0x39e: {  	v4 =	vld [tilespmem:s10+$0xFFFFFFB0]  }
0x39f: {  	v3 =	vadd.f32 v7, v3;
	v1 =	vmax.f32 v1, $0.0e+00  }
0x3a0: {  	[tilespmem:s13+$0xB0] =	vst v1  }
0x3a1: {  	v5 =	vadd.f32 v6, v5;
	v1 =	vmax.f32 v3, $0.0e+00;
	v3 =	vld [tilespmem:s11+$0xC0]  }
0x3a2: {  	[tilespmem:s13+$0x20] =	vst v1;
	v1 =	vld [tilespmem:s10+$0xC0]  }
0x3a3: {  	v5 =	vmax.f32 v5, $0.0e+00;
	v2 =	vadd.f32 v4, v2;
	v4 =	vld [tilespmem:s11+$0x30]  }
0x3a4: {  	[tilespmem:s13+$0xFFFFFF20] =	vst v5;
	v7 =	vld [tilespmem:s10+$0x30]  }
0x3a5: {  	v5 =	vld [tilespmem:s11+$0xFFFFFF30];
	v2 =	vmax.f32 v2, $0.0e+00  }
0x3a6: {  	v6 =	vld [tilespmem:s10+$0xFFFFFF30];
	[tilespmem:s13+$0xFFFFFFB0] =	vst v2  }
0x3a7: {  	v2 =	vld [tilespmem:s11+$0xFFFFFFC0];
	v1 =	vadd.f32 v1, v3  }
0x3a8: {  	v3 =	vld [tilespmem:s10+$0xFFFFFFC0]  }
0x3a9: {  	s8 =	simm.s32 $0x4380;
	v4 =	vadd.f32 v7, v4;
	v1 =	vmax.f32 v1, $0.0e+00  }
0x3aa: {  	v11 =	vld [tilespmem:s8+$0xFFFFFF00];
	[tilespmem:s13+$0xC0] =	vst v1  }
0x3ab: {  	v1 =	vmax.f32 v4, $0.0e+00;
	v4 =	vld [tilespmem:s11+$0xD0]  }
0x3ac: {  	v5 =	vadd.f32 v6, v5;
	[tilespmem:s13+$0x30] =	vst v1;
	v1 =	vld [tilespmem:s10+$0xD0]  }
0x3ad: {  	v2 =	vadd.f32 v3, v2;
	v3 =	vld [tilespmem:s11+$0x40]  }
0x3ae: {  	s21 =	simm.s32 $0x780;
	v5 =	vmax.f32 v5, $0.0e+00;
	v7 =	vld [tilespmem:s10+$0x40]  }
0x3af: {  	v52 =	vld [tilespmem:s21+$0xFFFFFF00];
	[tilespmem:s13+$0xFFFFFF30] =	vst v5  }
0x3b0: {  	v5 =	vld [tilespmem:s11+$0xFFFFFF40]  }
0x3b1: {  	v6 =	vld [tilespmem:s10+$0xFFFFFF40];
	v1 =	vadd.f32 v1, v4  }
0x3b2: {  	v9 =	vld [tilespmem:s21+$0x80]  }
0x3b3: {  	v10 =	vld [tilespmem:s8+$0x80];
	v3 =	vadd.f32 v7, v3;
	v1 =	vmax.f32 v1, $0.0e+00  }
0x3b4: {  	v12 =	vld [tilespmem:s8+$0xFFFFFF80];
	v11 =	vadd.f32 v11, v52;
	[tilespmem:s13+$0xD0] =	vst v1  }
0x3b5: {  	v1 =	vmax.f32 v3, $0.0e+00;
	v3 =	vld [tilespmem:s11+$0xE0]  }
0x3b6: {  	s3 =	simm.s32 $0x7F80;
	v11 =	vmax.f32 v11, $0.0e+00;
	v5 =	vadd.f32 v6, v5;
	[tilespmem:s13+$0x40] =	vst v1;
	v1 =	vld [tilespmem:s10+$0xE0]  }
0x3b7: {  	v13 =	vld [tilespmem:s21+$0x0];
	[tilespmem:s3+$0xFFFFFF00] =	vst v11;
	v2 =	vmax.f32 v2, $0.0e+00  }
0x3b8: {  	v11 =	vld [tilespmem:s21+$0xFFFFFF10];
	[tilespmem:s13+$0xFFFFFFC0] =	vst v2;
	v5 =	vmax.f32 v5, $0.0e+00  }
0x3b9: {  	v2 =	vld [tilespmem:s11+$0xFFFFFFD0];
	[tilespmem:s13+$0xFFFFFF40] =	vst v5  }
0x3ba: {  	v5 =	vld [tilespmem:s11+$0xFFFFFF50]  }
0x3bb: {  	v6 =	vld [tilespmem:s10+$0xFFFFFF50];
	v1 =	vadd.f32 v1, v3  }
0x3bc: {  	v3 =	vld [tilespmem:s21+$0xFFFFFF80]  }
0x3bd: {  	v4 =	vld [tilespmem:s10+$0xFFFFFFD0];
	v1 =	vmax.f32 v1, $0.0e+00  }
0x3be: {  	v7 =	vld [tilespmem:s11+$0x50];
	[tilespmem:s13+$0xE0] =	vst v1;
	v1 =	vadd.f32 v10, v9  }
0x3bf: {  	v8 =	vld [tilespmem:s10+$0x50]  }
0x3c0: {  	v5 =	vadd.f32 v6, v5;
	v6 =	vld [tilespmem:s8+$0x0];
	v1 =	vmax.f32 v1, $0.0e+00  }
0x3c1: {  	v54 =	vld [tilespmem:s8+$0xFFFFFF10];
	v3 =	vadd.f32 v12, v3;
	[tilespmem:s3+$0x80] =	vst v1  }
0x3c2: {  	v1 =	vmax.f32 v5, $0.0e+00;
	v5 =	vld [tilespmem:s21+$0x90]  }
0x3c3: {  	v2 =	vadd.f32 v4, v2;
	[tilespmem:s13+$0xFFFFFF50] =	vst v1;
	v1 =	vmax.f32 v3, $0.0e+00;
	v3 =	vld [tilespmem:s8+$0x90]  }
0x3c4: {  	v7 =	vadd.f32 v8, v7;
	v50 =	vld [tilespmem:s11+$0xF0]  }
0x3c5: {  	v2 =	vmax.f32 v2, $0.0e+00;
	v6 =	vadd.f32 v6, v13;
	v51 =	vld [tilespmem:s10+$0xF0];
	[tilespmem:s3+$0xFFFFFF80] =	vst v1  }
0x3c6: {  	[tilespmem:s13+$0xFFFFFFD0] =	vst v2;
	v7 =	vmax.f32 v7, $0.0e+00;
	v4 =	vld [tilespmem:s21+$0xFFFFFF90]  }
0x3c7: {  	v2 =	vmax.f32 v6, $0.0e+00;
	[tilespmem:s13+$0x50] =	vst v7;
	v53 =	vld [tilespmem:s8+$0xFFFFFF90]  }
0x3c8: {  	v7 =	vld [tilespmem:s10+$0xFFFFFFE0];
	[tilespmem:s3+$0x0] =	vst v2;
	v2 =	vadd.f32 v3, v5  }
0x3c9: {  	v57 =	vld [tilespmem:s11+$0x60]  }
0x3ca: {  	v58 =	vld [tilespmem:s10+$0x60];
	v2 =	vmax.f32 v2, $0.0e+00  }
0x3cb: {  	v1 =	vld [tilespmem:s11+$0xFFFFFF60];
	[tilespmem:s3+$0x90] =	vst v2  }
0x3cc: {  	v4 =	vadd.f32 v53, v4;
	v2 =	vld [tilespmem:s21+$0xA0]  }
0x3cd: {  	v55 =	vld [tilespmem:s8+$0xA0]  }
0x3ce: {  	v5 =	vld [tilespmem:s21+$0x10];
	v4 =	vmax.f32 v4, $0.0e+00  }
0x3cf: {  	[tilespmem:s3+$0xFFFFFF90] =	vst v4;
	v4 =	vld [tilespmem:s8+$0x10]  }
0x3d0: {  	v11 =	vadd.f32 v54, v11;
	v8 =	vld [tilespmem:s21+$0xFFFFFFA0]  }
0x3d1: {  	v56 =	vld [tilespmem:s8+$0xFFFFFFA0]  }
0x3d2: {  	v11 =	vmax.f32 v11, $0.0e+00;
	v6 =	vld [tilespmem:s10+$0xFFFFFF60];
	v2 =	vadd.f32 v55, v2  }
0x3d3: {  	[tilespmem:s3+$0xFFFFFF10] =	vst v11;
	v3 =	vld [tilespmem:s11+$0xFFFFFFE0]  }
0x3d4: {  	v4 =	vadd.f32 v4, v5;
	v5 =	vld [tilespmem:s21+$0xFFFFFF20];
	v2 =	vmax.f32 v2, $0.0e+00  }
0x3d5: {  	[tilespmem:s3+$0xA0] =	vst v2;
	v2 =	vld [tilespmem:s8+$0xFFFFFF20]  }
0x3d6: {  	v8 =	vadd.f32 v56, v8;
	v4 =	vmax.f32 v4, $0.0e+00;
	v59 =	vld [tilespmem:s21+$0xB0]  }
0x3d7: {  	v1 =	vadd.f32 v6, v1;
	[tilespmem:s3+$0x10] =	vst v4;
	v4 =	vld [tilespmem:s8+$0xB0]  }
0x3d8: {  	v6 =	vmax.f32 v8, $0.0e+00;
	v8 =	vld [tilespmem:s21+$0x20]  }
0x3d9: {  	v1 =	vmax.f32 v1, $0.0e+00;
	[tilespmem:s3+$0xFFFFFFA0] =	vst v6;
	v6 =	vld [tilespmem:s8+$0x20]  }
0x3da: {  	[tilespmem:s13+$0xFFFFFF60] =	vst v1;
	v1 =	vld [tilespmem:s8+$0xFFFFFFB0];
	v2 =	vadd.f32 v2, v5  }
0x3db: {  	v5 =	vld [tilespmem:s21+$0xFFFFFFB0]  }
0x3dc: {  	v60 =	vld [tilespmem:s11+$0xFFFFFF70];
	v4 =	vadd.f32 v4, v59;
	v2 =	vmax.f32 v2, $0.0e+00  }
0x3dd: {  	[tilespmem:s3+$0xFFFFFF20] =	vst v2;
	v2 =	vld [tilespmem:s10+$0xFFFFFF70]  }
0x3de: {  	v6 =	vadd.f32 v6, v8;
	v4 =	vmax.f32 v4, $0.0e+00;
	v8 =	vld [tilespmem:s21+$0xFFFFFF30]  }
0x3df: {  	[tilespmem:s3+$0xB0] =	vst v4;
	v4 =	vld [tilespmem:s8+$0xFFFFFF30]  }
0x3e0: {  	v1 =	vadd.f32 v1, v5;
	v5 =	vmax.f32 v6, $0.0e+00;
	v6 =	vld [tilespmem:s21+$0xC0]  }
0x3e1: {  	[tilespmem:s3+$0x20] =	vst v5;
	v5 =	vld [tilespmem:s8+$0xC0]  }
0x3e2: {  	v3 =	vadd.f32 v7, v3;
	v1 =	vmax.f32 v1, $0.0e+00;
	v7 =	vld [tilespmem:s21+$0x30]  }
0x3e3: {  	[tilespmem:s3+$0xFFFFFFB0] =	vst v1;
	v1 =	vld [tilespmem:s8+$0x30]  }
0x3e4: {  	v3 =	vmax.f32 v3, $0.0e+00;
	v4 =	vadd.f32 v4, v8;
	v8 =	vld [tilespmem:s21+$0xFFFFFFC0]  }
0x3e5: {  	[tilespmem:s13+$0xFFFFFFE0] =	vst v3;
	v3 =	vld [tilespmem:s8+$0xFFFFFFC0]  }
0x3e6: {  	v4 =	vmax.f32 v4, $0.0e+00;
	v5 =	vadd.f32 v5, v6;
	v6 =	vld [tilespmem:s11+$0xFFFFFFF0]  }
0x3e7: {  	[tilespmem:s3+$0xFFFFFF30] =	vst v4;
	v4 =	vld [tilespmem:s10+$0xFFFFFFF0]  }
0x3e8: {  	v1 =	vadd.f32 v1, v7;
	v7 =	vld [tilespmem:s21+$0xFFFFFF40];
	v5 =	vmax.f32 v5, $0.0e+00  }
0x3e9: {  	[tilespmem:s3+$0xC0] =	vst v5;
	v5 =	vld [tilespmem:s8+$0xFFFFFF40]  }
0x3ea: {  	v3 =	vadd.f32 v3, v8;
	v1 =	vmax.f32 v1, $0.0e+00;
	v8 =	vld [tilespmem:s21+$0xD0]  }
0x3eb: {  	[tilespmem:s3+$0x30] =	vst v1;
	v1 =	vld [tilespmem:s8+$0xD0]  }
0x3ec: {  	v11 =	vadd.f32 v58, v57;
	v3 =	vmax.f32 v3, $0.0e+00;
	v61 =	vld [tilespmem:s21+$0x40]  }
0x3ed: {  	[tilespmem:s3+$0xFFFFFFC0] =	vst v3;
	v3 =	vld [tilespmem:s8+$0x40]  }
0x3ee: {  	v11 =	vmax.f32 v11, $0.0e+00;
	v62 =	vld [tilespmem:s8+$0xFFFFFFD0];
	v5 =	vadd.f32 v5, v7  }
0x3ef: {  	v9 =	vadd.f32 v51, v50;
	[tilespmem:s13+$0x60] =	vst v11;
	v7 =	vld [tilespmem:s21+$0xFFFFFFD0]  }
0x3f0: {  	v11 =	vld [tilespmem:s10+$0x70];
	v5 =	vmax.f32 v5, $0.0e+00;
	v1 =	vadd.f32 v1, v8  }
0x3f1: {  	v9 =	vmax.f32 v9, $0.0e+00;
	v2 =	vadd.f32 v2, v60;
	v8 =	vld [tilespmem:s11+$0x70];
	[tilespmem:s3+$0xFFFFFF40] =	vst v5  }
0x3f2: {  	[tilespmem:s13+$0xF0] =	vst v9;
	v63 =	vadd.f32 v3, v61;
	v3 =	vld [tilespmem:s21+$0xFFFFFF50];
	v1 =	vmax.f32 v1, $0.0e+00  }
0x3f3: {  	v2 =	vmax.f32 v2, $0.0e+00;
	v4 =	vadd.f32 v4, v6;
	v5 =	vld [tilespmem:s8+$0xFFFFFF50];
	[tilespmem:s3+$0xD0] =	vst v1  }
0x3f4: {  	[tilespmem:s13+$0xFFFFFF70] =	vst v2;
	v1 =	vadd.f32 v62, v7;
	v6 =	vmax.f32 v63, $0.0e+00;
	v2 =	vld [tilespmem:s21+$0xE0]  }
0x3f5: {  	v7 =	vmax.f32 v4, $0.0e+00;
	[tilespmem:s3+$0x40] =	vst v6;
	v4 =	vld [tilespmem:s8+$0xE0]  }
0x3f6: {  	[tilespmem:s13+$0xFFFFFFF0] =	vst v7;
	v7 =	vmax.f32 v1, $0.0e+00;
	v6 =	vld [tilespmem:s21+$0x50];
	v1 =	vadd.f32 v11, v8  }
0x3f7: {  	s18 =	simm.s32 $0x980;
	s10 =	simm.s32 $0x4380;
	s11 =	simm.s32 $0x4;
	[tilespmem:s3+$0xFFFFFFD0] =	vst v7;
	v7 =	vld [tilespmem:s8+$0x50]  }
.LBB2_13:
0x3f8: {  	v8 =	vld [tilespmem:s18+$0x80];
	v3 =	vadd.f32 v5, v3;
	s8 =	sadd.s32 $0x200, s8;
	v1 =	vmax.f32 v1, $0.0e+00  }
0x3f9: {  	v5 =	vld [tilespmem:s8+$0x80];
	[tilespmem:s13+$0x70] =	vst v1;
	s13 =	smov.u32 s3  }
0x3fa: {  	v1 =	vld [tilespmem:s8+$0xFFFFFF00];
	v3 =	vmax.f32 v3, $0.0e+00;
	v2 =	vadd.f32 v4, v2  }
0x3fb: {  	v4 =	vld [tilespmem:s18+$0xFFFFFF80];
	[tilespmem:s3+$0xFFFFFF50] =	vst v3  }
0x3fc: {  	v3 =	vld [tilespmem:s8+$0xFFFFFF80];
	v6 =	vadd.f32 v7, v6;
	v2 =	vmax.f32 v2, $0.0e+00  }
0x3fd: {  	v7 =	vld [tilespmem:s18+$0x0];
	[tilespmem:s3+$0xE0] =	vst v2  }
0x3fe: {  	v2 =	vadd.f32 v5, v8;
	v5 =	vmax.f32 v6, $0.0e+00;
	v6 =	vld [tilespmem:s21+$0xF0]  }
0x3ff: {  	[tilespmem:s3+$0x50] =	vst v5;
	v5 =	vld [tilespmem:s10+$0xF0]  }
0x400: {  	s11 =	sadd.s32 $0x4, s11;
	s3 =	sadd.s32 $0x200, s3;
	v8 =	vld [tilespmem:s8+$0x0];
	v2 =	vmax.f32 v2, $0.0e+00  }
0x401: {  	p1 =	slt.u32 s11, $0x24;
	v9 =	vld [tilespmem:s18+$0xFFFFFF00];
	v3 =	vadd.f32 v3, v4;
	[tilespmem:s3+$0x80] =	vst v2  }
0x402: {  	v2 =	vld [tilespmem:s18+$0x90]  }
0x403: {  	v3 =	vmax.f32 v3, $0.0e+00;
	v4 =	vld [tilespmem:s8+$0x90]  }
0x404: {  	[tilespmem:s3+$0xFFFFFF80] =	vst v3;
	v3 =	vld [tilespmem:s21+$0xFFFFFF60];
	v5 =	vadd.f32 v5, v6  }
0x405: {  	v6 =	vld [tilespmem:s18+$0xFFFFFF90];
	v7 =	vadd.f32 v8, v7  }
0x406: {  	v1 =	vadd.f32 v1, v9;
	v8 =	vld [tilespmem:s8+$0xFFFFFF90];
	v5 =	vmax.f32 v5, $0.0e+00  }
0x407: {  	v7 =	vmax.f32 v7, $0.0e+00;
	v9 =	vld [tilespmem:s10+$0xFFFFFF60];
	[tilespmem:s13+$0xF0] =	vst v5  }
0x408: {  	v1 =	vmax.f32 v1, $0.0e+00;
	[tilespmem:s3+$0x0] =	vst v7;
	v2 =	vadd.f32 v4, v2;
	v4 =	vld [tilespmem:s21+$0xFFFFFFE0]  }
0x409: {  	[tilespmem:s3+$0xFFFFFF00] =	vst v1;
	v1 =	vld [tilespmem:s18+$0x10]  }
0x40a: {  	v5 =	vld [tilespmem:s18+$0xFFFFFF10];
	v2 =	vmax.f32 v2, $0.0e+00  }
0x40b: {  	v7 =	vld [tilespmem:s8+$0xFFFFFF10];
	v6 =	vadd.f32 v8, v6;
	[tilespmem:s3+$0x90] =	vst v2  }
0x40c: {  	v2 =	vld [tilespmem:s18+$0xA0];
	v3 =	vadd.f32 v9, v3  }
0x40d: {  	v6 =	vmax.f32 v6, $0.0e+00;
	v8 =	vld [tilespmem:s8+$0xA0]  }
0x40e: {  	[tilespmem:s3+$0xFFFFFF90] =	vst v6;
	v6 =	vld [tilespmem:s8+$0x10];
	v3 =	vmax.f32 v3, $0.0e+00  }
0x40f: {  	v9 =	vld [tilespmem:s18+$0xFFFFFFA0];
	[tilespmem:s13+$0xFFFFFF60] =	vst v3  }
0x410: {  	v3 =	vadd.f32 v7, v5;
	v5 =	vld [tilespmem:s8+$0xFFFFFFA0]  }
0x411: {  	v7 =	vld [tilespmem:s10+$0xFFFFFFE0]  }
0x412: {  	v3 =	vmax.f32 v3, $0.0e+00;
	v2 =	vadd.f32 v8, v2;
	v8 =	vld [tilespmem:s21+$0x60]  }
0x413: {  	[tilespmem:s3+$0xFFFFFF10] =	vst v3;
	v1 =	vadd.f32 v6, v1;
	v3 =	vld [tilespmem:s10+$0x60]  }
0x414: {  	v6 =	vld [tilespmem:s18+$0xFFFFFF20];
	v2 =	vmax.f32 v2, $0.0e+00  }
0x415: {  	v10 =	vld [tilespmem:s8+$0xFFFFFF20];
	v5 =	vadd.f32 v5, v9;
	v1 =	vmax.f32 v1, $0.0e+00;
	[tilespmem:s3+$0xA0] =	vst v2  }
0x416: {  	[tilespmem:s3+$0x10] =	vst v1;
	v1 =	vld [tilespmem:s18+$0xB0];
	v2 =	vadd.f32 v7, v4  }
0x417: {  	v4 =	vmax.f32 v5, $0.0e+00;
	v5 =	vld [tilespmem:s8+$0xB0]  }
0x418: {  	[tilespmem:s3+$0xFFFFFFA0] =	vst v4;
	v4 =	vld [tilespmem:s18+$0x20];
	v2 =	vmax.f32 v2, $0.0e+00;
	v3 =	vadd.f32 v3, v8  }
0x419: {  	v7 =	vld [tilespmem:s8+$0x20];
	[tilespmem:s13+$0xFFFFFFE0] =	vst v2  }
0x41a: {  	v2 =	vadd.f32 v10, v6;
	v6 =	vld [tilespmem:s18+$0xFFFFFFB0];
	v3 =	vmax.f32 v3, $0.0e+00  }
0x41b: {  	v8 =	vld [tilespmem:s8+$0xFFFFFFB0];
	[tilespmem:s13+$0x60] =	vst v3  }
0x41c: {  	v2 =	vmax.f32 v2, $0.0e+00;
	v1 =	vadd.f32 v5, v1;
	v3 =	vld [tilespmem:s21+$0xFFFFFF70]  }
0x41d: {  	[tilespmem:s3+$0xFFFFFF20] =	vst v2;
	v2 =	vld [tilespmem:s10+$0xFFFFFF70]  }
0x41e: {  	v5 =	vld [tilespmem:s18+$0xFFFFFF30];
	v4 =	vadd.f32 v7, v4;
	v1 =	vmax.f32 v1, $0.0e+00  }
0x41f: {  	v7 =	vld [tilespmem:s8+$0xFFFFFF30];
	[tilespmem:s3+$0xB0] =	vst v1  }
0x420: {  	v1 =	vadd.f32 v8, v6;
	v4 =	vmax.f32 v4, $0.0e+00;
	v6 =	vld [tilespmem:s18+$0xC0]  }
0x421: {  	[tilespmem:s3+$0x20] =	vst v4;
	v4 =	vld [tilespmem:s8+$0xC0]  }
0x422: {  	v1 =	vmax.f32 v1, $0.0e+00;
	v8 =	vld [tilespmem:s18+$0x30];
	v2 =	vadd.f32 v2, v3  }
0x423: {  	[tilespmem:s3+$0xFFFFFFB0] =	vst v1;
	v1 =	vld [tilespmem:s8+$0x30]  }
0x424: {  	v3 =	vadd.f32 v7, v5;
	v5 =	vld [tilespmem:s18+$0xFFFFFFC0];
	v2 =	vmax.f32 v2, $0.0e+00  }
0x425: {  	v7 =	vld [tilespmem:s8+$0xFFFFFFC0];
	[tilespmem:s13+$0xFFFFFF70] =	vst v2  }
0x426: {  	v2 =	vmax.f32 v3, $0.0e+00;
	v3 =	vadd.f32 v4, v6;
	v4 =	vld [tilespmem:s21+$0xFFFFFFF0]  }
0x427: {  	[tilespmem:s3+$0xFFFFFF30] =	vst v2;
	v2 =	vld [tilespmem:s10+$0xFFFFFFF0]  }
0x428: {  	v6 =	vld [tilespmem:s18+$0xFFFFFF40];
	v1 =	vadd.f32 v1, v8;
	v3 =	vmax.f32 v3, $0.0e+00  }
0x429: {  	v8 =	vld [tilespmem:s8+$0xFFFFFF40];
	[tilespmem:s3+$0xC0] =	vst v3  }
0x42a: {  	v3 =	vadd.f32 v7, v5;
	v1 =	vmax.f32 v1, $0.0e+00;
	v5 =	vld [tilespmem:s18+$0xD0]  }
0x42b: {  	[tilespmem:s3+$0x30] =	vst v1;
	v1 =	vld [tilespmem:s8+$0xD0]  }
0x42c: {  	v3 =	vmax.f32 v3, $0.0e+00;
	v7 =	vld [tilespmem:s18+$0x40];
	v2 =	vadd.f32 v2, v4  }
0x42d: {  	[tilespmem:s3+$0xFFFFFFC0] =	vst v3;
	v4 =	vld [tilespmem:s8+$0x40]  }
0x42e: {  	v3 =	vadd.f32 v8, v6;
	v6 =	vld [tilespmem:s18+$0xFFFFFFD0];
	v2 =	vmax.f32 v2, $0.0e+00  }
0x42f: {  	v8 =	vld [tilespmem:s8+$0xFFFFFFD0];
	[tilespmem:s13+$0xFFFFFFF0] =	vst v2  }
0x430: {  	v2 =	vmax.f32 v3, $0.0e+00;
	v1 =	vadd.f32 v1, v5;
	v9 =	vld [tilespmem:s21+$0x70];
	s21 =	smov.u32 s18  }
0x431: {  	[tilespmem:s3+$0xFFFFFF40] =	vst v2;
	v10 =	vld [tilespmem:s10+$0x70];
	s10 =	smov.u32 s8  }
0x432: {  	v3 =	vld [tilespmem:s18+$0xFFFFFF50];
	v2 =	vadd.f32 v4, v7;
	v1 =	vmax.f32 v1, $0.0e+00  }
.Ltmp6:
0x433: {  	v5 =	vld [tilespmem:s8+$0xFFFFFF50];
	[tilespmem:s3+$0xD0] =	vst v1;
	(pc) =	sbr.rel @p1 .LBB2_13-.Ltmp6, $4  }
0x434: {  	v1 =	vadd.f32 v8, v6;
	v4 =	vmax.f32 v2, $0.0e+00;
	v2 =	vld [tilespmem:s18+$0xE0]  }
0x435: {  	[tilespmem:s3+$0x40] =	vst v4;
	v4 =	vld [tilespmem:s8+$0xE0]  }
0x436: {  	v7 =	vmax.f32 v1, $0.0e+00;
	v6 =	vld [tilespmem:s18+$0x50];
	v1 =	vadd.f32 v10, v9  }
0x437: {  	s18 =	sadd.s32 $0x200, s18;
	[tilespmem:s3+$0xFFFFFFD0] =	vst v7;
	v7 =	vld [tilespmem:s8+$0x50]  }
0x438: {  	v3 =	vadd.f32 v5, v3;
	_ =	sdelay $0x1  }
0x439: {  	v3 =	vmax.f32 v3, $0.0e+00  }
0x43a: {  	[tilespmem:s3+$0xFFFFFF50] =	vst v3  }
0x43b: {  	v3 =	vadd.f32 v7, v6;
	v56 =	vld [tilespmem:s21+$0xFFFFFF60]  }
0x43c: {  	v57 =	vld [tilespmem:s10+$0xFFFFFF60]  }
0x43d: {  	v58 =	vld [tilespmem:s21+$0xFFFFFFE0];
	v3 =	vmax.f32 v3, $0.0e+00  }
0x43e: {  	[tilespmem:s3+$0x50] =	vst v3;
	v3 =	vld [tilespmem:s10+$0xFFFFFFE0]  }
0x43f: {  	v2 =	vadd.f32 v4, v2;
	v59 =	vld [tilespmem:s21+$0x60]  }
0x440: {  	v8 =	vld [tilespmem:s10+$0x60]  }
0x441: {  	v2 =	vmax.f32 v2, $0.0e+00;
	v5 =	vadd.f32 v57, v56  }
0x442: {  	[tilespmem:s3+$0xE0] =	vst v2  }
0x443: {  	v2 =	vld [tilespmem:s21+$0xF0];
	v5 =	vmax.f32 v5, $0.0e+00;
	v3 =	vadd.f32 v3, v58  }
0x444: {  	v60 =	vld [tilespmem:s10+$0xF0];
	[tilespmem:s3+$0xFFFFFF60] =	vst v5  }
0x445: {  	v4 =	vadd.f32 v8, v59;
	v5 =	vld [tilespmem:s21+$0xFFFFFF70];
	v3 =	vmax.f32 v3, $0.0e+00  }
0x446: {  	[tilespmem:s3+$0xFFFFFFE0] =	vst v3;
	v3 =	vld [tilespmem:s10+$0xFFFFFF70]  }
0x447: {  	v4 =	vmax.f32 v4, $0.0e+00;
	v61 =	vld [tilespmem:s21+$0xFFFFFFF0]  }
0x448: {  	[tilespmem:s3+$0x60] =	vst v4;
	v62 =	vld [tilespmem:s10+$0xFFFFFFF0]  }
0x449: {  	v63 =	vld [tilespmem:s21+$0x70]  }
0x44a: {  	v9 =	vld [tilespmem:s10+$0x70];
	_ =	sdelay $0x1  }
0x44b: {  	v2 =	vadd.f32 v60, v2  }
0x44c: {  	v1 =	vmax.f32 v1, $0.0e+00;
	v3 =	vadd.f32 v3, v5  }
0x44d: {  	[tilespmem:s13+$0x70] =	vst v1;
	v1 =	vmax.f32 v2, $0.0e+00;
	v2 =	vadd.f32 v62, v61  }
0x44e: {  	[tilespmem:s3+$0xF0] =	vst v1;
	v1 =	vmax.f32 v3, $0.0e+00;
	v3 =	vadd.f32 v9, v63  }
0x44f: {  	[tilespmem:s3+$0xFFFFFF70] =	vst v1;
	v1 =	vmax.f32 v2, $0.0e+00  }
0x450: {  	[tilespmem:s3+$0xFFFFFFF0] =	vst v1;
	v1 =	vmax.f32 v3, $0.0e+00  }
0x451: {  	[tilespmem:s3+$0x70] =	vst v1  }
0x452: {  	v1 =	vld [tilespmem:$0x180]  }
0x453: {  	v2 =	vld [tilespmem:$0x190]  }
0x454: {  	v3 =	vld [tilespmem:$0x198];
	_ =	sdelay $0x2  }
0x455: {  	[tilespmem:$0x300] =	vst v1  }
0x456: {  	[tilespmem:$0x310] =	vst v2  }
0x457: {  	s11 =	simm.s32 $0x8;
	[tilespmem:$0x318] =	vst v3  }
0x458: {  	[spmem:s2] =	stream.indirect.scatter.add.f32 [tilespmem:s24], [sflag:$0x7], $0x80, s31, s17, $0xb8;
	[tilespmem:$0x1F100] =	vst v63  }
0x459: {  	_ =	swait.ge [sflag:s11], $0x1400  }
0x45a: {  	[sflag:s11] =	ssyncset.done $0x0  }
0x45b: {  	s13 =	simm.s32 $0x9;
	[sflag:s11] =	ssyncadd.s32 $0xFFFFEC00  }
0x45c: {  	_ =	swait.ge [sflag:s13], $0x1400  }
0x45d: {  	[sflag:s13] =	ssyncset.done $0x0  }
0x45e: {  	[sflag:s13] =	ssyncadd.s32 $0xFFFFEC00  }
0x45f: {  	_ =	swait.ge [sflag:s28], $0x1400  }
0x460: {  	[sflag:s28] =	ssyncset.done $0x0  }
0x461: {  	[sflag:s28] =	ssyncadd.s32 $0xFFFFEC00  }
0x462: {  	s18 =	stileid.u32;
	[bflag:$0x0] =	sbarrier.arrive $0xFFFF  }
0x463: {  	s3 =	sshll.u32 s18, $0x6;
	s18 =	rddreg [dreg:$0x9]  }
0x464: {  	s3 =	sor.u32 $0x1C0A, s3;
	s21 =	rddreg [dreg:$0x10];
	s8 =	sshrl.u32 s18, $0x3  }
0x465: {  	[hbm:s21], [sflag:s3] =	dma.local [spmem:s8], $0x2700  }
0x466: {  	_ =	swait.ge [sflag:s25], $0x2700  }
0x467: {  	[sflag:s25] =	ssyncset.done $0x0;
	s11 =	rddreg [dreg:$0x1d]  }
0x468: {  	s10 =	rddreg [dreg:$0x11];
	[sflag:s25] =	ssyncadd.s32 $0xFFFFD900;
	s8 =	sshrl.u32 @!p0 s11, $0x3  }
0x469: {  	[hbm:s10], [sflag:s3] =	dma.local @!p0 [spmem:s8], $0x100  }
0x46a: {  	s3 =	simm.s32 @!p0 $0xA  }
0x46b: {  	_ =	swait.ge @!p0 [sflag:s3], $0x100  }
0x46c: {  	s28 =	rddreg [dreg:$0x1e]  }
0x46d: {  	s29 =	rddreg [dreg:$0x12];
	s10 =	sadd.s32 $0x1, s28  }
0x46e: {  	p1 =	sne.s32 s10, s29  }
.Ltmp7:
0x46f: {  	_ = 	snop;
	(pc) =	sbr.rel @p1 .LBB2_1-.Ltmp7, $3  }
0x470: {  	_ =	sdelay $0x1  }
0x471: {  	[sflag:s3] =	ssyncset.done @!p0 $0x0  }
0x472: {  	[sflag:s3] =	ssyncadd.s32 @!p0 $0xFFFFFF00  }
0x473: {  	_ =	sfence.sel $0x180000  }
0x474: {  	[bflag:$0x0] =	sbarrier.arrive $0xFFFF  }
0x475: {  	_ =	strace $0x90000047  }
0x476: {  	s0 =	stileid.u32;
	[bflag:$0x2] =	sbarrier.arrive $0xFFFF  }
0x477: {  	p0 =	sne.s32 s0, $0x0;
	s0 =	rddreg [dreg:$0x3]  }
0x478: {  	s0 =	sadd.s32 @!p0 $0x100000, s0  }
0x479: {  	[sflag:s0] =	ssyncadd.tile.s32 @!p0 $0x1;
	_ =	shalt  }
.Lfunc_end2:
_tile_overlayer_lowered:
.L_overlay_start_2:
0x47a: {  	(tag) =	ssettag $0x2  }
0x47b: {  	s0 =	rddreg [dreg:$0x0];
	s2 =	stileid.u32  }
0x47c: {  	s1 =	rddreg [dreg:$0x1];
	p0 =	sne.s32 s2, $0x0  }
0x47d: {  	s3 =	rddreg [dreg:$0x2];
	[bflag:$0x3] =	sbarrier.arrive $0xFFFF;
	s2 =	simm.s32 @!p0 $0x1C0A  }
0x47e: {  	[timem:s3], [sflag:s2] =	dma.local @!p0 [hbm:s0], s1  }
0x47f: {  	s0 =	simm.s32 @!p0 $0xA  }
0x480: {  	_ =	swait.ge @!p0 [sflag:s0], s1  }
0x481: {  	s1 =	ssub.s32 @!p0 $0x0, s1;
	[sflag:s0] =	ssyncset.done @!p0 $0x0  }
0x482: {  	[sflag:s0] =	ssyncadd.s32 @!p0 s1  }
0x483: {  	[bflag:$0x3] =	sbarrier.arrive $0xFFFF  }
0x484: {  	_ =	shalt  }

</sc_bundles>
